<compile_context>
chip_gen: v7x
topology: tpu7x:2x2x1
jax: 0.10.2.dev20260603
libtpu: 0.0.44.dev20260713+nightly
codegen_flags: <defaults>
</compile_context>

<pallas_src>
import functools

import jax
import jax.numpy as jnp
from jax import lax
from jax.experimental import pallas as pl
from jax.experimental.pallas import tpu as pltpu
from jax.experimental.pallas import tpu_sc as plsc

N = 8388608
NC = 2
NS = 16
L = 16
NW = NC * NS
CHUNK = 16384
GRP = 8 * L

TC_PART = 8
TC_ELEMS = (N // 16) * TC_PART
SC_BASE = TC_ELEMS
PER_W = (N - TC_ELEMS) // NW
NCHUNK = PER_W // CHUNK

LANES = 128
TC_ROWS = TC_ELEMS // LANES
BR = 4096

_mesh = plsc.VectorSubcoreMesh(core_axis_name="c", subcore_axis_name="s")


@functools.partial(
    pl.kernel,
    out_type=jax.ShapeDtypeStruct((NW, 4, L), jnp.float32),
    mesh=_mesh,
    scratch_types=[
        pltpu.VMEM((2, CHUNK), jnp.float32),
        pltpu.VMEM((2, CHUNK), jnp.int32),
        pltpu.VMEM((2, CHUNK), jnp.int32),
        pltpu.VMEM((4, L), jnp.float32),
        pltpu.SemaphoreType.DMA,
        pltpu.SemaphoreType.DMA,
    ],
)
def _sc_partial_sums(yp_hbm, s_hbm, g_hbm, out_hbm,
                     yp_buf, s_buf, g_buf, res_v, sem0, sem1):
    wid = lax.axis_index("s") * NC + lax.axis_index("c")
    base = SC_BASE + wid * PER_W
    sems = (sem0, sem1)

    def drain(slot):
        pltpu.make_async_copy(yp_hbm.at[pl.ds(0, CHUNK)], yp_buf.at[slot],
                              sems[slot]).wait()
        pltpu.make_async_copy(s_hbm.at[pl.ds(0, CHUNK)], s_buf.at[slot],
                              sems[slot]).wait()
        pltpu.make_async_copy(g_hbm.at[pl.ds(0, CHUNK)], g_buf.at[slot],
                              sems[slot]).wait()

    pltpu.async_copy(yp_hbm.at[pl.ds(base, CHUNK)], yp_buf.at[0], sem0)
    pltpu.async_copy(s_hbm.at[pl.ds(base, CHUNK)], s_buf.at[0], sem0)
    pltpu.async_copy(g_hbm.at[pl.ds(base, CHUNK)], g_buf.at[0], sem0)

    zero = jnp.zeros((L,), jnp.float32)
    accs = (zero, zero, zero, zero)
    for c in range(NCHUNK):
        slot, nslot = c % 2, (c + 1) % 2
        prefetch = c + 1 < NCHUNK
        noff = base + (c + 1) * CHUNK
        drain(slot)

        @plsc.parallel_loop(0, CHUNK, step=GRP, unroll=2, carry=accs)
        def body(o, accs, slot=slot, nslot=nslot, prefetch=prefetch,
                 noff=noff):
            if prefetch:
                pltpu.async_copy(yp_hbm.at[pl.ds(noff + o, GRP)],
                                 yp_buf.at[nslot, pl.ds(o, GRP)], sems[nslot])
                pltpu.async_copy(s_hbm.at[pl.ds(noff + o, GRP)],
                                 s_buf.at[nslot, pl.ds(o, GRP)], sems[nslot])
                pltpu.async_copy(g_hbm.at[pl.ds(noff + o, GRP)],
                                 g_buf.at[nslot, pl.ds(o, GRP)], sems[nslot])
            acc_sv, acc_cv, acc_s1, acc_c1 = accs
            tsv, tcv, ts1, tc1 = [], [], [], []
            for j in range(GRP // L):
                yp = yp_buf[slot, pl.ds(o + j * L, L)]
                sv = s_buf[slot, pl.ds(o + j * L, L)]
                gv = g_buf[slot, pl.ds(o + j * L, L)]
                m1 = gv & sv
                gf = gv.astype(jnp.float32)
                m1f = m1.astype(jnp.float32)
                tsv.append(yp * gf)
                tcv.append(gf)
                ts1.append(yp * m1f)
                tc1.append(m1f)

            def tree(xs):
                while len(xs) > 1:
                    xs = [a + b for a, b in zip(xs[::2], xs[1::2])]
                return xs[0]

            return (acc_sv + tree(tsv), acc_cv + tree(tcv),
                    acc_s1 + tree(ts1), acc_c1 + tree(tc1))

        accs = body

    acc_sv, acc_cv, acc_s1, acc_c1 = accs
    res_v[0, :] = acc_sv - acc_s1
    res_v[1, :] = acc_cv - acc_c1
    res_v[2, :] = acc_s1
    res_v[3, :] = acc_c1
    pltpu.sync_copy(res_v, out_hbm.at[wid])


def _tc_body(yp_ref, s_ref, g_ref, out_ref):
    i = pl.program_id(0)

    @pl.when(i == 0)
    def _():
        out_ref[...] = jnp.zeros_like(out_ref)

    yp = yp_ref[...]
    sv = s_ref[...]
    gv = g_ref[...]
    m1 = gv & sv
    gf = gv.astype(jnp.float32)
    m1f = m1.astype(jnp.float32)
    upd = jnp.concatenate([
        jnp.sum(yp * gf, axis=0, keepdims=True),
        jnp.sum(gf, axis=0, keepdims=True),
        jnp.sum(yp * m1f, axis=0, keepdims=True),
        jnp.sum(m1f, axis=0, keepdims=True),
    ], axis=0)
    out_ref[...] += upd


_tc_partial_sums = pl.pallas_call(
    _tc_body,
    grid=(TC_ROWS // BR,),
    in_specs=[
        pl.BlockSpec((BR, LANES), lambda i: (i, 0)),
        pl.BlockSpec((BR, LANES), lambda i: (i, 0)),
        pl.BlockSpec((BR, LANES), lambda i: (i, 0)),
    ],
    out_specs=pl.BlockSpec((4, LANES), lambda i: (0, 0)),
    out_shape=jax.ShapeDtypeStruct((4, LANES), jnp.float32),
    compiler_params=pltpu.CompilerParams(
        dimension_semantics=("arbitrary",),
    ),
)


def _combine_body(ps_ref, pt_ref, out_ref):
    ps = ps_ref[...].reshape(32, 4, 16)
    a = jnp.sum(ps, axis=(0, 2))
    b = jnp.sum(pt_ref[...], axis=1)
    sum0 = a[0] + b[0] - b[2]
    cnt0 = a[1] + b[1] - b[3]
    sum1 = a[2] + b[2]
    cnt1 = a[3] + b[3]
    out_ref[...] = jnp.abs(sum0 / cnt0 - sum1 / cnt1) * jnp.ones(
        (1, 1), jnp.float32)


_combine = pl.pallas_call(
    _combine_body,
    out_shape=jax.ShapeDtypeStruct((1, 1), jnp.float32),
)


def kernel(y_pred, s, y_gt):
    y_pred = y_pred.reshape(-1)
    s = s.reshape(-1).astype(jnp.int32)
    y_gt = y_gt.reshape(-1).astype(jnp.int32)
    p_sc = _sc_partial_sums(y_pred, s, y_gt)
    p_tc = _tc_partial_sums(
        y_pred.reshape(N // LANES, LANES),
        s.reshape(N // LANES, LANES),
        y_gt.reshape(N // LANES, LANES),
    )
    return _combine(p_sc.reshape(128, 16), p_tc)[0, 0]

# --- scband reference (transcript-rebuilt; emitter-appended) ---
"""Pipeline reference for scband-diff-eopp-76493367542782 (READ-ONLY COPY).

The authoritative reference and input builder live on the scoring server;
editing this copy changes nothing except your own understanding.
"""

import jax, jax.numpy as jnp
import numpy as np

N = 8388608

def setup_inputs(seed: int = 0) -> dict:
    key = jax.random.key(seed)
    k1, k2, k3 = jax.random.split(key, 3)
    y_pred = jax.random.normal(k1, (N,), dtype=jnp.float32)
    s = jax.random.randint(k2, (N,), 0, 2, dtype=jnp.int64)
    y_gt = jax.random.randint(k3, (N,), 0, 2, dtype=jnp.int64)
    return {"y_pred": y_pred, "s": s, "y_gt": y_gt}

def reference(y_pred, s, y_gt):
    # Faithful translation of DiffEOpp.forward:
    #   select y_pred where y_gt==1, split by s==0 / s==1, abs diff of means.
    # Boolean fancy-indexing is dynamic-shape; equivalent masked-mean form:
    y_pred = y_pred.reshape(-1)
    s = s.reshape(-1)
    y_gt = y_gt.reshape(-1)
    valid = (y_gt == 1)
    m0 = valid & (s == 0)
    m1 = valid & (s == 1)
    m0f = m0.astype(y_pred.dtype)
    m1f = m1.astype(y_pred.dtype)
    mean0 = jnp.sum(y_pred * m0f) / jnp.sum(m0f)
    mean1 = jnp.sum(y_pred * m1f) / jnp.sum(m1f)
    reg_loss = jnp.abs(mean0 - mean1)
    return reg_loss

if __name__ == "__main__":
    import jax
    _d = setup_inputs()
    print(jax.jit(kernel)(*tuple(_d.values())))

</pallas_src>

<mosaic_0001>
#map = affine_map<(d0, d1) -> (0)>
#map1 = affine_map<(d0, d1) -> (0, 0, 0)>
module attributes {stable_mosaic.version = 14 : i64} {
  func.func @_sc_partial_sums(%arg0: i32, %arg1: i32, %arg2: memref<8388608xf32, #tpu.memory_space<hbm>>, %arg3: memref<8388608xi32, #tpu.memory_space<hbm>>, %arg4: memref<8388608xi32, #tpu.memory_space<hbm>>, %arg5: memref<32x4x16xf32, #tpu.memory_space<hbm>>, %arg6: memref<2x16384xf32, #tpu.memory_space<vmem>>, %arg7: memref<2x16384xi32, #tpu.memory_space<vmem>>, %arg8: memref<2x16384xi32, #tpu.memory_space<vmem>>, %arg9: memref<4x16xf32, #tpu.memory_space<vmem>>, %arg10: memref<!tpu.dma_semaphore, #tpu.memory_space<semaphore_mem>>, %arg11: memref<!tpu.dma_semaphore, #tpu.memory_space<semaphore_mem>>) attributes {dimension_semantics = [#tpu.dimension_semantics<core_parallel>, #tpu.dimension_semantics<subcore_parallel>], iteration_bounds = array<i64: 2, 16>, scalar_prefetch = 0 : i64, scratch_operands = 6 : i64, tpu.core_type = #tpu.core_type<sc_vector_subcore>, window_params = [{transform_indices = #map}, {transform_indices = #map}, {transform_indices = #map}, {transform_indices = #map1}]} {
    %mul3A = arith.constant 2 : i32
    %mul3A_0 = arith.muli %arg1, %mul3A : i32
    %add3A = arith.addi %mul3A_0, %arg0 : i32
    %mul3A_1 = arith.constant 131072 : i32
    %mul3A_2 = arith.muli %add3A, %mul3A_1 : i32
    %add3A_3 = arith.constant 4194304 : i32
    %add3A_4 = arith.addi %add3A_3, %mul3A_2 : i32
    %dma_start3A = arith.constant 0 : i32
    %dma_start3A_5 = arith.constant 0 : i32
    %dma_start3A_6 = tpu.memref_slice %arg6[%dma_start3A, %dma_start3A_5] : memref<2x16384xf32, #tpu.memory_space<vmem>> -> memref<1x16384xf32, #tpu.memory_space<vmem>>
    %dma_start3A_7 = tpu.memref_squeeze %dma_start3A_6 : memref<1x16384xf32, #tpu.memory_space<vmem>> -> memref<16384xf32, #tpu.memory_space<vmem>>
    %dma_start3A_8 = tpu.memref_slice %arg2[%add3A_4] : memref<8388608xf32, #tpu.memory_space<hbm>> -> memref<16384xf32, #tpu.memory_space<hbm>>
    %dma_start3A_9 = arith.constant 0 : i32
    %dma_start3A_10 = tpu.memref_slice %arg6[%dma_start3A, %dma_start3A_9] : memref<2x16384xf32, #tpu.memory_space<vmem>> -> memref<1x16384xf32, #tpu.memory_space<vmem>>
    %dma_start3A_11 = tpu.memref_squeeze %dma_start3A_10 : memref<1x16384xf32, #tpu.memory_space<vmem>> -> memref<16384xf32, #tpu.memory_space<vmem>>
    %dma_start3A_12 = tpu.memref_slice %arg2[%add3A_4] : memref<8388608xf32, #tpu.memory_space<hbm>> -> memref<16384xf32, #tpu.memory_space<hbm>>
    tpu.enqueue_dma source(%dma_start3A_12 : memref<16384xf32, #tpu.memory_space<hbm>>) target(%dma_start3A_11 : memref<16384xf32, #tpu.memory_space<vmem>>) target_semaphore(%arg10 : memref<!tpu.dma_semaphore, #tpu.memory_space<semaphore_mem>>)
    %dma_start3A_13 = arith.constant 0 : i32
    %dma_start3A_14 = arith.constant 0 : i32
    %dma_start3A_15 = tpu.memref_slice %arg7[%dma_start3A_13, %dma_start3A_14] : memref<2x16384xi32, #tpu.memory_space<vmem>> -> memref<1x16384xi32, #tpu.memory_space<vmem>>
    %dma_start3A_16 = tpu.memref_squeeze %dma_start3A_15 : memref<1x16384xi32, #tpu.memory_space<vmem>> -> memref<16384xi32, #tpu.memory_space<vmem>>
    %dma_start3A_17 = tpu.memref_slice %arg3[%add3A_4] : memref<8388608xi32, #tpu.memory_space<hbm>> -> memref<16384xi32, #tpu.memory_space<hbm>>
    %dma_start3A_18 = arith.constant 0 : i32
    %dma_start3A_19 = tpu.memref_slice %arg7[%dma_start3A_13, %dma_start3A_18] : memref<2x16384xi32, #tpu.memory_space<vmem>> -> memref<1x16384xi32, #tpu.memory_space<vmem>>
    %dma_start3A_20 = tpu.memref_squeeze %dma_start3A_19 : memref<1x16384xi32, #tpu.memory_space<vmem>> -> memref<16384xi32, #tpu.memory_space<vmem>>
    %dma_start3A_21 = tpu.memref_slice %arg3[%add3A_4] : memref<8388608xi32, #tpu.memory_space<hbm>> -> memref<16384xi32, #tpu.memory_space<hbm>>
    tpu.enqueue_dma source(%dma_start3A_21 : memref<16384xi32, #tpu.memory_space<hbm>>) target(%dma_start3A_20 : memref<16384xi32, #tpu.memory_space<vmem>>) target_semaphore(%arg10 : memref<!tpu.dma_semaphore, #tpu.memory_space<semaphore_mem>>)
    %dma_start3A_22 = arith.constant 0 : i32
    %dma_start3A_23 = arith.constant 0 : i32
    %dma_start3A_24 = tpu.memref_slice %arg8[%dma_start3A_22, %dma_start3A_23] : memref<2x16384xi32, #tpu.memory_space<vmem>> -> memref<1x16384xi32, #tpu.memory_space<vmem>>
    %dma_start3A_25 = tpu.memref_squeeze %dma_start3A_24 : memref<1x16384xi32, #tpu.memory_space<vmem>> -> memref<16384xi32, #tpu.memory_space<vmem>>
    %dma_start3A_26 = tpu.memref_slice %arg4[%add3A_4] : memref<8388608xi32, #tpu.memory_space<hbm>> -> memref<16384xi32, #tpu.memory_space<hbm>>
    %dma_start3A_27 = arith.constant 0 : i32
    %dma_start3A_28 = tpu.memref_slice %arg8[%dma_start3A_22, %dma_start3A_27] : memref<2x16384xi32, #tpu.memory_space<vmem>> -> memref<1x16384xi32, #tpu.memory_space<vmem>>
    %dma_start3A_29 = tpu.memref_squeeze %dma_start3A_28 : memref<1x16384xi32, #tpu.memory_space<vmem>> -> memref<16384xi32, #tpu.memory_space<vmem>>
    %dma_start3A_30 = tpu.memref_slice %arg4[%add3A_4] : memref<8388608xi32, #tpu.memory_space<hbm>> -> memref<16384xi32, #tpu.memory_space<hbm>>
    tpu.enqueue_dma source(%dma_start3A_30 : memref<16384xi32, #tpu.memory_space<hbm>>) target(%dma_start3A_29 : memref<16384xi32, #tpu.memory_space<vmem>>) target_semaphore(%arg10 : memref<!tpu.dma_semaphore, #tpu.memory_space<semaphore_mem>>)
    %broadcast_in_dim3A = arith.constant 0.000000e+00 : f32
    %broadcast_in_dim3A_31 = vector.broadcast %broadcast_in_dim3A : f32 to vector<16xf32>
    %add3A_32 = arith.constant 16384 : i32
    %add3A_33 = arith.addi %add3A_4, %add3A_32 : i32
    %dma_wait3A = arith.constant 0 : i32
    %dma_wait3A_34 = arith.constant 0 : i32
    %dma_wait3A_35 = tpu.memref_slice %arg6[%dma_wait3A, %dma_wait3A_34] : memref<2x16384xf32, #tpu.memory_space<vmem>> -> memref<1x16384xf32, #tpu.memory_space<vmem>>
    %dma_wait3A_36 = tpu.memref_squeeze %dma_wait3A_35 : memref<1x16384xf32, #tpu.memory_space<vmem>> -> memref<16384xf32, #tpu.memory_space<vmem>>
    %dma_wait3A_37 = arith.constant 0 : i32
    %dma_wait3A_38 = tpu.memref_slice %arg2[%dma_wait3A_37] : memref<8388608xf32, #tpu.memory_space<hbm>> -> memref<16384xf32, #tpu.memory_space<hbm>>
    %dma_wait3A_39 = arith.constant 0 : i32
    %dma_wait3A_40 = tpu.memref_slice %arg6[%dma_wait3A, %dma_wait3A_39] : memref<2x16384xf32, #tpu.memory_space<vmem>> -> memref<1x16384xf32, #tpu.memory_space<vmem>>
    %dma_wait3A_41 = tpu.memref_squeeze %dma_wait3A_40 : memref<1x16384xf32, #tpu.memory_space<vmem>> -> memref<16384xf32, #tpu.memory_space<vmem>>
    %dma_wait3A_42 = arith.constant 0 : i32
    %dma_wait3A_43 = tpu.memref_slice %arg2[%dma_wait3A_42] : memref<8388608xf32, #tpu.memory_space<hbm>> -> memref<16384xf32, #tpu.memory_space<hbm>>
    tpu.wait_dma2 semaphore(%arg10 : memref<!tpu.dma_semaphore, #tpu.memory_space<semaphore_mem>>) src(%dma_wait3A_43 : memref<16384xf32, #tpu.memory_space<hbm>>) dst(%dma_wait3A_41 : memref<16384xf32, #tpu.memory_space<vmem>>)
    %dma_wait3A_44 = arith.constant 0 : i32
    %dma_wait3A_45 = arith.constant 0 : i32
    %dma_wait3A_46 = tpu.memref_slice %arg7[%dma_wait3A_44, %dma_wait3A_45] : memref<2x16384xi32, #tpu.memory_space<vmem>> -> memref<1x16384xi32, #tpu.memory_space<vmem>>
    %dma_wait3A_47 = tpu.memref_squeeze %dma_wait3A_46 : memref<1x16384xi32, #tpu.memory_space<vmem>> -> memref<16384xi32, #tpu.memory_space<vmem>>
    %dma_wait3A_48 = arith.constant 0 : i32
    %dma_wait3A_49 = tpu.memref_slice %arg3[%dma_wait3A_48] : memref<8388608xi32, #tpu.memory_space<hbm>> -> memref<16384xi32, #tpu.memory_space<hbm>>
    %dma_wait3A_50 = arith.constant 0 : i32
    %dma_wait3A_51 = tpu.memref_slice %arg7[%dma_wait3A_44, %dma_wait3A_50] : memref<2x16384xi32, #tpu.memory_space<vmem>> -> memref<1x16384xi32, #tpu.memory_space<vmem>>
    %dma_wait3A_52 = tpu.memref_squeeze %dma_wait3A_51 : memref<1x16384xi32, #tpu.memory_space<vmem>> -> memref<16384xi32, #tpu.memory_space<vmem>>
    %dma_wait3A_53 = arith.constant 0 : i32
    %dma_wait3A_54 = tpu.memref_slice %arg3[%dma_wait3A_53] : memref<8388608xi32, #tpu.memory_space<hbm>> -> memref<16384xi32, #tpu.memory_space<hbm>>
    tpu.wait_dma2 semaphore(%arg10 : memref<!tpu.dma_semaphore, #tpu.memory_space<semaphore_mem>>) src(%dma_wait3A_54 : memref<16384xi32, #tpu.memory_space<hbm>>) dst(%dma_wait3A_52 : memref<16384xi32, #tpu.memory_space<vmem>>)
    %dma_wait3A_55 = arith.constant 0 : i32
    %dma_wait3A_56 = arith.constant 0 : i32
    %dma_wait3A_57 = tpu.memref_slice %arg8[%dma_wait3A_55, %dma_wait3A_56] : memref<2x16384xi32, #tpu.memory_space<vmem>> -> memref<1x16384xi32, #tpu.memory_space<vmem>>
    %dma_wait3A_58 = tpu.memref_squeeze %dma_wait3A_57 : memref<1x16384xi32, #tpu.memory_space<vmem>> -> memref<16384xi32, #tpu.memory_space<vmem>>
    %dma_wait3A_59 = arith.constant 0 : i32
    %dma_wait3A_60 = tpu.memref_slice %arg4[%dma_wait3A_59] : memref<8388608xi32, #tpu.memory_space<hbm>> -> memref<16384xi32, #tpu.memory_space<hbm>>
    %dma_wait3A_61 = arith.constant 0 : i32
    %dma_wait3A_62 = tpu.memref_slice %arg8[%dma_wait3A_55, %dma_wait3A_61] : memref<2x16384xi32, #tpu.memory_space<vmem>> -> memref<1x16384xi32, #tpu.memory_space<vmem>>
    %dma_wait3A_63 = tpu.memref_squeeze %dma_wait3A_62 : memref<1x16384xi32, #tpu.memory_space<vmem>> -> memref<16384xi32, #tpu.memory_space<vmem>>
    %dma_wait3A_64 = arith.constant 0 : i32
    %dma_wait3A_65 = tpu.memref_slice %arg4[%dma_wait3A_64] : memref<8388608xi32, #tpu.memory_space<hbm>> -> memref<16384xi32, #tpu.memory_space<hbm>>
    tpu.wait_dma2 semaphore(%arg10 : memref<!tpu.dma_semaphore, #tpu.memory_space<semaphore_mem>>) src(%dma_wait3A_65 : memref<16384xi32, #tpu.memory_space<hbm>>) dst(%dma_wait3A_63 : memref<16384xi32, #tpu.memory_space<vmem>>)
    %parallel_loop3A = arith.constant 0 : i32
    %parallel_loop3A_66 = arith.constant 16384 : i32
    %parallel_loop3A_67 = arith.constant 128 : i32
    %parallel_loop3A_68:4 = scf.for %parallel_loop3A_366 = %parallel_loop3A to %parallel_loop3A_66 step %parallel_loop3A_67 iter_args(%parallel_loop3A_367 = %broadcast_in_dim3A_31, %parallel_loop3A_368 = %broadcast_in_dim3A_31, %parallel_loop3A_369 = %broadcast_in_dim3A_31, %parallel_loop3A_370 = %broadcast_in_dim3A_31) -> (vector<16xf32>, vector<16xf32>, vector<16xf32>, vector<16xf32>)  : i32 {
      %parallel_loop3A_371 = arith.addi %add3A_33, %parallel_loop3A_366 : i32
      %parallel_loop3A_372 = arith.constant 1 : i32
      %parallel_loop3A_373 = tpu.memref_slice %arg6[%parallel_loop3A_372, %parallel_loop3A_366] : memref<2x16384xf32, #tpu.memory_space<vmem>> -> memref<1x128xf32, #tpu.memory_space<vmem>>
      %parallel_loop3A_374 = tpu.memref_squeeze %parallel_loop3A_373 : memref<1x128xf32, #tpu.memory_space<vmem>> -> memref<128xf32, #tpu.memory_space<vmem>>
      %parallel_loop3A_375 = tpu.memref_slice %arg2[%parallel_loop3A_371] : memref<8388608xf32, #tpu.memory_space<hbm>> -> memref<128xf32, #tpu.memory_space<hbm>>
      %parallel_loop3A_376 = tpu.memref_slice %arg6[%parallel_loop3A_372, %parallel_loop3A_366] : memref<2x16384xf32, #tpu.memory_space<vmem>> -> memref<1x128xf32, #tpu.memory_space<vmem>>
      %parallel_loop3A_377 = tpu.memref_squeeze %parallel_loop3A_376 : memref<1x128xf32, #tpu.memory_space<vmem>> -> memref<128xf32, #tpu.memory_space<vmem>>
      %parallel_loop3A_378 = tpu.memref_slice %arg2[%parallel_loop3A_371] : memref<8388608xf32, #tpu.memory_space<hbm>> -> memref<128xf32, #tpu.memory_space<hbm>>
      tpu.enqueue_dma source(%parallel_loop3A_378 : memref<128xf32, #tpu.memory_space<hbm>>) target(%parallel_loop3A_377 : memref<128xf32, #tpu.memory_space<vmem>>) target_semaphore(%arg11 : memref<!tpu.dma_semaphore, #tpu.memory_space<semaphore_mem>>)
      %parallel_loop3A_379 = arith.addi %add3A_33, %parallel_loop3A_366 : i32
      %parallel_loop3A_380 = arith.constant 1 : i32
      %parallel_loop3A_381 = tpu.memref_slice %arg7[%parallel_loop3A_380, %parallel_loop3A_366] : memref<2x16384xi32, #tpu.memory_space<vmem>> -> memref<1x128xi32, #tpu.memory_space<vmem>>
      %parallel_loop3A_382 = tpu.memref_squeeze %parallel_loop3A_381 : memref<1x128xi32, #tpu.memory_space<vmem>> -> memref<128xi32, #tpu.memory_space<vmem>>
      %parallel_loop3A_383 = tpu.memref_slice %arg3[%parallel_loop3A_379] : memref<8388608xi32, #tpu.memory_space<hbm>> -> memref<128xi32, #tpu.memory_space<hbm>>
      %parallel_loop3A_384 = tpu.memref_slice %arg7[%parallel_loop3A_380, %parallel_loop3A_366] : memref<2x16384xi32, #tpu.memory_space<vmem>> -> memref<1x128xi32, #tpu.memory_space<vmem>>
      %parallel_loop3A_385 = tpu.memref_squeeze %parallel_loop3A_384 : memref<1x128xi32, #tpu.memory_space<vmem>> -> memref<128xi32, #tpu.memory_space<vmem>>
      %parallel_loop3A_386 = tpu.memref_slice %arg3[%parallel_loop3A_379] : memref<8388608xi32, #tpu.memory_space<hbm>> -> memref<128xi32, #tpu.memory_space<hbm>>
      tpu.enqueue_dma source(%parallel_loop3A_386 : memref<128xi32, #tpu.memory_space<hbm>>) target(%parallel_loop3A_385 : memref<128xi32, #tpu.memory_space<vmem>>) target_semaphore(%arg11 : memref<!tpu.dma_semaphore, #tpu.memory_space<semaphore_mem>>)
      %parallel_loop3A_387 = arith.addi %add3A_33, %parallel_loop3A_366 : i32
      %parallel_loop3A_388 = arith.constant 1 : i32
      %parallel_loop3A_389 = tpu.memref_slice %arg8[%parallel_loop3A_388, %parallel_loop3A_366] : memref<2x16384xi32, #tpu.memory_space<vmem>> -> memref<1x128xi32, #tpu.memory_space<vmem>>
      %parallel_loop3A_390 = tpu.memref_squeeze %parallel_loop3A_389 : memref<1x128xi32, #tpu.memory_space<vmem>> -> memref<128xi32, #tpu.memory_space<vmem>>
      %parallel_loop3A_391 = tpu.memref_slice %arg4[%parallel_loop3A_387] : memref<8388608xi32, #tpu.memory_space<hbm>> -> memref<128xi32, #tpu.memory_space<hbm>>
      %parallel_loop3A_392 = tpu.memref_slice %arg8[%parallel_loop3A_388, %parallel_loop3A_366] : memref<2x16384xi32, #tpu.memory_space<vmem>> -> memref<1x128xi32, #tpu.memory_space<vmem>>
      %parallel_loop3A_393 = tpu.memref_squeeze %parallel_loop3A_392 : memref<1x128xi32, #tpu.memory_space<vmem>> -> memref<128xi32, #tpu.memory_space<vmem>>
      %parallel_loop3A_394 = tpu.memref_slice %arg4[%parallel_loop3A_387] : memref<8388608xi32, #tpu.memory_space<hbm>> -> memref<128xi32, #tpu.memory_space<hbm>>
      tpu.enqueue_dma source(%parallel_loop3A_394 : memref<128xi32, #tpu.memory_space<hbm>>) target(%parallel_loop3A_393 : memref<128xi32, #tpu.memory_space<vmem>>) target_semaphore(%arg11 : memref<!tpu.dma_semaphore, #tpu.memory_space<semaphore_mem>>)
      %parallel_loop3A_395 = arith.constant 0 : i32
      %parallel_loop3A_396 = arith.addi %parallel_loop3A_366, %parallel_loop3A_395 : i32
      %parallel_loop3A_397 = arith.constant 0 : i32
      %parallel_loop3A_398 = arith.index_cast %parallel_loop3A_397 : i32 to index
      %parallel_loop3A_399 = arith.index_cast %parallel_loop3A_396 : i32 to index
      %parallel_loop3A_400 = tpu.vector_load %arg6[%parallel_loop3A_398, %parallel_loop3A_399] {strides = array<i32>} : memref<2x16384xf32, #tpu.memory_space<vmem>>, vector<1x16xf32>,
      %parallel_loop3A_401 = vector.shape_cast %parallel_loop3A_400 : vector<1x16xf32> to vector<16xf32>
      %parallel_loop3A_402 = arith.constant 0 : i32
      %parallel_loop3A_403 = arith.addi %parallel_loop3A_366, %parallel_loop3A_402 : i32
      %parallel_loop3A_404 = arith.constant 0 : i32
      %parallel_loop3A_405 = arith.index_cast %parallel_loop3A_404 : i32 to index
      %parallel_loop3A_406 = arith.index_cast %parallel_loop3A_403 : i32 to index
      %parallel_loop3A_407 = tpu.vector_load %arg7[%parallel_loop3A_405, %parallel_loop3A_406] {strides = array<i32>} : memref<2x16384xi32, #tpu.memory_space<vmem>>, vector<1x16xi32>,
      %parallel_loop3A_408 = vector.shape_cast %parallel_loop3A_407 : vector<1x16xi32> to vector<16xi32>
      %parallel_loop3A_409 = arith.constant 0 : i32
      %parallel_loop3A_410 = arith.addi %parallel_loop3A_366, %parallel_loop3A_409 : i32
      %parallel_loop3A_411 = arith.constant 0 : i32
      %parallel_loop3A_412 = arith.index_cast %parallel_loop3A_411 : i32 to index
      %parallel_loop3A_413 = arith.index_cast %parallel_loop3A_410 : i32 to index
      %parallel_loop3A_414 = tpu.vector_load %arg8[%parallel_loop3A_412, %parallel_loop3A_413] {strides = array<i32>} : memref<2x16384xi32, #tpu.memory_space<vmem>>, vector<1x16xi32>,
      %parallel_loop3A_415 = vector.shape_cast %parallel_loop3A_414 : vector<1x16xi32> to vector<16xi32>
      %parallel_loop3A_416 = arith.andi %parallel_loop3A_415, %parallel_loop3A_408 : vector<16xi32>
      %parallel_loop3A_417 = arith.sitofp %parallel_loop3A_415 : vector<16xi32> to vector<16xf32>
      %parallel_loop3A_418 = arith.sitofp %parallel_loop3A_416 : vector<16xi32> to vector<16xf32>
      %parallel_loop3A_419 = arith.mulf %parallel_loop3A_401, %parallel_loop3A_417 : vector<16xf32>
      %parallel_loop3A_420 = arith.mulf %parallel_loop3A_401, %parallel_loop3A_418 : vector<16xf32>
      %parallel_loop3A_421 = arith.constant 16 : i32
      %parallel_loop3A_422 = arith.addi %parallel_loop3A_366, %parallel_loop3A_421 : i32
      %parallel_loop3A_423 = arith.constant 0 : i32
      %parallel_loop3A_424 = arith.index_cast %parallel_loop3A_423 : i32 to index
      %parallel_loop3A_425 = arith.index_cast %parallel_loop3A_422 : i32 to index
      %parallel_loop3A_426 = tpu.vector_load %arg6[%parallel_loop3A_424, %parallel_loop3A_425] {strides = array<i32>} : memref<2x16384xf32, #tpu.memory_space<vmem>>, vector<1x16xf32>,
      %parallel_loop3A_427 = vector.shape_cast %parallel_loop3A_426 : vector<1x16xf32> to vector<16xf32>
      %parallel_loop3A_428 = arith.constant 16 : i32
      %parallel_loop3A_429 = arith.addi %parallel_loop3A_366, %parallel_loop3A_428 : i32
      %parallel_loop3A_430 = arith.constant 0 : i32
      %parallel_loop3A_431 = arith.index_cast %parallel_loop3A_430 : i32 to index
      %parallel_loop3A_432 = arith.index_cast %parallel_loop3A_429 : i32 to index
      %parallel_loop3A_433 = tpu.vector_load %arg7[%parallel_loop3A_431, %parallel_loop3A_432] {strides = array<i32>} : memref<2x16384xi32, #tpu.memory_space<vmem>>, vector<1x16xi32>,
      %parallel_loop3A_434 = vector.shape_cast %parallel_loop3A_433 : vector<1x16xi32> to vector<16xi32>
      %parallel_loop3A_435 = arith.constant 16 : i32
      %parallel_loop3A_436 = arith.addi %parallel_loop3A_366, %parallel_loop3A_435 : i32
      %parallel_loop3A_437 = arith.constant 0 : i32
      %parallel_loop3A_438 = arith.index_cast %parallel_loop3A_437 : i32 to index
      %parallel_loop3A_439 = arith.index_cast %parallel_loop3A_436 : i32 to index
      %parallel_loop3A_440 = tpu.vector_load %arg8[%parallel_loop3A_438, %parallel_loop3A_439] {strides = array<i32>} : memref<2x16384xi32, #tpu.memory_space<vmem>>, vector<1x16xi32>,
      %parallel_loop3A_441 = vector.shape_cast %parallel_loop3A_440 : vector<1x16xi32> to vector<16xi32>
      %parallel_loop3A_442 = arith.andi %parallel_loop3A_441, %parallel_loop3A_434 : vector<16xi32>
      %parallel_loop3A_443 = arith.sitofp %parallel_loop3A_441 : vector<16xi32> to vector<16xf32>
      %parallel_loop3A_444 = arith.sitofp %parallel_loop3A_442 : vector<16xi32> to vector<16xf32>
      %parallel_loop3A_445 = arith.mulf %parallel_loop3A_427, %parallel_loop3A_443 : vector<16xf32>
      %parallel_loop3A_446 = arith.mulf %parallel_loop3A_427, %parallel_loop3A_444 : vector<16xf32>
      %parallel_loop3A_447 = arith.constant 32 : i32
      %parallel_loop3A_448 = arith.addi %parallel_loop3A_366, %parallel_loop3A_447 : i32
      %parallel_loop3A_449 = arith.constant 0 : i32
      %parallel_loop3A_450 = arith.index_cast %parallel_loop3A_449 : i32 to index
      %parallel_loop3A_451 = arith.index_cast %parallel_loop3A_448 : i32 to index
      %parallel_loop3A_452 = tpu.vector_load %arg6[%parallel_loop3A_450, %parallel_loop3A_451] {strides = array<i32>} : memref<2x16384xf32, #tpu.memory_space<vmem>>, vector<1x16xf32>,
      %parallel_loop3A_453 = vector.shape_cast %parallel_loop3A_452 : vector<1x16xf32> to vector<16xf32>
      %parallel_loop3A_454 = arith.constant 32 : i32
      %parallel_loop3A_455 = arith.addi %parallel_loop3A_366, %parallel_loop3A_454 : i32
      %parallel_loop3A_456 = arith.constant 0 : i32
      %parallel_loop3A_457 = arith.index_cast %parallel_loop3A_456 : i32 to index
      %parallel_loop3A_458 = arith.index_cast %parallel_loop3A_455 : i32 to index
      %parallel_loop3A_459 = tpu.vector_load %arg7[%parallel_loop3A_457, %parallel_loop3A_458] {strides = array<i32>} : memref<2x16384xi32, #tpu.memory_space<vmem>>, vector<1x16xi32>,
      %parallel_loop3A_460 = vector.shape_cast %parallel_loop3A_459 : vector<1x16xi32> to vector<16xi32>
      %parallel_loop3A_461 = arith.constant 32 : i32
      %parallel_loop3A_462 = arith.addi %parallel_loop3A_366, %parallel_loop3A_461 : i32
      %parallel_loop3A_463 = arith.constant 0 : i32
      %parallel_loop3A_464 = arith.index_cast %parallel_loop3A_463 : i32 to index
      %parallel_loop3A_465 = arith.index_cast %parallel_loop3A_462 : i32 to index
      %parallel_loop3A_466 = tpu.vector_load %arg8[%parallel_loop3A_464, %parallel_loop3A_465] {strides = array<i32>} : memref<2x16384xi32, #tpu.memory_space<vmem>>, vector<1x16xi32>,
      %parallel_loop3A_467 = vector.shape_cast %parallel_loop3A_466 : vector<1x16xi32> to vector<16xi32>
      %parallel_loop3A_468 = arith.andi %parallel_loop3A_467, %parallel_loop3A_460 : vector<16xi32>
      %parallel_loop3A_469 = arith.sitofp %parallel_loop3A_467 : vector<16xi32> to vector<16xf32>
      %parallel_loop3A_470 = arith.sitofp %parallel_loop3A_468 : vector<16xi32> to vector<16xf32>
      %parallel_loop3A_471 = arith.mulf %parallel_loop3A_453, %parallel_loop3A_469 : vector<16xf32>
      %parallel_loop3A_472 = arith.mulf %parallel_loop3A_453, %parallel_loop3A_470 : vector<16xf32>
      %parallel_loop3A_473 = arith.constant 48 : i32
      %parallel_loop3A_474 = arith.addi %parallel_loop3A_366, %parallel_loop3A_473 : i32
      %parallel_loop3A_475 = arith.constant 0 : i32
      %parallel_loop3A_476 = arith.index_cast %parallel_loop3A_475 : i32 to index
      %parallel_loop3A_477 = arith.index_cast %parallel_loop3A_474 : i32 to index
      %parallel_loop3A_478 = tpu.vector_load %arg6[%parallel_loop3A_476, %parallel_loop3A_477] {strides = array<i32>} : memref<2x16384xf32, #tpu.memory_space<vmem>>, vector<1x16xf32>,
      %parallel_loop3A_479 = vector.shape_cast %parallel_loop3A_478 : vector<1x16xf32> to vector<16xf32>
      %parallel_loop3A_480 = arith.constant 48 : i32
      %parallel_loop3A_481 = arith.addi %parallel_loop3A_366, %parallel_loop3A_480 : i32
      %parallel_loop3A_482 = arith.constant 0 : i32
      %parallel_loop3A_483 = arith.index_cast %parallel_loop3A_482 : i32 to index
      %parallel_loop3A_484 = arith.index_cast %parallel_loop3A_481 : i32 to index
      %parallel_loop3A_485 = tpu.vector_load %arg7[%parallel_loop3A_483, %parallel_loop3A_484] {strides = array<i32>} : memref<2x16384xi32, #tpu.memory_space<vmem>>, vector<1x16xi32>,
      %parallel_loop3A_486 = vector.shape_cast %parallel_loop3A_485 : vector<1x16xi32> to vector<16xi32>
      %parallel_loop3A_487 = arith.constant 48 : i32
      %parallel_loop3A_488 = arith.addi %parallel_loop3A_366, %parallel_loop3A_487 : i32
      %parallel_loop3A_489 = arith.constant 0 : i32
      %parallel_loop3A_490 = arith.index_cast %parallel_loop3A_489 : i32 to index
      %parallel_loop3A_491 = arith.index_cast %parallel_loop3A_488 : i32 to index
      %parallel_loop3A_492 = tpu.vector_load %arg8[%parallel_loop3A_490, %parallel_loop3A_491] {strides = array<i32>} : memref<2x16384xi32, #tpu.memory_space<vmem>>, vector<1x16xi32>,
      %parallel_loop3A_493 = vector.shape_cast %parallel_loop3A_492 : vector<1x16xi32> to vector<16xi32>
      %parallel_loop3A_494 = arith.andi %parallel_loop3A_493, %parallel_loop3A_486 : vector<16xi32>
      %parallel_loop3A_495 = arith.sitofp %parallel_loop3A_493 : vector<16xi32> to vector<16xf32>
      %parallel_loop3A_496 = arith.sitofp %parallel_loop3A_494 : vector<16xi32> to vector<16xf32>
      %parallel_loop3A_497 = arith.mulf %parallel_loop3A_479, %parallel_loop3A_495 : vector<16xf32>
      %parallel_loop3A_498 = arith.mulf %parallel_loop3A_479, %parallel_loop3A_496 : vector<16xf32>
      %parallel_loop3A_499 = arith.constant 64 : i32
      %parallel_loop3A_500 = arith.addi %parallel_loop3A_366, %parallel_loop3A_499 : i32
      %parallel_loop3A_501 = arith.constant 0 : i32
      %parallel_loop3A_502 = arith.index_cast %parallel_loop3A_501 : i32 to index
      %parallel_loop3A_503 = arith.index_cast %parallel_loop3A_500 : i32 to index
      %parallel_loop3A_504 = tpu.vector_load %arg6[%parallel_loop3A_502, %parallel_loop3A_503] {strides = array<i32>} : memref<2x16384xf32, #tpu.memory_space<vmem>>, vector<1x16xf32>,
      %parallel_loop3A_505 = vector.shape_cast %parallel_loop3A_504 : vector<1x16xf32> to vector<16xf32>
      %parallel_loop3A_506 = arith.constant 64 : i32
      %parallel_loop3A_507 = arith.addi %parallel_loop3A_366, %parallel_loop3A_506 : i32
      %parallel_loop3A_508 = arith.constant 0 : i32
      %parallel_loop3A_509 = arith.index_cast %parallel_loop3A_508 : i32 to index
      %parallel_loop3A_510 = arith.index_cast %parallel_loop3A_507 : i32 to index
      %parallel_loop3A_511 = tpu.vector_load %arg7[%parallel_loop3A_509, %parallel_loop3A_510] {strides = array<i32>} : memref<2x16384xi32, #tpu.memory_space<vmem>>, vector<1x16xi32>,
      %parallel_loop3A_512 = vector.shape_cast %parallel_loop3A_511 : vector<1x16xi32> to vector<16xi32>
      %parallel_loop3A_513 = arith.constant 64 : i32
      %parallel_loop3A_514 = arith.addi %parallel_loop3A_366, %parallel_loop3A_513 : i32
      %parallel_loop3A_515 = arith.constant 0 : i32
      %parallel_loop3A_516 = arith.index_cast %parallel_loop3A_515 : i32 to index
      %parallel_loop3A_517 = arith.index_cast %parallel_loop3A_514 : i32 to index
      %parallel_loop3A_518 = tpu.vector_load %arg8[%parallel_loop3A_516, %parallel_loop3A_517] {strides = array<i32>} : memref<2x16384xi32, #tpu.memory_space<vmem>>, vector<1x16xi32>,
      %parallel_loop3A_519 = vector.shape_cast %parallel_loop3A_518 : vector<1x16xi32> to vector<16xi32>
      %parallel_loop3A_520 = arith.andi %parallel_loop3A_519, %parallel_loop3A_512 : vector<16xi32>
      %parallel_loop3A_521 = arith.sitofp %parallel_loop3A_519 : vector<16xi32> to vector<16xf32>
      %parallel_loop3A_522 = arith.sitofp %parallel_loop3A_520 : vector<16xi32> to vector<16xf32>
      %parallel_loop3A_523 = arith.mulf %parallel_loop3A_505, %parallel_loop3A_521 : vector<16xf32>
      %parallel_loop3A_524 = arith.mulf %parallel_loop3A_505, %parallel_loop3A_522 : vector<16xf32>
      %parallel_loop3A_525 = arith.constant 80 : i32
      %parallel_loop3A_526 = arith.addi %parallel_loop3A_366, %parallel_loop3A_525 : i32
      %parallel_loop3A_527 = arith.constant 0 : i32
      %parallel_loop3A_528 = arith.index_cast %parallel_loop3A_527 : i32 to index
      %parallel_loop3A_529 = arith.index_cast %parallel_loop3A_526 : i32 to index
      %parallel_loop3A_530 = tpu.vector_load %arg6[%parallel_loop3A_528, %parallel_loop3A_529] {strides = array<i32>} : memref<2x16384xf32, #tpu.memory_space<vmem>>, vector<1x16xf32>,
      %parallel_loop3A_531 = vector.shape_cast %parallel_loop3A_530 : vector<1x16xf32> to vector<16xf32>
      %parallel_loop3A_532 = arith.constant 80 : i32
      %parallel_loop3A_533 = arith.addi %parallel_loop3A_366, %parallel_loop3A_532 : i32
      %parallel_loop3A_534 = arith.constant 0 : i32
      %parallel_loop3A_535 = arith.index_cast %parallel_loop3A_534 : i32 to index
      %parallel_loop3A_536 = arith.index_cast %parallel_loop3A_533 : i32 to index
      %parallel_loop3A_537 = tpu.vector_load %arg7[%parallel_loop3A_535, %parallel_loop3A_536] {strides = array<i32>} : memref<2x16384xi32, #tpu.memory_space<vmem>>, vector<1x16xi32>,
      %parallel_loop3A_538 = vector.shape_cast %parallel_loop3A_537 : vector<1x16xi32> to vector<16xi32>
      %parallel_loop3A_539 = arith.constant 80 : i32
      %parallel_loop3A_540 = arith.addi %parallel_loop3A_366, %parallel_loop3A_539 : i32
      %parallel_loop3A_541 = arith.constant 0 : i32
      %parallel_loop3A_542 = arith.index_cast %parallel_loop3A_541 : i32 to index
      %parallel_loop3A_543 = arith.index_cast %parallel_loop3A_540 : i32 to index
      %parallel_loop3A_544 = tpu.vector_load %arg8[%parallel_loop3A_542, %parallel_loop3A_543] {strides = array<i32>} : memref<2x16384xi32, #tpu.memory_space<vmem>>, vector<1x16xi32>,
      %parallel_loop3A_545 = vector.shape_cast %parallel_loop3A_544 : vector<1x16xi32> to vector<16xi32>
      %parallel_loop3A_546 = arith.andi %parallel_loop3A_545, %parallel_loop3A_538 : vector<16xi32>
      %parallel_loop3A_547 = arith.sitofp %parallel_loop3A_545 : vector<16xi32> to vector<16xf32>
      %parallel_loop3A_548 = arith.sitofp %parallel_loop3A_546 : vector<16xi32> to vector<16xf32>
      %parallel_loop3A_549 = arith.mulf %parallel_loop3A_531, %parallel_loop3A_547 : vector<16xf32>
      %parallel_loop3A_550 = arith.mulf %parallel_loop3A_531, %parallel_loop3A_548 : vector<16xf32>
      %parallel_loop3A_551 = arith.constant 96 : i32
      %parallel_loop3A_552 = arith.addi %parallel_loop3A_366, %parallel_loop3A_551 : i32
      %parallel_loop3A_553 = arith.constant 0 : i32
      %parallel_loop3A_554 = arith.index_cast %parallel_loop3A_553 : i32 to index
      %parallel_loop3A_555 = arith.index_cast %parallel_loop3A_552 : i32 to index
      %parallel_loop3A_556 = tpu.vector_load %arg6[%parallel_loop3A_554, %parallel_loop3A_555] {strides = array<i32>} : memref<2x16384xf32, #tpu.memory_space<vmem>>, vector<1x16xf32>,
      %parallel_loop3A_557 = vector.shape_cast %parallel_loop3A_556 : vector<1x16xf32> to vector<16xf32>
      %parallel_loop3A_558 = arith.constant 96 : i32
      %parallel_loop3A_559 = arith.addi %parallel_loop3A_366, %parallel_loop3A_558 : i32
      %parallel_loop3A_560 = arith.constant 0 : i32
      %parallel_loop3A_561 = arith.index_cast %parallel_loop3A_560 : i32 to index
      %parallel_loop3A_562 = arith.index_cast %parallel_loop3A_559 : i32 to index
      %parallel_loop3A_563 = tpu.vector_load %arg7[%parallel_loop3A_561, %parallel_loop3A_562] {strides = array<i32>} : memref<2x16384xi32, #tpu.memory_space<vmem>>, vector<1x16xi32>,
      %parallel_loop3A_564 = vector.shape_cast %parallel_loop3A_563 : vector<1x16xi32> to vector<16xi32>
      %parallel_loop3A_565 = arith.constant 96 : i32
      %parallel_loop3A_566 = arith.addi %parallel_loop3A_366, %parallel_loop3A_565 : i32
      %parallel_loop3A_567 = arith.constant 0 : i32
      %parallel_loop3A_568 = arith.index_cast %parallel_loop3A_567 : i32 to index
      %parallel_loop3A_569 = arith.index_cast %parallel_loop3A_566 : i32 to index
      %parallel_loop3A_570 = tpu.vector_load %arg8[%parallel_loop3A_568, %parallel_loop3A_569] {strides = array<i32>} : memref<2x16384xi32, #tpu.memory_space<vmem>>, vector<1x16xi32>,
      %parallel_loop3A_571 = vector.shape_cast %parallel_loop3A_570 : vector<1x16xi32> to vector<16xi32>
      %parallel_loop3A_572 = arith.andi %parallel_loop3A_571, %parallel_loop3A_564 : vector<16xi32>
      %parallel_loop3A_573 = arith.sitofp %parallel_loop3A_571 : vector<16xi32> to vector<16xf32>
      %parallel_loop3A_574 = arith.sitofp %parallel_loop3A_572 : vector<16xi32> to vector<16xf32>
      %parallel_loop3A_575 = arith.mulf %parallel_loop3A_557, %parallel_loop3A_573 : vector<16xf32>
      %parallel_loop3A_576 = arith.mulf %parallel_loop3A_557, %parallel_loop3A_574 : vector<16xf32>
      %parallel_loop3A_577 = arith.constant 112 : i32
      %parallel_loop3A_578 = arith.addi %parallel_loop3A_366, %parallel_loop3A_577 : i32
      %parallel_loop3A_579 = arith.constant 0 : i32
      %parallel_loop3A_580 = arith.index_cast %parallel_loop3A_579 : i32 to index
      %parallel_loop3A_581 = arith.index_cast %parallel_loop3A_578 : i32 to index
      %parallel_loop3A_582 = tpu.vector_load %arg6[%parallel_loop3A_580, %parallel_loop3A_581] {strides = array<i32>} : memref<2x16384xf32, #tpu.memory_space<vmem>>, vector<1x16xf32>,
      %parallel_loop3A_583 = vector.shape_cast %parallel_loop3A_582 : vector<1x16xf32> to vector<16xf32>
      %parallel_loop3A_584 = arith.constant 112 : i32
      %parallel_loop3A_585 = arith.addi %parallel_loop3A_366, %parallel_loop3A_584 : i32
      %parallel_loop3A_586 = arith.constant 0 : i32
      %parallel_loop3A_587 = arith.index_cast %parallel_loop3A_586 : i32 to index
      %parallel_loop3A_588 = arith.index_cast %parallel_loop3A_585 : i32 to index
      %parallel_loop3A_589 = tpu.vector_load %arg7[%parallel_loop3A_587, %parallel_loop3A_588] {strides = array<i32>} : memref<2x16384xi32, #tpu.memory_space<vmem>>, vector<1x16xi32>,
      %parallel_loop3A_590 = vector.shape_cast %parallel_loop3A_589 : vector<1x16xi32> to vector<16xi32>
      %parallel_loop3A_591 = arith.constant 112 : i32
      %parallel_loop3A_592 = arith.addi %parallel_loop3A_366, %parallel_loop3A_591 : i32
      %parallel_loop3A_593 = arith.constant 0 : i32
      %parallel_loop3A_594 = arith.index_cast %parallel_loop3A_593 : i32 to index
      %parallel_loop3A_595 = arith.index_cast %parallel_loop3A_592 : i32 to index
      %parallel_loop3A_596 = tpu.vector_load %arg8[%parallel_loop3A_594, %parallel_loop3A_595] {strides = array<i32>} : memref<2x16384xi32, #tpu.memory_space<vmem>>, vector<1x16xi32>,
      %parallel_loop3A_597 = vector.shape_cast %parallel_loop3A_596 : vector<1x16xi32> to vector<16xi32>
      %parallel_loop3A_598 = arith.andi %parallel_loop3A_597, %parallel_loop3A_590 : vector<16xi32>
      %parallel_loop3A_599 = arith.sitofp %parallel_loop3A_597 : vector<16xi32> to vector<16xf32>
      %parallel_loop3A_600 = arith.sitofp %parallel_loop3A_598 : vector<16xi32> to vector<16xf32>
      %parallel_loop3A_601 = arith.mulf %parallel_loop3A_583, %parallel_loop3A_599 : vector<16xf32>
      %parallel_loop3A_602 = arith.mulf %parallel_loop3A_583, %parallel_loop3A_600 : vector<16xf32>
      %parallel_loop3A_603 = arith.addf %parallel_loop3A_419, %parallel_loop3A_445 : vector<16xf32>
      %parallel_loop3A_604 = arith.addf %parallel_loop3A_471, %parallel_loop3A_497 : vector<16xf32>
      %parallel_loop3A_605 = arith.addf %parallel_loop3A_523, %parallel_loop3A_549 : vector<16xf32>
      %parallel_loop3A_606 = arith.addf %parallel_loop3A_575, %parallel_loop3A_601 : vector<16xf32>
      %parallel_loop3A_607 = arith.addf %parallel_loop3A_603, %parallel_loop3A_604 : vector<16xf32>
      %parallel_loop3A_608 = arith.addf %parallel_loop3A_605, %parallel_loop3A_606 : vector<16xf32>
      %parallel_loop3A_609 = arith.addf %parallel_loop3A_607, %parallel_loop3A_608 : vector<16xf32>
      %parallel_loop3A_610 = arith.addf %parallel_loop3A_367, %parallel_loop3A_609 : vector<16xf32>
      %parallel_loop3A_611 = arith.addf %parallel_loop3A_417, %parallel_loop3A_443 : vector<16xf32>
      %parallel_loop3A_612 = arith.addf %parallel_loop3A_469, %parallel_loop3A_495 : vector<16xf32>
      %parallel_loop3A_613 = arith.addf %parallel_loop3A_521, %parallel_loop3A_547 : vector<16xf32>
      %parallel_loop3A_614 = arith.addf %parallel_loop3A_573, %parallel_loop3A_599 : vector<16xf32>
      %parallel_loop3A_615 = arith.addf %parallel_loop3A_611, %parallel_loop3A_612 : vector<16xf32>
      %parallel_loop3A_616 = arith.addf %parallel_loop3A_613, %parallel_loop3A_614 : vector<16xf32>
      %parallel_loop3A_617 = arith.addf %parallel_loop3A_615, %parallel_loop3A_616 : vector<16xf32>
      %parallel_loop3A_618 = arith.addf %parallel_loop3A_368, %parallel_loop3A_617 : vector<16xf32>
      %parallel_loop3A_619 = arith.addf %parallel_loop3A_420, %parallel_loop3A_446 : vector<16xf32>
      %parallel_loop3A_620 = arith.addf %parallel_loop3A_472, %parallel_loop3A_498 : vector<16xf32>
      %parallel_loop3A_621 = arith.addf %parallel_loop3A_524, %parallel_loop3A_550 : vector<16xf32>
      %parallel_loop3A_622 = arith.addf %parallel_loop3A_576, %parallel_loop3A_602 : vector<16xf32>
      %parallel_loop3A_623 = arith.addf %parallel_loop3A_619, %parallel_loop3A_620 : vector<16xf32>
      %parallel_loop3A_624 = arith.addf %parallel_loop3A_621, %parallel_loop3A_622 : vector<16xf32>
      %parallel_loop3A_625 = arith.addf %parallel_loop3A_623, %parallel_loop3A_624 : vector<16xf32>
      %parallel_loop3A_626 = arith.addf %parallel_loop3A_369, %parallel_loop3A_625 : vector<16xf32>
      %parallel_loop3A_627 = arith.addf %parallel_loop3A_418, %parallel_loop3A_444 : vector<16xf32>
      %parallel_loop3A_628 = arith.addf %parallel_loop3A_470, %parallel_loop3A_496 : vector<16xf32>
      %parallel_loop3A_629 = arith.addf %parallel_loop3A_522, %parallel_loop3A_548 : vector<16xf32>
      %parallel_loop3A_630 = arith.addf %parallel_loop3A_574, %parallel_loop3A_600 : vector<16xf32>
      %parallel_loop3A_631 = arith.addf %parallel_loop3A_627, %parallel_loop3A_628 : vector<16xf32>
      %parallel_loop3A_632 = arith.addf %parallel_loop3A_629, %parallel_loop3A_630 : vector<16xf32>
      %parallel_loop3A_633 = arith.addf %parallel_loop3A_631, %parallel_loop3A_632 : vector<16xf32>
      %parallel_loop3A_634 = arith.addf %parallel_loop3A_370, %parallel_loop3A_633 : vector<16xf32>
      scf.yield %parallel_loop3A_610, %parallel_loop3A_618, %parallel_loop3A_626, %parallel_loop3A_634 : vector<16xf32>, vector<16xf32>, vector<16xf32>, vector<16xf32>
    } {sc.loop_unroll_factor = 2 : i64, sc.parallel_access}
    %add3A_69 = arith.constant 32768 : i32
    %add3A_70 = arith.addi %add3A_4, %add3A_69 : i32
    %dma_wait3A_71 = arith.constant 1 : i32
    %dma_wait3A_72 = arith.constant 0 : i32
    %dma_wait3A_73 = tpu.memref_slice %arg6[%dma_wait3A_71, %dma_wait3A_72] : memref<2x16384xf32, #tpu.memory_space<vmem>> -> memref<1x16384xf32, #tpu.memory_space<vmem>>
    %dma_wait3A_74 = tpu.memref_squeeze %dma_wait3A_73 : memref<1x16384xf32, #tpu.memory_space<vmem>> -> memref<16384xf32, #tpu.memory_space<vmem>>
    %dma_wait3A_75 = arith.constant 0 : i32
    %dma_wait3A_76 = tpu.memref_slice %arg2[%dma_wait3A_75] : memref<8388608xf32, #tpu.memory_space<hbm>> -> memref<16384xf32, #tpu.memory_space<hbm>>
    %dma_wait3A_77 = arith.constant 0 : i32
    %dma_wait3A_78 = tpu.memref_slice %arg6[%dma_wait3A_71, %dma_wait3A_77] : memref<2x16384xf32, #tpu.memory_space<vmem>> -> memref<1x16384xf32, #tpu.memory_space<vmem>>
    %dma_wait3A_79 = tpu.memref_squeeze %dma_wait3A_78 : memref<1x16384xf32, #tpu.memory_space<vmem>> -> memref<16384xf32, #tpu.memory_space<vmem>>
    %dma_wait3A_80 = arith.constant 0 : i32
    %dma_wait3A_81 = tpu.memref_slice %arg2[%dma_wait3A_80] : memref<8388608xf32, #tpu.memory_space<hbm>> -> memref<16384xf32, #tpu.memory_space<hbm>>
    tpu.wait_dma2 semaphore(%arg11 : memref<!tpu.dma_semaphore, #tpu.memory_space<semaphore_mem>>) src(%dma_wait3A_81 : memref<16384xf32, #tpu.memory_space<hbm>>) dst(%dma_wait3A_79 : memref<16384xf32, #tpu.memory_space<vmem>>)
    %dma_wait3A_82 = arith.constant 1 : i32
    %dma_wait3A_83 = arith.constant 0 : i32
    %dma_wait3A_84 = tpu.memref_slice %arg7[%dma_wait3A_82, %dma_wait3A_83] : memref<2x16384xi32, #tpu.memory_space<vmem>> -> memref<1x16384xi32, #tpu.memory_space<vmem>>
    %dma_wait3A_85 = tpu.memref_squeeze %dma_wait3A_84 : memref<1x16384xi32, #tpu.memory_space<vmem>> -> memref<16384xi32, #tpu.memory_space<vmem>>
    %dma_wait3A_86 = arith.constant 0 : i32
    %dma_wait3A_87 = tpu.memref_slice %arg3[%dma_wait3A_86] : memref<8388608xi32, #tpu.memory_space<hbm>> -> memref<16384xi32, #tpu.memory_space<hbm>>
    %dma_wait3A_88 = arith.constant 0 : i32
    %dma_wait3A_89 = tpu.memref_slice %arg7[%dma_wait3A_82, %dma_wait3A_88] : memref<2x16384xi32, #tpu.memory_space<vmem>> -> memref<1x16384xi32, #tpu.memory_space<vmem>>
    %dma_wait3A_90 = tpu.memref_squeeze %dma_wait3A_89 : memref<1x16384xi32, #tpu.memory_space<vmem>> -> memref<16384xi32, #tpu.memory_space<vmem>>
    %dma_wait3A_91 = arith.constant 0 : i32
    %dma_wait3A_92 = tpu.memref_slice %arg3[%dma_wait3A_91] : memref<8388608xi32, #tpu.memory_space<hbm>> -> memref<16384xi32, #tpu.memory_space<hbm>>
    tpu.wait_dma2 semaphore(%arg11 : memref<!tpu.dma_semaphore, #tpu.memory_space<semaphore_mem>>) src(%dma_wait3A_92 : memref<16384xi32, #tpu.memory_space<hbm>>) dst(%dma_wait3A_90 : memref<16384xi32, #tpu.memory_space<vmem>>)
    %dma_wait3A_93 = arith.constant 1 : i32
    %dma_wait3A_94 = arith.constant 0 : i32
    %dma_wait3A_95 = tpu.memref_slice %arg8[%dma_wait3A_93, %dma_wait3A_94] : memref<2x16384xi32, #tpu.memory_space<vmem>> -> memref<1x16384xi32, #tpu.memory_space<vmem>>
    %dma_wait3A_96 = tpu.memref_squeeze %dma_wait3A_95 : memref<1x16384xi32, #tpu.memory_space<vmem>> -> memref<16384xi32, #tpu.memory_space<vmem>>
    %dma_wait3A_97 = arith.constant 0 : i32
    %dma_wait3A_98 = tpu.memref_slice %arg4[%dma_wait3A_97] : memref<8388608xi32, #tpu.memory_space<hbm>> -> memref<16384xi32, #tpu.memory_space<hbm>>
    %dma_wait3A_99 = arith.constant 0 : i32
    %dma_wait3A_100 = tpu.memref_slice %arg8[%dma_wait3A_93, %dma_wait3A_99] : memref<2x16384xi32, #tpu.memory_space<vmem>> -> memref<1x16384xi32, #tpu.memory_space<vmem>>
    %dma_wait3A_101 = tpu.memref_squeeze %dma_wait3A_100 : memref<1x16384xi32, #tpu.memory_space<vmem>> -> memref<16384xi32, #tpu.memory_space<vmem>>
    %dma_wait3A_102 = arith.constant 0 : i32
    %dma_wait3A_103 = tpu.memref_slice %arg4[%dma_wait3A_102] : memref<8388608xi32, #tpu.memory_space<hbm>> -> memref<16384xi32, #tpu.memory_space<hbm>>
    tpu.wait_dma2 semaphore(%arg11 : memref<!tpu.dma_semaphore, #tpu.memory_space<semaphore_mem>>) src(%dma_wait3A_103 : memref<16384xi32, #tpu.memory_space<hbm>>) dst(%dma_wait3A_101 : memref<16384xi32, #tpu.memory_space<vmem>>)
    %parallel_loop3A_104 = arith.constant 0 : i32
    %parallel_loop3A_105 = arith.constant 16384 : i32
    %parallel_loop3A_106 = arith.constant 128 : i32
    %parallel_loop3A_107:4 = scf.for %parallel_loop3A_366 = %parallel_loop3A_104 to %parallel_loop3A_105 step %parallel_loop3A_106 iter_args(%parallel_loop3A_367 = %parallel_loop3A_68#0, %parallel_loop3A_368 = %parallel_loop3A_68#1, %parallel_loop3A_369 = %parallel_loop3A_68#2, %parallel_loop3A_370 = %parallel_loop3A_68#3) -> (vector<16xf32>, vector<16xf32>, vector<16xf32>, vector<16xf32>)  : i32 {
      %parallel_loop3A_371 = arith.addi %add3A_70, %parallel_loop3A_366 : i32
      %parallel_loop3A_372 = arith.constant 0 : i32
      %parallel_loop3A_373 = tpu.memref_slice %arg6[%parallel_loop3A_372, %parallel_loop3A_366] : memref<2x16384xf32, #tpu.memory_space<vmem>> -> memref<1x128xf32, #tpu.memory_space<vmem>>
      %parallel_loop3A_374 = tpu.memref_squeeze %parallel_loop3A_373 : memref<1x128xf32, #tpu.memory_space<vmem>> -> memref<128xf32, #tpu.memory_space<vmem>>
      %parallel_loop3A_375 = tpu.memref_slice %arg2[%parallel_loop3A_371] : memref<8388608xf32, #tpu.memory_space<hbm>> -> memref<128xf32, #tpu.memory_space<hbm>>
      %parallel_loop3A_376 = tpu.memref_slice %arg6[%parallel_loop3A_372, %parallel_loop3A_366] : memref<2x16384xf32, #tpu.memory_space<vmem>> -> memref<1x128xf32, #tpu.memory_space<vmem>>
      %parallel_loop3A_377 = tpu.memref_squeeze %parallel_loop3A_376 : memref<1x128xf32, #tpu.memory_space<vmem>> -> memref<128xf32, #tpu.memory_space<vmem>>
      %parallel_loop3A_378 = tpu.memref_slice %arg2[%parallel_loop3A_371] : memref<8388608xf32, #tpu.memory_space<hbm>> -> memref<128xf32, #tpu.memory_space<hbm>>
      tpu.enqueue_dma source(%parallel_loop3A_378 : memref<128xf32, #tpu.memory_space<hbm>>) target(%parallel_loop3A_377 : memref<128xf32, #tpu.memory_space<vmem>>) target_semaphore(%arg10 : memref<!tpu.dma_semaphore, #tpu.memory_space<semaphore_mem>>)
      %parallel_loop3A_379 = arith.addi %add3A_70, %parallel_loop3A_366 : i32
      %parallel_loop3A_380 = arith.constant 0 : i32
      %parallel_loop3A_381 = tpu.memref_slice %arg7[%parallel_loop3A_380, %parallel_loop3A_366] : memref<2x16384xi32, #tpu.memory_space<vmem>> -> memref<1x128xi32, #tpu.memory_space<vmem>>
      %parallel_loop3A_382 = tpu.memref_squeeze %parallel_loop3A_381 : memref<1x128xi32, #tpu.memory_space<vmem>> -> memref<128xi32, #tpu.memory_space<vmem>>
      %parallel_loop3A_383 = tpu.memref_slice %arg3[%parallel_loop3A_379] : memref<8388608xi32, #tpu.memory_space<hbm>> -> memref<128xi32, #tpu.memory_space<hbm>>
      %parallel_loop3A_384 = tpu.memref_slice %arg7[%parallel_loop3A_380, %parallel_loop3A_366] : memref<2x16384xi32, #tpu.memory_space<vmem>> -> memref<1x128xi32, #tpu.memory_space<vmem>>
      %parallel_loop3A_385 = tpu.memref_squeeze %parallel_loop3A_384 : memref<1x128xi32, #tpu.memory_space<vmem>> -> memref<128xi32, #tpu.memory_space<vmem>>
      %parallel_loop3A_386 = tpu.memref_slice %arg3[%parallel_loop3A_379] : memref<8388608xi32, #tpu.memory_space<hbm>> -> memref<128xi32, #tpu.memory_space<hbm>>
      tpu.enqueue_dma source(%parallel_loop3A_386 : memref<128xi32, #tpu.memory_space<hbm>>) target(%parallel_loop3A_385 : memref<128xi32, #tpu.memory_space<vmem>>) target_semaphore(%arg10 : memref<!tpu.dma_semaphore, #tpu.memory_space<semaphore_mem>>)
      %parallel_loop3A_387 = arith.addi %add3A_70, %parallel_loop3A_366 : i32
      %parallel_loop3A_388 = arith.constant 0 : i32
      %parallel_loop3A_389 = tpu.memref_slice %arg8[%parallel_loop3A_388, %parallel_loop3A_366] : memref<2x16384xi32, #tpu.memory_space<vmem>> -> memref<1x128xi32, #tpu.memory_space<vmem>>
      %parallel_loop3A_390 = tpu.memref_squeeze %parallel_loop3A_389 : memref<1x128xi32, #tpu.memory_space<vmem>> -> memref<128xi32, #tpu.memory_space<vmem>>
      %parallel_loop3A_391 = tpu.memref_slice %arg4[%parallel_loop3A_387] : memref<8388608xi32, #tpu.memory_space<hbm>> -> memref<128xi32, #tpu.memory_space<hbm>>
      %parallel_loop3A_392 = tpu.memref_slice %arg8[%parallel_loop3A_388, %parallel_loop3A_366] : memref<2x16384xi32, #tpu.memory_space<vmem>> -> memref<1x128xi32, #tpu.memory_space<vmem>>
      %parallel_loop3A_393 = tpu.memref_squeeze %parallel_loop3A_392 : memref<1x128xi32, #tpu.memory_space<vmem>> -> memref<128xi32, #tpu.memory_space<vmem>>
      %parallel_loop3A_394 = tpu.memref_slice %arg4[%parallel_loop3A_387] : memref<8388608xi32, #tpu.memory_space<hbm>> -> memref<128xi32, #tpu.memory_space<hbm>>
      tpu.enqueue_dma source(%parallel_loop3A_394 : memref<128xi32, #tpu.memory_space<hbm>>) target(%parallel_loop3A_393 : memref<128xi32, #tpu.memory_space<vmem>>) target_semaphore(%arg10 : memref<!tpu.dma_semaphore, #tpu.memory_space<semaphore_mem>>)
      %parallel_loop3A_395 = arith.constant 0 : i32
      %parallel_loop3A_396 = arith.addi %parallel_loop3A_366, %parallel_loop3A_395 : i32
      %parallel_loop3A_397 = arith.constant 1 : i32
      %parallel_loop3A_398 = arith.index_cast %parallel_loop3A_397 : i32 to index
      %parallel_loop3A_399 = arith.index_cast %parallel_loop3A_396 : i32 to index
      %parallel_loop3A_400 = tpu.vector_load %arg6[%parallel_loop3A_398, %parallel_loop3A_399] {strides = array<i32>} : memref<2x16384xf32, #tpu.memory_space<vmem>>, vector<1x16xf32>,
      %parallel_loop3A_401 = vector.shape_cast %parallel_loop3A_400 : vector<1x16xf32> to vector<16xf32>
      %parallel_loop3A_402 = arith.constant 0 : i32
      %parallel_loop3A_403 = arith.addi %parallel_loop3A_366, %parallel_loop3A_402 : i32
      %parallel_loop3A_404 = arith.constant 1 : i32
      %parallel_loop3A_405 = arith.index_cast %parallel_loop3A_404 : i32 to index
      %parallel_loop3A_406 = arith.index_cast %parallel_loop3A_403 : i32 to index
      %parallel_loop3A_407 = tpu.vector_load %arg7[%parallel_loop3A_405, %parallel_loop3A_406] {strides = array<i32>} : memref<2x16384xi32, #tpu.memory_space<vmem>>, vector<1x16xi32>,
      %parallel_loop3A_408 = vector.shape_cast %parallel_loop3A_407 : vector<1x16xi32> to vector<16xi32>
      %parallel_loop3A_409 = arith.constant 0 : i32
      %parallel_loop3A_410 = arith.addi %parallel_loop3A_366, %parallel_loop3A_409 : i32
      %parallel_loop3A_411 = arith.constant 1 : i32
      %parallel_loop3A_412 = arith.index_cast %parallel_loop3A_411 : i32 to index
      %parallel_loop3A_413 = arith.index_cast %parallel_loop3A_410 : i32 to index
      %parallel_loop3A_414 = tpu.vector_load %arg8[%parallel_loop3A_412, %parallel_loop3A_413] {strides = array<i32>} : memref<2x16384xi32, #tpu.memory_space<vmem>>, vector<1x16xi32>,
      %parallel_loop3A_415 = vector.shape_cast %parallel_loop3A_414 : vector<1x16xi32> to vector<16xi32>
      %parallel_loop3A_416 = arith.andi %parallel_loop3A_415, %parallel_loop3A_408 : vector<16xi32>
      %parallel_loop3A_417 = arith.sitofp %parallel_loop3A_415 : vector<16xi32> to vector<16xf32>
      %parallel_loop3A_418 = arith.sitofp %parallel_loop3A_416 : vector<16xi32> to vector<16xf32>
      %parallel_loop3A_419 = arith.mulf %parallel_loop3A_401, %parallel_loop3A_417 : vector<16xf32>
      %parallel_loop3A_420 = arith.mulf %parallel_loop3A_401, %parallel_loop3A_418 : vector<16xf32>
      %parallel_loop3A_421 = arith.constant 16 : i32
      %parallel_loop3A_422 = arith.addi %parallel_loop3A_366, %parallel_loop3A_421 : i32
      %parallel_loop3A_423 = arith.constant 1 : i32
      %parallel_loop3A_424 = arith.index_cast %parallel_loop3A_423 : i32 to index
      %parallel_loop3A_425 = arith.index_cast %parallel_loop3A_422 : i32 to index
      %parallel_loop3A_426 = tpu.vector_load %arg6[%parallel_loop3A_424, %parallel_loop3A_425] {strides = array<i32>} : memref<2x16384xf32, #tpu.memory_space<vmem>>, vector<1x16xf32>,
      %parallel_loop3A_427 = vector.shape_cast %parallel_loop3A_426 : vector<1x16xf32> to vector<16xf32>
      %parallel_loop3A_428 = arith.constant 16 : i32
      %parallel_loop3A_429 = arith.addi %parallel_loop3A_366, %parallel_loop3A_428 : i32
      %parallel_loop3A_430 = arith.constant 1 : i32
      %parallel_loop3A_431 = arith.index_cast %parallel_loop3A_430 : i32 to index
      %parallel_loop3A_432 = arith.index_cast %parallel_loop3A_429 : i32 to index
      %parallel_loop3A_433 = tpu.vector_load %arg7[%parallel_loop3A_431, %parallel_loop3A_432] {strides = array<i32>} : memref<2x16384xi32, #tpu.memory_space<vmem>>, vector<1x16xi32>,
      %parallel_loop3A_434 = vector.shape_cast %parallel_loop3A_433 : vector<1x16xi32> to vector<16xi32>
      %parallel_loop3A_435 = arith.constant 16 : i32
      %parallel_loop3A_436 = arith.addi %parallel_loop3A_366, %parallel_loop3A_435 : i32
      %parallel_loop3A_437 = arith.constant 1 : i32
      %parallel_loop3A_438 = arith.index_cast %parallel_loop3A_437 : i32 to index
      %parallel_loop3A_439 = arith.index_cast %parallel_loop3A_436 : i32 to index
      %parallel_loop3A_440 = tpu.vector_load %arg8[%parallel_loop3A_438, %parallel_loop3A_439] {strides = array<i32>} : memref<2x16384xi32, #tpu.memory_space<vmem>>, vector<1x16xi32>,
      %parallel_loop3A_441 = vector.shape_cast %parallel_loop3A_440 : vector<1x16xi32> to vector<16xi32>
      %parallel_loop3A_442 = arith.andi %parallel_loop3A_441, %parallel_loop3A_434 : vector<16xi32>
      %parallel_loop3A_443 = arith.sitofp %parallel_loop3A_441 : vector<16xi32> to vector<16xf32>
      %parallel_loop3A_444 = arith.sitofp %parallel_loop3A_442 : vector<16xi32> to vector<16xf32>
      %parallel_loop3A_445 = arith.mulf %parallel_loop3A_427, %parallel_loop3A_443 : vector<16xf32>
      %parallel_loop3A_446 = arith.mulf %parallel_loop3A_427, %parallel_loop3A_444 : vector<16xf32>
      %parallel_loop3A_447 = arith.constant 32 : i32
      %parallel_loop3A_448 = arith.addi %parallel_loop3A_366, %parallel_loop3A_447 : i32
      %parallel_loop3A_449 = arith.constant 1 : i32
      %parallel_loop3A_450 = arith.index_cast %parallel_loop3A_449 : i32 to index
      %parallel_loop3A_451 = arith.index_cast %parallel_loop3A_448 : i32 to index
      %parallel_loop3A_452 = tpu.vector_load %arg6[%parallel_loop3A_450, %parallel_loop3A_451] {strides = array<i32>} : memref<2x16384xf32, #tpu.memory_space<vmem>>, vector<1x16xf32>,
      %parallel_loop3A_453 = vector.shape_cast %parallel_loop3A_452 : vector<1x16xf32> to vector<16xf32>
      %parallel_loop3A_454 = arith.constant 32 : i32
      %parallel_loop3A_455 = arith.addi %parallel_loop3A_366, %parallel_loop3A_454 : i32
      %parallel_loop3A_456 = arith.constant 1 : i32
      %parallel_loop3A_457 = arith.index_cast %parallel_loop3A_456 : i32 to index
      %parallel_loop3A_458 = arith.index_cast %parallel_loop3A_455 : i32 to index
      %parallel_loop3A_459 = tpu.vector_load %arg7[%parallel_loop3A_457, %parallel_loop3A_458] {strides = array<i32>} : memref<2x16384xi32, #tpu.memory_space<vmem>>, vector<1x16xi32>,
      %parallel_loop3A_460 = vector.shape_cast %parallel_loop3A_459 : vector<1x16xi32> to vector<16xi32>
      %parallel_loop3A_461 = arith.constant 32 : i32
      %parallel_loop3A_462 = arith.addi %parallel_loop3A_366, %parallel_loop3A_461 : i32
      %parallel_loop3A_463 = arith.constant 1 : i32
      %parallel_loop3A_464 = arith.index_cast %parallel_loop3A_463 : i32 to index
      %parallel_loop3A_465 = arith.index_cast %parallel_loop3A_462 : i32 to index
      %parallel_loop3A_466 = tpu.vector_load %arg8[%parallel_loop3A_464, %parallel_loop3A_465] {strides = array<i32>} : memref<2x16384xi32, #tpu.memory_space<vmem>>, vector<1x16xi32>,
      %parallel_loop3A_467 = vector.shape_cast %parallel_loop3A_466 : vector<1x16xi32> to vector<16xi32>
      %parallel_loop3A_468 = arith.andi %parallel_loop3A_467, %parallel_loop3A_460 : vector<16xi32>
      %parallel_loop3A_469 = arith.sitofp %parallel_loop3A_467 : vector<16xi32> to vector<16xf32>
      %parallel_loop3A_470 = arith.sitofp %parallel_loop3A_468 : vector<16xi32> to vector<16xf32>
      %parallel_loop3A_471 = arith.mulf %parallel_loop3A_453, %parallel_loop3A_469 : vector<16xf32>
      %parallel_loop3A_472 = arith.mulf %parallel_loop3A_453, %parallel_loop3A_470 : vector<16xf32>
      %parallel_loop3A_473 = arith.constant 48 : i32
      %parallel_loop3A_474 = arith.addi %parallel_loop3A_366, %parallel_loop3A_473 : i32
      %parallel_loop3A_475 = arith.constant 1 : i32
      %parallel_loop3A_476 = arith.index_cast %parallel_loop3A_475 : i32 to index
      %parallel_loop3A_477 = arith.index_cast %parallel_loop3A_474 : i32 to index
      %parallel_loop3A_478 = tpu.vector_load %arg6[%parallel_loop3A_476, %parallel_loop3A_477] {strides = array<i32>} : memref<2x16384xf32, #tpu.memory_space<vmem>>, vector<1x16xf32>,
      %parallel_loop3A_479 = vector.shape_cast %parallel_loop3A_478 : vector<1x16xf32> to vector<16xf32>
      %parallel_loop3A_480 = arith.constant 48 : i32
      %parallel_loop3A_481 = arith.addi %parallel_loop3A_366, %parallel_loop3A_480 : i32
      %parallel_loop3A_482 = arith.constant 1 : i32
      %parallel_loop3A_483 = arith.index_cast %parallel_loop3A_482 : i32 to index
      %parallel_loop3A_484 = arith.index_cast %parallel_loop3A_481 : i32 to index
      %parallel_loop3A_485 = tpu.vector_load %arg7[%parallel_loop3A_483, %parallel_loop3A_484] {strides = array<i32>} : memref<2x16384xi32, #tpu.memory_space<vmem>>, vector<1x16xi32>,
      %parallel_loop3A_486 = vector.shape_cast %parallel_loop3A_485 : vector<1x16xi32> to vector<16xi32>
      %parallel_loop3A_487 = arith.constant 48 : i32
      %parallel_loop3A_488 = arith.addi %parallel_loop3A_366, %parallel_loop3A_487 : i32
      %parallel_loop3A_489 = arith.constant 1 : i32
      %parallel_loop3A_490 = arith.index_cast %parallel_loop3A_489 : i32 to index
      %parallel_loop3A_491 = arith.index_cast %parallel_loop3A_488 : i32 to index
      %parallel_loop3A_492 = tpu.vector_load %arg8[%parallel_loop3A_490, %parallel_loop3A_491] {strides = array<i32>} : memref<2x16384xi32, #tpu.memory_space<vmem>>, vector<1x16xi32>,
      %parallel_loop3A_493 = vector.shape_cast %parallel_loop3A_492 : vector<1x16xi32> to vector<16xi32>
      %parallel_loop3A_494 = arith.andi %parallel_loop3A_493, %parallel_loop3A_486 : vector<16xi32>
      %parallel_loop3A_495 = arith.sitofp %parallel_loop3A_493 : vector<16xi32> to vector<16xf32>
      %parallel_loop3A_496 = arith.sitofp %parallel_loop3A_494 : vector<16xi32> to vector<16xf32>
      %parallel_loop3A_497 = arith.mulf %parallel_loop3A_479, %parallel_loop3A_495 : vector<16xf32>
      %parallel_loop3A_498 = arith.mulf %parallel_loop3A_479, %parallel_loop3A_496 : vector<16xf32>
      %parallel_loop3A_499 = arith.constant 64 : i32
      %parallel_loop3A_500 = arith.addi %parallel_loop3A_366, %parallel_loop3A_499 : i32
      %parallel_loop3A_501 = arith.constant 1 : i32
      %parallel_loop3A_502 = arith.index_cast %parallel_loop3A_501 : i32 to index
      %parallel_loop3A_503 = arith.index_cast %parallel_loop3A_500 : i32 to index
      %parallel_loop3A_504 = tpu.vector_load %arg6[%parallel_loop3A_502, %parallel_loop3A_503] {strides = array<i32>} : memref<2x16384xf32, #tpu.memory_space<vmem>>, vector<1x16xf32>,
      %parallel_loop3A_505 = vector.shape_cast %parallel_loop3A_504 : vector<1x16xf32> to vector<16xf32>
      %parallel_loop3A_506 = arith.constant 64 : i32
      %parallel_loop3A_507 = arith.addi %parallel_loop3A_366, %parallel_loop3A_506 : i32
      %parallel_loop3A_508 = arith.constant 1 : i32
      %parallel_loop3A_509 = arith.index_cast %parallel_loop3A_508 : i32 to index
      %parallel_loop3A_510 = arith.index_cast %parallel_loop3A_507 : i32 to index
      %parallel_loop3A_511 = tpu.vector_load %arg7[%parallel_loop3A_509, %parallel_loop3A_510] {strides = array<i32>} : memref<2x16384xi32, #tpu.memory_space<vmem>>, vector<1x16xi32>,
      %parallel_loop3A_512 = vector.shape_cast %parallel_loop3A_511 : vector<1x16xi32> to vector<16xi32>
      %parallel_loop3A_513 = arith.constant 64 : i32
      %parallel_loop3A_514 = arith.addi %parallel_loop3A_366, %parallel_loop3A_513 : i32
      %parallel_loop3A_515 = arith.constant 1 : i32
      %parallel_loop3A_516 = arith.index_cast %parallel_loop3A_515 : i32 to index
      %parallel_loop3A_517 = arith.index_cast %parallel_loop3A_514 : i32 to index
      %parallel_loop3A_518 = tpu.vector_load %arg8[%parallel_loop3A_516, %parallel_loop3A_517] {strides = array<i32>} : memref<2x16384xi32, #tpu.memory_space<vmem>>, vector<1x16xi32>,
      %parallel_loop3A_519 = vector.shape_cast %parallel_loop3A_518 : vector<1x16xi32> to vector<16xi32>
      %parallel_loop3A_520 = arith.andi %parallel_loop3A_519, %parallel_loop3A_512 : vector<16xi32>
      %parallel_loop3A_521 = arith.sitofp %parallel_loop3A_519 : vector<16xi32> to vector<16xf32>
      %parallel_loop3A_522 = arith.sitofp %parallel_loop3A_520 : vector<16xi32> to vector<16xf32>
      %parallel_loop3A_523 = arith.mulf %parallel_loop3A_505, %parallel_loop3A_521 : vector<16xf32>
      %parallel_loop3A_524 = arith.mulf %parallel_loop3A_505, %parallel_loop3A_522 : vector<16xf32>
      %parallel_loop3A_525 = arith.constant 80 : i32
      %parallel_loop3A_526 = arith.addi %parallel_loop3A_366, %parallel_loop3A_525 : i32
      %parallel_loop3A_527 = arith.constant 1 : i32
      %parallel_loop3A_528 = arith.index_cast %parallel_loop3A_527 : i32 to index
      %parallel_loop3A_529 = arith.index_cast %parallel_loop3A_526 : i32 to index
      %parallel_loop3A_530 = tpu.vector_load %arg6[%parallel_loop3A_528, %parallel_loop3A_529] {strides = array<i32>} : memref<2x16384xf32, #tpu.memory_space<vmem>>, vector<1x16xf32>,
      %parallel_loop3A_531 = vector.shape_cast %parallel_loop3A_530 : vector<1x16xf32> to vector<16xf32>
      %parallel_loop3A_532 = arith.constant 80 : i32
      %parallel_loop3A_533 = arith.addi %parallel_loop3A_366, %parallel_loop3A_532 : i32
      %parallel_loop3A_534 = arith.constant 1 : i32
      %parallel_loop3A_535 = arith.index_cast %parallel_loop3A_534 : i32 to index
      %parallel_loop3A_536 = arith.index_cast %parallel_loop3A_533 : i32 to index
      %parallel_loop3A_537 = tpu.vector_load %arg7[%parallel_loop3A_535, %parallel_loop3A_536] {strides = array<i32>} : memref<2x16384xi32, #tpu.memory_space<vmem>>, vector<1x16xi32>,
      %parallel_loop3A_538 = vector.shape_cast %parallel_loop3A_537 : vector<1x16xi32> to vector<16xi32>
      %parallel_loop3A_539 = arith.constant 80 : i32
      %parallel_loop3A_540 = arith.addi %parallel_loop3A_366, %parallel_loop3A_539 : i32
      %parallel_loop3A_541 = arith.constant 1 : i32
      %parallel_loop3A_542 = arith.index_cast %parallel_loop3A_541 : i32 to index
      %parallel_loop3A_543 = arith.index_cast %parallel_loop3A_540 : i32 to index
      %parallel_loop3A_544 = tpu.vector_load %arg8[%parallel_loop3A_542, %parallel_loop3A_543] {strides = array<i32>} : memref<2x16384xi32, #tpu.memory_space<vmem>>, vector<1x16xi32>,
      %parallel_loop3A_545 = vector.shape_cast %parallel_loop3A_544 : vector<1x16xi32> to vector<16xi32>
      %parallel_loop3A_546 = arith.andi %parallel_loop3A_545, %parallel_loop3A_538 : vector<16xi32>
      %parallel_loop3A_547 = arith.sitofp %parallel_loop3A_545 : vector<16xi32> to vector<16xf32>
      %parallel_loop3A_548 = arith.sitofp %parallel_loop3A_546 : vector<16xi32> to vector<16xf32>
      %parallel_loop3A_549 = arith.mulf %parallel_loop3A_531, %parallel_loop3A_547 : vector<16xf32>
      %parallel_loop3A_550 = arith.mulf %parallel_loop3A_531, %parallel_loop3A_548 : vector<16xf32>
      %parallel_loop3A_551 = arith.constant 96 : i32
      %parallel_loop3A_552 = arith.addi %parallel_loop3A_366, %parallel_loop3A_551 : i32
      %parallel_loop3A_553 = arith.constant 1 : i32
      %parallel_loop3A_554 = arith.index_cast %parallel_loop3A_553 : i32 to index
      %parallel_loop3A_555 = arith.index_cast %parallel_loop3A_552 : i32 to index
      %parallel_loop3A_556 = tpu.vector_load %arg6[%parallel_loop3A_554, %parallel_loop3A_555] {strides = array<i32>} : memref<2x16384xf32, #tpu.memory_space<vmem>>, vector<1x16xf32>,
      %parallel_loop3A_557 = vector.shape_cast %parallel_loop3A_556 : vector<1x16xf32> to vector<16xf32>
      %parallel_loop3A_558 = arith.constant 96 : i32
      %parallel_loop3A_559 = arith.addi %parallel_loop3A_366, %parallel_loop3A_558 : i32
      %parallel_loop3A_560 = arith.constant 1 : i32
      %parallel_loop3A_561 = arith.index_cast %parallel_loop3A_560 : i32 to index
      %parallel_loop3A_562 = arith.index_cast %parallel_loop3A_559 : i32 to index
      %parallel_loop3A_563 = tpu.vector_load %arg7[%parallel_loop3A_561, %parallel_loop3A_562] {strides = array<i32>} : memref<2x16384xi32, #tpu.memory_space<vmem>>, vector<1x16xi32>,
      %parallel_loop3A_564 = vector.shape_cast %parallel_loop3A_563 : vector<1x16xi32> to vector<16xi32>
      %parallel_loop3A_565 = arith.constant 96 : i32
      %parallel_loop3A_566 = arith.addi %parallel_loop3A_366, %parallel_loop3A_565 : i32
      %parallel_loop3A_567 = arith.constant 1 : i32
      %parallel_loop3A_568 = arith.index_cast %parallel_loop3A_567 : i32 to index
      %parallel_loop3A_569 = arith.index_cast %parallel_loop3A_566 : i32 to index
      %parallel_loop3A_570 = tpu.vector_load %arg8[%parallel_loop3A_568, %parallel_loop3A_569] {strides = array<i32>} : memref<2x16384xi32, #tpu.memory_space<vmem>>, vector<1x16xi32>,
      %parallel_loop3A_571 = vector.shape_cast %parallel_loop3A_570 : vector<1x16xi32> to vector<16xi32>
      %parallel_loop3A_572 = arith.andi %parallel_loop3A_571, %parallel_loop3A_564 : vector<16xi32>
      %parallel_loop3A_573 = arith.sitofp %parallel_loop3A_571 : vector<16xi32> to vector<16xf32>
      %parallel_loop3A_574 = arith.sitofp %parallel_loop3A_572 : vector<16xi32> to vector<16xf32>
      %parallel_loop3A_575 = arith.mulf %parallel_loop3A_557, %parallel_loop3A_573 : vector<16xf32>
      %parallel_loop3A_576 = arith.mulf %parallel_loop3A_557, %parallel_loop3A_574 : vector<16xf32>
      %parallel_loop3A_577 = arith.constant 112 : i32
      %parallel_loop3A_578 = arith.addi %parallel_loop3A_366, %parallel_loop3A_577 : i32
      %parallel_loop3A_579 = arith.constant 1 : i32
      %parallel_loop3A_580 = arith.index_cast %parallel_loop3A_579 : i32 to index
      %parallel_loop3A_581 = arith.index_cast %parallel_loop3A_578 : i32 to index
      %parallel_loop3A_582 = tpu.vector_load %arg6[%parallel_loop3A_580, %parallel_loop3A_581] {strides = array<i32>} : memref<2x16384xf32, #tpu.memory_space<vmem>>, vector<1x16xf32>,
      %parallel_loop3A_583 = vector.shape_cast %parallel_loop3A_582 : vector<1x16xf32> to vector<16xf32>
      %parallel_loop3A_584 = arith.constant 112 : i32
      %parallel_loop3A_585 = arith.addi %parallel_loop3A_366, %parallel_loop3A_584 : i32
      %parallel_loop3A_586 = arith.constant 1 : i32
      %parallel_loop3A_587 = arith.index_cast %parallel_loop3A_586 : i32 to index
      %parallel_loop3A_588 = arith.index_cast %parallel_loop3A_585 : i32 to index
      %parallel_loop3A_589 = tpu.vector_load %arg7[%parallel_loop3A_587, %parallel_loop3A_588] {strides = array<i32>} : memref<2x16384xi32, #tpu.memory_space<vmem>>, vector<1x16xi32>,
      %parallel_loop3A_590 = vector.shape_cast %parallel_loop3A_589 : vector<1x16xi32> to vector<16xi32>
      %parallel_loop3A_591 = arith.constant 112 : i32
      %parallel_loop3A_592 = arith.addi %parallel_loop3A_366, %parallel_loop3A_591 : i32
      %parallel_loop3A_593 = arith.constant 1 : i32
      %parallel_loop3A_594 = arith.index_cast %parallel_loop3A_593 : i32 to index
      %parallel_loop3A_595 = arith.index_cast %parallel_loop3A_592 : i32 to index
      %parallel_loop3A_596 = tpu.vector_load %arg8[%parallel_loop3A_594, %parallel_loop3A_595] {strides = array<i32>} : memref<2x16384xi32, #tpu.memory_space<vmem>>, vector<1x16xi32>,
      %parallel_loop3A_597 = vector.shape_cast %parallel_loop3A_596 : vector<1x16xi32> to vector<16xi32>
      %parallel_loop3A_598 = arith.andi %parallel_loop3A_597, %parallel_loop3A_590 : vector<16xi32>
      %parallel_loop3A_599 = arith.sitofp %parallel_loop3A_597 : vector<16xi32> to vector<16xf32>
      %parallel_loop3A_600 = arith.sitofp %parallel_loop3A_598 : vector<16xi32> to vector<16xf32>
      %parallel_loop3A_601 = arith.mulf %parallel_loop3A_583, %parallel_loop3A_599 : vector<16xf32>
      %parallel_loop3A_602 = arith.mulf %parallel_loop3A_583, %parallel_loop3A_600 : vector<16xf32>
      %parallel_loop3A_603 = arith.addf %parallel_loop3A_419, %parallel_loop3A_445 : vector<16xf32>
      %parallel_loop3A_604 = arith.addf %parallel_loop3A_471, %parallel_loop3A_497 : vector<16xf32>
      %parallel_loop3A_605 = arith.addf %parallel_loop3A_523, %parallel_loop3A_549 : vector<16xf32>
      %parallel_loop3A_606 = arith.addf %parallel_loop3A_575, %parallel_loop3A_601 : vector<16xf32>
      %parallel_loop3A_607 = arith.addf %parallel_loop3A_603, %parallel_loop3A_604 : vector<16xf32>
      %parallel_loop3A_608 = arith.addf %parallel_loop3A_605, %parallel_loop3A_606 : vector<16xf32>
      %parallel_loop3A_609 = arith.addf %parallel_loop3A_607, %parallel_loop3A_608 : vector<16xf32>
      %parallel_loop3A_610 = arith.addf %parallel_loop3A_367, %parallel_loop3A_609 : vector<16xf32>
      %parallel_loop3A_611 = arith.addf %parallel_loop3A_417, %parallel_loop3A_443 : vector<16xf32>
      %parallel_loop3A_612 = arith.addf %parallel_loop3A_469, %parallel_loop3A_495 : vector<16xf32>
      %parallel_loop3A_613 = arith.addf %parallel_loop3A_521, %parallel_loop3A_547 : vector<16xf32>
      %parallel_loop3A_614 = arith.addf %parallel_loop3A_573, %parallel_loop3A_599 : vector<16xf32>
      %parallel_loop3A_615 = arith.addf %parallel_loop3A_611, %parallel_loop3A_612 : vector<16xf32>
      %parallel_loop3A_616 = arith.addf %parallel_loop3A_613, %parallel_loop3A_614 : vector<16xf32>
      %parallel_loop3A_617 = arith.addf %parallel_loop3A_615, %parallel_loop3A_616 : vector<16xf32>
      %parallel_loop3A_618 = arith.addf %parallel_loop3A_368, %parallel_loop3A_617 : vector<16xf32>
      %parallel_loop3A_619 = arith.addf %parallel_loop3A_420, %parallel_loop3A_446 : vector<16xf32>
      %parallel_loop3A_620 = arith.addf %parallel_loop3A_472, %parallel_loop3A_498 : vector<16xf32>
      %parallel_loop3A_621 = arith.addf %parallel_loop3A_524, %parallel_loop3A_550 : vector<16xf32>
      %parallel_loop3A_622 = arith.addf %parallel_loop3A_576, %parallel_loop3A_602 : vector<16xf32>
      %parallel_loop3A_623 = arith.addf %parallel_loop3A_619, %parallel_loop3A_620 : vector<16xf32>
      %parallel_loop3A_624 = arith.addf %parallel_loop3A_621, %parallel_loop3A_622 : vector<16xf32>
      %parallel_loop3A_625 = arith.addf %parallel_loop3A_623, %parallel_loop3A_624 : vector<16xf32>
      %parallel_loop3A_626 = arith.addf %parallel_loop3A_369, %parallel_loop3A_625 : vector<16xf32>
      %parallel_loop3A_627 = arith.addf %parallel_loop3A_418, %parallel_loop3A_444 : vector<16xf32>
      %parallel_loop3A_628 = arith.addf %parallel_loop3A_470, %parallel_loop3A_496 : vector<16xf32>
      %parallel_loop3A_629 = arith.addf %parallel_loop3A_522, %parallel_loop3A_548 : vector<16xf32>
      %parallel_loop3A_630 = arith.addf %parallel_loop3A_574, %parallel_loop3A_600 : vector<16xf32>
      %parallel_loop3A_631 = arith.addf %parallel_loop3A_627, %parallel_loop3A_628 : vector<16xf32>
      %parallel_loop3A_632 = arith.addf %parallel_loop3A_629, %parallel_loop3A_630 : vector<16xf32>
      %parallel_loop3A_633 = arith.addf %parallel_loop3A_631, %parallel_loop3A_632 : vector<16xf32>
      %parallel_loop3A_634 = arith.addf %parallel_loop3A_370, %parallel_loop3A_633 : vector<16xf32>
      scf.yield %parallel_loop3A_610, %parallel_loop3A_618, %parallel_loop3A_626, %parallel_loop3A_634 : vector<16xf32>, vector<16xf32>, vector<16xf32>, vector<16xf32>
    } {sc.loop_unroll_factor = 2 : i64, sc.parallel_access}
    %add3A_108 = arith.constant 49152 : i32
    %add3A_109 = arith.addi %add3A_4, %add3A_108 : i32
    %dma_wait3A_110 = arith.constant 0 : i32
    %dma_wait3A_111 = arith.constant 0 : i32
    %dma_wait3A_112 = tpu.memref_slice %arg6[%dma_wait3A_110, %dma_wait3A_111] : memref<2x16384xf32, #tpu.memory_space<vmem>> -> memref<1x16384xf32, #tpu.memory_space<vmem>>
    %dma_wait3A_113 = tpu.memref_squeeze %dma_wait3A_112 : memref<1x16384xf32, #tpu.memory_space<vmem>> -> memref<16384xf32, #tpu.memory_space<vmem>>
    %dma_wait3A_114 = arith.constant 0 : i32
    %dma_wait3A_115 = tpu.memref_slice %arg2[%dma_wait3A_114] : memref<8388608xf32, #tpu.memory_space<hbm>> -> memref<16384xf32, #tpu.memory_space<hbm>>
    %dma_wait3A_116 = arith.constant 0 : i32
    %dma_wait3A_117 = tpu.memref_slice %arg6[%dma_wait3A_110, %dma_wait3A_116] : memref<2x16384xf32, #tpu.memory_space<vmem>> -> memref<1x16384xf32, #tpu.memory_space<vmem>>
    %dma_wait3A_118 = tpu.memref_squeeze %dma_wait3A_117 : memref<1x16384xf32, #tpu.memory_space<vmem>> -> memref<16384xf32, #tpu.memory_space<vmem>>
    %dma_wait3A_119 = arith.constant 0 : i32
    %dma_wait3A_120 = tpu.memref_slice %arg2[%dma_wait3A_119] : memref<8388608xf32, #tpu.memory_space<hbm>> -> memref<16384xf32, #tpu.memory_space<hbm>>
    tpu.wait_dma2 semaphore(%arg10 : memref<!tpu.dma_semaphore, #tpu.memory_space<semaphore_mem>>) src(%dma_wait3A_120 : memref<16384xf32, #tpu.memory_space<hbm>>) dst(%dma_wait3A_118 : memref<16384xf32, #tpu.memory_space<vmem>>)
    %dma_wait3A_121 = arith.constant 0 : i32
    %dma_wait3A_122 = arith.constant 0 : i32
    %dma_wait3A_123 = tpu.memref_slice %arg7[%dma_wait3A_121, %dma_wait3A_122] : memref<2x16384xi32, #tpu.memory_space<vmem>> -> memref<1x16384xi32, #tpu.memory_space<vmem>>
    %dma_wait3A_124 = tpu.memref_squeeze %dma_wait3A_123 : memref<1x16384xi32, #tpu.memory_space<vmem>> -> memref<16384xi32, #tpu.memory_space<vmem>>
    %dma_wait3A_125 = arith.constant 0 : i32
    %dma_wait3A_126 = tpu.memref_slice %arg3[%dma_wait3A_125] : memref<8388608xi32, #tpu.memory_space<hbm>> -> memref<16384xi32, #tpu.memory_space<hbm>>
    %dma_wait3A_127 = arith.constant 0 : i32
    %dma_wait3A_128 = tpu.memref_slice %arg7[%dma_wait3A_121, %dma_wait3A_127] : memref<2x16384xi32, #tpu.memory_space<vmem>> -> memref<1x16384xi32, #tpu.memory_space<vmem>>
    %dma_wait3A_129 = tpu.memref_squeeze %dma_wait3A_128 : memref<1x16384xi32, #tpu.memory_space<vmem>> -> memref<16384xi32, #tpu.memory_space<vmem>>
    %dma_wait3A_130 = arith.constant 0 : i32
    %dma_wait3A_131 = tpu.memref_slice %arg3[%dma_wait3A_130] : memref<8388608xi32, #tpu.memory_space<hbm>> -> memref<16384xi32, #tpu.memory_space<hbm>>
    tpu.wait_dma2 semaphore(%arg10 : memref<!tpu.dma_semaphore, #tpu.memory_space<semaphore_mem>>) src(%dma_wait3A_131 : memref<16384xi32, #tpu.memory_space<hbm>>) dst(%dma_wait3A_129 : memref<16384xi32, #tpu.memory_space<vmem>>)
    %dma_wait3A_132 = arith.constant 0 : i32
    %dma_wait3A_133 = arith.constant 0 : i32
    %dma_wait3A_134 = tpu.memref_slice %arg8[%dma_wait3A_132, %dma_wait3A_133] : memref<2x16384xi32, #tpu.memory_space<vmem>> -> memref<1x16384xi32, #tpu.memory_space<vmem>>
    %dma_wait3A_135 = tpu.memref_squeeze %dma_wait3A_134 : memref<1x16384xi32, #tpu.memory_space<vmem>> -> memref<16384xi32, #tpu.memory_space<vmem>>
    %dma_wait3A_136 = arith.constant 0 : i32
    %dma_wait3A_137 = tpu.memref_slice %arg4[%dma_wait3A_136] : memref<8388608xi32, #tpu.memory_space<hbm>> -> memref<16384xi32, #tpu.memory_space<hbm>>
    %dma_wait3A_138 = arith.constant 0 : i32
    %dma_wait3A_139 = tpu.memref_slice %arg8[%dma_wait3A_132, %dma_wait3A_138] : memref<2x16384xi32, #tpu.memory_space<vmem>> -> memref<1x16384xi32, #tpu.memory_space<vmem>>
    %dma_wait3A_140 = tpu.memref_squeeze %dma_wait3A_139 : memref<1x16384xi32, #tpu.memory_space<vmem>> -> memref<16384xi32, #tpu.memory_space<vmem>>
    %dma_wait3A_141 = arith.constant 0 : i32
    %dma_wait3A_142 = tpu.memref_slice %arg4[%dma_wait3A_141] : memref<8388608xi32, #tpu.memory_space<hbm>> -> memref<16384xi32, #tpu.memory_space<hbm>>
    tpu.wait_dma2 semaphore(%arg10 : memref<!tpu.dma_semaphore, #tpu.memory_space<semaphore_mem>>) src(%dma_wait3A_142 : memref<16384xi32, #tpu.memory_space<hbm>>) dst(%dma_wait3A_140 : memref<16384xi32, #tpu.memory_space<vmem>>)
    %parallel_loop3A_143 = arith.constant 0 : i32
    %parallel_loop3A_144 = arith.constant 16384 : i32
    %parallel_loop3A_145 = arith.constant 128 : i32
    %parallel_loop3A_146:4 = scf.for %parallel_loop3A_366 = %parallel_loop3A_143 to %parallel_loop3A_144 step %parallel_loop3A_145 iter_args(%parallel_loop3A_367 = %parallel_loop3A_107#0, %parallel_loop3A_368 = %parallel_loop3A_107#1, %parallel_loop3A_369 = %parallel_loop3A_107#2, %parallel_loop3A_370 = %parallel_loop3A_107#3) -> (vector<16xf32>, vector<16xf32>, vector<16xf32>, vector<16xf32>)  : i32 {
      %parallel_loop3A_371 = arith.addi %add3A_109, %parallel_loop3A_366 : i32
      %parallel_loop3A_372 = arith.constant 1 : i32
      %parallel_loop3A_373 = tpu.memref_slice %arg6[%parallel_loop3A_372, %parallel_loop3A_366] : memref<2x16384xf32, #tpu.memory_space<vmem>> -> memref<1x128xf32, #tpu.memory_space<vmem>>
      %parallel_loop3A_374 = tpu.memref_squeeze %parallel_loop3A_373 : memref<1x128xf32, #tpu.memory_space<vmem>> -> memref<128xf32, #tpu.memory_space<vmem>>
      %parallel_loop3A_375 = tpu.memref_slice %arg2[%parallel_loop3A_371] : memref<8388608xf32, #tpu.memory_space<hbm>> -> memref<128xf32, #tpu.memory_space<hbm>>
      %parallel_loop3A_376 = tpu.memref_slice %arg6[%parallel_loop3A_372, %parallel_loop3A_366] : memref<2x16384xf32, #tpu.memory_space<vmem>> -> memref<1x128xf32, #tpu.memory_space<vmem>>
      %parallel_loop3A_377 = tpu.memref_squeeze %parallel_loop3A_376 : memref<1x128xf32, #tpu.memory_space<vmem>> -> memref<128xf32, #tpu.memory_space<vmem>>
      %parallel_loop3A_378 = tpu.memref_slice %arg2[%parallel_loop3A_371] : memref<8388608xf32, #tpu.memory_space<hbm>> -> memref<128xf32, #tpu.memory_space<hbm>>
      tpu.enqueue_dma source(%parallel_loop3A_378 : memref<128xf32, #tpu.memory_space<hbm>>) target(%parallel_loop3A_377 : memref<128xf32, #tpu.memory_space<vmem>>) target_semaphore(%arg11 : memref<!tpu.dma_semaphore, #tpu.memory_space<semaphore_mem>>)
      %parallel_loop3A_379 = arith.addi %add3A_109, %parallel_loop3A_366 : i32
      %parallel_loop3A_380 = arith.constant 1 : i32
      %parallel_loop3A_381 = tpu.memref_slice %arg7[%parallel_loop3A_380, %parallel_loop3A_366] : memref<2x16384xi32, #tpu.memory_space<vmem>> -> memref<1x128xi32, #tpu.memory_space<vmem>>
      %parallel_loop3A_382 = tpu.memref_squeeze %parallel_loop3A_381 : memref<1x128xi32, #tpu.memory_space<vmem>> -> memref<128xi32, #tpu.memory_space<vmem>>
      %parallel_loop3A_383 = tpu.memref_slice %arg3[%parallel_loop3A_379] : memref<8388608xi32, #tpu.memory_space<hbm>> -> memref<128xi32, #tpu.memory_space<hbm>>
      %parallel_loop3A_384 = tpu.memref_slice %arg7[%parallel_loop3A_380, %parallel_loop3A_366] : memref<2x16384xi32, #tpu.memory_space<vmem>> -> memref<1x128xi32, #tpu.memory_space<vmem>>
      %parallel_loop3A_385 = tpu.memref_squeeze %parallel_loop3A_384 : memref<1x128xi32, #tpu.memory_space<vmem>> -> memref<128xi32, #tpu.memory_space<vmem>>
      %parallel_loop3A_386 = tpu.memref_slice %arg3[%parallel_loop3A_379] : memref<8388608xi32, #tpu.memory_space<hbm>> -> memref<128xi32, #tpu.memory_space<hbm>>
      tpu.enqueue_dma source(%parallel_loop3A_386 : memref<128xi32, #tpu.memory_space<hbm>>) target(%parallel_loop3A_385 : memref<128xi32, #tpu.memory_space<vmem>>) target_semaphore(%arg11 : memref<!tpu.dma_semaphore, #tpu.memory_space<semaphore_mem>>)
      %parallel_loop3A_387 = arith.addi %add3A_109, %parallel_loop3A_366 : i32
      %parallel_loop3A_388 = arith.constant 1 : i32
      %parallel_loop3A_389 = tpu.memref_slice %arg8[%parallel_loop3A_388, %parallel_loop3A_366] : memref<2x16384xi32, #tpu.memory_space<vmem>> -> memref<1x128xi32, #tpu.memory_space<vmem>>
      %parallel_loop3A_390 = tpu.memref_squeeze %parallel_loop3A_389 : memref<1x128xi32, #tpu.memory_space<vmem>> -> memref<128xi32, #tpu.memory_space<vmem>>
      %parallel_loop3A_391 = tpu.memref_slice %arg4[%parallel_loop3A_387] : memref<8388608xi32, #tpu.memory_space<hbm>> -> memref<128xi32, #tpu.memory_space<hbm>>
      %parallel_loop3A_392 = tpu.memref_slice %arg8[%parallel_loop3A_388, %parallel_loop3A_366] : memref<2x16384xi32, #tpu.memory_space<vmem>> -> memref<1x128xi32, #tpu.memory_space<vmem>>
      %parallel_loop3A_393 = tpu.memref_squeeze %parallel_loop3A_392 : memref<1x128xi32, #tpu.memory_space<vmem>> -> memref<128xi32, #tpu.memory_space<vmem>>
      %parallel_loop3A_394 = tpu.memref_slice %arg4[%parallel_loop3A_387] : memref<8388608xi32, #tpu.memory_space<hbm>> -> memref<128xi32, #tpu.memory_space<hbm>>
      tpu.enqueue_dma source(%parallel_loop3A_394 : memref<128xi32, #tpu.memory_space<hbm>>) target(%parallel_loop3A_393 : memref<128xi32, #tpu.memory_space<vmem>>) target_semaphore(%arg11 : memref<!tpu.dma_semaphore, #tpu.memory_space<semaphore_mem>>)
      %parallel_loop3A_395 = arith.constant 0 : i32
      %parallel_loop3A_396 = arith.addi %parallel_loop3A_366, %parallel_loop3A_395 : i32
      %parallel_loop3A_397 = arith.constant 0 : i32
      %parallel_loop3A_398 = arith.index_cast %parallel_loop3A_397 : i32 to index
      %parallel_loop3A_399 = arith.index_cast %parallel_loop3A_396 : i32 to index
      %parallel_loop3A_400 = tpu.vector_load %arg6[%parallel_loop3A_398, %parallel_loop3A_399] {strides = array<i32>} : memref<2x16384xf32, #tpu.memory_space<vmem>>, vector<1x16xf32>,
      %parallel_loop3A_401 = vector.shape_cast %parallel_loop3A_400 : vector<1x16xf32> to vector<16xf32>
      %parallel_loop3A_402 = arith.constant 0 : i32
      %parallel_loop3A_403 = arith.addi %parallel_loop3A_366, %parallel_loop3A_402 : i32
      %parallel_loop3A_404 = arith.constant 0 : i32
      %parallel_loop3A_405 = arith.index_cast %parallel_loop3A_404 : i32 to index
      %parallel_loop3A_406 = arith.index_cast %parallel_loop3A_403 : i32 to index
      %parallel_loop3A_407 = tpu.vector_load %arg7[%parallel_loop3A_405, %parallel_loop3A_406] {strides = array<i32>} : memref<2x16384xi32, #tpu.memory_space<vmem>>, vector<1x16xi32>,
      %parallel_loop3A_408 = vector.shape_cast %parallel_loop3A_407 : vector<1x16xi32> to vector<16xi32>
      %parallel_loop3A_409 = arith.constant 0 : i32
      %parallel_loop3A_410 = arith.addi %parallel_loop3A_366, %parallel_loop3A_409 : i32
      %parallel_loop3A_411 = arith.constant 0 : i32
      %parallel_loop3A_412 = arith.index_cast %parallel_loop3A_411 : i32 to index
      %parallel_loop3A_413 = arith.index_cast %parallel_loop3A_410 : i32 to index
      %parallel_loop3A_414 = tpu.vector_load %arg8[%parallel_loop3A_412, %parallel_loop3A_413] {strides = array<i32>} : memref<2x16384xi32, #tpu.memory_space<vmem>>, vector<1x16xi32>,
      %parallel_loop3A_415 = vector.shape_cast %parallel_loop3A_414 : vector<1x16xi32> to vector<16xi32>
      %parallel_loop3A_416 = arith.andi %parallel_loop3A_415, %parallel_loop3A_408 : vector<16xi32>
      %parallel_loop3A_417 = arith.sitofp %parallel_loop3A_415 : vector<16xi32> to vector<16xf32>
      %parallel_loop3A_418 = arith.sitofp %parallel_loop3A_416 : vector<16xi32> to vector<16xf32>
      %parallel_loop3A_419 = arith.mulf %parallel_loop3A_401, %parallel_loop3A_417 : vector<16xf32>
      %parallel_loop3A_420 = arith.mulf %parallel_loop3A_401, %parallel_loop3A_418 : vector<16xf32>
      %parallel_loop3A_421 = arith.constant 16 : i32
      %parallel_loop3A_422 = arith.addi %parallel_loop3A_366, %parallel_loop3A_421 : i32
      %parallel_loop3A_423 = arith.constant 0 : i32
      %parallel_loop3A_424 = arith.index_cast %parallel_loop3A_423 : i32 to index
      %parallel_loop3A_425 = arith.index_cast %parallel_loop3A_422 : i32 to index
      %parallel_loop3A_426 = tpu.vector_load %arg6[%parallel_loop3A_424, %parallel_loop3A_425] {strides = array<i32>} : memref<2x16384xf32, #tpu.memory_space<vmem>>, vector<1x16xf32>,
      %parallel_loop3A_427 = vector.shape_cast %parallel_loop3A_426 : vector<1x16xf32> to vector<16xf32>
      %parallel_loop3A_428 = arith.constant 16 : i32
      %parallel_loop3A_429 = arith.addi %parallel_loop3A_366, %parallel_loop3A_428 : i32
      %parallel_loop3A_430 = arith.constant 0 : i32
      %parallel_loop3A_431 = arith.index_cast %parallel_loop3A_430 : i32 to index
      %parallel_loop3A_432 = arith.index_cast %parallel_loop3A_429 : i32 to index
      %parallel_loop3A_433 = tpu.vector_load %arg7[%parallel_loop3A_431, %parallel_loop3A_432] {strides = array<i32>} : memref<2x16384xi32, #tpu.memory_space<vmem>>, vector<1x16xi32>,
      %parallel_loop3A_434 = vector.shape_cast %parallel_loop3A_433 : vector<1x16xi32> to vector<16xi32>
      %parallel_loop3A_435 = arith.constant 16 : i32
      %parallel_loop3A_436 = arith.addi %parallel_loop3A_366, %parallel_loop3A_435 : i32
      %parallel_loop3A_437 = arith.constant 0 : i32
      %parallel_loop3A_438 = arith.index_cast %parallel_loop3A_437 : i32 to index
      %parallel_loop3A_439 = arith.index_cast %parallel_loop3A_436 : i32 to index
      %parallel_loop3A_440 = tpu.vector_load %arg8[%parallel_loop3A_438, %parallel_loop3A_439] {strides = array<i32>} : memref<2x16384xi32, #tpu.memory_space<vmem>>, vector<1x16xi32>,
      %parallel_loop3A_441 = vector.shape_cast %parallel_loop3A_440 : vector<1x16xi32> to vector<16xi32>
      %parallel_loop3A_442 = arith.andi %parallel_loop3A_441, %parallel_loop3A_434 : vector<16xi32>
      %parallel_loop3A_443 = arith.sitofp %parallel_loop3A_441 : vector<16xi32> to vector<16xf32>
      %parallel_loop3A_444 = arith.sitofp %parallel_loop3A_442 : vector<16xi32> to vector<16xf32>
      %parallel_loop3A_445 = arith.mulf %parallel_loop3A_427, %parallel_loop3A_443 : vector<16xf32>
      %parallel_loop3A_446 = arith.mulf %parallel_loop3A_427, %parallel_loop3A_444 : vector<16xf32>
      %parallel_loop3A_447 = arith.constant 32 : i32
      %parallel_loop3A_448 = arith.addi %parallel_loop3A_366, %parallel_loop3A_447 : i32
      %parallel_loop3A_449 = arith.constant 0 : i32
      %parallel_loop3A_450 = arith.index_cast %parallel_loop3A_449 : i32 to index
      %parallel_loop3A_451 = arith.index_cast %parallel_loop3A_448 : i32 to index
      %parallel_loop3A_452 = tpu.vector_load %arg6[%parallel_loop3A_450, %parallel_loop3A_451] {strides = array<i32>} : memref<2x16384xf32, #tpu.memory_space<vmem>>, vector<1x16xf32>,
      %parallel_loop3A_453 = vector.shape_cast %parallel_loop3A_452 : vector<1x16xf32> to vector<16xf32>
      %parallel_loop3A_454 = arith.constant 32 : i32
      %parallel_loop3A_455 = arith.addi %parallel_loop3A_366, %parallel_loop3A_454 : i32
      %parallel_loop3A_456 = arith.constant 0 : i32
      %parallel_loop3A_457 = arith.index_cast %parallel_loop3A_456 : i32 to index
      %parallel_loop3A_458 = arith.index_cast %parallel_loop3A_455 : i32 to index
      %parallel_loop3A_459 = tpu.vector_load %arg7[%parallel_loop3A_457, %parallel_loop3A_458] {strides = array<i32>} : memref<2x16384xi32, #tpu.memory_space<vmem>>, vector<1x16xi32>,
      %parallel_loop3A_460 = vector.shape_cast %parallel_loop3A_459 : vector<1x16xi32> to vector<16xi32>
      %parallel_loop3A_461 = arith.constant 32 : i32
      %parallel_loop3A_462 = arith.addi %parallel_loop3A_366, %parallel_loop3A_461 : i32
      %parallel_loop3A_463 = arith.constant 0 : i32
      %parallel_loop3A_464 = arith.index_cast %parallel_loop3A_463 : i32 to index
      %parallel_loop3A_465 = arith.index_cast %parallel_loop3A_462 : i32 to index
      %parallel_loop3A_466 = tpu.vector_load %arg8[%parallel_loop3A_464, %parallel_loop3A_465] {strides = array<i32>} : memref<2x16384xi32, #tpu.memory_space<vmem>>, vector<1x16xi32>,
      %parallel_loop3A_467 = vector.shape_cast %parallel_loop3A_466 : vector<1x16xi32> to vector<16xi32>
      %parallel_loop3A_468 = arith.andi %parallel_loop3A_467, %parallel_loop3A_460 : vector<16xi32>
      %parallel_loop3A_469 = arith.sitofp %parallel_loop3A_467 : vector<16xi32> to vector<16xf32>
      %parallel_loop3A_470 = arith.sitofp %parallel_loop3A_468 : vector<16xi32> to vector<16xf32>
      %parallel_loop3A_471 = arith.mulf %parallel_loop3A_453, %parallel_loop3A_469 : vector<16xf32>
      %parallel_loop3A_472 = arith.mulf %parallel_loop3A_453, %parallel_loop3A_470 : vector<16xf32>
      %parallel_loop3A_473 = arith.constant 48 : i32
      %parallel_loop3A_474 = arith.addi %parallel_loop3A_366, %parallel_loop3A_473 : i32
      %parallel_loop3A_475 = arith.constant 0 : i32
      %parallel_loop3A_476 = arith.index_cast %parallel_loop3A_475 : i32 to index
      %parallel_loop3A_477 = arith.index_cast %parallel_loop3A_474 : i32 to index
      %parallel_loop3A_478 = tpu.vector_load %arg6[%parallel_loop3A_476, %parallel_loop3A_477] {strides = array<i32>} : memref<2x16384xf32, #tpu.memory_space<vmem>>, vector<1x16xf32>,
      %parallel_loop3A_479 = vector.shape_cast %parallel_loop3A_478 : vector<1x16xf32> to vector<16xf32>
      %parallel_loop3A_480 = arith.constant 48 : i32
      %parallel_loop3A_481 = arith.addi %parallel_loop3A_366, %parallel_loop3A_480 : i32
      %parallel_loop3A_482 = arith.constant 0 : i32
      %parallel_loop3A_483 = arith.index_cast %parallel_loop3A_482 : i32 to index
      %parallel_loop3A_484 = arith.index_cast %parallel_loop3A_481 : i32 to index
      %parallel_loop3A_485 = tpu.vector_load %arg7[%parallel_loop3A_483, %parallel_loop3A_484] {strides = array<i32>} : memref<2x16384xi32, #tpu.memory_space<vmem>>, vector<1x16xi32>,
      %parallel_loop3A_486 = vector.shape_cast %parallel_loop3A_485 : vector<1x16xi32> to vector<16xi32>
      %parallel_loop3A_487 = arith.constant 48 : i32
      %parallel_loop3A_488 = arith.addi %parallel_loop3A_366, %parallel_loop3A_487 : i32
      %parallel_loop3A_489 = arith.constant 0 : i32
      %parallel_loop3A_490 = arith.index_cast %parallel_loop3A_489 : i32 to index
      %parallel_loop3A_491 = arith.index_cast %parallel_loop3A_488 : i32 to index
      %parallel_loop3A_492 = tpu.vector_load %arg8[%parallel_loop3A_490, %parallel_loop3A_491] {strides = array<i32>} : memref<2x16384xi32, #tpu.memory_space<vmem>>, vector<1x16xi32>,
      %parallel_loop3A_493 = vector.shape_cast %parallel_loop3A_492 : vector<1x16xi32> to vector<16xi32>
      %parallel_loop3A_494 = arith.andi %parallel_loop3A_493, %parallel_loop3A_486 : vector<16xi32>
      %parallel_loop3A_495 = arith.sitofp %parallel_loop3A_493 : vector<16xi32> to vector<16xf32>
      %parallel_loop3A_496 = arith.sitofp %parallel_loop3A_494 : vector<16xi32> to vector<16xf32>
      %parallel_loop3A_497 = arith.mulf %parallel_loop3A_479, %parallel_loop3A_495 : vector<16xf32>
      %parallel_loop3A_498 = arith.mulf %parallel_loop3A_479, %parallel_loop3A_496 : vector<16xf32>
      %parallel_loop3A_499 = arith.constant 64 : i32
      %parallel_loop3A_500 = arith.addi %parallel_loop3A_366, %parallel_loop3A_499 : i32
      %parallel_loop3A_501 = arith.constant 0 : i32
      %parallel_loop3A_502 = arith.index_cast %parallel_loop3A_501 : i32 to index
      %parallel_loop3A_503 = arith.index_cast %parallel_loop3A_500 : i32 to index
      %parallel_loop3A_504 = tpu.vector_load %arg6[%parallel_loop3A_502, %parallel_loop3A_503] {strides = array<i32>} : memref<2x16384xf32, #tpu.memory_space<vmem>>, vector<1x16xf32>,
      %parallel_loop3A_505 = vector.shape_cast %parallel_loop3A_504 : vector<1x16xf32> to vector<16xf32>
      %parallel_loop3A_506 = arith.constant 64 : i32
      %parallel_loop3A_507 = arith.addi %parallel_loop3A_366, %parallel_loop3A_506 : i32
      %parallel_loop3A_508 = arith.constant 0 : i32
      %parallel_loop3A_509 = arith.index_cast %parallel_loop3A_508 : i32 to index
      %parallel_loop3A_510 = arith.index_cast %parallel_loop3A_507 : i32 to index
      %parallel_loop3A_511 = tpu.vector_load %arg7[%parallel_loop3A_509, %parallel_loop3A_510] {strides = array<i32>} : memref<2x16384xi32, #tpu.memory_space<vmem>>, vector<1x16xi32>,
      %parallel_loop3A_512 = vector.shape_cast %parallel_loop3A_511 : vector<1x16xi32> to vector<16xi32>
      %parallel_loop3A_513 = arith.constant 64 : i32
      %parallel_loop3A_514 = arith.addi %parallel_loop3A_366, %parallel_loop3A_513 : i32
      %parallel_loop3A_515 = arith.constant 0 : i32
      %parallel_loop3A_516 = arith.index_cast %parallel_loop3A_515 : i32 to index
      %parallel_loop3A_517 = arith.index_cast %parallel_loop3A_514 : i32 to index
      %parallel_loop3A_518 = tpu.vector_load %arg8[%parallel_loop3A_516, %parallel_loop3A_517] {strides = array<i32>} : memref<2x16384xi32, #tpu.memory_space<vmem>>, vector<1x16xi32>,
      %parallel_loop3A_519 = vector.shape_cast %parallel_loop3A_518 : vector<1x16xi32> to vector<16xi32>
      %parallel_loop3A_520 = arith.andi %parallel_loop3A_519, %parallel_loop3A_512 : vector<16xi32>
      %parallel_loop3A_521 = arith.sitofp %parallel_loop3A_519 : vector<16xi32> to vector<16xf32>
      %parallel_loop3A_522 = arith.sitofp %parallel_loop3A_520 : vector<16xi32> to vector<16xf32>
      %parallel_loop3A_523 = arith.mulf %parallel_loop3A_505, %parallel_loop3A_521 : vector<16xf32>
      %parallel_loop3A_524 = arith.mulf %parallel_loop3A_505, %parallel_loop3A_522 : vector<16xf32>
      %parallel_loop3A_525 = arith.constant 80 : i32
      %parallel_loop3A_526 = arith.addi %parallel_loop3A_366, %parallel_loop3A_525 : i32
      %parallel_loop3A_527 = arith.constant 0 : i32
      %parallel_loop3A_528 = arith.index_cast %parallel_loop3A_527 : i32 to index
      %parallel_loop3A_529 = arith.index_cast %parallel_loop3A_526 : i32 to index
      %parallel_loop3A_530 = tpu.vector_load %arg6[%parallel_loop3A_528, %parallel_loop3A_529] {strides = array<i32>} : memref<2x16384xf32, #tpu.memory_space<vmem>>, vector<1x16xf32>,
      %parallel_loop3A_531 = vector.shape_cast %parallel_loop3A_530 : vector<1x16xf32> to vector<16xf32>
      %parallel_loop3A_532 = arith.constant 80 : i32
      %parallel_loop3A_533 = arith.addi %parallel_loop3A_366, %parallel_loop3A_532 : i32
      %parallel_loop3A_534 = arith.constant 0 : i32
      %parallel_loop3A_535 = arith.index_cast %parallel_loop3A_534 : i32 to index
      %parallel_loop3A_536 = arith.index_cast %parallel_loop3A_533 : i32 to index
      %parallel_loop3A_537 = tpu.vector_load %arg7[%parallel_loop3A_535, %parallel_loop3A_536] {strides = array<i32>} : memref<2x16384xi32, #tpu.memory_space<vmem>>, vector<1x16xi32>,
      %parallel_loop3A_538 = vector.shape_cast %parallel_loop3A_537 : vector<1x16xi32> to vector<16xi32>
      %parallel_loop3A_539 = arith.constant 80 : i32
      %parallel_loop3A_540 = arith.addi %parallel_loop3A_366, %parallel_loop3A_539 : i32
      %parallel_loop3A_541 = arith.constant 0 : i32
      %parallel_loop3A_542 = arith.index_cast %parallel_loop3A_541 : i32 to index
      %parallel_loop3A_543 = arith.index_cast %parallel_loop3A_540 : i32 to index
      %parallel_loop3A_544 = tpu.vector_load %arg8[%parallel_loop3A_542, %parallel_loop3A_543] {strides = array<i32>} : memref<2x16384xi32, #tpu.memory_space<vmem>>, vector<1x16xi32>,
      %parallel_loop3A_545 = vector.shape_cast %parallel_loop3A_544 : vector<1x16xi32> to vector<16xi32>
      %parallel_loop3A_546 = arith.andi %parallel_loop3A_545, %parallel_loop3A_538 : vector<16xi32>
      %parallel_loop3A_547 = arith.sitofp %parallel_loop3A_545 : vector<16xi32> to vector<16xf32>
      %parallel_loop3A_548 = arith.sitofp %parallel_loop3A_546 : vector<16xi32> to vector<16xf32>
      %parallel_loop3A_549 = arith.mulf %parallel_loop3A_531, %parallel_loop3A_547 : vector<16xf32>
      %parallel_loop3A_550 = arith.mulf %parallel_loop3A_531, %parallel_loop3A_548 : vector<16xf32>
      %parallel_loop3A_551 = arith.constant 96 : i32
      %parallel_loop3A_552 = arith.addi %parallel_loop3A_366, %parallel_loop3A_551 : i32
      %parallel_loop3A_553 = arith.constant 0 : i32
      %parallel_loop3A_554 = arith.index_cast %parallel_loop3A_553 : i32 to index
      %parallel_loop3A_555 = arith.index_cast %parallel_loop3A_552 : i32 to index
      %parallel_loop3A_556 = tpu.vector_load %arg6[%parallel_loop3A_554, %parallel_loop3A_555] {strides = array<i32>} : memref<2x16384xf32, #tpu.memory_space<vmem>>, vector<1x16xf32>,
      %parallel_loop3A_557 = vector.shape_cast %parallel_loop3A_556 : vector<1x16xf32> to vector<16xf32>
      %parallel_loop3A_558 = arith.constant 96 : i32
      %parallel_loop3A_559 = arith.addi %parallel_loop3A_366, %parallel_loop3A_558 : i32
      %parallel_loop3A_560 = arith.constant 0 : i32
      %parallel_loop3A_561 = arith.index_cast %parallel_loop3A_560 : i32 to index
      %parallel_loop3A_562 = arith.index_cast %parallel_loop3A_559 : i32 to index
      %parallel_loop3A_563 = tpu.vector_load %arg7[%parallel_loop3A_561, %parallel_loop3A_562] {strides = array<i32>} : memref<2x16384xi32, #tpu.memory_space<vmem>>, vector<1x16xi32>,
      %parallel_loop3A_564 = vector.shape_cast %parallel_loop3A_563 : vector<1x16xi32> to vector<16xi32>
      %parallel_loop3A_565 = arith.constant 96 : i32
      %parallel_loop3A_566 = arith.addi %parallel_loop3A_366, %parallel_loop3A_565 : i32
      %parallel_loop3A_567 = arith.constant 0 : i32
      %parallel_loop3A_568 = arith.index_cast %parallel_loop3A_567 : i32 to index
      %parallel_loop3A_569 = arith.index_cast %parallel_loop3A_566 : i32 to index
      %parallel_loop3A_570 = tpu.vector_load %arg8[%parallel_loop3A_568, %parallel_loop3A_569] {strides = array<i32>} : memref<2x16384xi32, #tpu.memory_space<vmem>>, vector<1x16xi32>,
      %parallel_loop3A_571 = vector.shape_cast %parallel_loop3A_570 : vector<1x16xi32> to vector<16xi32>
      %parallel_loop3A_572 = arith.andi %parallel_loop3A_571, %parallel_loop3A_564 : vector<16xi32>
      %parallel_loop3A_573 = arith.sitofp %parallel_loop3A_571 : vector<16xi32> to vector<16xf32>
      %parallel_loop3A_574 = arith.sitofp %parallel_loop3A_572 : vector<16xi32> to vector<16xf32>
      %parallel_loop3A_575 = arith.mulf %parallel_loop3A_557, %parallel_loop3A_573 : vector<16xf32>
      %parallel_loop3A_576 = arith.mulf %parallel_loop3A_557, %parallel_loop3A_574 : vector<16xf32>
      %parallel_loop3A_577 = arith.constant 112 : i32
      %parallel_loop3A_578 = arith.addi %parallel_loop3A_366, %parallel_loop3A_577 : i32
      %parallel_loop3A_579 = arith.constant 0 : i32
      %parallel_loop3A_580 = arith.index_cast %parallel_loop3A_579 : i32 to index
      %parallel_loop3A_581 = arith.index_cast %parallel_loop3A_578 : i32 to index
      %parallel_loop3A_582 = tpu.vector_load %arg6[%parallel_loop3A_580, %parallel_loop3A_581] {strides = array<i32>} : memref<2x16384xf32, #tpu.memory_space<vmem>>, vector<1x16xf32>,
      %parallel_loop3A_583 = vector.shape_cast %parallel_loop3A_582 : vector<1x16xf32> to vector<16xf32>
      %parallel_loop3A_584 = arith.constant 112 : i32
      %parallel_loop3A_585 = arith.addi %parallel_loop3A_366, %parallel_loop3A_584 : i32
      %parallel_loop3A_586 = arith.constant 0 : i32
      %parallel_loop3A_587 = arith.index_cast %parallel_loop3A_586 : i32 to index
      %parallel_loop3A_588 = arith.index_cast %parallel_loop3A_585 : i32 to index
      %parallel_loop3A_589 = tpu.vector_load %arg7[%parallel_loop3A_587, %parallel_loop3A_588] {strides = array<i32>} : memref<2x16384xi32, #tpu.memory_space<vmem>>, vector<1x16xi32>,
      %parallel_loop3A_590 = vector.shape_cast %parallel_loop3A_589 : vector<1x16xi32> to vector<16xi32>
      %parallel_loop3A_591 = arith.constant 112 : i32
      %parallel_loop3A_592 = arith.addi %parallel_loop3A_366, %parallel_loop3A_591 : i32
      %parallel_loop3A_593 = arith.constant 0 : i32
      %parallel_loop3A_594 = arith.index_cast %parallel_loop3A_593 : i32 to index
      %parallel_loop3A_595 = arith.index_cast %parallel_loop3A_592 : i32 to index
      %parallel_loop3A_596 = tpu.vector_load %arg8[%parallel_loop3A_594, %parallel_loop3A_595] {strides = array<i32>} : memref<2x16384xi32, #tpu.memory_space<vmem>>, vector<1x16xi32>,
      %parallel_loop3A_597 = vector.shape_cast %parallel_loop3A_596 : vector<1x16xi32> to vector<16xi32>
      %parallel_loop3A_598 = arith.andi %parallel_loop3A_597, %parallel_loop3A_590 : vector<16xi32>
      %parallel_loop3A_599 = arith.sitofp %parallel_loop3A_597 : vector<16xi32> to vector<16xf32>
      %parallel_loop3A_600 = arith.sitofp %parallel_loop3A_598 : vector<16xi32> to vector<16xf32>
      %parallel_loop3A_601 = arith.mulf %parallel_loop3A_583, %parallel_loop3A_599 : vector<16xf32>
      %parallel_loop3A_602 = arith.mulf %parallel_loop3A_583, %parallel_loop3A_600 : vector<16xf32>
      %parallel_loop3A_603 = arith.addf %parallel_loop3A_419, %parallel_loop3A_445 : vector<16xf32>
      %parallel_loop3A_604 = arith.addf %parallel_loop3A_471, %parallel_loop3A_497 : vector<16xf32>
      %parallel_loop3A_605 = arith.addf %parallel_loop3A_523, %parallel_loop3A_549 : vector<16xf32>
      %parallel_loop3A_606 = arith.addf %parallel_loop3A_575, %parallel_loop3A_601 : vector<16xf32>
      %parallel_loop3A_607 = arith.addf %parallel_loop3A_603, %parallel_loop3A_604 : vector<16xf32>
      %parallel_loop3A_608 = arith.addf %parallel_loop3A_605, %parallel_loop3A_606 : vector<16xf32>
      %parallel_loop3A_609 = arith.addf %parallel_loop3A_607, %parallel_loop3A_608 : vector<16xf32>
      %parallel_loop3A_610 = arith.addf %parallel_loop3A_367, %parallel_loop3A_609 : vector<16xf32>
      %parallel_loop3A_611 = arith.addf %parallel_loop3A_417, %parallel_loop3A_443 : vector<16xf32>
      %parallel_loop3A_612 = arith.addf %parallel_loop3A_469, %parallel_loop3A_495 : vector<16xf32>
      %parallel_loop3A_613 = arith.addf %parallel_loop3A_521, %parallel_loop3A_547 : vector<16xf32>
      %parallel_loop3A_614 = arith.addf %parallel_loop3A_573, %parallel_loop3A_599 : vector<16xf32>
      %parallel_loop3A_615 = arith.addf %parallel_loop3A_611, %parallel_loop3A_612 : vector<16xf32>
      %parallel_loop3A_616 = arith.addf %parallel_loop3A_613, %parallel_loop3A_614 : vector<16xf32>
      %parallel_loop3A_617 = arith.addf %parallel_loop3A_615, %parallel_loop3A_616 : vector<16xf32>
      %parallel_loop3A_618 = arith.addf %parallel_loop3A_368, %parallel_loop3A_617 : vector<16xf32>
      %parallel_loop3A_619 = arith.addf %parallel_loop3A_420, %parallel_loop3A_446 : vector<16xf32>
      %parallel_loop3A_620 = arith.addf %parallel_loop3A_472, %parallel_loop3A_498 : vector<16xf32>
      %parallel_loop3A_621 = arith.addf %parallel_loop3A_524, %parallel_loop3A_550 : vector<16xf32>
      %parallel_loop3A_622 = arith.addf %parallel_loop3A_576, %parallel_loop3A_602 : vector<16xf32>
      %parallel_loop3A_623 = arith.addf %parallel_loop3A_619, %parallel_loop3A_620 : vector<16xf32>
      %parallel_loop3A_624 = arith.addf %parallel_loop3A_621, %parallel_loop3A_622 : vector<16xf32>
      %parallel_loop3A_625 = arith.addf %parallel_loop3A_623, %parallel_loop3A_624 : vector<16xf32>
      %parallel_loop3A_626 = arith.addf %parallel_loop3A_369, %parallel_loop3A_625 : vector<16xf32>
      %parallel_loop3A_627 = arith.addf %parallel_loop3A_418, %parallel_loop3A_444 : vector<16xf32>
      %parallel_loop3A_628 = arith.addf %parallel_loop3A_470, %parallel_loop3A_496 : vector<16xf32>
      %parallel_loop3A_629 = arith.addf %parallel_loop3A_522, %parallel_loop3A_548 : vector<16xf32>
      %parallel_loop3A_630 = arith.addf %parallel_loop3A_574, %parallel_loop3A_600 : vector<16xf32>
      %parallel_loop3A_631 = arith.addf %parallel_loop3A_627, %parallel_loop3A_628 : vector<16xf32>
      %parallel_loop3A_632 = arith.addf %parallel_loop3A_629, %parallel_loop3A_630 : vector<16xf32>
      %parallel_loop3A_633 = arith.addf %parallel_loop3A_631, %parallel_loop3A_632 : vector<16xf32>
      %parallel_loop3A_634 = arith.addf %parallel_loop3A_370, %parallel_loop3A_633 : vector<16xf32>
      scf.yield %parallel_loop3A_610, %parallel_loop3A_618, %parallel_loop3A_626, %parallel_loop3A_634 : vector<16xf32>, vector<16xf32>, vector<16xf32>, vector<16xf32>
    } {sc.loop_unroll_factor = 2 : i64, sc.parallel_access}
    %add3A_147 = arith.constant 65536 : i32
    %add3A_148 = arith.addi %add3A_4, %add3A_147 : i32
    %dma_wait3A_149 = arith.constant 1 : i32
    %dma_wait3A_150 = arith.constant 0 : i32
    %dma_wait3A_151 = tpu.memref_slice %arg6[%dma_wait3A_149, %dma_wait3A_150] : memref<2x16384xf32, #tpu.memory_space<vmem>> -> memref<1x16384xf32, #tpu.memory_space<vmem>>
    %dma_wait3A_152 = tpu.memref_squeeze %dma_wait3A_151 : memref<1x16384xf32, #tpu.memory_space<vmem>> -> memref<16384xf32, #tpu.memory_space<vmem>>
    %dma_wait3A_153 = arith.constant 0 : i32
    %dma_wait3A_154 = tpu.memref_slice %arg2[%dma_wait3A_153] : memref<8388608xf32, #tpu.memory_space<hbm>> -> memref<16384xf32, #tpu.memory_space<hbm>>
    %dma_wait3A_155 = arith.constant 0 : i32
    %dma_wait3A_156 = tpu.memref_slice %arg6[%dma_wait3A_149, %dma_wait3A_155] : memref<2x16384xf32, #tpu.memory_space<vmem>> -> memref<1x16384xf32, #tpu.memory_space<vmem>>
    %dma_wait3A_157 = tpu.memref_squeeze %dma_wait3A_156 : memref<1x16384xf32, #tpu.memory_space<vmem>> -> memref<16384xf32, #tpu.memory_space<vmem>>
    %dma_wait3A_158 = arith.constant 0 : i32
    %dma_wait3A_159 = tpu.memref_slice %arg2[%dma_wait3A_158] : memref<8388608xf32, #tpu.memory_space<hbm>> -> memref<16384xf32, #tpu.memory_space<hbm>>
    tpu.wait_dma2 semaphore(%arg11 : memref<!tpu.dma_semaphore, #tpu.memory_space<semaphore_mem>>) src(%dma_wait3A_159 : memref<16384xf32, #tpu.memory_space<hbm>>) dst(%dma_wait3A_157 : memref<16384xf32, #tpu.memory_space<vmem>>)
    %dma_wait3A_160 = arith.constant 1 : i32
    %dma_wait3A_161 = arith.constant 0 : i32
    %dma_wait3A_162 = tpu.memref_slice %arg7[%dma_wait3A_160, %dma_wait3A_161] : memref<2x16384xi32, #tpu.memory_space<vmem>> -> memref<1x16384xi32, #tpu.memory_space<vmem>>
    %dma_wait3A_163 = tpu.memref_squeeze %dma_wait3A_162 : memref<1x16384xi32, #tpu.memory_space<vmem>> -> memref<16384xi32, #tpu.memory_space<vmem>>
    %dma_wait3A_164 = arith.constant 0 : i32
    %dma_wait3A_165 = tpu.memref_slice %arg3[%dma_wait3A_164] : memref<8388608xi32, #tpu.memory_space<hbm>> -> memref<16384xi32, #tpu.memory_space<hbm>>
    %dma_wait3A_166 = arith.constant 0 : i32
    %dma_wait3A_167 = tpu.memref_slice %arg7[%dma_wait3A_160, %dma_wait3A_166] : memref<2x16384xi32, #tpu.memory_space<vmem>> -> memref<1x16384xi32, #tpu.memory_space<vmem>>
    %dma_wait3A_168 = tpu.memref_squeeze %dma_wait3A_167 : memref<1x16384xi32, #tpu.memory_space<vmem>> -> memref<16384xi32, #tpu.memory_space<vmem>>
    %dma_wait3A_169 = arith.constant 0 : i32
    %dma_wait3A_170 = tpu.memref_slice %arg3[%dma_wait3A_169] : memref<8388608xi32, #tpu.memory_space<hbm>> -> memref<16384xi32, #tpu.memory_space<hbm>>
    tpu.wait_dma2 semaphore(%arg11 : memref<!tpu.dma_semaphore, #tpu.memory_space<semaphore_mem>>) src(%dma_wait3A_170 : memref<16384xi32, #tpu.memory_space<hbm>>) dst(%dma_wait3A_168 : memref<16384xi32, #tpu.memory_space<vmem>>)
    %dma_wait3A_171 = arith.constant 1 : i32
    %dma_wait3A_172 = arith.constant 0 : i32
    %dma_wait3A_173 = tpu.memref_slice %arg8[%dma_wait3A_171, %dma_wait3A_172] : memref<2x16384xi32, #tpu.memory_space<vmem>> -> memref<1x16384xi32, #tpu.memory_space<vmem>>
    %dma_wait3A_174 = tpu.memref_squeeze %dma_wait3A_173 : memref<1x16384xi32, #tpu.memory_space<vmem>> -> memref<16384xi32, #tpu.memory_space<vmem>>
    %dma_wait3A_175 = arith.constant 0 : i32
    %dma_wait3A_176 = tpu.memref_slice %arg4[%dma_wait3A_175] : memref<8388608xi32, #tpu.memory_space<hbm>> -> memref<16384xi32, #tpu.memory_space<hbm>>
    %dma_wait3A_177 = arith.constant 0 : i32
    %dma_wait3A_178 = tpu.memref_slice %arg8[%dma_wait3A_171, %dma_wait3A_177] : memref<2x16384xi32, #tpu.memory_space<vmem>> -> memref<1x16384xi32, #tpu.memory_space<vmem>>
    %dma_wait3A_179 = tpu.memref_squeeze %dma_wait3A_178 : memref<1x16384xi32, #tpu.memory_space<vmem>> -> memref<16384xi32, #tpu.memory_space<vmem>>
    %dma_wait3A_180 = arith.constant 0 : i32
    %dma_wait3A_181 = tpu.memref_slice %arg4[%dma_wait3A_180] : memref<8388608xi32, #tpu.memory_space<hbm>> -> memref<16384xi32, #tpu.memory_space<hbm>>
    tpu.wait_dma2 semaphore(%arg11 : memref<!tpu.dma_semaphore, #tpu.memory_space<semaphore_mem>>) src(%dma_wait3A_181 : memref<16384xi32, #tpu.memory_space<hbm>>) dst(%dma_wait3A_179 : memref<16384xi32, #tpu.memory_space<vmem>>)
    %parallel_loop3A_182 = arith.constant 0 : i32
    %parallel_loop3A_183 = arith.constant 16384 : i32
    %parallel_loop3A_184 = arith.constant 128 : i32
    %parallel_loop3A_185:4 = scf.for %parallel_loop3A_366 = %parallel_loop3A_182 to %parallel_loop3A_183 step %parallel_loop3A_184 iter_args(%parallel_loop3A_367 = %parallel_loop3A_146#0, %parallel_loop3A_368 = %parallel_loop3A_146#1, %parallel_loop3A_369 = %parallel_loop3A_146#2, %parallel_loop3A_370 = %parallel_loop3A_146#3) -> (vector<16xf32>, vector<16xf32>, vector<16xf32>, vector<16xf32>)  : i32 {
      %parallel_loop3A_371 = arith.addi %add3A_148, %parallel_loop3A_366 : i32
      %parallel_loop3A_372 = arith.constant 0 : i32
      %parallel_loop3A_373 = tpu.memref_slice %arg6[%parallel_loop3A_372, %parallel_loop3A_366] : memref<2x16384xf32, #tpu.memory_space<vmem>> -> memref<1x128xf32, #tpu.memory_space<vmem>>
      %parallel_loop3A_374 = tpu.memref_squeeze %parallel_loop3A_373 : memref<1x128xf32, #tpu.memory_space<vmem>> -> memref<128xf32, #tpu.memory_space<vmem>>
      %parallel_loop3A_375 = tpu.memref_slice %arg2[%parallel_loop3A_371] : memref<8388608xf32, #tpu.memory_space<hbm>> -> memref<128xf32, #tpu.memory_space<hbm>>
      %parallel_loop3A_376 = tpu.memref_slice %arg6[%parallel_loop3A_372, %parallel_loop3A_366] : memref<2x16384xf32, #tpu.memory_space<vmem>> -> memref<1x128xf32, #tpu.memory_space<vmem>>
      %parallel_loop3A_377 = tpu.memref_squeeze %parallel_loop3A_376 : memref<1x128xf32, #tpu.memory_space<vmem>> -> memref<128xf32, #tpu.memory_space<vmem>>
      %parallel_loop3A_378 = tpu.memref_slice %arg2[%parallel_loop3A_371] : memref<8388608xf32, #tpu.memory_space<hbm>> -> memref<128xf32, #tpu.memory_space<hbm>>
      tpu.enqueue_dma source(%parallel_loop3A_378 : memref<128xf32, #tpu.memory_space<hbm>>) target(%parallel_loop3A_377 : memref<128xf32, #tpu.memory_space<vmem>>) target_semaphore(%arg10 : memref<!tpu.dma_semaphore, #tpu.memory_space<semaphore_mem>>)
      %parallel_loop3A_379 = arith.addi %add3A_148, %parallel_loop3A_366 : i32
      %parallel_loop3A_380 = arith.constant 0 : i32
      %parallel_loop3A_381 = tpu.memref_slice %arg7[%parallel_loop3A_380, %parallel_loop3A_366] : memref<2x16384xi32, #tpu.memory_space<vmem>> -> memref<1x128xi32, #tpu.memory_space<vmem>>
      %parallel_loop3A_382 = tpu.memref_squeeze %parallel_loop3A_381 : memref<1x128xi32, #tpu.memory_space<vmem>> -> memref<128xi32, #tpu.memory_space<vmem>>
      %parallel_loop3A_383 = tpu.memref_slice %arg3[%parallel_loop3A_379] : memref<8388608xi32, #tpu.memory_space<hbm>> -> memref<128xi32, #tpu.memory_space<hbm>>
      %parallel_loop3A_384 = tpu.memref_slice %arg7[%parallel_loop3A_380, %parallel_loop3A_366] : memref<2x16384xi32, #tpu.memory_space<vmem>> -> memref<1x128xi32, #tpu.memory_space<vmem>>
      %parallel_loop3A_385 = tpu.memref_squeeze %parallel_loop3A_384 : memref<1x128xi32, #tpu.memory_space<vmem>> -> memref<128xi32, #tpu.memory_space<vmem>>
      %parallel_loop3A_386 = tpu.memref_slice %arg3[%parallel_loop3A_379] : memref<8388608xi32, #tpu.memory_space<hbm>> -> memref<128xi32, #tpu.memory_space<hbm>>
      tpu.enqueue_dma source(%parallel_loop3A_386 : memref<128xi32, #tpu.memory_space<hbm>>) target(%parallel_loop3A_385 : memref<128xi32, #tpu.memory_space<vmem>>) target_semaphore(%arg10 : memref<!tpu.dma_semaphore, #tpu.memory_space<semaphore_mem>>)
      %parallel_loop3A_387 = arith.addi %add3A_148, %parallel_loop3A_366 : i32
      %parallel_loop3A_388 = arith.constant 0 : i32
      %parallel_loop3A_389 = tpu.memref_slice %arg8[%parallel_loop3A_388, %parallel_loop3A_366] : memref<2x16384xi32, #tpu.memory_space<vmem>> -> memref<1x128xi32, #tpu.memory_space<vmem>>
      %parallel_loop3A_390 = tpu.memref_squeeze %parallel_loop3A_389 : memref<1x128xi32, #tpu.memory_space<vmem>> -> memref<128xi32, #tpu.memory_space<vmem>>
      %parallel_loop3A_391 = tpu.memref_slice %arg4[%parallel_loop3A_387] : memref<8388608xi32, #tpu.memory_space<hbm>> -> memref<128xi32, #tpu.memory_space<hbm>>
      %parallel_loop3A_392 = tpu.memref_slice %arg8[%parallel_loop3A_388, %parallel_loop3A_366] : memref<2x16384xi32, #tpu.memory_space<vmem>> -> memref<1x128xi32, #tpu.memory_space<vmem>>
      %parallel_loop3A_393 = tpu.memref_squeeze %parallel_loop3A_392 : memref<1x128xi32, #tpu.memory_space<vmem>> -> memref<128xi32, #tpu.memory_space<vmem>>
      %parallel_loop3A_394 = tpu.memref_slice %arg4[%parallel_loop3A_387] : memref<8388608xi32, #tpu.memory_space<hbm>> -> memref<128xi32, #tpu.memory_space<hbm>>
      tpu.enqueue_dma source(%parallel_loop3A_394 : memref<128xi32, #tpu.memory_space<hbm>>) target(%parallel_loop3A_393 : memref<128xi32, #tpu.memory_space<vmem>>) target_semaphore(%arg10 : memref<!tpu.dma_semaphore, #tpu.memory_space<semaphore_mem>>)
      %parallel_loop3A_395 = arith.constant 0 : i32
      %parallel_loop3A_396 = arith.addi %parallel_loop3A_366, %parallel_loop3A_395 : i32
      %parallel_loop3A_397 = arith.constant 1 : i32
      %parallel_loop3A_398 = arith.index_cast %parallel_loop3A_397 : i32 to index
      %parallel_loop3A_399 = arith.index_cast %parallel_loop3A_396 : i32 to index
      %parallel_loop3A_400 = tpu.vector_load %arg6[%parallel_loop3A_398, %parallel_loop3A_399] {strides = array<i32>} : memref<2x16384xf32, #tpu.memory_space<vmem>>, vector<1x16xf32>,
      %parallel_loop3A_401 = vector.shape_cast %parallel_loop3A_400 : vector<1x16xf32> to vector<16xf32>
      %parallel_loop3A_402 = arith.constant 0 : i32
      %parallel_loop3A_403 = arith.addi %parallel_loop3A_366, %parallel_loop3A_402 : i32
      %parallel_loop3A_404 = arith.constant 1 : i32
      %parallel_loop3A_405 = arith.index_cast %parallel_loop3A_404 : i32 to index
      %parallel_loop3A_406 = arith.index_cast %parallel_loop3A_403 : i32 to index
      %parallel_loop3A_407 = tpu.vector_load %arg7[%parallel_loop3A_405, %parallel_loop3A_406] {strides = array<i32>} : memref<2x16384xi32, #tpu.memory_space<vmem>>, vector<1x16xi32>,
      %parallel_loop3A_408 = vector.shape_cast %parallel_loop3A_407 : vector<1x16xi32> to vector<16xi32>
      %parallel_loop3A_409 = arith.constant 0 : i32
      %parallel_loop3A_410 = arith.addi %parallel_loop3A_366, %parallel_loop3A_409 : i32
      %parallel_loop3A_411 = arith.constant 1 : i32
      %parallel_loop3A_412 = arith.index_cast %parallel_loop3A_411 : i32 to index
      %parallel_loop3A_413 = arith.index_cast %parallel_loop3A_410 : i32 to index
      %parallel_loop3A_414 = tpu.vector_load %arg8[%parallel_loop3A_412, %parallel_loop3A_413] {strides = array<i32>} : memref<2x16384xi32, #tpu.memory_space<vmem>>, vector<1x16xi32>,
      %parallel_loop3A_415 = vector.shape_cast %parallel_loop3A_414 : vector<1x16xi32> to vector<16xi32>
      %parallel_loop3A_416 = arith.andi %parallel_loop3A_415, %parallel_loop3A_408 : vector<16xi32>
      %parallel_loop3A_417 = arith.sitofp %parallel_loop3A_415 : vector<16xi32> to vector<16xf32>
      %parallel_loop3A_418 = arith.sitofp %parallel_loop3A_416 : vector<16xi32> to vector<16xf32>
      %parallel_loop3A_419 = arith.mulf %parallel_loop3A_401, %parallel_loop3A_417 : vector<16xf32>
      %parallel_loop3A_420 = arith.mulf %parallel_loop3A_401, %parallel_loop3A_418 : vector<16xf32>
      %parallel_loop3A_421 = arith.constant 16 : i32
      %parallel_loop3A_422 = arith.addi %parallel_loop3A_366, %parallel_loop3A_421 : i32
      %parallel_loop3A_423 = arith.constant 1 : i32
      %parallel_loop3A_424 = arith.index_cast %parallel_loop3A_423 : i32 to index
      %parallel_loop3A_425 = arith.index_cast %parallel_loop3A_422 : i32 to index
      %parallel_loop3A_426 = tpu.vector_load %arg6[%parallel_loop3A_424, %parallel_loop3A_425] {strides = array<i32>} : memref<2x16384xf32, #tpu.memory_space<vmem>>, vector<1x16xf32>,
      %parallel_loop3A_427 = vector.shape_cast %parallel_loop3A_426 : vector<1x16xf32> to vector<16xf32>
      %parallel_loop3A_428 = arith.constant 16 : i32
      %parallel_loop3A_429 = arith.addi %parallel_loop3A_366, %parallel_loop3A_428 : i32
      %parallel_loop3A_430 = arith.constant 1 : i32
      %parallel_loop3A_431 = arith.index_cast %parallel_loop3A_430 : i32 to index
      %parallel_loop3A_432 = arith.index_cast %parallel_loop3A_429 : i32 to index
      %parallel_loop3A_433 = tpu.vector_load %arg7[%parallel_loop3A_431, %parallel_loop3A_432] {strides = array<i32>} : memref<2x16384xi32, #tpu.memory_space<vmem>>, vector<1x16xi32>,
      %parallel_loop3A_434 = vector.shape_cast %parallel_loop3A_433 : vector<1x16xi32> to vector<16xi32>
      %parallel_loop3A_435 = arith.constant 16 : i32
      %parallel_loop3A_436 = arith.addi %parallel_loop3A_366, %parallel_loop3A_435 : i32
      %parallel_loop3A_437 = arith.constant 1 : i32
      %parallel_loop3A_438 = arith.index_cast %parallel_loop3A_437 : i32 to index
      %parallel_loop3A_439 = arith.index_cast %parallel_loop3A_436 : i32 to index
      %parallel_loop3A_440 = tpu.vector_load %arg8[%parallel_loop3A_438, %parallel_loop3A_439] {strides = array<i32>} : memref<2x16384xi32, #tpu.memory_space<vmem>>, vector<1x16xi32>,
      %parallel_loop3A_441 = vector.shape_cast %parallel_loop3A_440 : vector<1x16xi32> to vector<16xi32>
      %parallel_loop3A_442 = arith.andi %parallel_loop3A_441, %parallel_loop3A_434 : vector<16xi32>
      %parallel_loop3A_443 = arith.sitofp %parallel_loop3A_441 : vector<16xi32> to vector<16xf32>
      %parallel_loop3A_444 = arith.sitofp %parallel_loop3A_442 : vector<16xi32> to vector<16xf32>
      %parallel_loop3A_445 = arith.mulf %parallel_loop3A_427, %parallel_loop3A_443 : vector<16xf32>
      %parallel_loop3A_446 = arith.mulf %parallel_loop3A_427, %parallel_loop3A_444 : vector<16xf32>
      %parallel_loop3A_447 = arith.constant 32 : i32
      %parallel_loop3A_448 = arith.addi %parallel_loop3A_366, %parallel_loop3A_447 : i32
      %parallel_loop3A_449 = arith.constant 1 : i32
      %parallel_loop3A_450 = arith.index_cast %parallel_loop3A_449 : i32 to index
      %parallel_loop3A_451 = arith.index_cast %parallel_loop3A_448 : i32 to index
      %parallel_loop3A_452 = tpu.vector_load %arg6[%parallel_loop3A_450, %parallel_loop3A_451] {strides = array<i32>} : memref<2x16384xf32, #tpu.memory_space<vmem>>, vector<1x16xf32>,
      %parallel_loop3A_453 = vector.shape_cast %parallel_loop3A_452 : vector<1x16xf32> to vector<16xf32>
      %parallel_loop3A_454 = arith.constant 32 : i32
      %parallel_loop3A_455 = arith.addi %parallel_loop3A_366, %parallel_loop3A_454 : i32
      %parallel_loop3A_456 = arith.constant 1 : i32
      %parallel_loop3A_457 = arith.index_cast %parallel_loop3A_456 : i32 to index
      %parallel_loop3A_458 = arith.index_cast %parallel_loop3A_455 : i32 to index
      %parallel_loop3A_459 = tpu.vector_load %arg7[%parallel_loop3A_457, %parallel_loop3A_458] {strides = array<i32>} : memref<2x16384xi32, #tpu.memory_space<vmem>>, vector<1x16xi32>,
      %parallel_loop3A_460 = vector.shape_cast %parallel_loop3A_459 : vector<1x16xi32> to vector<16xi32>
      %parallel_loop3A_461 = arith.constant 32 : i32
      %parallel_loop3A_462 = arith.addi %parallel_loop3A_366, %parallel_loop3A_461 : i32
      %parallel_loop3A_463 = arith.constant 1 : i32
      %parallel_loop3A_464 = arith.index_cast %parallel_loop3A_463 : i32 to index
      %parallel_loop3A_465 = arith.index_cast %parallel_loop3A_462 : i32 to index
      %parallel_loop3A_466 = tpu.vector_load %arg8[%parallel_loop3A_464, %parallel_loop3A_465] {strides = array<i32>} : memref<2x16384xi32, #tpu.memory_space<vmem>>, vector<1x16xi32>,
      %parallel_loop3A_467 = vector.shape_cast %parallel_loop3A_466 : vector<1x16xi32> to vector<16xi32>
      %parallel_loop3A_468 = arith.andi %parallel_loop3A_467, %parallel_loop3A_460 : vector<16xi32>
      %parallel_loop3A_469 = arith.sitofp %parallel_loop3A_467 : vector<16xi32> to vector<16xf32>
      %parallel_loop3A_470 = arith.sitofp %parallel_loop3A_468 : vector<16xi32> to vector<16xf32>
      %parallel_loop3A_471 = arith.mulf %parallel_loop3A_453, %parallel_loop3A_469 : vector<16xf32>
      %parallel_loop3A_472 = arith.mulf %parallel_loop3A_453, %parallel_loop3A_470 : vector<16xf32>
      %parallel_loop3A_473 = arith.constant 48 : i32
      %parallel_loop3A_474 = arith.addi %parallel_loop3A_366, %parallel_loop3A_473 : i32
      %parallel_loop3A_475 = arith.constant 1 : i32
      %parallel_loop3A_476 = arith.index_cast %parallel_loop3A_475 : i32 to index
      %parallel_loop3A_477 = arith.index_cast %parallel_loop3A_474 : i32 to index
      %parallel_loop3A_478 = tpu.vector_load %arg6[%parallel_loop3A_476, %parallel_loop3A_477] {strides = array<i32>} : memref<2x16384xf32, #tpu.memory_space<vmem>>, vector<1x16xf32>,
      %parallel_loop3A_479 = vector.shape_cast %parallel_loop3A_478 : vector<1x16xf32> to vector<16xf32>
      %parallel_loop3A_480 = arith.constant 48 : i32
      %parallel_loop3A_481 = arith.addi %parallel_loop3A_366, %parallel_loop3A_480 : i32
      %parallel_loop3A_482 = arith.constant 1 : i32
      %parallel_loop3A_483 = arith.index_cast %parallel_loop3A_482 : i32 to index
      %parallel_loop3A_484 = arith.index_cast %parallel_loop3A_481 : i32 to index
      %parallel_loop3A_485 = tpu.vector_load %arg7[%parallel_loop3A_483, %parallel_loop3A_484] {strides = array<i32>} : memref<2x16384xi32, #tpu.memory_space<vmem>>, vector<1x16xi32>,
      %parallel_loop3A_486 = vector.shape_cast %parallel_loop3A_485 : vector<1x16xi32> to vector<16xi32>
      %parallel_loop3A_487 = arith.constant 48 : i32
      %parallel_loop3A_488 = arith.addi %parallel_loop3A_366, %parallel_loop3A_487 : i32
      %parallel_loop3A_489 = arith.constant 1 : i32
      %parallel_loop3A_490 = arith.index_cast %parallel_loop3A_489 : i32 to index
      %parallel_loop3A_491 = arith.index_cast %parallel_loop3A_488 : i32 to index
      %parallel_loop3A_492 = tpu.vector_load %arg8[%parallel_loop3A_490, %parallel_loop3A_491] {strides = array<i32>} : memref<2x16384xi32, #tpu.memory_space<vmem>>, vector<1x16xi32>,
      %parallel_loop3A_493 = vector.shape_cast %parallel_loop3A_492 : vector<1x16xi32> to vector<16xi32>
      %parallel_loop3A_494 = arith.andi %parallel_loop3A_493, %parallel_loop3A_486 : vector<16xi32>
      %parallel_loop3A_495 = arith.sitofp %parallel_loop3A_493 : vector<16xi32> to vector<16xf32>
      %parallel_loop3A_496 = arith.sitofp %parallel_loop3A_494 : vector<16xi32> to vector<16xf32>
      %parallel_loop3A_497 = arith.mulf %parallel_loop3A_479, %parallel_loop3A_495 : vector<16xf32>
      %parallel_loop3A_498 = arith.mulf %parallel_loop3A_479, %parallel_loop3A_496 : vector<16xf32>
      %parallel_loop3A_499 = arith.constant 64 : i32
      %parallel_loop3A_500 = arith.addi %parallel_loop3A_366, %parallel_loop3A_499 : i32
      %parallel_loop3A_501 = arith.constant 1 : i32
      %parallel_loop3A_502 = arith.index_cast %parallel_loop3A_501 : i32 to index
      %parallel_loop3A_503 = arith.index_cast %parallel_loop3A_500 : i32 to index
      %parallel_loop3A_504 = tpu.vector_load %arg6[%parallel_loop3A_502, %parallel_loop3A_503] {strides = array<i32>} : memref<2x16384xf32, #tpu.memory_space<vmem>>, vector<1x16xf32>,
      %parallel_loop3A_505 = vector.shape_cast %parallel_loop3A_504 : vector<1x16xf32> to vector<16xf32>
      %parallel_loop3A_506 = arith.constant 64 : i32
      %parallel_loop3A_507 = arith.addi %parallel_loop3A_366, %parallel_loop3A_506 : i32
      %parallel_loop3A_508 = arith.constant 1 : i32
      %parallel_loop3A_509 = arith.index_cast %parallel_loop3A_508 : i32 to index
      %parallel_loop3A_510 = arith.index_cast %parallel_loop3A_507 : i32 to index
      %parallel_loop3A_511 = tpu.vector_load %arg7[%parallel_loop3A_509, %parallel_loop3A_510] {strides = array<i32>} : memref<2x16384xi32, #tpu.memory_space<vmem>>, vector<1x16xi32>,
      %parallel_loop3A_512 = vector.shape_cast %parallel_loop3A_511 : vector<1x16xi32> to vector<16xi32>
      %parallel_loop3A_513 = arith.constant 64 : i32
      %parallel_loop3A_514 = arith.addi %parallel_loop3A_366, %parallel_loop3A_513 : i32
      %parallel_loop3A_515 = arith.constant 1 : i32
      %parallel_loop3A_516 = arith.index_cast %parallel_loop3A_515 : i32 to index
      %parallel_loop3A_517 = arith.index_cast %parallel_loop3A_514 : i32 to index
      %parallel_loop3A_518 = tpu.vector_load %arg8[%parallel_loop3A_516, %parallel_loop3A_517] {strides = array<i32>} : memref<2x16384xi32, #tpu.memory_space<vmem>>, vector<1x16xi32>,
      %parallel_loop3A_519 = vector.shape_cast %parallel_loop3A_518 : vector<1x16xi32> to vector<16xi32>
      %parallel_loop3A_520 = arith.andi %parallel_loop3A_519, %parallel_loop3A_512 : vector<16xi32>
      %parallel_loop3A_521 = arith.sitofp %parallel_loop3A_519 : vector<16xi32> to vector<16xf32>
      %parallel_loop3A_522 = arith.sitofp %parallel_loop3A_520 : vector<16xi32> to vector<16xf32>
      %parallel_loop3A_523 = arith.mulf %parallel_loop3A_505, %parallel_loop3A_521 : vector<16xf32>
      %parallel_loop3A_524 = arith.mulf %parallel_loop3A_505, %parallel_loop3A_522 : vector<16xf32>
      %parallel_loop3A_525 = arith.constant 80 : i32
      %parallel_loop3A_526 = arith.addi %parallel_loop3A_366, %parallel_loop3A_525 : i32
      %parallel_loop3A_527 = arith.constant 1 : i32
      %parallel_loop3A_528 = arith.index_cast %parallel_loop3A_527 : i32 to index
      %parallel_loop3A_529 = arith.index_cast %parallel_loop3A_526 : i32 to index
      %parallel_loop3A_530 = tpu.vector_load %arg6[%parallel_loop3A_528, %parallel_loop3A_529] {strides = array<i32>} : memref<2x16384xf32, #tpu.memory_space<vmem>>, vector<1x16xf32>,
      %parallel_loop3A_531 = vector.shape_cast %parallel_loop3A_530 : vector<1x16xf32> to vector<16xf32>
      %parallel_loop3A_532 = arith.constant 80 : i32
      %parallel_loop3A_533 = arith.addi %parallel_loop3A_366, %parallel_loop3A_532 : i32
      %parallel_loop3A_534 = arith.constant 1 : i32
      %parallel_loop3A_535 = arith.index_cast %parallel_loop3A_534 : i32 to index
      %parallel_loop3A_536 = arith.index_cast %parallel_loop3A_533 : i32 to index
      %parallel_loop3A_537 = tpu.vector_load %arg7[%parallel_loop3A_535, %parallel_loop3A_536] {strides = array<i32>} : memref<2x16384xi32, #tpu.memory_space<vmem>>, vector<1x16xi32>,
      %parallel_loop3A_538 = vector.shape_cast %parallel_loop3A_537 : vector<1x16xi32> to vector<16xi32>
      %parallel_loop3A_539 = arith.constant 80 : i32
      %parallel_loop3A_540 = arith.addi %parallel_loop3A_366, %parallel_loop3A_539 : i32
      %parallel_loop3A_541 = arith.constant 1 : i32
      %parallel_loop3A_542 = arith.index_cast %parallel_loop3A_541 : i32 to index
      %parallel_loop3A_543 = arith.index_cast %parallel_loop3A_540 : i32 to index
      %parallel_loop3A_544 = tpu.vector_load %arg8[%parallel_loop3A_542, %parallel_loop3A_543] {strides = array<i32>} : memref<2x16384xi32, #tpu.memory_space<vmem>>, vector<1x16xi32>,
      %parallel_loop3A_545 = vector.shape_cast %parallel_loop3A_544 : vector<1x16xi32> to vector<16xi32>
      %parallel_loop3A_546 = arith.andi %parallel_loop3A_545, %parallel_loop3A_538 : vector<16xi32>
      %parallel_loop3A_547 = arith.sitofp %parallel_loop3A_545 : vector<16xi32> to vector<16xf32>
      %parallel_loop3A_548 = arith.sitofp %parallel_loop3A_546 : vector<16xi32> to vector<16xf32>
      %parallel_loop3A_549 = arith.mulf %parallel_loop3A_531, %parallel_loop3A_547 : vector<16xf32>
      %parallel_loop3A_550 = arith.mulf %parallel_loop3A_531, %parallel_loop3A_548 : vector<16xf32>
      %parallel_loop3A_551 = arith.constant 96 : i32
      %parallel_loop3A_552 = arith.addi %parallel_loop3A_366, %parallel_loop3A_551 : i32
      %parallel_loop3A_553 = arith.constant 1 : i32
      %parallel_loop3A_554 = arith.index_cast %parallel_loop3A_553 : i32 to index
      %parallel_loop3A_555 = arith.index_cast %parallel_loop3A_552 : i32 to index
      %parallel_loop3A_556 = tpu.vector_load %arg6[%parallel_loop3A_554, %parallel_loop3A_555] {strides = array<i32>} : memref<2x16384xf32, #tpu.memory_space<vmem>>, vector<1x16xf32>,
      %parallel_loop3A_557 = vector.shape_cast %parallel_loop3A_556 : vector<1x16xf32> to vector<16xf32>
      %parallel_loop3A_558 = arith.constant 96 : i32
      %parallel_loop3A_559 = arith.addi %parallel_loop3A_366, %parallel_loop3A_558 : i32
      %parallel_loop3A_560 = arith.constant 1 : i32
      %parallel_loop3A_561 = arith.index_cast %parallel_loop3A_560 : i32 to index
      %parallel_loop3A_562 = arith.index_cast %parallel_loop3A_559 : i32 to index
      %parallel_loop3A_563 = tpu.vector_load %arg7[%parallel_loop3A_561, %parallel_loop3A_562] {strides = array<i32>} : memref<2x16384xi32, #tpu.memory_space<vmem>>, vector<1x16xi32>,
      %parallel_loop3A_564 = vector.shape_cast %parallel_loop3A_563 : vector<1x16xi32> to vector<16xi32>
      %parallel_loop3A_565 = arith.constant 96 : i32
      %parallel_loop3A_566 = arith.addi %parallel_loop3A_366, %parallel_loop3A_565 : i32
      %parallel_loop3A_567 = arith.constant 1 : i32
      %parallel_loop3A_568 = arith.index_cast %parallel_loop3A_567 : i32 to index
      %parallel_loop3A_569 = arith.index_cast %parallel_loop3A_566 : i32 to index
      %parallel_loop3A_570 = tpu.vector_load %arg8[%parallel_loop3A_568, %parallel_loop3A_569] {strides = array<i32>} : memref<2x16384xi32, #tpu.memory_space<vmem>>, vector<1x16xi32>,
      %parallel_loop3A_571 = vector.shape_cast %parallel_loop3A_570 : vector<1x16xi32> to vector<16xi32>
      %parallel_loop3A_572 = arith.andi %parallel_loop3A_571, %parallel_loop3A_564 : vector<16xi32>
      %parallel_loop3A_573 = arith.sitofp %parallel_loop3A_571 : vector<16xi32> to vector<16xf32>
      %parallel_loop3A_574 = arith.sitofp %parallel_loop3A_572 : vector<16xi32> to vector<16xf32>
      %parallel_loop3A_575 = arith.mulf %parallel_loop3A_557, %parallel_loop3A_573 : vector<16xf32>
      %parallel_loop3A_576 = arith.mulf %parallel_loop3A_557, %parallel_loop3A_574 : vector<16xf32>
      %parallel_loop3A_577 = arith.constant 112 : i32
      %parallel_loop3A_578 = arith.addi %parallel_loop3A_366, %parallel_loop3A_577 : i32
      %parallel_loop3A_579 = arith.constant 1 : i32
      %parallel_loop3A_580 = arith.index_cast %parallel_loop3A_579 : i32 to index
      %parallel_loop3A_581 = arith.index_cast %parallel_loop3A_578 : i32 to index
      %parallel_loop3A_582 = tpu.vector_load %arg6[%parallel_loop3A_580, %parallel_loop3A_581] {strides = array<i32>} : memref<2x16384xf32, #tpu.memory_space<vmem>>, vector<1x16xf32>,
      %parallel_loop3A_583 = vector.shape_cast %parallel_loop3A_582 : vector<1x16xf32> to vector<16xf32>
      %parallel_loop3A_584 = arith.constant 112 : i32
      %parallel_loop3A_585 = arith.addi %parallel_loop3A_366, %parallel_loop3A_584 : i32
      %parallel_loop3A_586 = arith.constant 1 : i32
      %parallel_loop3A_587 = arith.index_cast %parallel_loop3A_586 : i32 to index
      %parallel_loop3A_588 = arith.index_cast %parallel_loop3A_585 : i32 to index
      %parallel_loop3A_589 = tpu.vector_load %arg7[%parallel_loop3A_587, %parallel_loop3A_588] {strides = array<i32>} : memref<2x16384xi32, #tpu.memory_space<vmem>>, vector<1x16xi32>,
      %parallel_loop3A_590 = vector.shape_cast %parallel_loop3A_589 : vector<1x16xi32> to vector<16xi32>
      %parallel_loop3A_591 = arith.constant 112 : i32
      %parallel_loop3A_592 = arith.addi %parallel_loop3A_366, %parallel_loop3A_591 : i32
      %parallel_loop3A_593 = arith.constant 1 : i32
      %parallel_loop3A_594 = arith.index_cast %parallel_loop3A_593 : i32 to index
      %parallel_loop3A_595 = arith.index_cast %parallel_loop3A_592 : i32 to index
      %parallel_loop3A_596 = tpu.vector_load %arg8[%parallel_loop3A_594, %parallel_loop3A_595] {strides = array<i32>} : memref<2x16384xi32, #tpu.memory_space<vmem>>, vector<1x16xi32>,
      %parallel_loop3A_597 = vector.shape_cast %parallel_loop3A_596 : vector<1x16xi32> to vector<16xi32>
      %parallel_loop3A_598 = arith.andi %parallel_loop3A_597, %parallel_loop3A_590 : vector<16xi32>
      %parallel_loop3A_599 = arith.sitofp %parallel_loop3A_597 : vector<16xi32> to vector<16xf32>
      %parallel_loop3A_600 = arith.sitofp %parallel_loop3A_598 : vector<16xi32> to vector<16xf32>
      %parallel_loop3A_601 = arith.mulf %parallel_loop3A_583, %parallel_loop3A_599 : vector<16xf32>
      %parallel_loop3A_602 = arith.mulf %parallel_loop3A_583, %parallel_loop3A_600 : vector<16xf32>
      %parallel_loop3A_603 = arith.addf %parallel_loop3A_419, %parallel_loop3A_445 : vector<16xf32>
      %parallel_loop3A_604 = arith.addf %parallel_loop3A_471, %parallel_loop3A_497 : vector<16xf32>
      %parallel_loop3A_605 = arith.addf %parallel_loop3A_523, %parallel_loop3A_549 : vector<16xf32>
      %parallel_loop3A_606 = arith.addf %parallel_loop3A_575, %parallel_loop3A_601 : vector<16xf32>
      %parallel_loop3A_607 = arith.addf %parallel_loop3A_603, %parallel_loop3A_604 : vector<16xf32>
      %parallel_loop3A_608 = arith.addf %parallel_loop3A_605, %parallel_loop3A_606 : vector<16xf32>
      %parallel_loop3A_609 = arith.addf %parallel_loop3A_607, %parallel_loop3A_608 : vector<16xf32>
      %parallel_loop3A_610 = arith.addf %parallel_loop3A_367, %parallel_loop3A_609 : vector<16xf32>
      %parallel_loop3A_611 = arith.addf %parallel_loop3A_417, %parallel_loop3A_443 : vector<16xf32>
      %parallel_loop3A_612 = arith.addf %parallel_loop3A_469, %parallel_loop3A_495 : vector<16xf32>
      %parallel_loop3A_613 = arith.addf %parallel_loop3A_521, %parallel_loop3A_547 : vector<16xf32>
      %parallel_loop3A_614 = arith.addf %parallel_loop3A_573, %parallel_loop3A_599 : vector<16xf32>
      %parallel_loop3A_615 = arith.addf %parallel_loop3A_611, %parallel_loop3A_612 : vector<16xf32>
      %parallel_loop3A_616 = arith.addf %parallel_loop3A_613, %parallel_loop3A_614 : vector<16xf32>
      %parallel_loop3A_617 = arith.addf %parallel_loop3A_615, %parallel_loop3A_616 : vector<16xf32>
      %parallel_loop3A_618 = arith.addf %parallel_loop3A_368, %parallel_loop3A_617 : vector<16xf32>
      %parallel_loop3A_619 = arith.addf %parallel_loop3A_420, %parallel_loop3A_446 : vector<16xf32>
      %parallel_loop3A_620 = arith.addf %parallel_loop3A_472, %parallel_loop3A_498 : vector<16xf32>
      %parallel_loop3A_621 = arith.addf %parallel_loop3A_524, %parallel_loop3A_550 : vector<16xf32>
      %parallel_loop3A_622 = arith.addf %parallel_loop3A_576, %parallel_loop3A_602 : vector<16xf32>
      %parallel_loop3A_623 = arith.addf %parallel_loop3A_619, %parallel_loop3A_620 : vector<16xf32>
      %parallel_loop3A_624 = arith.addf %parallel_loop3A_621, %parallel_loop3A_622 : vector<16xf32>
      %parallel_loop3A_625 = arith.addf %parallel_loop3A_623, %parallel_loop3A_624 : vector<16xf32>
      %parallel_loop3A_626 = arith.addf %parallel_loop3A_369, %parallel_loop3A_625 : vector<16xf32>
      %parallel_loop3A_627 = arith.addf %parallel_loop3A_418, %parallel_loop3A_444 : vector<16xf32>
      %parallel_loop3A_628 = arith.addf %parallel_loop3A_470, %parallel_loop3A_496 : vector<16xf32>
      %parallel_loop3A_629 = arith.addf %parallel_loop3A_522, %parallel_loop3A_548 : vector<16xf32>
      %parallel_loop3A_630 = arith.addf %parallel_loop3A_574, %parallel_loop3A_600 : vector<16xf32>
      %parallel_loop3A_631 = arith.addf %parallel_loop3A_627, %parallel_loop3A_628 : vector<16xf32>
      %parallel_loop3A_632 = arith.addf %parallel_loop3A_629, %parallel_loop3A_630 : vector<16xf32>
      %parallel_loop3A_633 = arith.addf %parallel_loop3A_631, %parallel_loop3A_632 : vector<16xf32>
      %parallel_loop3A_634 = arith.addf %parallel_loop3A_370, %parallel_loop3A_633 : vector<16xf32>
      scf.yield %parallel_loop3A_610, %parallel_loop3A_618, %parallel_loop3A_626, %parallel_loop3A_634 : vector<16xf32>, vector<16xf32>, vector<16xf32>, vector<16xf32>
    } {sc.loop_unroll_factor = 2 : i64, sc.parallel_access}
    %add3A_186 = arith.constant 81920 : i32
    %add3A_187 = arith.addi %add3A_4, %add3A_186 : i32
    %dma_wait3A_188 = arith.constant 0 : i32
    %dma_wait3A_189 = arith.constant 0 : i32
    %dma_wait3A_190 = tpu.memref_slice %arg6[%dma_wait3A_188, %dma_wait3A_189] : memref<2x16384xf32, #tpu.memory_space<vmem>> -> memref<1x16384xf32, #tpu.memory_space<vmem>>
    %dma_wait3A_191 = tpu.memref_squeeze %dma_wait3A_190 : memref<1x16384xf32, #tpu.memory_space<vmem>> -> memref<16384xf32, #tpu.memory_space<vmem>>
    %dma_wait3A_192 = arith.constant 0 : i32
    %dma_wait3A_193 = tpu.memref_slice %arg2[%dma_wait3A_192] : memref<8388608xf32, #tpu.memory_space<hbm>> -> memref<16384xf32, #tpu.memory_space<hbm>>
    %dma_wait3A_194 = arith.constant 0 : i32
    %dma_wait3A_195 = tpu.memref_slice %arg6[%dma_wait3A_188, %dma_wait3A_194] : memref<2x16384xf32, #tpu.memory_space<vmem>> -> memref<1x16384xf32, #tpu.memory_space<vmem>>
    %dma_wait3A_196 = tpu.memref_squeeze %dma_wait3A_195 : memref<1x16384xf32, #tpu.memory_space<vmem>> -> memref<16384xf32, #tpu.memory_space<vmem>>
    %dma_wait3A_197 = arith.constant 0 : i32
    %dma_wait3A_198 = tpu.memref_slice %arg2[%dma_wait3A_197] : memref<8388608xf32, #tpu.memory_space<hbm>> -> memref<16384xf32, #tpu.memory_space<hbm>>
    tpu.wait_dma2 semaphore(%arg10 : memref<!tpu.dma_semaphore, #tpu.memory_space<semaphore_mem>>) src(%dma_wait3A_198 : memref<16384xf32, #tpu.memory_space<hbm>>) dst(%dma_wait3A_196 : memref<16384xf32, #tpu.memory_space<vmem>>)
    %dma_wait3A_199 = arith.constant 0 : i32
    %dma_wait3A_200 = arith.constant 0 : i32
    %dma_wait3A_201 = tpu.memref_slice %arg7[%dma_wait3A_199, %dma_wait3A_200] : memref<2x16384xi32, #tpu.memory_space<vmem>> -> memref<1x16384xi32, #tpu.memory_space<vmem>>
    %dma_wait3A_202 = tpu.memref_squeeze %dma_wait3A_201 : memref<1x16384xi32, #tpu.memory_space<vmem>> -> memref<16384xi32, #tpu.memory_space<vmem>>
    %dma_wait3A_203 = arith.constant 0 : i32
    %dma_wait3A_204 = tpu.memref_slice %arg3[%dma_wait3A_203] : memref<8388608xi32, #tpu.memory_space<hbm>> -> memref<16384xi32, #tpu.memory_space<hbm>>
    %dma_wait3A_205 = arith.constant 0 : i32
    %dma_wait3A_206 = tpu.memref_slice %arg7[%dma_wait3A_199, %dma_wait3A_205] : memref<2x16384xi32, #tpu.memory_space<vmem>> -> memref<1x16384xi32, #tpu.memory_space<vmem>>
    %dma_wait3A_207 = tpu.memref_squeeze %dma_wait3A_206 : memref<1x16384xi32, #tpu.memory_space<vmem>> -> memref<16384xi32, #tpu.memory_space<vmem>>
    %dma_wait3A_208 = arith.constant 0 : i32
    %dma_wait3A_209 = tpu.memref_slice %arg3[%dma_wait3A_208] : memref<8388608xi32, #tpu.memory_space<hbm>> -> memref<16384xi32, #tpu.memory_space<hbm>>
    tpu.wait_dma2 semaphore(%arg10 : memref<!tpu.dma_semaphore, #tpu.memory_space<semaphore_mem>>) src(%dma_wait3A_209 : memref<16384xi32, #tpu.memory_space<hbm>>) dst(%dma_wait3A_207 : memref<16384xi32, #tpu.memory_space<vmem>>)
    %dma_wait3A_210 = arith.constant 0 : i32
    %dma_wait3A_211 = arith.constant 0 : i32
    %dma_wait3A_212 = tpu.memref_slice %arg8[%dma_wait3A_210, %dma_wait3A_211] : memref<2x16384xi32, #tpu.memory_space<vmem>> -> memref<1x16384xi32, #tpu.memory_space<vmem>>
    %dma_wait3A_213 = tpu.memref_squeeze %dma_wait3A_212 : memref<1x16384xi32, #tpu.memory_space<vmem>> -> memref<16384xi32, #tpu.memory_space<vmem>>
    %dma_wait3A_214 = arith.constant 0 : i32
    %dma_wait3A_215 = tpu.memref_slice %arg4[%dma_wait3A_214] : memref<8388608xi32, #tpu.memory_space<hbm>> -> memref<16384xi32, #tpu.memory_space<hbm>>
    %dma_wait3A_216 = arith.constant 0 : i32
    %dma_wait3A_217 = tpu.memref_slice %arg8[%dma_wait3A_210, %dma_wait3A_216] : memref<2x16384xi32, #tpu.memory_space<vmem>> -> memref<1x16384xi32, #tpu.memory_space<vmem>>
    %dma_wait3A_218 = tpu.memref_squeeze %dma_wait3A_217 : memref<1x16384xi32, #tpu.memory_space<vmem>> -> memref<16384xi32, #tpu.memory_space<vmem>>
    %dma_wait3A_219 = arith.constant 0 : i32
    %dma_wait3A_220 = tpu.memref_slice %arg4[%dma_wait3A_219] : memref<8388608xi32, #tpu.memory_space<hbm>> -> memref<16384xi32, #tpu.memory_space<hbm>>
    tpu.wait_dma2 semaphore(%arg10 : memref<!tpu.dma_semaphore, #tpu.memory_space<semaphore_mem>>) src(%dma_wait3A_220 : memref<16384xi32, #tpu.memory_space<hbm>>) dst(%dma_wait3A_218 : memref<16384xi32, #tpu.memory_space<vmem>>)
    %parallel_loop3A_221 = arith.constant 0 : i32
    %parallel_loop3A_222 = arith.constant 16384 : i32
    %parallel_loop3A_223 = arith.constant 128 : i32
    %parallel_loop3A_224:4 = scf.for %parallel_loop3A_366 = %parallel_loop3A_221 to %parallel_loop3A_222 step %parallel_loop3A_223 iter_args(%parallel_loop3A_367 = %parallel_loop3A_185#0, %parallel_loop3A_368 = %parallel_loop3A_185#1, %parallel_loop3A_369 = %parallel_loop3A_185#2, %parallel_loop3A_370 = %parallel_loop3A_185#3) -> (vector<16xf32>, vector<16xf32>, vector<16xf32>, vector<16xf32>)  : i32 {
      %parallel_loop3A_371 = arith.addi %add3A_187, %parallel_loop3A_366 : i32
      %parallel_loop3A_372 = arith.constant 1 : i32
      %parallel_loop3A_373 = tpu.memref_slice %arg6[%parallel_loop3A_372, %parallel_loop3A_366] : memref<2x16384xf32, #tpu.memory_space<vmem>> -> memref<1x128xf32, #tpu.memory_space<vmem>>
      %parallel_loop3A_374 = tpu.memref_squeeze %parallel_loop3A_373 : memref<1x128xf32, #tpu.memory_space<vmem>> -> memref<128xf32, #tpu.memory_space<vmem>>
      %parallel_loop3A_375 = tpu.memref_slice %arg2[%parallel_loop3A_371] : memref<8388608xf32, #tpu.memory_space<hbm>> -> memref<128xf32, #tpu.memory_space<hbm>>
      %parallel_loop3A_376 = tpu.memref_slice %arg6[%parallel_loop3A_372, %parallel_loop3A_366] : memref<2x16384xf32, #tpu.memory_space<vmem>> -> memref<1x128xf32, #tpu.memory_space<vmem>>
      %parallel_loop3A_377 = tpu.memref_squeeze %parallel_loop3A_376 : memref<1x128xf32, #tpu.memory_space<vmem>> -> memref<128xf32, #tpu.memory_space<vmem>>
      %parallel_loop3A_378 = tpu.memref_slice %arg2[%parallel_loop3A_371] : memref<8388608xf32, #tpu.memory_space<hbm>> -> memref<128xf32, #tpu.memory_space<hbm>>
      tpu.enqueue_dma source(%parallel_loop3A_378 : memref<128xf32, #tpu.memory_space<hbm>>) target(%parallel_loop3A_377 : memref<128xf32, #tpu.memory_space<vmem>>) target_semaphore(%arg11 : memref<!tpu.dma_semaphore, #tpu.memory_space<semaphore_mem>>)
      %parallel_loop3A_379 = arith.addi %add3A_187, %parallel_loop3A_366 : i32
      %parallel_loop3A_380 = arith.constant 1 : i32
      %parallel_loop3A_381 = tpu.memref_slice %arg7[%parallel_loop3A_380, %parallel_loop3A_366] : memref<2x16384xi32, #tpu.memory_space<vmem>> -> memref<1x128xi32, #tpu.memory_space<vmem>>
      %parallel_loop3A_382 = tpu.memref_squeeze %parallel_loop3A_381 : memref<1x128xi32, #tpu.memory_space<vmem>> -> memref<128xi32, #tpu.memory_space<vmem>>
      %parallel_loop3A_383 = tpu.memref_slice %arg3[%parallel_loop3A_379] : memref<8388608xi32, #tpu.memory_space<hbm>> -> memref<128xi32, #tpu.memory_space<hbm>>
      %parallel_loop3A_384 = tpu.memref_slice %arg7[%parallel_loop3A_380, %parallel_loop3A_366] : memref<2x16384xi32, #tpu.memory_space<vmem>> -> memref<1x128xi32, #tpu.memory_space<vmem>>
      %parallel_loop3A_385 = tpu.memref_squeeze %parallel_loop3A_384 : memref<1x128xi32, #tpu.memory_space<vmem>> -> memref<128xi32, #tpu.memory_space<vmem>>
      %parallel_loop3A_386 = tpu.memref_slice %arg3[%parallel_loop3A_379] : memref<8388608xi32, #tpu.memory_space<hbm>> -> memref<128xi32, #tpu.memory_space<hbm>>
      tpu.enqueue_dma source(%parallel_loop3A_386 : memref<128xi32, #tpu.memory_space<hbm>>) target(%parallel_loop3A_385 : memref<128xi32, #tpu.memory_space<vmem>>) target_semaphore(%arg11 : memref<!tpu.dma_semaphore, #tpu.memory_space<semaphore_mem>>)
      %parallel_loop3A_387 = arith.addi %add3A_187, %parallel_loop3A_366 : i32
      %parallel_loop3A_388 = arith.constant 1 : i32
      %parallel_loop3A_389 = tpu.memref_slice %arg8[%parallel_loop3A_388, %parallel_loop3A_366] : memref<2x16384xi32, #tpu.memory_space<vmem>> -> memref<1x128xi32, #tpu.memory_space<vmem>>
      %parallel_loop3A_390 = tpu.memref_squeeze %parallel_loop3A_389 : memref<1x128xi32, #tpu.memory_space<vmem>> -> memref<128xi32, #tpu.memory_space<vmem>>
      %parallel_loop3A_391 = tpu.memref_slice %arg4[%parallel_loop3A_387] : memref<8388608xi32, #tpu.memory_space<hbm>> -> memref<128xi32, #tpu.memory_space<hbm>>
      %parallel_loop3A_392 = tpu.memref_slice %arg8[%parallel_loop3A_388, %parallel_loop3A_366] : memref<2x16384xi32, #tpu.memory_space<vmem>> -> memref<1x128xi32, #tpu.memory_space<vmem>>
      %parallel_loop3A_393 = tpu.memref_squeeze %parallel_loop3A_392 : memref<1x128xi32, #tpu.memory_space<vmem>> -> memref<128xi32, #tpu.memory_space<vmem>>
      %parallel_loop3A_394 = tpu.memref_slice %arg4[%parallel_loop3A_387] : memref<8388608xi32, #tpu.memory_space<hbm>> -> memref<128xi32, #tpu.memory_space<hbm>>
      tpu.enqueue_dma source(%parallel_loop3A_394 : memref<128xi32, #tpu.memory_space<hbm>>) target(%parallel_loop3A_393 : memref<128xi32, #tpu.memory_space<vmem>>) target_semaphore(%arg11 : memref<!tpu.dma_semaphore, #tpu.memory_space<semaphore_mem>>)
      %parallel_loop3A_395 = arith.constant 0 : i32
      %parallel_loop3A_396 = arith.addi %parallel_loop3A_366, %parallel_loop3A_395 : i32
      %parallel_loop3A_397 = arith.constant 0 : i32
      %parallel_loop3A_398 = arith.index_cast %parallel_loop3A_397 : i32 to index
      %parallel_loop3A_399 = arith.index_cast %parallel_loop3A_396 : i32 to index
      %parallel_loop3A_400 = tpu.vector_load %arg6[%parallel_loop3A_398, %parallel_loop3A_399] {strides = array<i32>} : memref<2x16384xf32, #tpu.memory_space<vmem>>, vector<1x16xf32>,
      %parallel_loop3A_401 = vector.shape_cast %parallel_loop3A_400 : vector<1x16xf32> to vector<16xf32>
      %parallel_loop3A_402 = arith.constant 0 : i32
      %parallel_loop3A_403 = arith.addi %parallel_loop3A_366, %parallel_loop3A_402 : i32
      %parallel_loop3A_404 = arith.constant 0 : i32
      %parallel_loop3A_405 = arith.index_cast %parallel_loop3A_404 : i32 to index
      %parallel_loop3A_406 = arith.index_cast %parallel_loop3A_403 : i32 to index
      %parallel_loop3A_407 = tpu.vector_load %arg7[%parallel_loop3A_405, %parallel_loop3A_406] {strides = array<i32>} : memref<2x16384xi32, #tpu.memory_space<vmem>>, vector<1x16xi32>,
      %parallel_loop3A_408 = vector.shape_cast %parallel_loop3A_407 : vector<1x16xi32> to vector<16xi32>
      %parallel_loop3A_409 = arith.constant 0 : i32
      %parallel_loop3A_410 = arith.addi %parallel_loop3A_366, %parallel_loop3A_409 : i32
      %parallel_loop3A_411 = arith.constant 0 : i32
      %parallel_loop3A_412 = arith.index_cast %parallel_loop3A_411 : i32 to index
      %parallel_loop3A_413 = arith.index_cast %parallel_loop3A_410 : i32 to index
      %parallel_loop3A_414 = tpu.vector_load %arg8[%parallel_loop3A_412, %parallel_loop3A_413] {strides = array<i32>} : memref<2x16384xi32, #tpu.memory_space<vmem>>, vector<1x16xi32>,
      %parallel_loop3A_415 = vector.shape_cast %parallel_loop3A_414 : vector<1x16xi32> to vector<16xi32>
      %parallel_loop3A_416 = arith.andi %parallel_loop3A_415, %parallel_loop3A_408 : vector<16xi32>
      %parallel_loop3A_417 = arith.sitofp %parallel_loop3A_415 : vector<16xi32> to vector<16xf32>
      %parallel_loop3A_418 = arith.sitofp %parallel_loop3A_416 : vector<16xi32> to vector<16xf32>
      %parallel_loop3A_419 = arith.mulf %parallel_loop3A_401, %parallel_loop3A_417 : vector<16xf32>
      %parallel_loop3A_420 = arith.mulf %parallel_loop3A_401, %parallel_loop3A_418 : vector<16xf32>
      %parallel_loop3A_421 = arith.constant 16 : i32
      %parallel_loop3A_422 = arith.addi %parallel_loop3A_366, %parallel_loop3A_421 : i32
      %parallel_loop3A_423 = arith.constant 0 : i32
      %parallel_loop3A_424 = arith.index_cast %parallel_loop3A_423 : i32 to index
      %parallel_loop3A_425 = arith.index_cast %parallel_loop3A_422 : i32 to index
      %parallel_loop3A_426 = tpu.vector_load %arg6[%parallel_loop3A_424, %parallel_loop3A_425] {strides = array<i32>} : memref<2x16384xf32, #tpu.memory_space<vmem>>, vector<1x16xf32>,
      %parallel_loop3A_427 = vector.shape_cast %parallel_loop3A_426 : vector<1x16xf32> to vector<16xf32>
      %parallel_loop3A_428 = arith.constant 16 : i32
      %parallel_loop3A_429 = arith.addi %parallel_loop3A_366, %parallel_loop3A_428 : i32
      %parallel_loop3A_430 = arith.constant 0 : i32
      %parallel_loop3A_431 = arith.index_cast %parallel_loop3A_430 : i32 to index
      %parallel_loop3A_432 = arith.index_cast %parallel_loop3A_429 : i32 to index
      %parallel_loop3A_433 = tpu.vector_load %arg7[%parallel_loop3A_431, %parallel_loop3A_432] {strides = array<i32>} : memref<2x16384xi32, #tpu.memory_space<vmem>>, vector<1x16xi32>,
      %parallel_loop3A_434 = vector.shape_cast %parallel_loop3A_433 : vector<1x16xi32> to vector<16xi32>
      %parallel_loop3A_435 = arith.constant 16 : i32
      %parallel_loop3A_436 = arith.addi %parallel_loop3A_366, %parallel_loop3A_435 : i32
      %parallel_loop3A_437 = arith.constant 0 : i32
      %parallel_loop3A_438 = arith.index_cast %parallel_loop3A_437 : i32 to index
      %parallel_loop3A_439 = arith.index_cast %parallel_loop3A_436 : i32 to index
      %parallel_loop3A_440 = tpu.vector_load %arg8[%parallel_loop3A_438, %parallel_loop3A_439] {strides = array<i32>} : memref<2x16384xi32, #tpu.memory_space<vmem>>, vector<1x16xi32>,
      %parallel_loop3A_441 = vector.shape_cast %parallel_loop3A_440 : vector<1x16xi32> to vector<16xi32>
      %parallel_loop3A_442 = arith.andi %parallel_loop3A_441, %parallel_loop3A_434 : vector<16xi32>
      %parallel_loop3A_443 = arith.sitofp %parallel_loop3A_441 : vector<16xi32> to vector<16xf32>
      %parallel_loop3A_444 = arith.sitofp %parallel_loop3A_442 : vector<16xi32> to vector<16xf32>
      %parallel_loop3A_445 = arith.mulf %parallel_loop3A_427, %parallel_loop3A_443 : vector<16xf32>
      %parallel_loop3A_446 = arith.mulf %parallel_loop3A_427, %parallel_loop3A_444 : vector<16xf32>
      %parallel_loop3A_447 = arith.constant 32 : i32
      %parallel_loop3A_448 = arith.addi %parallel_loop3A_366, %parallel_loop3A_447 : i32
      %parallel_loop3A_449 = arith.constant 0 : i32
      %parallel_loop3A_450 = arith.index_cast %parallel_loop3A_449 : i32 to index
      %parallel_loop3A_451 = arith.index_cast %parallel_loop3A_448 : i32 to index
      %parallel_loop3A_452 = tpu.vector_load %arg6[%parallel_loop3A_450, %parallel_loop3A_451] {strides = array<i32>} : memref<2x16384xf32, #tpu.memory_space<vmem>>, vector<1x16xf32>,
      %parallel_loop3A_453 = vector.shape_cast %parallel_loop3A_452 : vector<1x16xf32> to vector<16xf32>
      %parallel_loop3A_454 = arith.constant 32 : i32
      %parallel_loop3A_455 = arith.addi %parallel_loop3A_366, %parallel_loop3A_454 : i32
      %parallel_loop3A_456 = arith.constant 0 : i32
      %parallel_loop3A_457 = arith.index_cast %parallel_loop3A_456 : i32 to index
      %parallel_loop3A_458 = arith.index_cast %parallel_loop3A_455 : i32 to index
      %parallel_loop3A_459 = tpu.vector_load %arg7[%parallel_loop3A_457, %parallel_loop3A_458] {strides = array<i32>} : memref<2x16384xi32, #tpu.memory_space<vmem>>, vector<1x16xi32>,
      %parallel_loop3A_460 = vector.shape_cast %parallel_loop3A_459 : vector<1x16xi32> to vector<16xi32>
      %parallel_loop3A_461 = arith.constant 32 : i32
      %parallel_loop3A_462 = arith.addi %parallel_loop3A_366, %parallel_loop3A_461 : i32
      %parallel_loop3A_463 = arith.constant 0 : i32
      %parallel_loop3A_464 = arith.index_cast %parallel_loop3A_463 : i32 to index
      %parallel_loop3A_465 = arith.index_cast %parallel_loop3A_462 : i32 to index
      %parallel_loop3A_466 = tpu.vector_load %arg8[%parallel_loop3A_464, %parallel_loop3A_465] {strides = array<i32>} : memref<2x16384xi32, #tpu.memory_space<vmem>>, vector<1x16xi32>,
      %parallel_loop3A_467 = vector.shape_cast %parallel_loop3A_466 : vector<1x16xi32> to vector<16xi32>
      %parallel_loop3A_468 = arith.andi %parallel_loop3A_467, %parallel_loop3A_460 : vector<16xi32>
      %parallel_loop3A_469 = arith.sitofp %parallel_loop3A_467 : vector<16xi32> to vector<16xf32>
      %parallel_loop3A_470 = arith.sitofp %parallel_loop3A_468 : vector<16xi32> to vector<16xf32>
      %parallel_loop3A_471 = arith.mulf %parallel_loop3A_453, %parallel_loop3A_469 : vector<16xf32>
      %parallel_loop3A_472 = arith.mulf %parallel_loop3A_453, %parallel_loop3A_470 : vector<16xf32>
      %parallel_loop3A_473 = arith.constant 48 : i32
      %parallel_loop3A_474 = arith.addi %parallel_loop3A_366, %parallel_loop3A_473 : i32
      %parallel_loop3A_475 = arith.constant 0 : i32
      %parallel_loop3A_476 = arith.index_cast %parallel_loop3A_475 : i32 to index
      %parallel_loop3A_477 = arith.index_cast %parallel_loop3A_474 : i32 to index
      %parallel_loop3A_478 = tpu.vector_load %arg6[%parallel_loop3A_476, %parallel_loop3A_477] {strides = array<i32>} : memref<2x16384xf32, #tpu.memory_space<vmem>>, vector<1x16xf32>,
      %parallel_loop3A_479 = vector.shape_cast %parallel_loop3A_478 : vector<1x16xf32> to vector<16xf32>
      %parallel_loop3A_480 = arith.constant 48 : i32
      %parallel_loop3A_481 = arith.addi %parallel_loop3A_366, %parallel_loop3A_480 : i32
      %parallel_loop3A_482 = arith.constant 0 : i32
      %parallel_loop3A_483 = arith.index_cast %parallel_loop3A_482 : i32 to index
      %parallel_loop3A_484 = arith.index_cast %parallel_loop3A_481 : i32 to index
      %parallel_loop3A_485 = tpu.vector_load %arg7[%parallel_loop3A_483, %parallel_loop3A_484] {strides = array<i32>} : memref<2x16384xi32, #tpu.memory_space<vmem>>, vector<1x16xi32>,
      %parallel_loop3A_486 = vector.shape_cast %parallel_loop3A_485 : vector<1x16xi32> to vector<16xi32>
      %parallel_loop3A_487 = arith.constant 48 : i32
      %parallel_loop3A_488 = arith.addi %parallel_loop3A_366, %parallel_loop3A_487 : i32
      %parallel_loop3A_489 = arith.constant 0 : i32
      %parallel_loop3A_490 = arith.index_cast %parallel_loop3A_489 : i32 to index
      %parallel_loop3A_491 = arith.index_cast %parallel_loop3A_488 : i32 to index
      %parallel_loop3A_492 = tpu.vector_load %arg8[%parallel_loop3A_490, %parallel_loop3A_491] {strides = array<i32>} : memref<2x16384xi32, #tpu.memory_space<vmem>>, vector<1x16xi32>,
      %parallel_loop3A_493 = vector.shape_cast %parallel_loop3A_492 : vector<1x16xi32> to vector<16xi32>
      %parallel_loop3A_494 = arith.andi %parallel_loop3A_493, %parallel_loop3A_486 : vector<16xi32>
      %parallel_loop3A_495 = arith.sitofp %parallel_loop3A_493 : vector<16xi32> to vector<16xf32>
      %parallel_loop3A_496 = arith.sitofp %parallel_loop3A_494 : vector<16xi32> to vector<16xf32>
      %parallel_loop3A_497 = arith.mulf %parallel_loop3A_479, %parallel_loop3A_495 : vector<16xf32>
      %parallel_loop3A_498 = arith.mulf %parallel_loop3A_479, %parallel_loop3A_496 : vector<16xf32>
      %parallel_loop3A_499 = arith.constant 64 : i32
      %parallel_loop3A_500 = arith.addi %parallel_loop3A_366, %parallel_loop3A_499 : i32
      %parallel_loop3A_501 = arith.constant 0 : i32
      %parallel_loop3A_502 = arith.index_cast %parallel_loop3A_501 : i32 to index
      %parallel_loop3A_503 = arith.index_cast %parallel_loop3A_500 : i32 to index
      %parallel_loop3A_504 = tpu.vector_load %arg6[%parallel_loop3A_502, %parallel_loop3A_503] {strides = array<i32>} : memref<2x16384xf32, #tpu.memory_space<vmem>>, vector<1x16xf32>,
      %parallel_loop3A_505 = vector.shape_cast %parallel_loop3A_504 : vector<1x16xf32> to vector<16xf32>
      %parallel_loop3A_506 = arith.constant 64 : i32
      %parallel_loop3A_507 = arith.addi %parallel_loop3A_366, %parallel_loop3A_506 : i32
      %parallel_loop3A_508 = arith.constant 0 : i32
      %parallel_loop3A_509 = arith.index_cast %parallel_loop3A_508 : i32 to index
      %parallel_loop3A_510 = arith.index_cast %parallel_loop3A_507 : i32 to index
      %parallel_loop3A_511 = tpu.vector_load %arg7[%parallel_loop3A_509, %parallel_loop3A_510] {strides = array<i32>} : memref<2x16384xi32, #tpu.memory_space<vmem>>, vector<1x16xi32>,
      %parallel_loop3A_512 = vector.shape_cast %parallel_loop3A_511 : vector<1x16xi32> to vector<16xi32>
      %parallel_loop3A_513 = arith.constant 64 : i32
      %parallel_loop3A_514 = arith.addi %parallel_loop3A_366, %parallel_loop3A_513 : i32
      %parallel_loop3A_515 = arith.constant 0 : i32
      %parallel_loop3A_516 = arith.index_cast %parallel_loop3A_515 : i32 to index
      %parallel_loop3A_517 = arith.index_cast %parallel_loop3A_514 : i32 to index
      %parallel_loop3A_518 = tpu.vector_load %arg8[%parallel_loop3A_516, %parallel_loop3A_517] {strides = array<i32>} : memref<2x16384xi32, #tpu.memory_space<vmem>>, vector<1x16xi32>,
      %parallel_loop3A_519 = vector.shape_cast %parallel_loop3A_518 : vector<1x16xi32> to vector<16xi32>
      %parallel_loop3A_520 = arith.andi %parallel_loop3A_519, %parallel_loop3A_512 : vector<16xi32>
      %parallel_loop3A_521 = arith.sitofp %parallel_loop3A_519 : vector<16xi32> to vector<16xf32>
      %parallel_loop3A_522 = arith.sitofp %parallel_loop3A_520 : vector<16xi32> to vector<16xf32>
      %parallel_loop3A_523 = arith.mulf %parallel_loop3A_505, %parallel_loop3A_521 : vector<16xf32>
      %parallel_loop3A_524 = arith.mulf %parallel_loop3A_505, %parallel_loop3A_522 : vector<16xf32>
      %parallel_loop3A_525 = arith.constant 80 : i32
      %parallel_loop3A_526 = arith.addi %parallel_loop3A_366, %parallel_loop3A_525 : i32
      %parallel_loop3A_527 = arith.constant 0 : i32
      %parallel_loop3A_528 = arith.index_cast %parallel_loop3A_527 : i32 to index
      %parallel_loop3A_529 = arith.index_cast %parallel_loop3A_526 : i32 to index
      %parallel_loop3A_530 = tpu.vector_load %arg6[%parallel_loop3A_528, %parallel_loop3A_529] {strides = array<i32>} : memref<2x16384xf32, #tpu.memory_space<vmem>>, vector<1x16xf32>,
      %parallel_loop3A_531 = vector.shape_cast %parallel_loop3A_530 : vector<1x16xf32> to vector<16xf32>
      %parallel_loop3A_532 = arith.constant 80 : i32
      %parallel_loop3A_533 = arith.addi %parallel_loop3A_366, %parallel_loop3A_532 : i32
      %parallel_loop3A_534 = arith.constant 0 : i32
      %parallel_loop3A_535 = arith.index_cast %parallel_loop3A_534 : i32 to index
      %parallel_loop3A_536 = arith.index_cast %parallel_loop3A_533 : i32 to index
      %parallel_loop3A_537 = tpu.vector_load %arg7[%parallel_loop3A_535, %parallel_loop3A_536] {strides = array<i32>} : memref<2x16384xi32, #tpu.memory_space<vmem>>, vector<1x16xi32>,
      %parallel_loop3A_538 = vector.shape_cast %parallel_loop3A_537 : vector<1x16xi32> to vector<16xi32>
      %parallel_loop3A_539 = arith.constant 80 : i32
      %parallel_loop3A_540 = arith.addi %parallel_loop3A_366, %parallel_loop3A_539 : i32
      %parallel_loop3A_541 = arith.constant 0 : i32
      %parallel_loop3A_542 = arith.index_cast %parallel_loop3A_541 : i32 to index
      %parallel_loop3A_543 = arith.index_cast %parallel_loop3A_540 : i32 to index
      %parallel_loop3A_544 = tpu.vector_load %arg8[%parallel_loop3A_542, %parallel_loop3A_543] {strides = array<i32>} : memref<2x16384xi32, #tpu.memory_space<vmem>>, vector<1x16xi32>,
      %parallel_loop3A_545 = vector.shape_cast %parallel_loop3A_544 : vector<1x16xi32> to vector<16xi32>
      %parallel_loop3A_546 = arith.andi %parallel_loop3A_545, %parallel_loop3A_538 : vector<16xi32>
      %parallel_loop3A_547 = arith.sitofp %parallel_loop3A_545 : vector<16xi32> to vector<16xf32>
      %parallel_loop3A_548 = arith.sitofp %parallel_loop3A_546 : vector<16xi32> to vector<16xf32>
      %parallel_loop3A_549 = arith.mulf %parallel_loop3A_531, %parallel_loop3A_547 : vector<16xf32>
      %parallel_loop3A_550 = arith.mulf %parallel_loop3A_531, %parallel_loop3A_548 : vector<16xf32>
      %parallel_loop3A_551 = arith.constant 96 : i32
      %parallel_loop3A_552 = arith.addi %parallel_loop3A_366, %parallel_loop3A_551 : i32
      %parallel_loop3A_553 = arith.constant 0 : i32
      %parallel_loop3A_554 = arith.index_cast %parallel_loop3A_553 : i32 to index
      %parallel_loop3A_555 = arith.index_cast %parallel_loop3A_552 : i32 to index
      %parallel_loop3A_556 = tpu.vector_load %arg6[%parallel_loop3A_554, %parallel_loop3A_555] {strides = array<i32>} : memref<2x16384xf32, #tpu.memory_space<vmem>>, vector<1x16xf32>,
      %parallel_loop3A_557 = vector.shape_cast %parallel_loop3A_556 : vector<1x16xf32> to vector<16xf32>
      %parallel_loop3A_558 = arith.constant 96 : i32
      %parallel_loop3A_559 = arith.addi %parallel_loop3A_366, %parallel_loop3A_558 : i32
      %parallel_loop3A_560 = arith.constant 0 : i32
      %parallel_loop3A_561 = arith.index_cast %parallel_loop3A_560 : i32 to index
      %parallel_loop3A_562 = arith.index_cast %parallel_loop3A_559 : i32 to index
      %parallel_loop3A_563 = tpu.vector_load %arg7[%parallel_loop3A_561, %parallel_loop3A_562] {strides = array<i32>} : memref<2x16384xi32, #tpu.memory_space<vmem>>, vector<1x16xi32>,
      %parallel_loop3A_564 = vector.shape_cast %parallel_loop3A_563 : vector<1x16xi32> to vector<16xi32>
      %parallel_loop3A_565 = arith.constant 96 : i32
      %parallel_loop3A_566 = arith.addi %parallel_loop3A_366, %parallel_loop3A_565 : i32
      %parallel_loop3A_567 = arith.constant 0 : i32
      %parallel_loop3A_568 = arith.index_cast %parallel_loop3A_567 : i32 to index
      %parallel_loop3A_569 = arith.index_cast %parallel_loop3A_566 : i32 to index
      %parallel_loop3A_570 = tpu.vector_load %arg8[%parallel_loop3A_568, %parallel_loop3A_569] {strides = array<i32>} : memref<2x16384xi32, #tpu.memory_space<vmem>>, vector<1x16xi32>,
      %parallel_loop3A_571 = vector.shape_cast %parallel_loop3A_570 : vector<1x16xi32> to vector<16xi32>
      %parallel_loop3A_572 = arith.andi %parallel_loop3A_571, %parallel_loop3A_564 : vector<16xi32>
      %parallel_loop3A_573 = arith.sitofp %parallel_loop3A_571 : vector<16xi32> to vector<16xf32>
      %parallel_loop3A_574 = arith.sitofp %parallel_loop3A_572 : vector<16xi32> to vector<16xf32>
      %parallel_loop3A_575 = arith.mulf %parallel_loop3A_557, %parallel_loop3A_573 : vector<16xf32>
      %parallel_loop3A_576 = arith.mulf %parallel_loop3A_557, %parallel_loop3A_574 : vector<16xf32>
      %parallel_loop3A_577 = arith.constant 112 : i32
      %parallel_loop3A_578 = arith.addi %parallel_loop3A_366, %parallel_loop3A_577 : i32
      %parallel_loop3A_579 = arith.constant 0 : i32
      %parallel_loop3A_580 = arith.index_cast %parallel_loop3A_579 : i32 to index
      %parallel_loop3A_581 = arith.index_cast %parallel_loop3A_578 : i32 to index
      %parallel_loop3A_582 = tpu.vector_load %arg6[%parallel_loop3A_580, %parallel_loop3A_581] {strides = array<i32>} : memref<2x16384xf32, #tpu.memory_space<vmem>>, vector<1x16xf32>,
      %parallel_loop3A_583 = vector.shape_cast %parallel_loop3A_582 : vector<1x16xf32> to vector<16xf32>
      %parallel_loop3A_584 = arith.constant 112 : i32
      %parallel_loop3A_585 = arith.addi %parallel_loop3A_366, %parallel_loop3A_584 : i32
      %parallel_loop3A_586 = arith.constant 0 : i32
      %parallel_loop3A_587 = arith.index_cast %parallel_loop3A_586 : i32 to index
      %parallel_loop3A_588 = arith.index_cast %parallel_loop3A_585 : i32 to index
      %parallel_loop3A_589 = tpu.vector_load %arg7[%parallel_loop3A_587, %parallel_loop3A_588] {strides = array<i32>} : memref<2x16384xi32, #tpu.memory_space<vmem>>, vector<1x16xi32>,
      %parallel_loop3A_590 = vector.shape_cast %parallel_loop3A_589 : vector<1x16xi32> to vector<16xi32>
      %parallel_loop3A_591 = arith.constant 112 : i32
      %parallel_loop3A_592 = arith.addi %parallel_loop3A_366, %parallel_loop3A_591 : i32
      %parallel_loop3A_593 = arith.constant 0 : i32
      %parallel_loop3A_594 = arith.index_cast %parallel_loop3A_593 : i32 to index
      %parallel_loop3A_595 = arith.index_cast %parallel_loop3A_592 : i32 to index
      %parallel_loop3A_596 = tpu.vector_load %arg8[%parallel_loop3A_594, %parallel_loop3A_595] {strides = array<i32>} : memref<2x16384xi32, #tpu.memory_space<vmem>>, vector<1x16xi32>,
      %parallel_loop3A_597 = vector.shape_cast %parallel_loop3A_596 : vector<1x16xi32> to vector<16xi32>
      %parallel_loop3A_598 = arith.andi %parallel_loop3A_597, %parallel_loop3A_590 : vector<16xi32>
      %parallel_loop3A_599 = arith.sitofp %parallel_loop3A_597 : vector<16xi32> to vector<16xf32>
      %parallel_loop3A_600 = arith.sitofp %parallel_loop3A_598 : vector<16xi32> to vector<16xf32>
      %parallel_loop3A_601 = arith.mulf %parallel_loop3A_583, %parallel_loop3A_599 : vector<16xf32>
      %parallel_loop3A_602 = arith.mulf %parallel_loop3A_583, %parallel_loop3A_600 : vector<16xf32>
      %parallel_loop3A_603 = arith.addf %parallel_loop3A_419, %parallel_loop3A_445 : vector<16xf32>
      %parallel_loop3A_604 = arith.addf %parallel_loop3A_471, %parallel_loop3A_497 : vector<16xf32>
      %parallel_loop3A_605 = arith.addf %parallel_loop3A_523, %parallel_loop3A_549 : vector<16xf32>
      %parallel_loop3A_606 = arith.addf %parallel_loop3A_575, %parallel_loop3A_601 : vector<16xf32>
      %parallel_loop3A_607 = arith.addf %parallel_loop3A_603, %parallel_loop3A_604 : vector<16xf32>
      %parallel_loop3A_608 = arith.addf %parallel_loop3A_605, %parallel_loop3A_606 : vector<16xf32>
      %parallel_loop3A_609 = arith.addf %parallel_loop3A_607, %parallel_loop3A_608 : vector<16xf32>
      %parallel_loop3A_610 = arith.addf %parallel_loop3A_367, %parallel_loop3A_609 : vector<16xf32>
      %parallel_loop3A_611 = arith.addf %parallel_loop3A_417, %parallel_loop3A_443 : vector<16xf32>
      %parallel_loop3A_612 = arith.addf %parallel_loop3A_469, %parallel_loop3A_495 : vector<16xf32>
      %parallel_loop3A_613 = arith.addf %parallel_loop3A_521, %parallel_loop3A_547 : vector<16xf32>
      %parallel_loop3A_614 = arith.addf %parallel_loop3A_573, %parallel_loop3A_599 : vector<16xf32>
      %parallel_loop3A_615 = arith.addf %parallel_loop3A_611, %parallel_loop3A_612 : vector<16xf32>
      %parallel_loop3A_616 = arith.addf %parallel_loop3A_613, %parallel_loop3A_614 : vector<16xf32>
      %parallel_loop3A_617 = arith.addf %parallel_loop3A_615, %parallel_loop3A_616 : vector<16xf32>
      %parallel_loop3A_618 = arith.addf %parallel_loop3A_368, %parallel_loop3A_617 : vector<16xf32>
      %parallel_loop3A_619 = arith.addf %parallel_loop3A_420, %parallel_loop3A_446 : vector<16xf32>
      %parallel_loop3A_620 = arith.addf %parallel_loop3A_472, %parallel_loop3A_498 : vector<16xf32>
      %parallel_loop3A_621 = arith.addf %parallel_loop3A_524, %parallel_loop3A_550 : vector<16xf32>
      %parallel_loop3A_622 = arith.addf %parallel_loop3A_576, %parallel_loop3A_602 : vector<16xf32>
      %parallel_loop3A_623 = arith.addf %parallel_loop3A_619, %parallel_loop3A_620 : vector<16xf32>
      %parallel_loop3A_624 = arith.addf %parallel_loop3A_621, %parallel_loop3A_622 : vector<16xf32>
      %parallel_loop3A_625 = arith.addf %parallel_loop3A_623, %parallel_loop3A_624 : vector<16xf32>
      %parallel_loop3A_626 = arith.addf %parallel_loop3A_369, %parallel_loop3A_625 : vector<16xf32>
      %parallel_loop3A_627 = arith.addf %parallel_loop3A_418, %parallel_loop3A_444 : vector<16xf32>
      %parallel_loop3A_628 = arith.addf %parallel_loop3A_470, %parallel_loop3A_496 : vector<16xf32>
      %parallel_loop3A_629 = arith.addf %parallel_loop3A_522, %parallel_loop3A_548 : vector<16xf32>
      %parallel_loop3A_630 = arith.addf %parallel_loop3A_574, %parallel_loop3A_600 : vector<16xf32>
      %parallel_loop3A_631 = arith.addf %parallel_loop3A_627, %parallel_loop3A_628 : vector<16xf32>
      %parallel_loop3A_632 = arith.addf %parallel_loop3A_629, %parallel_loop3A_630 : vector<16xf32>
      %parallel_loop3A_633 = arith.addf %parallel_loop3A_631, %parallel_loop3A_632 : vector<16xf32>
      %parallel_loop3A_634 = arith.addf %parallel_loop3A_370, %parallel_loop3A_633 : vector<16xf32>
      scf.yield %parallel_loop3A_610, %parallel_loop3A_618, %parallel_loop3A_626, %parallel_loop3A_634 : vector<16xf32>, vector<16xf32>, vector<16xf32>, vector<16xf32>
    } {sc.loop_unroll_factor = 2 : i64, sc.parallel_access}
    %add3A_225 = arith.constant 98304 : i32
    %add3A_226 = arith.addi %add3A_4, %add3A_225 : i32
    %dma_wait3A_227 = arith.constant 1 : i32
    %dma_wait3A_228 = arith.constant 0 : i32
    %dma_wait3A_229 = tpu.memref_slice %arg6[%dma_wait3A_227, %dma_wait3A_228] : memref<2x16384xf32, #tpu.memory_space<vmem>> -> memref<1x16384xf32, #tpu.memory_space<vmem>>
    %dma_wait3A_230 = tpu.memref_squeeze %dma_wait3A_229 : memref<1x16384xf32, #tpu.memory_space<vmem>> -> memref<16384xf32, #tpu.memory_space<vmem>>
    %dma_wait3A_231 = arith.constant 0 : i32
    %dma_wait3A_232 = tpu.memref_slice %arg2[%dma_wait3A_231] : memref<8388608xf32, #tpu.memory_space<hbm>> -> memref<16384xf32, #tpu.memory_space<hbm>>
    %dma_wait3A_233 = arith.constant 0 : i32
    %dma_wait3A_234 = tpu.memref_slice %arg6[%dma_wait3A_227, %dma_wait3A_233] : memref<2x16384xf32, #tpu.memory_space<vmem>> -> memref<1x16384xf32, #tpu.memory_space<vmem>>
    %dma_wait3A_235 = tpu.memref_squeeze %dma_wait3A_234 : memref<1x16384xf32, #tpu.memory_space<vmem>> -> memref<16384xf32, #tpu.memory_space<vmem>>
    %dma_wait3A_236 = arith.constant 0 : i32
    %dma_wait3A_237 = tpu.memref_slice %arg2[%dma_wait3A_236] : memref<8388608xf32, #tpu.memory_space<hbm>> -> memref<16384xf32, #tpu.memory_space<hbm>>
    tpu.wait_dma2 semaphore(%arg11 : memref<!tpu.dma_semaphore, #tpu.memory_space<semaphore_mem>>) src(%dma_wait3A_237 : memref<16384xf32, #tpu.memory_space<hbm>>) dst(%dma_wait3A_235 : memref<16384xf32, #tpu.memory_space<vmem>>)
    %dma_wait3A_238 = arith.constant 1 : i32
    %dma_wait3A_239 = arith.constant 0 : i32
    %dma_wait3A_240 = tpu.memref_slice %arg7[%dma_wait3A_238, %dma_wait3A_239] : memref<2x16384xi32, #tpu.memory_space<vmem>> -> memref<1x16384xi32, #tpu.memory_space<vmem>>
    %dma_wait3A_241 = tpu.memref_squeeze %dma_wait3A_240 : memref<1x16384xi32, #tpu.memory_space<vmem>> -> memref<16384xi32, #tpu.memory_space<vmem>>
    %dma_wait3A_242 = arith.constant 0 : i32
    %dma_wait3A_243 = tpu.memref_slice %arg3[%dma_wait3A_242] : memref<8388608xi32, #tpu.memory_space<hbm>> -> memref<16384xi32, #tpu.memory_space<hbm>>
    %dma_wait3A_244 = arith.constant 0 : i32
    %dma_wait3A_245 = tpu.memref_slice %arg7[%dma_wait3A_238, %dma_wait3A_244] : memref<2x16384xi32, #tpu.memory_space<vmem>> -> memref<1x16384xi32, #tpu.memory_space<vmem>>
    %dma_wait3A_246 = tpu.memref_squeeze %dma_wait3A_245 : memref<1x16384xi32, #tpu.memory_space<vmem>> -> memref<16384xi32, #tpu.memory_space<vmem>>
    %dma_wait3A_247 = arith.constant 0 : i32
    %dma_wait3A_248 = tpu.memref_slice %arg3[%dma_wait3A_247] : memref<8388608xi32, #tpu.memory_space<hbm>> -> memref<16384xi32, #tpu.memory_space<hbm>>
    tpu.wait_dma2 semaphore(%arg11 : memref<!tpu.dma_semaphore, #tpu.memory_space<semaphore_mem>>) src(%dma_wait3A_248 : memref<16384xi32, #tpu.memory_space<hbm>>) dst(%dma_wait3A_246 : memref<16384xi32, #tpu.memory_space<vmem>>)
    %dma_wait3A_249 = arith.constant 1 : i32
    %dma_wait3A_250 = arith.constant 0 : i32
    %dma_wait3A_251 = tpu.memref_slice %arg8[%dma_wait3A_249, %dma_wait3A_250] : memref<2x16384xi32, #tpu.memory_space<vmem>> -> memref<1x16384xi32, #tpu.memory_space<vmem>>
    %dma_wait3A_252 = tpu.memref_squeeze %dma_wait3A_251 : memref<1x16384xi32, #tpu.memory_space<vmem>> -> memref<16384xi32, #tpu.memory_space<vmem>>
    %dma_wait3A_253 = arith.constant 0 : i32
    %dma_wait3A_254 = tpu.memref_slice %arg4[%dma_wait3A_253] : memref<8388608xi32, #tpu.memory_space<hbm>> -> memref<16384xi32, #tpu.memory_space<hbm>>
    %dma_wait3A_255 = arith.constant 0 : i32
    %dma_wait3A_256 = tpu.memref_slice %arg8[%dma_wait3A_249, %dma_wait3A_255] : memref<2x16384xi32, #tpu.memory_space<vmem>> -> memref<1x16384xi32, #tpu.memory_space<vmem>>
    %dma_wait3A_257 = tpu.memref_squeeze %dma_wait3A_256 : memref<1x16384xi32, #tpu.memory_space<vmem>> -> memref<16384xi32, #tpu.memory_space<vmem>>
    %dma_wait3A_258 = arith.constant 0 : i32
    %dma_wait3A_259 = tpu.memref_slice %arg4[%dma_wait3A_258] : memref<8388608xi32, #tpu.memory_space<hbm>> -> memref<16384xi32, #tpu.memory_space<hbm>>
    tpu.wait_dma2 semaphore(%arg11 : memref<!tpu.dma_semaphore, #tpu.memory_space<semaphore_mem>>) src(%dma_wait3A_259 : memref<16384xi32, #tpu.memory_space<hbm>>) dst(%dma_wait3A_257 : memref<16384xi32, #tpu.memory_space<vmem>>)
    %parallel_loop3A_260 = arith.constant 0 : i32
    %parallel_loop3A_261 = arith.constant 16384 : i32
    %parallel_loop3A_262 = arith.constant 128 : i32
    %parallel_loop3A_263:4 = scf.for %parallel_loop3A_366 = %parallel_loop3A_260 to %parallel_loop3A_261 step %parallel_loop3A_262 iter_args(%parallel_loop3A_367 = %parallel_loop3A_224#0, %parallel_loop3A_368 = %parallel_loop3A_224#1, %parallel_loop3A_369 = %parallel_loop3A_224#2, %parallel_loop3A_370 = %parallel_loop3A_224#3) -> (vector<16xf32>, vector<16xf32>, vector<16xf32>, vector<16xf32>)  : i32 {
      %parallel_loop3A_371 = arith.addi %add3A_226, %parallel_loop3A_366 : i32
      %parallel_loop3A_372 = arith.constant 0 : i32
      %parallel_loop3A_373 = tpu.memref_slice %arg6[%parallel_loop3A_372, %parallel_loop3A_366] : memref<2x16384xf32, #tpu.memory_space<vmem>> -> memref<1x128xf32, #tpu.memory_space<vmem>>
      %parallel_loop3A_374 = tpu.memref_squeeze %parallel_loop3A_373 : memref<1x128xf32, #tpu.memory_space<vmem>> -> memref<128xf32, #tpu.memory_space<vmem>>
      %parallel_loop3A_375 = tpu.memref_slice %arg2[%parallel_loop3A_371] : memref<8388608xf32, #tpu.memory_space<hbm>> -> memref<128xf32, #tpu.memory_space<hbm>>
      %parallel_loop3A_376 = tpu.memref_slice %arg6[%parallel_loop3A_372, %parallel_loop3A_366] : memref<2x16384xf32, #tpu.memory_space<vmem>> -> memref<1x128xf32, #tpu.memory_space<vmem>>
      %parallel_loop3A_377 = tpu.memref_squeeze %parallel_loop3A_376 : memref<1x128xf32, #tpu.memory_space<vmem>> -> memref<128xf32, #tpu.memory_space<vmem>>
      %parallel_loop3A_378 = tpu.memref_slice %arg2[%parallel_loop3A_371] : memref<8388608xf32, #tpu.memory_space<hbm>> -> memref<128xf32, #tpu.memory_space<hbm>>
      tpu.enqueue_dma source(%parallel_loop3A_378 : memref<128xf32, #tpu.memory_space<hbm>>) target(%parallel_loop3A_377 : memref<128xf32, #tpu.memory_space<vmem>>) target_semaphore(%arg10 : memref<!tpu.dma_semaphore, #tpu.memory_space<semaphore_mem>>)
      %parallel_loop3A_379 = arith.addi %add3A_226, %parallel_loop3A_366 : i32
      %parallel_loop3A_380 = arith.constant 0 : i32
      %parallel_loop3A_381 = tpu.memref_slice %arg7[%parallel_loop3A_380, %parallel_loop3A_366] : memref<2x16384xi32, #tpu.memory_space<vmem>> -> memref<1x128xi32, #tpu.memory_space<vmem>>
      %parallel_loop3A_382 = tpu.memref_squeeze %parallel_loop3A_381 : memref<1x128xi32, #tpu.memory_space<vmem>> -> memref<128xi32, #tpu.memory_space<vmem>>
      %parallel_loop3A_383 = tpu.memref_slice %arg3[%parallel_loop3A_379] : memref<8388608xi32, #tpu.memory_space<hbm>> -> memref<128xi32, #tpu.memory_space<hbm>>
      %parallel_loop3A_384 = tpu.memref_slice %arg7[%parallel_loop3A_380, %parallel_loop3A_366] : memref<2x16384xi32, #tpu.memory_space<vmem>> -> memref<1x128xi32, #tpu.memory_space<vmem>>
      %parallel_loop3A_385 = tpu.memref_squeeze %parallel_loop3A_384 : memref<1x128xi32, #tpu.memory_space<vmem>> -> memref<128xi32, #tpu.memory_space<vmem>>
      %parallel_loop3A_386 = tpu.memref_slice %arg3[%parallel_loop3A_379] : memref<8388608xi32, #tpu.memory_space<hbm>> -> memref<128xi32, #tpu.memory_space<hbm>>
      tpu.enqueue_dma source(%parallel_loop3A_386 : memref<128xi32, #tpu.memory_space<hbm>>) target(%parallel_loop3A_385 : memref<128xi32, #tpu.memory_space<vmem>>) target_semaphore(%arg10 : memref<!tpu.dma_semaphore, #tpu.memory_space<semaphore_mem>>)
      %parallel_loop3A_387 = arith.addi %add3A_226, %parallel_loop3A_366 : i32
      %parallel_loop3A_388 = arith.constant 0 : i32
      %parallel_loop3A_389 = tpu.memref_slice %arg8[%parallel_loop3A_388, %parallel_loop3A_366] : memref<2x16384xi32, #tpu.memory_space<vmem>> -> memref<1x128xi32, #tpu.memory_space<vmem>>
      %parallel_loop3A_390 = tpu.memref_squeeze %parallel_loop3A_389 : memref<1x128xi32, #tpu.memory_space<vmem>> -> memref<128xi32, #tpu.memory_space<vmem>>
      %parallel_loop3A_391 = tpu.memref_slice %arg4[%parallel_loop3A_387] : memref<8388608xi32, #tpu.memory_space<hbm>> -> memref<128xi32, #tpu.memory_space<hbm>>
      %parallel_loop3A_392 = tpu.memref_slice %arg8[%parallel_loop3A_388, %parallel_loop3A_366] : memref<2x16384xi32, #tpu.memory_space<vmem>> -> memref<1x128xi32, #tpu.memory_space<vmem>>
      %parallel_loop3A_393 = tpu.memref_squeeze %parallel_loop3A_392 : memref<1x128xi32, #tpu.memory_space<vmem>> -> memref<128xi32, #tpu.memory_space<vmem>>
      %parallel_loop3A_394 = tpu.memref_slice %arg4[%parallel_loop3A_387] : memref<8388608xi32, #tpu.memory_space<hbm>> -> memref<128xi32, #tpu.memory_space<hbm>>
      tpu.enqueue_dma source(%parallel_loop3A_394 : memref<128xi32, #tpu.memory_space<hbm>>) target(%parallel_loop3A_393 : memref<128xi32, #tpu.memory_space<vmem>>) target_semaphore(%arg10 : memref<!tpu.dma_semaphore, #tpu.memory_space<semaphore_mem>>)
      %parallel_loop3A_395 = arith.constant 0 : i32
      %parallel_loop3A_396 = arith.addi %parallel_loop3A_366, %parallel_loop3A_395 : i32
      %parallel_loop3A_397 = arith.constant 1 : i32
      %parallel_loop3A_398 = arith.index_cast %parallel_loop3A_397 : i32 to index
      %parallel_loop3A_399 = arith.index_cast %parallel_loop3A_396 : i32 to index
      %parallel_loop3A_400 = tpu.vector_load %arg6[%parallel_loop3A_398, %parallel_loop3A_399] {strides = array<i32>} : memref<2x16384xf32, #tpu.memory_space<vmem>>, vector<1x16xf32>,
      %parallel_loop3A_401 = vector.shape_cast %parallel_loop3A_400 : vector<1x16xf32> to vector<16xf32>
      %parallel_loop3A_402 = arith.constant 0 : i32
      %parallel_loop3A_403 = arith.addi %parallel_loop3A_366, %parallel_loop3A_402 : i32
      %parallel_loop3A_404 = arith.constant 1 : i32
      %parallel_loop3A_405 = arith.index_cast %parallel_loop3A_404 : i32 to index
      %parallel_loop3A_406 = arith.index_cast %parallel_loop3A_403 : i32 to index
      %parallel_loop3A_407 = tpu.vector_load %arg7[%parallel_loop3A_405, %parallel_loop3A_406] {strides = array<i32>} : memref<2x16384xi32, #tpu.memory_space<vmem>>, vector<1x16xi32>,
      %parallel_loop3A_408 = vector.shape_cast %parallel_loop3A_407 : vector<1x16xi32> to vector<16xi32>
      %parallel_loop3A_409 = arith.constant 0 : i32
      %parallel_loop3A_410 = arith.addi %parallel_loop3A_366, %parallel_loop3A_409 : i32
      %parallel_loop3A_411 = arith.constant 1 : i32
      %parallel_loop3A_412 = arith.index_cast %parallel_loop3A_411 : i32 to index
      %parallel_loop3A_413 = arith.index_cast %parallel_loop3A_410 : i32 to index
      %parallel_loop3A_414 = tpu.vector_load %arg8[%parallel_loop3A_412, %parallel_loop3A_413] {strides = array<i32>} : memref<2x16384xi32, #tpu.memory_space<vmem>>, vector<1x16xi32>,
      %parallel_loop3A_415 = vector.shape_cast %parallel_loop3A_414 : vector<1x16xi32> to vector<16xi32>
      %parallel_loop3A_416 = arith.andi %parallel_loop3A_415, %parallel_loop3A_408 : vector<16xi32>
      %parallel_loop3A_417 = arith.sitofp %parallel_loop3A_415 : vector<16xi32> to vector<16xf32>
      %parallel_loop3A_418 = arith.sitofp %parallel_loop3A_416 : vector<16xi32> to vector<16xf32>
      %parallel_loop3A_419 = arith.mulf %parallel_loop3A_401, %parallel_loop3A_417 : vector<16xf32>
      %parallel_loop3A_420 = arith.mulf %parallel_loop3A_401, %parallel_loop3A_418 : vector<16xf32>
      %parallel_loop3A_421 = arith.constant 16 : i32
      %parallel_loop3A_422 = arith.addi %parallel_loop3A_366, %parallel_loop3A_421 : i32
      %parallel_loop3A_423 = arith.constant 1 : i32
      %parallel_loop3A_424 = arith.index_cast %parallel_loop3A_423 : i32 to index
      %parallel_loop3A_425 = arith.index_cast %parallel_loop3A_422 : i32 to index
      %parallel_loop3A_426 = tpu.vector_load %arg6[%parallel_loop3A_424, %parallel_loop3A_425] {strides = array<i32>} : memref<2x16384xf32, #tpu.memory_space<vmem>>, vector<1x16xf32>,
      %parallel_loop3A_427 = vector.shape_cast %parallel_loop3A_426 : vector<1x16xf32> to vector<16xf32>
      %parallel_loop3A_428 = arith.constant 16 : i32
      %parallel_loop3A_429 = arith.addi %parallel_loop3A_366, %parallel_loop3A_428 : i32
      %parallel_loop3A_430 = arith.constant 1 : i32
      %parallel_loop3A_431 = arith.index_cast %parallel_loop3A_430 : i32 to index
      %parallel_loop3A_432 = arith.index_cast %parallel_loop3A_429 : i32 to index
      %parallel_loop3A_433 = tpu.vector_load %arg7[%parallel_loop3A_431, %parallel_loop3A_432] {strides = array<i32>} : memref<2x16384xi32, #tpu.memory_space<vmem>>, vector<1x16xi32>,
      %parallel_loop3A_434 = vector.shape_cast %parallel_loop3A_433 : vector<1x16xi32> to vector<16xi32>
      %parallel_loop3A_435 = arith.constant 16 : i32
      %parallel_loop3A_436 = arith.addi %parallel_loop3A_366, %parallel_loop3A_435 : i32
      %parallel_loop3A_437 = arith.constant 1 : i32
      %parallel_loop3A_438 = arith.index_cast %parallel_loop3A_437 : i32 to index
      %parallel_loop3A_439 = arith.index_cast %parallel_loop3A_436 : i32 to index
      %parallel_loop3A_440 = tpu.vector_load %arg8[%parallel_loop3A_438, %parallel_loop3A_439] {strides = array<i32>} : memref<2x16384xi32, #tpu.memory_space<vmem>>, vector<1x16xi32>,
      %parallel_loop3A_441 = vector.shape_cast %parallel_loop3A_440 : vector<1x16xi32> to vector<16xi32>
      %parallel_loop3A_442 = arith.andi %parallel_loop3A_441, %parallel_loop3A_434 : vector<16xi32>
      %parallel_loop3A_443 = arith.sitofp %parallel_loop3A_441 : vector<16xi32> to vector<16xf32>
      %parallel_loop3A_444 = arith.sitofp %parallel_loop3A_442 : vector<16xi32> to vector<16xf32>
      %parallel_loop3A_445 = arith.mulf %parallel_loop3A_427, %parallel_loop3A_443 : vector<16xf32>
      %parallel_loop3A_446 = arith.mulf %parallel_loop3A_427, %parallel_loop3A_444 : vector<16xf32>
      %parallel_loop3A_447 = arith.constant 32 : i32
      %parallel_loop3A_448 = arith.addi %parallel_loop3A_366, %parallel_loop3A_447 : i32
      %parallel_loop3A_449 = arith.constant 1 : i32
      %parallel_loop3A_450 = arith.index_cast %parallel_loop3A_449 : i32 to index
      %parallel_loop3A_451 = arith.index_cast %parallel_loop3A_448 : i32 to index
      %parallel_loop3A_452 = tpu.vector_load %arg6[%parallel_loop3A_450, %parallel_loop3A_451] {strides = array<i32>} : memref<2x16384xf32, #tpu.memory_space<vmem>>, vector<1x16xf32>,
      %parallel_loop3A_453 = vector.shape_cast %parallel_loop3A_452 : vector<1x16xf32> to vector<16xf32>
      %parallel_loop3A_454 = arith.constant 32 : i32
      %parallel_loop3A_455 = arith.addi %parallel_loop3A_366, %parallel_loop3A_454 : i32
      %parallel_loop3A_456 = arith.constant 1 : i32
      %parallel_loop3A_457 = arith.index_cast %parallel_loop3A_456 : i32 to index
      %parallel_loop3A_458 = arith.index_cast %parallel_loop3A_455 : i32 to index
      %parallel_loop3A_459 = tpu.vector_load %arg7[%parallel_loop3A_457, %parallel_loop3A_458] {strides = array<i32>} : memref<2x16384xi32, #tpu.memory_space<vmem>>, vector<1x16xi32>,
      %parallel_loop3A_460 = vector.shape_cast %parallel_loop3A_459 : vector<1x16xi32> to vector<16xi32>
      %parallel_loop3A_461 = arith.constant 32 : i32
      %parallel_loop3A_462 = arith.addi %parallel_loop3A_366, %parallel_loop3A_461 : i32
      %parallel_loop3A_463 = arith.constant 1 : i32
      %parallel_loop3A_464 = arith.index_cast %parallel_loop3A_463 : i32 to index
      %parallel_loop3A_465 = arith.index_cast %parallel_loop3A_462 : i32 to index
      %parallel_loop3A_466 = tpu.vector_load %arg8[%parallel_loop3A_464, %parallel_loop3A_465] {strides = array<i32>} : memref<2x16384xi32, #tpu.memory_space<vmem>>, vector<1x16xi32>,
      %parallel_loop3A_467 = vector.shape_cast %parallel_loop3A_466 : vector<1x16xi32> to vector<16xi32>
      %parallel_loop3A_468 = arith.andi %parallel_loop3A_467, %parallel_loop3A_460 : vector<16xi32>
      %parallel_loop3A_469 = arith.sitofp %parallel_loop3A_467 : vector<16xi32> to vector<16xf32>
      %parallel_loop3A_470 = arith.sitofp %parallel_loop3A_468 : vector<16xi32> to vector<16xf32>
      %parallel_loop3A_471 = arith.mulf %parallel_loop3A_453, %parallel_loop3A_469 : vector<16xf32>
      %parallel_loop3A_472 = arith.mulf %parallel_loop3A_453, %parallel_loop3A_470 : vector<16xf32>
      %parallel_loop3A_473 = arith.constant 48 : i32
      %parallel_loop3A_474 = arith.addi %parallel_loop3A_366, %parallel_loop3A_473 : i32
      %parallel_loop3A_475 = arith.constant 1 : i32
      %parallel_loop3A_476 = arith.index_cast %parallel_loop3A_475 : i32 to index
      %parallel_loop3A_477 = arith.index_cast %parallel_loop3A_474 : i32 to index
      %parallel_loop3A_478 = tpu.vector_load %arg6[%parallel_loop3A_476, %parallel_loop3A_477] {strides = array<i32>} : memref<2x16384xf32, #tpu.memory_space<vmem>>, vector<1x16xf32>,
      %parallel_loop3A_479 = vector.shape_cast %parallel_loop3A_478 : vector<1x16xf32> to vector<16xf32>
      %parallel_loop3A_480 = arith.constant 48 : i32
      %parallel_loop3A_481 = arith.addi %parallel_loop3A_366, %parallel_loop3A_480 : i32
      %parallel_loop3A_482 = arith.constant 1 : i32
      %parallel_loop3A_483 = arith.index_cast %parallel_loop3A_482 : i32 to index
      %parallel_loop3A_484 = arith.index_cast %parallel_loop3A_481 : i32 to index
      %parallel_loop3A_485 = tpu.vector_load %arg7[%parallel_loop3A_483, %parallel_loop3A_484] {strides = array<i32>} : memref<2x16384xi32, #tpu.memory_space<vmem>>, vector<1x16xi32>,
      %parallel_loop3A_486 = vector.shape_cast %parallel_loop3A_485 : vector<1x16xi32> to vector<16xi32>
      %parallel_loop3A_487 = arith.constant 48 : i32
      %parallel_loop3A_488 = arith.addi %parallel_loop3A_366, %parallel_loop3A_487 : i32
      %parallel_loop3A_489 = arith.constant 1 : i32
      %parallel_loop3A_490 = arith.index_cast %parallel_loop3A_489 : i32 to index
      %parallel_loop3A_491 = arith.index_cast %parallel_loop3A_488 : i32 to index
      %parallel_loop3A_492 = tpu.vector_load %arg8[%parallel_loop3A_490, %parallel_loop3A_491] {strides = array<i32>} : memref<2x16384xi32, #tpu.memory_space<vmem>>, vector<1x16xi32>,
      %parallel_loop3A_493 = vector.shape_cast %parallel_loop3A_492 : vector<1x16xi32> to vector<16xi32>
      %parallel_loop3A_494 = arith.andi %parallel_loop3A_493, %parallel_loop3A_486 : vector<16xi32>
      %parallel_loop3A_495 = arith.sitofp %parallel_loop3A_493 : vector<16xi32> to vector<16xf32>
      %parallel_loop3A_496 = arith.sitofp %parallel_loop3A_494 : vector<16xi32> to vector<16xf32>
      %parallel_loop3A_497 = arith.mulf %parallel_loop3A_479, %parallel_loop3A_495 : vector<16xf32>
      %parallel_loop3A_498 = arith.mulf %parallel_loop3A_479, %parallel_loop3A_496 : vector<16xf32>
      %parallel_loop3A_499 = arith.constant 64 : i32
      %parallel_loop3A_500 = arith.addi %parallel_loop3A_366, %parallel_loop3A_499 : i32
      %parallel_loop3A_501 = arith.constant 1 : i32
      %parallel_loop3A_502 = arith.index_cast %parallel_loop3A_501 : i32 to index
      %parallel_loop3A_503 = arith.index_cast %parallel_loop3A_500 : i32 to index
      %parallel_loop3A_504 = tpu.vector_load %arg6[%parallel_loop3A_502, %parallel_loop3A_503] {strides = array<i32>} : memref<2x16384xf32, #tpu.memory_space<vmem>>, vector<1x16xf32>,
      %parallel_loop3A_505 = vector.shape_cast %parallel_loop3A_504 : vector<1x16xf32> to vector<16xf32>
      %parallel_loop3A_506 = arith.constant 64 : i32
      %parallel_loop3A_507 = arith.addi %parallel_loop3A_366, %parallel_loop3A_506 : i32
      %parallel_loop3A_508 = arith.constant 1 : i32
      %parallel_loop3A_509 = arith.index_cast %parallel_loop3A_508 : i32 to index
      %parallel_loop3A_510 = arith.index_cast %parallel_loop3A_507 : i32 to index
      %parallel_loop3A_511 = tpu.vector_load %arg7[%parallel_loop3A_509, %parallel_loop3A_510] {strides = array<i32>} : memref<2x16384xi32, #tpu.memory_space<vmem>>, vector<1x16xi32>,
      %parallel_loop3A_512 = vector.shape_cast %parallel_loop3A_511 : vector<1x16xi32> to vector<16xi32>
      %parallel_loop3A_513 = arith.constant 64 : i32
      %parallel_loop3A_514 = arith.addi %parallel_loop3A_366, %parallel_loop3A_513 : i32
      %parallel_loop3A_515 = arith.constant 1 : i32
      %parallel_loop3A_516 = arith.index_cast %parallel_loop3A_515 : i32 to index
      %parallel_loop3A_517 = arith.index_cast %parallel_loop3A_514 : i32 to index
      %parallel_loop3A_518 = tpu.vector_load %arg8[%parallel_loop3A_516, %parallel_loop3A_517] {strides = array<i32>} : memref<2x16384xi32, #tpu.memory_space<vmem>>, vector<1x16xi32>,
      %parallel_loop3A_519 = vector.shape_cast %parallel_loop3A_518 : vector<1x16xi32> to vector<16xi32>
      %parallel_loop3A_520 = arith.andi %parallel_loop3A_519, %parallel_loop3A_512 : vector<16xi32>
      %parallel_loop3A_521 = arith.sitofp %parallel_loop3A_519 : vector<16xi32> to vector<16xf32>
      %parallel_loop3A_522 = arith.sitofp %parallel_loop3A_520 : vector<16xi32> to vector<16xf32>
      %parallel_loop3A_523 = arith.mulf %parallel_loop3A_505, %parallel_loop3A_521 : vector<16xf32>
      %parallel_loop3A_524 = arith.mulf %parallel_loop3A_505, %parallel_loop3A_522 : vector<16xf32>
      %parallel_loop3A_525 = arith.constant 80 : i32
      %parallel_loop3A_526 = arith.addi %parallel_loop3A_366, %parallel_loop3A_525 : i32
      %parallel_loop3A_527 = arith.constant 1 : i32
      %parallel_loop3A_528 = arith.index_cast %parallel_loop3A_527 : i32 to index
      %parallel_loop3A_529 = arith.index_cast %parallel_loop3A_526 : i32 to index
      %parallel_loop3A_530 = tpu.vector_load %arg6[%parallel_loop3A_528, %parallel_loop3A_529] {strides = array<i32>} : memref<2x16384xf32, #tpu.memory_space<vmem>>, vector<1x16xf32>,
      %parallel_loop3A_531 = vector.shape_cast %parallel_loop3A_530 : vector<1x16xf32> to vector<16xf32>
      %parallel_loop3A_532 = arith.constant 80 : i32
      %parallel_loop3A_533 = arith.addi %parallel_loop3A_366, %parallel_loop3A_532 : i32
      %parallel_loop3A_534 = arith.constant 1 : i32
      %parallel_loop3A_535 = arith.index_cast %parallel_loop3A_534 : i32 to index
      %parallel_loop3A_536 = arith.index_cast %parallel_loop3A_533 : i32 to index
      %parallel_loop3A_537 = tpu.vector_load %arg7[%parallel_loop3A_535, %parallel_loop3A_536] {strides = array<i32>} : memref<2x16384xi32, #tpu.memory_space<vmem>>, vector<1x16xi32>,
      %parallel_loop3A_538 = vector.shape_cast %parallel_loop3A_537 : vector<1x16xi32> to vector<16xi32>
      %parallel_loop3A_539 = arith.constant 80 : i32
      %parallel_loop3A_540 = arith.addi %parallel_loop3A_366, %parallel_loop3A_539 : i32
      %parallel_loop3A_541 = arith.constant 1 : i32
      %parallel_loop3A_542 = arith.index_cast %parallel_loop3A_541 : i32 to index
      %parallel_loop3A_543 = arith.index_cast %parallel_loop3A_540 : i32 to index
      %parallel_loop3A_544 = tpu.vector_load %arg8[%parallel_loop3A_542, %parallel_loop3A_543] {strides = array<i32>} : memref<2x16384xi32, #tpu.memory_space<vmem>>, vector<1x16xi32>,
      %parallel_loop3A_545 = vector.shape_cast %parallel_loop3A_544 : vector<1x16xi32> to vector<16xi32>
      %parallel_loop3A_546 = arith.andi %parallel_loop3A_545, %parallel_loop3A_538 : vector<16xi32>
      %parallel_loop3A_547 = arith.sitofp %parallel_loop3A_545 : vector<16xi32> to vector<16xf32>
      %parallel_loop3A_548 = arith.sitofp %parallel_loop3A_546 : vector<16xi32> to vector<16xf32>
      %parallel_loop3A_549 = arith.mulf %parallel_loop3A_531, %parallel_loop3A_547 : vector<16xf32>
      %parallel_loop3A_550 = arith.mulf %parallel_loop3A_531, %parallel_loop3A_548 : vector<16xf32>
      %parallel_loop3A_551 = arith.constant 96 : i32
      %parallel_loop3A_552 = arith.addi %parallel_loop3A_366, %parallel_loop3A_551 : i32
      %parallel_loop3A_553 = arith.constant 1 : i32
      %parallel_loop3A_554 = arith.index_cast %parallel_loop3A_553 : i32 to index
      %parallel_loop3A_555 = arith.index_cast %parallel_loop3A_552 : i32 to index
      %parallel_loop3A_556 = tpu.vector_load %arg6[%parallel_loop3A_554, %parallel_loop3A_555] {strides = array<i32>} : memref<2x16384xf32, #tpu.memory_space<vmem>>, vector<1x16xf32>,
      %parallel_loop3A_557 = vector.shape_cast %parallel_loop3A_556 : vector<1x16xf32> to vector<16xf32>
      %parallel_loop3A_558 = arith.constant 96 : i32
      %parallel_loop3A_559 = arith.addi %parallel_loop3A_366, %parallel_loop3A_558 : i32
      %parallel_loop3A_560 = arith.constant 1 : i32
      %parallel_loop3A_561 = arith.index_cast %parallel_loop3A_560 : i32 to index
      %parallel_loop3A_562 = arith.index_cast %parallel_loop3A_559 : i32 to index
      %parallel_loop3A_563 = tpu.vector_load %arg7[%parallel_loop3A_561, %parallel_loop3A_562] {strides = array<i32>} : memref<2x16384xi32, #tpu.memory_space<vmem>>, vector<1x16xi32>,
      %parallel_loop3A_564 = vector.shape_cast %parallel_loop3A_563 : vector<1x16xi32> to vector<16xi32>
      %parallel_loop3A_565 = arith.constant 96 : i32
      %parallel_loop3A_566 = arith.addi %parallel_loop3A_366, %parallel_loop3A_565 : i32
      %parallel_loop3A_567 = arith.constant 1 : i32
      %parallel_loop3A_568 = arith.index_cast %parallel_loop3A_567 : i32 to index
      %parallel_loop3A_569 = arith.index_cast %parallel_loop3A_566 : i32 to index
      %parallel_loop3A_570 = tpu.vector_load %arg8[%parallel_loop3A_568, %parallel_loop3A_569] {strides = array<i32>} : memref<2x16384xi32, #tpu.memory_space<vmem>>, vector<1x16xi32>,
      %parallel_loop3A_571 = vector.shape_cast %parallel_loop3A_570 : vector<1x16xi32> to vector<16xi32>
      %parallel_loop3A_572 = arith.andi %parallel_loop3A_571, %parallel_loop3A_564 : vector<16xi32>
      %parallel_loop3A_573 = arith.sitofp %parallel_loop3A_571 : vector<16xi32> to vector<16xf32>
      %parallel_loop3A_574 = arith.sitofp %parallel_loop3A_572 : vector<16xi32> to vector<16xf32>
      %parallel_loop3A_575 = arith.mulf %parallel_loop3A_557, %parallel_loop3A_573 : vector<16xf32>
      %parallel_loop3A_576 = arith.mulf %parallel_loop3A_557, %parallel_loop3A_574 : vector<16xf32>
      %parallel_loop3A_577 = arith.constant 112 : i32
      %parallel_loop3A_578 = arith.addi %parallel_loop3A_366, %parallel_loop3A_577 : i32
      %parallel_loop3A_579 = arith.constant 1 : i32
      %parallel_loop3A_580 = arith.index_cast %parallel_loop3A_579 : i32 to index
      %parallel_loop3A_581 = arith.index_cast %parallel_loop3A_578 : i32 to index
      %parallel_loop3A_582 = tpu.vector_load %arg6[%parallel_loop3A_580, %parallel_loop3A_581] {strides = array<i32>} : memref<2x16384xf32, #tpu.memory_space<vmem>>, vector<1x16xf32>,
      %parallel_loop3A_583 = vector.shape_cast %parallel_loop3A_582 : vector<1x16xf32> to vector<16xf32>
      %parallel_loop3A_584 = arith.constant 112 : i32
      %parallel_loop3A_585 = arith.addi %parallel_loop3A_366, %parallel_loop3A_584 : i32
      %parallel_loop3A_586 = arith.constant 1 : i32
      %parallel_loop3A_587 = arith.index_cast %parallel_loop3A_586 : i32 to index
      %parallel_loop3A_588 = arith.index_cast %parallel_loop3A_585 : i32 to index
      %parallel_loop3A_589 = tpu.vector_load %arg7[%parallel_loop3A_587, %parallel_loop3A_588] {strides = array<i32>} : memref<2x16384xi32, #tpu.memory_space<vmem>>, vector<1x16xi32>,
      %parallel_loop3A_590 = vector.shape_cast %parallel_loop3A_589 : vector<1x16xi32> to vector<16xi32>
      %parallel_loop3A_591 = arith.constant 112 : i32
      %parallel_loop3A_592 = arith.addi %parallel_loop3A_366, %parallel_loop3A_591 : i32
      %parallel_loop3A_593 = arith.constant 1 : i32
      %parallel_loop3A_594 = arith.index_cast %parallel_loop3A_593 : i32 to index
      %parallel_loop3A_595 = arith.index_cast %parallel_loop3A_592 : i32 to index
      %parallel_loop3A_596 = tpu.vector_load %arg8[%parallel_loop3A_594, %parallel_loop3A_595] {strides = array<i32>} : memref<2x16384xi32, #tpu.memory_space<vmem>>, vector<1x16xi32>,
      %parallel_loop3A_597 = vector.shape_cast %parallel_loop3A_596 : vector<1x16xi32> to vector<16xi32>
      %parallel_loop3A_598 = arith.andi %parallel_loop3A_597, %parallel_loop3A_590 : vector<16xi32>
      %parallel_loop3A_599 = arith.sitofp %parallel_loop3A_597 : vector<16xi32> to vector<16xf32>
      %parallel_loop3A_600 = arith.sitofp %parallel_loop3A_598 : vector<16xi32> to vector<16xf32>
      %parallel_loop3A_601 = arith.mulf %parallel_loop3A_583, %parallel_loop3A_599 : vector<16xf32>
      %parallel_loop3A_602 = arith.mulf %parallel_loop3A_583, %parallel_loop3A_600 : vector<16xf32>
      %parallel_loop3A_603 = arith.addf %parallel_loop3A_419, %parallel_loop3A_445 : vector<16xf32>
      %parallel_loop3A_604 = arith.addf %parallel_loop3A_471, %parallel_loop3A_497 : vector<16xf32>
      %parallel_loop3A_605 = arith.addf %parallel_loop3A_523, %parallel_loop3A_549 : vector<16xf32>
      %parallel_loop3A_606 = arith.addf %parallel_loop3A_575, %parallel_loop3A_601 : vector<16xf32>
      %parallel_loop3A_607 = arith.addf %parallel_loop3A_603, %parallel_loop3A_604 : vector<16xf32>
      %parallel_loop3A_608 = arith.addf %parallel_loop3A_605, %parallel_loop3A_606 : vector<16xf32>
      %parallel_loop3A_609 = arith.addf %parallel_loop3A_607, %parallel_loop3A_608 : vector<16xf32>
      %parallel_loop3A_610 = arith.addf %parallel_loop3A_367, %parallel_loop3A_609 : vector<16xf32>
      %parallel_loop3A_611 = arith.addf %parallel_loop3A_417, %parallel_loop3A_443 : vector<16xf32>
      %parallel_loop3A_612 = arith.addf %parallel_loop3A_469, %parallel_loop3A_495 : vector<16xf32>
      %parallel_loop3A_613 = arith.addf %parallel_loop3A_521, %parallel_loop3A_547 : vector<16xf32>
      %parallel_loop3A_614 = arith.addf %parallel_loop3A_573, %parallel_loop3A_599 : vector<16xf32>
      %parallel_loop3A_615 = arith.addf %parallel_loop3A_611, %parallel_loop3A_612 : vector<16xf32>
      %parallel_loop3A_616 = arith.addf %parallel_loop3A_613, %parallel_loop3A_614 : vector<16xf32>
      %parallel_loop3A_617 = arith.addf %parallel_loop3A_615, %parallel_loop3A_616 : vector<16xf32>
      %parallel_loop3A_618 = arith.addf %parallel_loop3A_368, %parallel_loop3A_617 : vector<16xf32>
      %parallel_loop3A_619 = arith.addf %parallel_loop3A_420, %parallel_loop3A_446 : vector<16xf32>
      %parallel_loop3A_620 = arith.addf %parallel_loop3A_472, %parallel_loop3A_498 : vector<16xf32>
      %parallel_loop3A_621 = arith.addf %parallel_loop3A_524, %parallel_loop3A_550 : vector<16xf32>
      %parallel_loop3A_622 = arith.addf %parallel_loop3A_576, %parallel_loop3A_602 : vector<16xf32>
      %parallel_loop3A_623 = arith.addf %parallel_loop3A_619, %parallel_loop3A_620 : vector<16xf32>
      %parallel_loop3A_624 = arith.addf %parallel_loop3A_621, %parallel_loop3A_622 : vector<16xf32>
      %parallel_loop3A_625 = arith.addf %parallel_loop3A_623, %parallel_loop3A_624 : vector<16xf32>
      %parallel_loop3A_626 = arith.addf %parallel_loop3A_369, %parallel_loop3A_625 : vector<16xf32>
      %parallel_loop3A_627 = arith.addf %parallel_loop3A_418, %parallel_loop3A_444 : vector<16xf32>
      %parallel_loop3A_628 = arith.addf %parallel_loop3A_470, %parallel_loop3A_496 : vector<16xf32>
      %parallel_loop3A_629 = arith.addf %parallel_loop3A_522, %parallel_loop3A_548 : vector<16xf32>
      %parallel_loop3A_630 = arith.addf %parallel_loop3A_574, %parallel_loop3A_600 : vector<16xf32>
      %parallel_loop3A_631 = arith.addf %parallel_loop3A_627, %parallel_loop3A_628 : vector<16xf32>
      %parallel_loop3A_632 = arith.addf %parallel_loop3A_629, %parallel_loop3A_630 : vector<16xf32>
      %parallel_loop3A_633 = arith.addf %parallel_loop3A_631, %parallel_loop3A_632 : vector<16xf32>
      %parallel_loop3A_634 = arith.addf %parallel_loop3A_370, %parallel_loop3A_633 : vector<16xf32>
      scf.yield %parallel_loop3A_610, %parallel_loop3A_618, %parallel_loop3A_626, %parallel_loop3A_634 : vector<16xf32>, vector<16xf32>, vector<16xf32>, vector<16xf32>
    } {sc.loop_unroll_factor = 2 : i64, sc.parallel_access}
    %add3A_264 = arith.constant 114688 : i32
    %add3A_265 = arith.addi %add3A_4, %add3A_264 : i32
    %dma_wait3A_266 = arith.constant 0 : i32
    %dma_wait3A_267 = arith.constant 0 : i32
    %dma_wait3A_268 = tpu.memref_slice %arg6[%dma_wait3A_266, %dma_wait3A_267] : memref<2x16384xf32, #tpu.memory_space<vmem>> -> memref<1x16384xf32, #tpu.memory_space<vmem>>
    %dma_wait3A_269 = tpu.memref_squeeze %dma_wait3A_268 : memref<1x16384xf32, #tpu.memory_space<vmem>> -> memref<16384xf32, #tpu.memory_space<vmem>>
    %dma_wait3A_270 = arith.constant 0 : i32
    %dma_wait3A_271 = tpu.memref_slice %arg2[%dma_wait3A_270] : memref<8388608xf32, #tpu.memory_space<hbm>> -> memref<16384xf32, #tpu.memory_space<hbm>>
    %dma_wait3A_272 = arith.constant 0 : i32
    %dma_wait3A_273 = tpu.memref_slice %arg6[%dma_wait3A_266, %dma_wait3A_272] : memref<2x16384xf32, #tpu.memory_space<vmem>> -> memref<1x16384xf32, #tpu.memory_space<vmem>>
    %dma_wait3A_274 = tpu.memref_squeeze %dma_wait3A_273 : memref<1x16384xf32, #tpu.memory_space<vmem>> -> memref<16384xf32, #tpu.memory_space<vmem>>
    %dma_wait3A_275 = arith.constant 0 : i32
    %dma_wait3A_276 = tpu.memref_slice %arg2[%dma_wait3A_275] : memref<8388608xf32, #tpu.memory_space<hbm>> -> memref<16384xf32, #tpu.memory_space<hbm>>
    tpu.wait_dma2 semaphore(%arg10 : memref<!tpu.dma_semaphore, #tpu.memory_space<semaphore_mem>>) src(%dma_wait3A_276 : memref<16384xf32, #tpu.memory_space<hbm>>) dst(%dma_wait3A_274 : memref<16384xf32, #tpu.memory_space<vmem>>)
    %dma_wait3A_277 = arith.constant 0 : i32
    %dma_wait3A_278 = arith.constant 0 : i32
    %dma_wait3A_279 = tpu.memref_slice %arg7[%dma_wait3A_277, %dma_wait3A_278] : memref<2x16384xi32, #tpu.memory_space<vmem>> -> memref<1x16384xi32, #tpu.memory_space<vmem>>
    %dma_wait3A_280 = tpu.memref_squeeze %dma_wait3A_279 : memref<1x16384xi32, #tpu.memory_space<vmem>> -> memref<16384xi32, #tpu.memory_space<vmem>>
    %dma_wait3A_281 = arith.constant 0 : i32
    %dma_wait3A_282 = tpu.memref_slice %arg3[%dma_wait3A_281] : memref<8388608xi32, #tpu.memory_space<hbm>> -> memref<16384xi32, #tpu.memory_space<hbm>>
    %dma_wait3A_283 = arith.constant 0 : i32
    %dma_wait3A_284 = tpu.memref_slice %arg7[%dma_wait3A_277, %dma_wait3A_283] : memref<2x16384xi32, #tpu.memory_space<vmem>> -> memref<1x16384xi32, #tpu.memory_space<vmem>>
    %dma_wait3A_285 = tpu.memref_squeeze %dma_wait3A_284 : memref<1x16384xi32, #tpu.memory_space<vmem>> -> memref<16384xi32, #tpu.memory_space<vmem>>
    %dma_wait3A_286 = arith.constant 0 : i32
    %dma_wait3A_287 = tpu.memref_slice %arg3[%dma_wait3A_286] : memref<8388608xi32, #tpu.memory_space<hbm>> -> memref<16384xi32, #tpu.memory_space<hbm>>
    tpu.wait_dma2 semaphore(%arg10 : memref<!tpu.dma_semaphore, #tpu.memory_space<semaphore_mem>>) src(%dma_wait3A_287 : memref<16384xi32, #tpu.memory_space<hbm>>) dst(%dma_wait3A_285 : memref<16384xi32, #tpu.memory_space<vmem>>)
    %dma_wait3A_288 = arith.constant 0 : i32
    %dma_wait3A_289 = arith.constant 0 : i32
    %dma_wait3A_290 = tpu.memref_slice %arg8[%dma_wait3A_288, %dma_wait3A_289] : memref<2x16384xi32, #tpu.memory_space<vmem>> -> memref<1x16384xi32, #tpu.memory_space<vmem>>
    %dma_wait3A_291 = tpu.memref_squeeze %dma_wait3A_290 : memref<1x16384xi32, #tpu.memory_space<vmem>> -> memref<16384xi32, #tpu.memory_space<vmem>>
    %dma_wait3A_292 = arith.constant 0 : i32
    %dma_wait3A_293 = tpu.memref_slice %arg4[%dma_wait3A_292] : memref<8388608xi32, #tpu.memory_space<hbm>> -> memref<16384xi32, #tpu.memory_space<hbm>>
    %dma_wait3A_294 = arith.constant 0 : i32
    %dma_wait3A_295 = tpu.memref_slice %arg8[%dma_wait3A_288, %dma_wait3A_294] : memref<2x16384xi32, #tpu.memory_space<vmem>> -> memref<1x16384xi32, #tpu.memory_space<vmem>>
    %dma_wait3A_296 = tpu.memref_squeeze %dma_wait3A_295 : memref<1x16384xi32, #tpu.memory_space<vmem>> -> memref<16384xi32, #tpu.memory_space<vmem>>
    %dma_wait3A_297 = arith.constant 0 : i32
    %dma_wait3A_298 = tpu.memref_slice %arg4[%dma_wait3A_297] : memref<8388608xi32, #tpu.memory_space<hbm>> -> memref<16384xi32, #tpu.memory_space<hbm>>
    tpu.wait_dma2 semaphore(%arg10 : memref<!tpu.dma_semaphore, #tpu.memory_space<semaphore_mem>>) src(%dma_wait3A_298 : memref<16384xi32, #tpu.memory_space<hbm>>) dst(%dma_wait3A_296 : memref<16384xi32, #tpu.memory_space<vmem>>)
    %parallel_loop3A_299 = arith.constant 0 : i32
    %parallel_loop3A_300 = arith.constant 16384 : i32
    %parallel_loop3A_301 = arith.constant 128 : i32
    %parallel_loop3A_302:4 = scf.for %parallel_loop3A_366 = %parallel_loop3A_299 to %parallel_loop3A_300 step %parallel_loop3A_301 iter_args(%parallel_loop3A_367 = %parallel_loop3A_263#0, %parallel_loop3A_368 = %parallel_loop3A_263#1, %parallel_loop3A_369 = %parallel_loop3A_263#2, %parallel_loop3A_370 = %parallel_loop3A_263#3) -> (vector<16xf32>, vector<16xf32>, vector<16xf32>, vector<16xf32>)  : i32 {
      %parallel_loop3A_371 = arith.addi %add3A_265, %parallel_loop3A_366 : i32
      %parallel_loop3A_372 = arith.constant 1 : i32
      %parallel_loop3A_373 = tpu.memref_slice %arg6[%parallel_loop3A_372, %parallel_loop3A_366] : memref<2x16384xf32, #tpu.memory_space<vmem>> -> memref<1x128xf32, #tpu.memory_space<vmem>>
      %parallel_loop3A_374 = tpu.memref_squeeze %parallel_loop3A_373 : memref<1x128xf32, #tpu.memory_space<vmem>> -> memref<128xf32, #tpu.memory_space<vmem>>
      %parallel_loop3A_375 = tpu.memref_slice %arg2[%parallel_loop3A_371] : memref<8388608xf32, #tpu.memory_space<hbm>> -> memref<128xf32, #tpu.memory_space<hbm>>
      %parallel_loop3A_376 = tpu.memref_slice %arg6[%parallel_loop3A_372, %parallel_loop3A_366] : memref<2x16384xf32, #tpu.memory_space<vmem>> -> memref<1x128xf32, #tpu.memory_space<vmem>>
      %parallel_loop3A_377 = tpu.memref_squeeze %parallel_loop3A_376 : memref<1x128xf32, #tpu.memory_space<vmem>> -> memref<128xf32, #tpu.memory_space<vmem>>
      %parallel_loop3A_378 = tpu.memref_slice %arg2[%parallel_loop3A_371] : memref<8388608xf32, #tpu.memory_space<hbm>> -> memref<128xf32, #tpu.memory_space<hbm>>
      tpu.enqueue_dma source(%parallel_loop3A_378 : memref<128xf32, #tpu.memory_space<hbm>>) target(%parallel_loop3A_377 : memref<128xf32, #tpu.memory_space<vmem>>) target_semaphore(%arg11 : memref<!tpu.dma_semaphore, #tpu.memory_space<semaphore_mem>>)
      %parallel_loop3A_379 = arith.addi %add3A_265, %parallel_loop3A_366 : i32
      %parallel_loop3A_380 = arith.constant 1 : i32
      %parallel_loop3A_381 = tpu.memref_slice %arg7[%parallel_loop3A_380, %parallel_loop3A_366] : memref<2x16384xi32, #tpu.memory_space<vmem>> -> memref<1x128xi32, #tpu.memory_space<vmem>>
      %parallel_loop3A_382 = tpu.memref_squeeze %parallel_loop3A_381 : memref<1x128xi32, #tpu.memory_space<vmem>> -> memref<128xi32, #tpu.memory_space<vmem>>
      %parallel_loop3A_383 = tpu.memref_slice %arg3[%parallel_loop3A_379] : memref<8388608xi32, #tpu.memory_space<hbm>> -> memref<128xi32, #tpu.memory_space<hbm>>
      %parallel_loop3A_384 = tpu.memref_slice %arg7[%parallel_loop3A_380, %parallel_loop3A_366] : memref<2x16384xi32, #tpu.memory_space<vmem>> -> memref<1x128xi32, #tpu.memory_space<vmem>>
      %parallel_loop3A_385 = tpu.memref_squeeze %parallel_loop3A_384 : memref<1x128xi32, #tpu.memory_space<vmem>> -> memref<128xi32, #tpu.memory_space<vmem>>
      %parallel_loop3A_386 = tpu.memref_slice %arg3[%parallel_loop3A_379] : memref<8388608xi32, #tpu.memory_space<hbm>> -> memref<128xi32, #tpu.memory_space<hbm>>
      tpu.enqueue_dma source(%parallel_loop3A_386 : memref<128xi32, #tpu.memory_space<hbm>>) target(%parallel_loop3A_385 : memref<128xi32, #tpu.memory_space<vmem>>) target_semaphore(%arg11 : memref<!tpu.dma_semaphore, #tpu.memory_space<semaphore_mem>>)
      %parallel_loop3A_387 = arith.addi %add3A_265, %parallel_loop3A_366 : i32
      %parallel_loop3A_388 = arith.constant 1 : i32
      %parallel_loop3A_389 = tpu.memref_slice %arg8[%parallel_loop3A_388, %parallel_loop3A_366] : memref<2x16384xi32, #tpu.memory_space<vmem>> -> memref<1x128xi32, #tpu.memory_space<vmem>>
      %parallel_loop3A_390 = tpu.memref_squeeze %parallel_loop3A_389 : memref<1x128xi32, #tpu.memory_space<vmem>> -> memref<128xi32, #tpu.memory_space<vmem>>
      %parallel_loop3A_391 = tpu.memref_slice %arg4[%parallel_loop3A_387] : memref<8388608xi32, #tpu.memory_space<hbm>> -> memref<128xi32, #tpu.memory_space<hbm>>
      %parallel_loop3A_392 = tpu.memref_slice %arg8[%parallel_loop3A_388, %parallel_loop3A_366] : memref<2x16384xi32, #tpu.memory_space<vmem>> -> memref<1x128xi32, #tpu.memory_space<vmem>>
      %parallel_loop3A_393 = tpu.memref_squeeze %parallel_loop3A_392 : memref<1x128xi32, #tpu.memory_space<vmem>> -> memref<128xi32, #tpu.memory_space<vmem>>
      %parallel_loop3A_394 = tpu.memref_slice %arg4[%parallel_loop3A_387] : memref<8388608xi32, #tpu.memory_space<hbm>> -> memref<128xi32, #tpu.memory_space<hbm>>
      tpu.enqueue_dma source(%parallel_loop3A_394 : memref<128xi32, #tpu.memory_space<hbm>>) target(%parallel_loop3A_393 : memref<128xi32, #tpu.memory_space<vmem>>) target_semaphore(%arg11 : memref<!tpu.dma_semaphore, #tpu.memory_space<semaphore_mem>>)
      %parallel_loop3A_395 = arith.constant 0 : i32
      %parallel_loop3A_396 = arith.addi %parallel_loop3A_366, %parallel_loop3A_395 : i32
      %parallel_loop3A_397 = arith.constant 0 : i32
      %parallel_loop3A_398 = arith.index_cast %parallel_loop3A_397 : i32 to index
      %parallel_loop3A_399 = arith.index_cast %parallel_loop3A_396 : i32 to index
      %parallel_loop3A_400 = tpu.vector_load %arg6[%parallel_loop3A_398, %parallel_loop3A_399] {strides = array<i32>} : memref<2x16384xf32, #tpu.memory_space<vmem>>, vector<1x16xf32>,
      %parallel_loop3A_401 = vector.shape_cast %parallel_loop3A_400 : vector<1x16xf32> to vector<16xf32>
      %parallel_loop3A_402 = arith.constant 0 : i32
      %parallel_loop3A_403 = arith.addi %parallel_loop3A_366, %parallel_loop3A_402 : i32
      %parallel_loop3A_404 = arith.constant 0 : i32
      %parallel_loop3A_405 = arith.index_cast %parallel_loop3A_404 : i32 to index
      %parallel_loop3A_406 = arith.index_cast %parallel_loop3A_403 : i32 to index
      %parallel_loop3A_407 = tpu.vector_load %arg7[%parallel_loop3A_405, %parallel_loop3A_406] {strides = array<i32>} : memref<2x16384xi32, #tpu.memory_space<vmem>>, vector<1x16xi32>,
      %parallel_loop3A_408 = vector.shape_cast %parallel_loop3A_407 : vector<1x16xi32> to vector<16xi32>
      %parallel_loop3A_409 = arith.constant 0 : i32
      %parallel_loop3A_410 = arith.addi %parallel_loop3A_366, %parallel_loop3A_409 : i32
      %parallel_loop3A_411 = arith.constant 0 : i32
      %parallel_loop3A_412 = arith.index_cast %parallel_loop3A_411 : i32 to index
      %parallel_loop3A_413 = arith.index_cast %parallel_loop3A_410 : i32 to index
      %parallel_loop3A_414 = tpu.vector_load %arg8[%parallel_loop3A_412, %parallel_loop3A_413] {strides = array<i32>} : memref<2x16384xi32, #tpu.memory_space<vmem>>, vector<1x16xi32>,
      %parallel_loop3A_415 = vector.shape_cast %parallel_loop3A_414 : vector<1x16xi32> to vector<16xi32>
      %parallel_loop3A_416 = arith.andi %parallel_loop3A_415, %parallel_loop3A_408 : vector<16xi32>
      %parallel_loop3A_417 = arith.sitofp %parallel_loop3A_415 : vector<16xi32> to vector<16xf32>
      %parallel_loop3A_418 = arith.sitofp %parallel_loop3A_416 : vector<16xi32> to vector<16xf32>
      %parallel_loop3A_419 = arith.mulf %parallel_loop3A_401, %parallel_loop3A_417 : vector<16xf32>
      %parallel_loop3A_420 = arith.mulf %parallel_loop3A_401, %parallel_loop3A_418 : vector<16xf32>
      %parallel_loop3A_421 = arith.constant 16 : i32
      %parallel_loop3A_422 = arith.addi %parallel_loop3A_366, %parallel_loop3A_421 : i32
      %parallel_loop3A_423 = arith.constant 0 : i32
      %parallel_loop3A_424 = arith.index_cast %parallel_loop3A_423 : i32 to index
      %parallel_loop3A_425 = arith.index_cast %parallel_loop3A_422 : i32 to index
      %parallel_loop3A_426 = tpu.vector_load %arg6[%parallel_loop3A_424, %parallel_loop3A_425] {strides = array<i32>} : memref<2x16384xf32, #tpu.memory_space<vmem>>, vector<1x16xf32>,
      %parallel_loop3A_427 = vector.shape_cast %parallel_loop3A_426 : vector<1x16xf32> to vector<16xf32>
      %parallel_loop3A_428 = arith.constant 16 : i32
      %parallel_loop3A_429 = arith.addi %parallel_loop3A_366, %parallel_loop3A_428 : i32
      %parallel_loop3A_430 = arith.constant 0 : i32
      %parallel_loop3A_431 = arith.index_cast %parallel_loop3A_430 : i32 to index
      %parallel_loop3A_432 = arith.index_cast %parallel_loop3A_429 : i32 to index
      %parallel_loop3A_433 = tpu.vector_load %arg7[%parallel_loop3A_431, %parallel_loop3A_432] {strides = array<i32>} : memref<2x16384xi32, #tpu.memory_space<vmem>>, vector<1x16xi32>,
      %parallel_loop3A_434 = vector.shape_cast %parallel_loop3A_433 : vector<1x16xi32> to vector<16xi32>
      %parallel_loop3A_435 = arith.constant 16 : i32
      %parallel_loop3A_436 = arith.addi %parallel_loop3A_366, %parallel_loop3A_435 : i32
      %parallel_loop3A_437 = arith.constant 0 : i32
      %parallel_loop3A_438 = arith.index_cast %parallel_loop3A_437 : i32 to index
      %parallel_loop3A_439 = arith.index_cast %parallel_loop3A_436 : i32 to index
      %parallel_loop3A_440 = tpu.vector_load %arg8[%parallel_loop3A_438, %parallel_loop3A_439] {strides = array<i32>} : memref<2x16384xi32, #tpu.memory_space<vmem>>, vector<1x16xi32>,
      %parallel_loop3A_441 = vector.shape_cast %parallel_loop3A_440 : vector<1x16xi32> to vector<16xi32>
      %parallel_loop3A_442 = arith.andi %parallel_loop3A_441, %parallel_loop3A_434 : vector<16xi32>
      %parallel_loop3A_443 = arith.sitofp %parallel_loop3A_441 : vector<16xi32> to vector<16xf32>
      %parallel_loop3A_444 = arith.sitofp %parallel_loop3A_442 : vector<16xi32> to vector<16xf32>
      %parallel_loop3A_445 = arith.mulf %parallel_loop3A_427, %parallel_loop3A_443 : vector<16xf32>
      %parallel_loop3A_446 = arith.mulf %parallel_loop3A_427, %parallel_loop3A_444 : vector<16xf32>
      %parallel_loop3A_447 = arith.constant 32 : i32
      %parallel_loop3A_448 = arith.addi %parallel_loop3A_366, %parallel_loop3A_447 : i32
      %parallel_loop3A_449 = arith.constant 0 : i32
      %parallel_loop3A_450 = arith.index_cast %parallel_loop3A_449 : i32 to index
      %parallel_loop3A_451 = arith.index_cast %parallel_loop3A_448 : i32 to index
      %parallel_loop3A_452 = tpu.vector_load %arg6[%parallel_loop3A_450, %parallel_loop3A_451] {strides = array<i32>} : memref<2x16384xf32, #tpu.memory_space<vmem>>, vector<1x16xf32>,
      %parallel_loop3A_453 = vector.shape_cast %parallel_loop3A_452 : vector<1x16xf32> to vector<16xf32>
      %parallel_loop3A_454 = arith.constant 32 : i32
      %parallel_loop3A_455 = arith.addi %parallel_loop3A_366, %parallel_loop3A_454 : i32
      %parallel_loop3A_456 = arith.constant 0 : i32
      %parallel_loop3A_457 = arith.index_cast %parallel_loop3A_456 : i32 to index
      %parallel_loop3A_458 = arith.index_cast %parallel_loop3A_455 : i32 to index
      %parallel_loop3A_459 = tpu.vector_load %arg7[%parallel_loop3A_457, %parallel_loop3A_458] {strides = array<i32>} : memref<2x16384xi32, #tpu.memory_space<vmem>>, vector<1x16xi32>,
      %parallel_loop3A_460 = vector.shape_cast %parallel_loop3A_459 : vector<1x16xi32> to vector<16xi32>
      %parallel_loop3A_461 = arith.constant 32 : i32
      %parallel_loop3A_462 = arith.addi %parallel_loop3A_366, %parallel_loop3A_461 : i32
      %parallel_loop3A_463 = arith.constant 0 : i32
      %parallel_loop3A_464 = arith.index_cast %parallel_loop3A_463 : i32 to index
      %parallel_loop3A_465 = arith.index_cast %parallel_loop3A_462 : i32 to index
      %parallel_loop3A_466 = tpu.vector_load %arg8[%parallel_loop3A_464, %parallel_loop3A_465] {strides = array<i32>} : memref<2x16384xi32, #tpu.memory_space<vmem>>, vector<1x16xi32>,
      %parallel_loop3A_467 = vector.shape_cast %parallel_loop3A_466 : vector<1x16xi32> to vector<16xi32>
      %parallel_loop3A_468 = arith.andi %parallel_loop3A_467, %parallel_loop3A_460 : vector<16xi32>
      %parallel_loop3A_469 = arith.sitofp %parallel_loop3A_467 : vector<16xi32> to vector<16xf32>
      %parallel_loop3A_470 = arith.sitofp %parallel_loop3A_468 : vector<16xi32> to vector<16xf32>
      %parallel_loop3A_471 = arith.mulf %parallel_loop3A_453, %parallel_loop3A_469 : vector<16xf32>
      %parallel_loop3A_472 = arith.mulf %parallel_loop3A_453, %parallel_loop3A_470 : vector<16xf32>
      %parallel_loop3A_473 = arith.constant 48 : i32
      %parallel_loop3A_474 = arith.addi %parallel_loop3A_366, %parallel_loop3A_473 : i32
      %parallel_loop3A_475 = arith.constant 0 : i32
      %parallel_loop3A_476 = arith.index_cast %parallel_loop3A_475 : i32 to index
      %parallel_loop3A_477 = arith.index_cast %parallel_loop3A_474 : i32 to index
      %parallel_loop3A_478 = tpu.vector_load %arg6[%parallel_loop3A_476, %parallel_loop3A_477] {strides = array<i32>} : memref<2x16384xf32, #tpu.memory_space<vmem>>, vector<1x16xf32>,
      %parallel_loop3A_479 = vector.shape_cast %parallel_loop3A_478 : vector<1x16xf32> to vector<16xf32>
      %parallel_loop3A_480 = arith.constant 48 : i32
      %parallel_loop3A_481 = arith.addi %parallel_loop3A_366, %parallel_loop3A_480 : i32
      %parallel_loop3A_482 = arith.constant 0 : i32
      %parallel_loop3A_483 = arith.index_cast %parallel_loop3A_482 : i32 to index
      %parallel_loop3A_484 = arith.index_cast %parallel_loop3A_481 : i32 to index
      %parallel_loop3A_485 = tpu.vector_load %arg7[%parallel_loop3A_483, %parallel_loop3A_484] {strides = array<i32>} : memref<2x16384xi32, #tpu.memory_space<vmem>>, vector<1x16xi32>,
      %parallel_loop3A_486 = vector.shape_cast %parallel_loop3A_485 : vector<1x16xi32> to vector<16xi32>
      %parallel_loop3A_487 = arith.constant 48 : i32
      %parallel_loop3A_488 = arith.addi %parallel_loop3A_366, %parallel_loop3A_487 : i32
      %parallel_loop3A_489 = arith.constant 0 : i32
      %parallel_loop3A_490 = arith.index_cast %parallel_loop3A_489 : i32 to index
      %parallel_loop3A_491 = arith.index_cast %parallel_loop3A_488 : i32 to index
      %parallel_loop3A_492 = tpu.vector_load %arg8[%parallel_loop3A_490, %parallel_loop3A_491] {strides = array<i32>} : memref<2x16384xi32, #tpu.memory_space<vmem>>, vector<1x16xi32>,
      %parallel_loop3A_493 = vector.shape_cast %parallel_loop3A_492 : vector<1x16xi32> to vector<16xi32>
      %parallel_loop3A_494 = arith.andi %parallel_loop3A_493, %parallel_loop3A_486 : vector<16xi32>
      %parallel_loop3A_495 = arith.sitofp %parallel_loop3A_493 : vector<16xi32> to vector<16xf32>
      %parallel_loop3A_496 = arith.sitofp %parallel_loop3A_494 : vector<16xi32> to vector<16xf32>
      %parallel_loop3A_497 = arith.mulf %parallel_loop3A_479, %parallel_loop3A_495 : vector<16xf32>
      %parallel_loop3A_498 = arith.mulf %parallel_loop3A_479, %parallel_loop3A_496 : vector<16xf32>
      %parallel_loop3A_499 = arith.constant 64 : i32
      %parallel_loop3A_500 = arith.addi %parallel_loop3A_366, %parallel_loop3A_499 : i32
      %parallel_loop3A_501 = arith.constant 0 : i32
      %parallel_loop3A_502 = arith.index_cast %parallel_loop3A_501 : i32 to index
      %parallel_loop3A_503 = arith.index_cast %parallel_loop3A_500 : i32 to index
      %parallel_loop3A_504 = tpu.vector_load %arg6[%parallel_loop3A_502, %parallel_loop3A_503] {strides = array<i32>} : memref<2x16384xf32, #tpu.memory_space<vmem>>, vector<1x16xf32>,
      %parallel_loop3A_505 = vector.shape_cast %parallel_loop3A_504 : vector<1x16xf32> to vector<16xf32>
      %parallel_loop3A_506 = arith.constant 64 : i32
      %parallel_loop3A_507 = arith.addi %parallel_loop3A_366, %parallel_loop3A_506 : i32
      %parallel_loop3A_508 = arith.constant 0 : i32
      %parallel_loop3A_509 = arith.index_cast %parallel_loop3A_508 : i32 to index
      %parallel_loop3A_510 = arith.index_cast %parallel_loop3A_507 : i32 to index
      %parallel_loop3A_511 = tpu.vector_load %arg7[%parallel_loop3A_509, %parallel_loop3A_510] {strides = array<i32>} : memref<2x16384xi32, #tpu.memory_space<vmem>>, vector<1x16xi32>,
      %parallel_loop3A_512 = vector.shape_cast %parallel_loop3A_511 : vector<1x16xi32> to vector<16xi32>
      %parallel_loop3A_513 = arith.constant 64 : i32
      %parallel_loop3A_514 = arith.addi %parallel_loop3A_366, %parallel_loop3A_513 : i32
      %parallel_loop3A_515 = arith.constant 0 : i32
      %parallel_loop3A_516 = arith.index_cast %parallel_loop3A_515 : i32 to index
      %parallel_loop3A_517 = arith.index_cast %parallel_loop3A_514 : i32 to index
      %parallel_loop3A_518 = tpu.vector_load %arg8[%parallel_loop3A_516, %parallel_loop3A_517] {strides = array<i32>} : memref<2x16384xi32, #tpu.memory_space<vmem>>, vector<1x16xi32>,
      %parallel_loop3A_519 = vector.shape_cast %parallel_loop3A_518 : vector<1x16xi32> to vector<16xi32>
      %parallel_loop3A_520 = arith.andi %parallel_loop3A_519, %parallel_loop3A_512 : vector<16xi32>
      %parallel_loop3A_521 = arith.sitofp %parallel_loop3A_519 : vector<16xi32> to vector<16xf32>
      %parallel_loop3A_522 = arith.sitofp %parallel_loop3A_520 : vector<16xi32> to vector<16xf32>
      %parallel_loop3A_523 = arith.mulf %parallel_loop3A_505, %parallel_loop3A_521 : vector<16xf32>
      %parallel_loop3A_524 = arith.mulf %parallel_loop3A_505, %parallel_loop3A_522 : vector<16xf32>
      %parallel_loop3A_525 = arith.constant 80 : i32
      %parallel_loop3A_526 = arith.addi %parallel_loop3A_366, %parallel_loop3A_525 : i32
      %parallel_loop3A_527 = arith.constant 0 : i32
      %parallel_loop3A_528 = arith.index_cast %parallel_loop3A_527 : i32 to index
      %parallel_loop3A_529 = arith.index_cast %parallel_loop3A_526 : i32 to index
      %parallel_loop3A_530 = tpu.vector_load %arg6[%parallel_loop3A_528, %parallel_loop3A_529] {strides = array<i32>} : memref<2x16384xf32, #tpu.memory_space<vmem>>, vector<1x16xf32>,
      %parallel_loop3A_531 = vector.shape_cast %parallel_loop3A_530 : vector<1x16xf32> to vector<16xf32>
      %parallel_loop3A_532 = arith.constant 80 : i32
      %parallel_loop3A_533 = arith.addi %parallel_loop3A_366, %parallel_loop3A_532 : i32
      %parallel_loop3A_534 = arith.constant 0 : i32
      %parallel_loop3A_535 = arith.index_cast %parallel_loop3A_534 : i32 to index
      %parallel_loop3A_536 = arith.index_cast %parallel_loop3A_533 : i32 to index
      %parallel_loop3A_537 = tpu.vector_load %arg7[%parallel_loop3A_535, %parallel_loop3A_536] {strides = array<i32>} : memref<2x16384xi32, #tpu.memory_space<vmem>>, vector<1x16xi32>,
      %parallel_loop3A_538 = vector.shape_cast %parallel_loop3A_537 : vector<1x16xi32> to vector<16xi32>
      %parallel_loop3A_539 = arith.constant 80 : i32
      %parallel_loop3A_540 = arith.addi %parallel_loop3A_366, %parallel_loop3A_539 : i32
      %parallel_loop3A_541 = arith.constant 0 : i32
      %parallel_loop3A_542 = arith.index_cast %parallel_loop3A_541 : i32 to index
      %parallel_loop3A_543 = arith.index_cast %parallel_loop3A_540 : i32 to index
      %parallel_loop3A_544 = tpu.vector_load %arg8[%parallel_loop3A_542, %parallel_loop3A_543] {strides = array<i32>} : memref<2x16384xi32, #tpu.memory_space<vmem>>, vector<1x16xi32>,
      %parallel_loop3A_545 = vector.shape_cast %parallel_loop3A_544 : vector<1x16xi32> to vector<16xi32>
      %parallel_loop3A_546 = arith.andi %parallel_loop3A_545, %parallel_loop3A_538 : vector<16xi32>
      %parallel_loop3A_547 = arith.sitofp %parallel_loop3A_545 : vector<16xi32> to vector<16xf32>
      %parallel_loop3A_548 = arith.sitofp %parallel_loop3A_546 : vector<16xi32> to vector<16xf32>
      %parallel_loop3A_549 = arith.mulf %parallel_loop3A_531, %parallel_loop3A_547 : vector<16xf32>
      %parallel_loop3A_550 = arith.mulf %parallel_loop3A_531, %parallel_loop3A_548 : vector<16xf32>
      %parallel_loop3A_551 = arith.constant 96 : i32
      %parallel_loop3A_552 = arith.addi %parallel_loop3A_366, %parallel_loop3A_551 : i32
      %parallel_loop3A_553 = arith.constant 0 : i32
      %parallel_loop3A_554 = arith.index_cast %parallel_loop3A_553 : i32 to index
      %parallel_loop3A_555 = arith.index_cast %parallel_loop3A_552 : i32 to index
      %parallel_loop3A_556 = tpu.vector_load %arg6[%parallel_loop3A_554, %parallel_loop3A_555] {strides = array<i32>} : memref<2x16384xf32, #tpu.memory_space<vmem>>, vector<1x16xf32>,
      %parallel_loop3A_557 = vector.shape_cast %parallel_loop3A_556 : vector<1x16xf32> to vector<16xf32>
      %parallel_loop3A_558 = arith.constant 96 : i32
      %parallel_loop3A_559 = arith.addi %parallel_loop3A_366, %parallel_loop3A_558 : i32
      %parallel_loop3A_560 = arith.constant 0 : i32
      %parallel_loop3A_561 = arith.index_cast %parallel_loop3A_560 : i32 to index
      %parallel_loop3A_562 = arith.index_cast %parallel_loop3A_559 : i32 to index
      %parallel_loop3A_563 = tpu.vector_load %arg7[%parallel_loop3A_561, %parallel_loop3A_562] {strides = array<i32>} : memref<2x16384xi32, #tpu.memory_space<vmem>>, vector<1x16xi32>,
      %parallel_loop3A_564 = vector.shape_cast %parallel_loop3A_563 : vector<1x16xi32> to vector<16xi32>
      %parallel_loop3A_565 = arith.constant 96 : i32
      %parallel_loop3A_566 = arith.addi %parallel_loop3A_366, %parallel_loop3A_565 : i32
      %parallel_loop3A_567 = arith.constant 0 : i32
      %parallel_loop3A_568 = arith.index_cast %parallel_loop3A_567 : i32 to index
      %parallel_loop3A_569 = arith.index_cast %parallel_loop3A_566 : i32 to index
      %parallel_loop3A_570 = tpu.vector_load %arg8[%parallel_loop3A_568, %parallel_loop3A_569] {strides = array<i32>} : memref<2x16384xi32, #tpu.memory_space<vmem>>, vector<1x16xi32>,
      %parallel_loop3A_571 = vector.shape_cast %parallel_loop3A_570 : vector<1x16xi32> to vector<16xi32>
      %parallel_loop3A_572 = arith.andi %parallel_loop3A_571, %parallel_loop3A_564 : vector<16xi32>
      %parallel_loop3A_573 = arith.sitofp %parallel_loop3A_571 : vector<16xi32> to vector<16xf32>
      %parallel_loop3A_574 = arith.sitofp %parallel_loop3A_572 : vector<16xi32> to vector<16xf32>
      %parallel_loop3A_575 = arith.mulf %parallel_loop3A_557, %parallel_loop3A_573 : vector<16xf32>
      %parallel_loop3A_576 = arith.mulf %parallel_loop3A_557, %parallel_loop3A_574 : vector<16xf32>
      %parallel_loop3A_577 = arith.constant 112 : i32
      %parallel_loop3A_578 = arith.addi %parallel_loop3A_366, %parallel_loop3A_577 : i32
      %parallel_loop3A_579 = arith.constant 0 : i32
      %parallel_loop3A_580 = arith.index_cast %parallel_loop3A_579 : i32 to index
      %parallel_loop3A_581 = arith.index_cast %parallel_loop3A_578 : i32 to index
      %parallel_loop3A_582 = tpu.vector_load %arg6[%parallel_loop3A_580, %parallel_loop3A_581] {strides = array<i32>} : memref<2x16384xf32, #tpu.memory_space<vmem>>, vector<1x16xf32>,
      %parallel_loop3A_583 = vector.shape_cast %parallel_loop3A_582 : vector<1x16xf32> to vector<16xf32>
      %parallel_loop3A_584 = arith.constant 112 : i32
      %parallel_loop3A_585 = arith.addi %parallel_loop3A_366, %parallel_loop3A_584 : i32
      %parallel_loop3A_586 = arith.constant 0 : i32
      %parallel_loop3A_587 = arith.index_cast %parallel_loop3A_586 : i32 to index
      %parallel_loop3A_588 = arith.index_cast %parallel_loop3A_585 : i32 to index
      %parallel_loop3A_589 = tpu.vector_load %arg7[%parallel_loop3A_587, %parallel_loop3A_588] {strides = array<i32>} : memref<2x16384xi32, #tpu.memory_space<vmem>>, vector<1x16xi32>,
      %parallel_loop3A_590 = vector.shape_cast %parallel_loop3A_589 : vector<1x16xi32> to vector<16xi32>
      %parallel_loop3A_591 = arith.constant 112 : i32
      %parallel_loop3A_592 = arith.addi %parallel_loop3A_366, %parallel_loop3A_591 : i32
      %parallel_loop3A_593 = arith.constant 0 : i32
      %parallel_loop3A_594 = arith.index_cast %parallel_loop3A_593 : i32 to index
      %parallel_loop3A_595 = arith.index_cast %parallel_loop3A_592 : i32 to index
      %parallel_loop3A_596 = tpu.vector_load %arg8[%parallel_loop3A_594, %parallel_loop3A_595] {strides = array<i32>} : memref<2x16384xi32, #tpu.memory_space<vmem>>, vector<1x16xi32>,
      %parallel_loop3A_597 = vector.shape_cast %parallel_loop3A_596 : vector<1x16xi32> to vector<16xi32>
      %parallel_loop3A_598 = arith.andi %parallel_loop3A_597, %parallel_loop3A_590 : vector<16xi32>
      %parallel_loop3A_599 = arith.sitofp %parallel_loop3A_597 : vector<16xi32> to vector<16xf32>
      %parallel_loop3A_600 = arith.sitofp %parallel_loop3A_598 : vector<16xi32> to vector<16xf32>
      %parallel_loop3A_601 = arith.mulf %parallel_loop3A_583, %parallel_loop3A_599 : vector<16xf32>
      %parallel_loop3A_602 = arith.mulf %parallel_loop3A_583, %parallel_loop3A_600 : vector<16xf32>
      %parallel_loop3A_603 = arith.addf %parallel_loop3A_419, %parallel_loop3A_445 : vector<16xf32>
      %parallel_loop3A_604 = arith.addf %parallel_loop3A_471, %parallel_loop3A_497 : vector<16xf32>
      %parallel_loop3A_605 = arith.addf %parallel_loop3A_523, %parallel_loop3A_549 : vector<16xf32>
      %parallel_loop3A_606 = arith.addf %parallel_loop3A_575, %parallel_loop3A_601 : vector<16xf32>
      %parallel_loop3A_607 = arith.addf %parallel_loop3A_603, %parallel_loop3A_604 : vector<16xf32>
      %parallel_loop3A_608 = arith.addf %parallel_loop3A_605, %parallel_loop3A_606 : vector<16xf32>
      %parallel_loop3A_609 = arith.addf %parallel_loop3A_607, %parallel_loop3A_608 : vector<16xf32>
      %parallel_loop3A_610 = arith.addf %parallel_loop3A_367, %parallel_loop3A_609 : vector<16xf32>
      %parallel_loop3A_611 = arith.addf %parallel_loop3A_417, %parallel_loop3A_443 : vector<16xf32>
      %parallel_loop3A_612 = arith.addf %parallel_loop3A_469, %parallel_loop3A_495 : vector<16xf32>
      %parallel_loop3A_613 = arith.addf %parallel_loop3A_521, %parallel_loop3A_547 : vector<16xf32>
      %parallel_loop3A_614 = arith.addf %parallel_loop3A_573, %parallel_loop3A_599 : vector<16xf32>
      %parallel_loop3A_615 = arith.addf %parallel_loop3A_611, %parallel_loop3A_612 : vector<16xf32>
      %parallel_loop3A_616 = arith.addf %parallel_loop3A_613, %parallel_loop3A_614 : vector<16xf32>
      %parallel_loop3A_617 = arith.addf %parallel_loop3A_615, %parallel_loop3A_616 : vector<16xf32>
      %parallel_loop3A_618 = arith.addf %parallel_loop3A_368, %parallel_loop3A_617 : vector<16xf32>
      %parallel_loop3A_619 = arith.addf %parallel_loop3A_420, %parallel_loop3A_446 : vector<16xf32>
      %parallel_loop3A_620 = arith.addf %parallel_loop3A_472, %parallel_loop3A_498 : vector<16xf32>
      %parallel_loop3A_621 = arith.addf %parallel_loop3A_524, %parallel_loop3A_550 : vector<16xf32>
      %parallel_loop3A_622 = arith.addf %parallel_loop3A_576, %parallel_loop3A_602 : vector<16xf32>
      %parallel_loop3A_623 = arith.addf %parallel_loop3A_619, %parallel_loop3A_620 : vector<16xf32>
      %parallel_loop3A_624 = arith.addf %parallel_loop3A_621, %parallel_loop3A_622 : vector<16xf32>
      %parallel_loop3A_625 = arith.addf %parallel_loop3A_623, %parallel_loop3A_624 : vector<16xf32>
      %parallel_loop3A_626 = arith.addf %parallel_loop3A_369, %parallel_loop3A_625 : vector<16xf32>
      %parallel_loop3A_627 = arith.addf %parallel_loop3A_418, %parallel_loop3A_444 : vector<16xf32>
      %parallel_loop3A_628 = arith.addf %parallel_loop3A_470, %parallel_loop3A_496 : vector<16xf32>
      %parallel_loop3A_629 = arith.addf %parallel_loop3A_522, %parallel_loop3A_548 : vector<16xf32>
      %parallel_loop3A_630 = arith.addf %parallel_loop3A_574, %parallel_loop3A_600 : vector<16xf32>
      %parallel_loop3A_631 = arith.addf %parallel_loop3A_627, %parallel_loop3A_628 : vector<16xf32>
      %parallel_loop3A_632 = arith.addf %parallel_loop3A_629, %parallel_loop3A_630 : vector<16xf32>
      %parallel_loop3A_633 = arith.addf %parallel_loop3A_631, %parallel_loop3A_632 : vector<16xf32>
      %parallel_loop3A_634 = arith.addf %parallel_loop3A_370, %parallel_loop3A_633 : vector<16xf32>
      scf.yield %parallel_loop3A_610, %parallel_loop3A_618, %parallel_loop3A_626, %parallel_loop3A_634 : vector<16xf32>, vector<16xf32>, vector<16xf32>, vector<16xf32>
    } {sc.loop_unroll_factor = 2 : i64, sc.parallel_access}
    %add3A_303 = arith.constant 131072 : i32
    %add3A_304 = arith.addi %add3A_4, %add3A_303 : i32
    %dma_wait3A_305 = arith.constant 1 : i32
    %dma_wait3A_306 = arith.constant 0 : i32
    %dma_wait3A_307 = tpu.memref_slice %arg6[%dma_wait3A_305, %dma_wait3A_306] : memref<2x16384xf32, #tpu.memory_space<vmem>> -> memref<1x16384xf32, #tpu.memory_space<vmem>>
    %dma_wait3A_308 = tpu.memref_squeeze %dma_wait3A_307 : memref<1x16384xf32, #tpu.memory_space<vmem>> -> memref<16384xf32, #tpu.memory_space<vmem>>
    %dma_wait3A_309 = arith.constant 0 : i32
    %dma_wait3A_310 = tpu.memref_slice %arg2[%dma_wait3A_309] : memref<8388608xf32, #tpu.memory_space<hbm>> -> memref<16384xf32, #tpu.memory_space<hbm>>
    %dma_wait3A_311 = arith.constant 0 : i32
    %dma_wait3A_312 = tpu.memref_slice %arg6[%dma_wait3A_305, %dma_wait3A_311] : memref<2x16384xf32, #tpu.memory_space<vmem>> -> memref<1x16384xf32, #tpu.memory_space<vmem>>
    %dma_wait3A_313 = tpu.memref_squeeze %dma_wait3A_312 : memref<1x16384xf32, #tpu.memory_space<vmem>> -> memref<16384xf32, #tpu.memory_space<vmem>>
    %dma_wait3A_314 = arith.constant 0 : i32
    %dma_wait3A_315 = tpu.memref_slice %arg2[%dma_wait3A_314] : memref<8388608xf32, #tpu.memory_space<hbm>> -> memref<16384xf32, #tpu.memory_space<hbm>>
    tpu.wait_dma2 semaphore(%arg11 : memref<!tpu.dma_semaphore, #tpu.memory_space<semaphore_mem>>) src(%dma_wait3A_315 : memref<16384xf32, #tpu.memory_space<hbm>>) dst(%dma_wait3A_313 : memref<16384xf32, #tpu.memory_space<vmem>>)
    %dma_wait3A_316 = arith.constant 1 : i32
    %dma_wait3A_317 = arith.constant 0 : i32
    %dma_wait3A_318 = tpu.memref_slice %arg7[%dma_wait3A_316, %dma_wait3A_317] : memref<2x16384xi32, #tpu.memory_space<vmem>> -> memref<1x16384xi32, #tpu.memory_space<vmem>>
    %dma_wait3A_319 = tpu.memref_squeeze %dma_wait3A_318 : memref<1x16384xi32, #tpu.memory_space<vmem>> -> memref<16384xi32, #tpu.memory_space<vmem>>
    %dma_wait3A_320 = arith.constant 0 : i32
    %dma_wait3A_321 = tpu.memref_slice %arg3[%dma_wait3A_320] : memref<8388608xi32, #tpu.memory_space<hbm>> -> memref<16384xi32, #tpu.memory_space<hbm>>
    %dma_wait3A_322 = arith.constant 0 : i32
    %dma_wait3A_323 = tpu.memref_slice %arg7[%dma_wait3A_316, %dma_wait3A_322] : memref<2x16384xi32, #tpu.memory_space<vmem>> -> memref<1x16384xi32, #tpu.memory_space<vmem>>
    %dma_wait3A_324 = tpu.memref_squeeze %dma_wait3A_323 : memref<1x16384xi32, #tpu.memory_space<vmem>> -> memref<16384xi32, #tpu.memory_space<vmem>>
    %dma_wait3A_325 = arith.constant 0 : i32
    %dma_wait3A_326 = tpu.memref_slice %arg3[%dma_wait3A_325] : memref<8388608xi32, #tpu.memory_space<hbm>> -> memref<16384xi32, #tpu.memory_space<hbm>>
    tpu.wait_dma2 semaphore(%arg11 : memref<!tpu.dma_semaphore, #tpu.memory_space<semaphore_mem>>) src(%dma_wait3A_326 : memref<16384xi32, #tpu.memory_space<hbm>>) dst(%dma_wait3A_324 : memref<16384xi32, #tpu.memory_space<vmem>>)
    %dma_wait3A_327 = arith.constant 1 : i32
    %dma_wait3A_328 = arith.constant 0 : i32
    %dma_wait3A_329 = tpu.memref_slice %arg8[%dma_wait3A_327, %dma_wait3A_328] : memref<2x16384xi32, #tpu.memory_space<vmem>> -> memref<1x16384xi32, #tpu.memory_space<vmem>>
    %dma_wait3A_330 = tpu.memref_squeeze %dma_wait3A_329 : memref<1x16384xi32, #tpu.memory_space<vmem>> -> memref<16384xi32, #tpu.memory_space<vmem>>
    %dma_wait3A_331 = arith.constant 0 : i32
    %dma_wait3A_332 = tpu.memref_slice %arg4[%dma_wait3A_331] : memref<8388608xi32, #tpu.memory_space<hbm>> -> memref<16384xi32, #tpu.memory_space<hbm>>
    %dma_wait3A_333 = arith.constant 0 : i32
    %dma_wait3A_334 = tpu.memref_slice %arg8[%dma_wait3A_327, %dma_wait3A_333] : memref<2x16384xi32, #tpu.memory_space<vmem>> -> memref<1x16384xi32, #tpu.memory_space<vmem>>
    %dma_wait3A_335 = tpu.memref_squeeze %dma_wait3A_334 : memref<1x16384xi32, #tpu.memory_space<vmem>> -> memref<16384xi32, #tpu.memory_space<vmem>>
    %dma_wait3A_336 = arith.constant 0 : i32
    %dma_wait3A_337 = tpu.memref_slice %arg4[%dma_wait3A_336] : memref<8388608xi32, #tpu.memory_space<hbm>> -> memref<16384xi32, #tpu.memory_space<hbm>>
    tpu.wait_dma2 semaphore(%arg11 : memref<!tpu.dma_semaphore, #tpu.memory_space<semaphore_mem>>) src(%dma_wait3A_337 : memref<16384xi32, #tpu.memory_space<hbm>>) dst(%dma_wait3A_335 : memref<16384xi32, #tpu.memory_space<vmem>>)
    %parallel_loop3A_338 = arith.constant 0 : i32
    %parallel_loop3A_339 = arith.constant 16384 : i32
    %parallel_loop3A_340 = arith.constant 128 : i32
    %parallel_loop3A_341:4 = scf.for %parallel_loop3A_366 = %parallel_loop3A_338 to %parallel_loop3A_339 step %parallel_loop3A_340 iter_args(%parallel_loop3A_367 = %parallel_loop3A_302#0, %parallel_loop3A_368 = %parallel_loop3A_302#1, %parallel_loop3A_369 = %parallel_loop3A_302#2, %parallel_loop3A_370 = %parallel_loop3A_302#3) -> (vector<16xf32>, vector<16xf32>, vector<16xf32>, vector<16xf32>)  : i32 {
      %parallel_loop3A_371 = arith.constant 0 : i32
      %parallel_loop3A_372 = arith.addi %parallel_loop3A_366, %parallel_loop3A_371 : i32
      %parallel_loop3A_373 = arith.constant 1 : i32
      %parallel_loop3A_374 = arith.index_cast %parallel_loop3A_373 : i32 to index
      %parallel_loop3A_375 = arith.index_cast %parallel_loop3A_372 : i32 to index
      %parallel_loop3A_376 = tpu.vector_load %arg6[%parallel_loop3A_374, %parallel_loop3A_375] {strides = array<i32>} : memref<2x16384xf32, #tpu.memory_space<vmem>>, vector<1x16xf32>,
      %parallel_loop3A_377 = vector.shape_cast %parallel_loop3A_376 : vector<1x16xf32> to vector<16xf32>
      %parallel_loop3A_378 = arith.constant 0 : i32
      %parallel_loop3A_379 = arith.addi %parallel_loop3A_366, %parallel_loop3A_378 : i32
      %parallel_loop3A_380 = arith.constant 1 : i32
      %parallel_loop3A_381 = arith.index_cast %parallel_loop3A_380 : i32 to index
      %parallel_loop3A_382 = arith.index_cast %parallel_loop3A_379 : i32 to index
      %parallel_loop3A_383 = tpu.vector_load %arg7[%parallel_loop3A_381, %parallel_loop3A_382] {strides = array<i32>} : memref<2x16384xi32, #tpu.memory_space<vmem>>, vector<1x16xi32>,
      %parallel_loop3A_384 = vector.shape_cast %parallel_loop3A_383 : vector<1x16xi32> to vector<16xi32>
      %parallel_loop3A_385 = arith.constant 0 : i32
      %parallel_loop3A_386 = arith.addi %parallel_loop3A_366, %parallel_loop3A_385 : i32
      %parallel_loop3A_387 = arith.constant 1 : i32
      %parallel_loop3A_388 = arith.index_cast %parallel_loop3A_387 : i32 to index
      %parallel_loop3A_389 = arith.index_cast %parallel_loop3A_386 : i32 to index
      %parallel_loop3A_390 = tpu.vector_load %arg8[%parallel_loop3A_388, %parallel_loop3A_389] {strides = array<i32>} : memref<2x16384xi32, #tpu.memory_space<vmem>>, vector<1x16xi32>,
      %parallel_loop3A_391 = vector.shape_cast %parallel_loop3A_390 : vector<1x16xi32> to vector<16xi32>
      %parallel_loop3A_392 = arith.andi %parallel_loop3A_391, %parallel_loop3A_384 : vector<16xi32>
      %parallel_loop3A_393 = arith.sitofp %parallel_loop3A_391 : vector<16xi32> to vector<16xf32>
      %parallel_loop3A_394 = arith.sitofp %parallel_loop3A_392 : vector<16xi32> to vector<16xf32>
      %parallel_loop3A_395 = arith.mulf %parallel_loop3A_377, %parallel_loop3A_393 : vector<16xf32>
      %parallel_loop3A_396 = arith.mulf %parallel_loop3A_377, %parallel_loop3A_394 : vector<16xf32>
      %parallel_loop3A_397 = arith.constant 16 : i32
      %parallel_loop3A_398 = arith.addi %parallel_loop3A_366, %parallel_loop3A_397 : i32
      %parallel_loop3A_399 = arith.constant 1 : i32
      %parallel_loop3A_400 = arith.index_cast %parallel_loop3A_399 : i32 to index
      %parallel_loop3A_401 = arith.index_cast %parallel_loop3A_398 : i32 to index
      %parallel_loop3A_402 = tpu.vector_load %arg6[%parallel_loop3A_400, %parallel_loop3A_401] {strides = array<i32>} : memref<2x16384xf32, #tpu.memory_space<vmem>>, vector<1x16xf32>,
      %parallel_loop3A_403 = vector.shape_cast %parallel_loop3A_402 : vector<1x16xf32> to vector<16xf32>
      %parallel_loop3A_404 = arith.constant 16 : i32
      %parallel_loop3A_405 = arith.addi %parallel_loop3A_366, %parallel_loop3A_404 : i32
      %parallel_loop3A_406 = arith.constant 1 : i32
      %parallel_loop3A_407 = arith.index_cast %parallel_loop3A_406 : i32 to index
      %parallel_loop3A_408 = arith.index_cast %parallel_loop3A_405 : i32 to index
      %parallel_loop3A_409 = tpu.vector_load %arg7[%parallel_loop3A_407, %parallel_loop3A_408] {strides = array<i32>} : memref<2x16384xi32, #tpu.memory_space<vmem>>, vector<1x16xi32>,
      %parallel_loop3A_410 = vector.shape_cast %parallel_loop3A_409 : vector<1x16xi32> to vector<16xi32>
      %parallel_loop3A_411 = arith.constant 16 : i32
      %parallel_loop3A_412 = arith.addi %parallel_loop3A_366, %parallel_loop3A_411 : i32
      %parallel_loop3A_413 = arith.constant 1 : i32
      %parallel_loop3A_414 = arith.index_cast %parallel_loop3A_413 : i32 to index
      %parallel_loop3A_415 = arith.index_cast %parallel_loop3A_412 : i32 to index
      %parallel_loop3A_416 = tpu.vector_load %arg8[%parallel_loop3A_414, %parallel_loop3A_415] {strides = array<i32>} : memref<2x16384xi32, #tpu.memory_space<vmem>>, vector<1x16xi32>,
      %parallel_loop3A_417 = vector.shape_cast %parallel_loop3A_416 : vector<1x16xi32> to vector<16xi32>
      %parallel_loop3A_418 = arith.andi %parallel_loop3A_417, %parallel_loop3A_410 : vector<16xi32>
      %parallel_loop3A_419 = arith.sitofp %parallel_loop3A_417 : vector<16xi32> to vector<16xf32>
      %parallel_loop3A_420 = arith.sitofp %parallel_loop3A_418 : vector<16xi32> to vector<16xf32>
      %parallel_loop3A_421 = arith.mulf %parallel_loop3A_403, %parallel_loop3A_419 : vector<16xf32>
      %parallel_loop3A_422 = arith.mulf %parallel_loop3A_403, %parallel_loop3A_420 : vector<16xf32>
      %parallel_loop3A_423 = arith.constant 32 : i32
      %parallel_loop3A_424 = arith.addi %parallel_loop3A_366, %parallel_loop3A_423 : i32
      %parallel_loop3A_425 = arith.constant 1 : i32
      %parallel_loop3A_426 = arith.index_cast %parallel_loop3A_425 : i32 to index
      %parallel_loop3A_427 = arith.index_cast %parallel_loop3A_424 : i32 to index
      %parallel_loop3A_428 = tpu.vector_load %arg6[%parallel_loop3A_426, %parallel_loop3A_427] {strides = array<i32>} : memref<2x16384xf32, #tpu.memory_space<vmem>>, vector<1x16xf32>,
      %parallel_loop3A_429 = vector.shape_cast %parallel_loop3A_428 : vector<1x16xf32> to vector<16xf32>
      %parallel_loop3A_430 = arith.constant 32 : i32
      %parallel_loop3A_431 = arith.addi %parallel_loop3A_366, %parallel_loop3A_430 : i32
      %parallel_loop3A_432 = arith.constant 1 : i32
      %parallel_loop3A_433 = arith.index_cast %parallel_loop3A_432 : i32 to index
      %parallel_loop3A_434 = arith.index_cast %parallel_loop3A_431 : i32 to index
      %parallel_loop3A_435 = tpu.vector_load %arg7[%parallel_loop3A_433, %parallel_loop3A_434] {strides = array<i32>} : memref<2x16384xi32, #tpu.memory_space<vmem>>, vector<1x16xi32>,
      %parallel_loop3A_436 = vector.shape_cast %parallel_loop3A_435 : vector<1x16xi32> to vector<16xi32>
      %parallel_loop3A_437 = arith.constant 32 : i32
      %parallel_loop3A_438 = arith.addi %parallel_loop3A_366, %parallel_loop3A_437 : i32
      %parallel_loop3A_439 = arith.constant 1 : i32
      %parallel_loop3A_440 = arith.index_cast %parallel_loop3A_439 : i32 to index
      %parallel_loop3A_441 = arith.index_cast %parallel_loop3A_438 : i32 to index
      %parallel_loop3A_442 = tpu.vector_load %arg8[%parallel_loop3A_440, %parallel_loop3A_441] {strides = array<i32>} : memref<2x16384xi32, #tpu.memory_space<vmem>>, vector<1x16xi32>,
      %parallel_loop3A_443 = vector.shape_cast %parallel_loop3A_442 : vector<1x16xi32> to vector<16xi32>
      %parallel_loop3A_444 = arith.andi %parallel_loop3A_443, %parallel_loop3A_436 : vector<16xi32>
      %parallel_loop3A_445 = arith.sitofp %parallel_loop3A_443 : vector<16xi32> to vector<16xf32>
      %parallel_loop3A_446 = arith.sitofp %parallel_loop3A_444 : vector<16xi32> to vector<16xf32>
      %parallel_loop3A_447 = arith.mulf %parallel_loop3A_429, %parallel_loop3A_445 : vector<16xf32>
      %parallel_loop3A_448 = arith.mulf %parallel_loop3A_429, %parallel_loop3A_446 : vector<16xf32>
      %parallel_loop3A_449 = arith.constant 48 : i32
      %parallel_loop3A_450 = arith.addi %parallel_loop3A_366, %parallel_loop3A_449 : i32
      %parallel_loop3A_451 = arith.constant 1 : i32
      %parallel_loop3A_452 = arith.index_cast %parallel_loop3A_451 : i32 to index
      %parallel_loop3A_453 = arith.index_cast %parallel_loop3A_450 : i32 to index
      %parallel_loop3A_454 = tpu.vector_load %arg6[%parallel_loop3A_452, %parallel_loop3A_453] {strides = array<i32>} : memref<2x16384xf32, #tpu.memory_space<vmem>>, vector<1x16xf32>,
      %parallel_loop3A_455 = vector.shape_cast %parallel_loop3A_454 : vector<1x16xf32> to vector<16xf32>
      %parallel_loop3A_456 = arith.constant 48 : i32
      %parallel_loop3A_457 = arith.addi %parallel_loop3A_366, %parallel_loop3A_456 : i32
      %parallel_loop3A_458 = arith.constant 1 : i32
      %parallel_loop3A_459 = arith.index_cast %parallel_loop3A_458 : i32 to index
      %parallel_loop3A_460 = arith.index_cast %parallel_loop3A_457 : i32 to index
      %parallel_loop3A_461 = tpu.vector_load %arg7[%parallel_loop3A_459, %parallel_loop3A_460] {strides = array<i32>} : memref<2x16384xi32, #tpu.memory_space<vmem>>, vector<1x16xi32>,
      %parallel_loop3A_462 = vector.shape_cast %parallel_loop3A_461 : vector<1x16xi32> to vector<16xi32>
      %parallel_loop3A_463 = arith.constant 48 : i32
      %parallel_loop3A_464 = arith.addi %parallel_loop3A_366, %parallel_loop3A_463 : i32
      %parallel_loop3A_465 = arith.constant 1 : i32
      %parallel_loop3A_466 = arith.index_cast %parallel_loop3A_465 : i32 to index
      %parallel_loop3A_467 = arith.index_cast %parallel_loop3A_464 : i32 to index
      %parallel_loop3A_468 = tpu.vector_load %arg8[%parallel_loop3A_466, %parallel_loop3A_467] {strides = array<i32>} : memref<2x16384xi32, #tpu.memory_space<vmem>>, vector<1x16xi32>,
      %parallel_loop3A_469 = vector.shape_cast %parallel_loop3A_468 : vector<1x16xi32> to vector<16xi32>
      %parallel_loop3A_470 = arith.andi %parallel_loop3A_469, %parallel_loop3A_462 : vector<16xi32>
      %parallel_loop3A_471 = arith.sitofp %parallel_loop3A_469 : vector<16xi32> to vector<16xf32>
      %parallel_loop3A_472 = arith.sitofp %parallel_loop3A_470 : vector<16xi32> to vector<16xf32>
      %parallel_loop3A_473 = arith.mulf %parallel_loop3A_455, %parallel_loop3A_471 : vector<16xf32>
      %parallel_loop3A_474 = arith.mulf %parallel_loop3A_455, %parallel_loop3A_472 : vector<16xf32>
      %parallel_loop3A_475 = arith.constant 64 : i32
      %parallel_loop3A_476 = arith.addi %parallel_loop3A_366, %parallel_loop3A_475 : i32
      %parallel_loop3A_477 = arith.constant 1 : i32
      %parallel_loop3A_478 = arith.index_cast %parallel_loop3A_477 : i32 to index
      %parallel_loop3A_479 = arith.index_cast %parallel_loop3A_476 : i32 to index
      %parallel_loop3A_480 = tpu.vector_load %arg6[%parallel_loop3A_478, %parallel_loop3A_479] {strides = array<i32>} : memref<2x16384xf32, #tpu.memory_space<vmem>>, vector<1x16xf32>,
      %parallel_loop3A_481 = vector.shape_cast %parallel_loop3A_480 : vector<1x16xf32> to vector<16xf32>
      %parallel_loop3A_482 = arith.constant 64 : i32
      %parallel_loop3A_483 = arith.addi %parallel_loop3A_366, %parallel_loop3A_482 : i32
      %parallel_loop3A_484 = arith.constant 1 : i32
      %parallel_loop3A_485 = arith.index_cast %parallel_loop3A_484 : i32 to index
      %parallel_loop3A_486 = arith.index_cast %parallel_loop3A_483 : i32 to index
      %parallel_loop3A_487 = tpu.vector_load %arg7[%parallel_loop3A_485, %parallel_loop3A_486] {strides = array<i32>} : memref<2x16384xi32, #tpu.memory_space<vmem>>, vector<1x16xi32>,
      %parallel_loop3A_488 = vector.shape_cast %parallel_loop3A_487 : vector<1x16xi32> to vector<16xi32>
      %parallel_loop3A_489 = arith.constant 64 : i32
      %parallel_loop3A_490 = arith.addi %parallel_loop3A_366, %parallel_loop3A_489 : i32
      %parallel_loop3A_491 = arith.constant 1 : i32
      %parallel_loop3A_492 = arith.index_cast %parallel_loop3A_491 : i32 to index
      %parallel_loop3A_493 = arith.index_cast %parallel_loop3A_490 : i32 to index
      %parallel_loop3A_494 = tpu.vector_load %arg8[%parallel_loop3A_492, %parallel_loop3A_493] {strides = array<i32>} : memref<2x16384xi32, #tpu.memory_space<vmem>>, vector<1x16xi32>,
      %parallel_loop3A_495 = vector.shape_cast %parallel_loop3A_494 : vector<1x16xi32> to vector<16xi32>
      %parallel_loop3A_496 = arith.andi %parallel_loop3A_495, %parallel_loop3A_488 : vector<16xi32>
      %parallel_loop3A_497 = arith.sitofp %parallel_loop3A_495 : vector<16xi32> to vector<16xf32>
      %parallel_loop3A_498 = arith.sitofp %parallel_loop3A_496 : vector<16xi32> to vector<16xf32>
      %parallel_loop3A_499 = arith.mulf %parallel_loop3A_481, %parallel_loop3A_497 : vector<16xf32>
      %parallel_loop3A_500 = arith.mulf %parallel_loop3A_481, %parallel_loop3A_498 : vector<16xf32>
      %parallel_loop3A_501 = arith.constant 80 : i32
      %parallel_loop3A_502 = arith.addi %parallel_loop3A_366, %parallel_loop3A_501 : i32
      %parallel_loop3A_503 = arith.constant 1 : i32
      %parallel_loop3A_504 = arith.index_cast %parallel_loop3A_503 : i32 to index
      %parallel_loop3A_505 = arith.index_cast %parallel_loop3A_502 : i32 to index
      %parallel_loop3A_506 = tpu.vector_load %arg6[%parallel_loop3A_504, %parallel_loop3A_505] {strides = array<i32>} : memref<2x16384xf32, #tpu.memory_space<vmem>>, vector<1x16xf32>,
      %parallel_loop3A_507 = vector.shape_cast %parallel_loop3A_506 : vector<1x16xf32> to vector<16xf32>
      %parallel_loop3A_508 = arith.constant 80 : i32
      %parallel_loop3A_509 = arith.addi %parallel_loop3A_366, %parallel_loop3A_508 : i32
      %parallel_loop3A_510 = arith.constant 1 : i32
      %parallel_loop3A_511 = arith.index_cast %parallel_loop3A_510 : i32 to index
      %parallel_loop3A_512 = arith.index_cast %parallel_loop3A_509 : i32 to index
      %parallel_loop3A_513 = tpu.vector_load %arg7[%parallel_loop3A_511, %parallel_loop3A_512] {strides = array<i32>} : memref<2x16384xi32, #tpu.memory_space<vmem>>, vector<1x16xi32>,
      %parallel_loop3A_514 = vector.shape_cast %parallel_loop3A_513 : vector<1x16xi32> to vector<16xi32>
      %parallel_loop3A_515 = arith.constant 80 : i32
      %parallel_loop3A_516 = arith.addi %parallel_loop3A_366, %parallel_loop3A_515 : i32
      %parallel_loop3A_517 = arith.constant 1 : i32
      %parallel_loop3A_518 = arith.index_cast %parallel_loop3A_517 : i32 to index
      %parallel_loop3A_519 = arith.index_cast %parallel_loop3A_516 : i32 to index
      %parallel_loop3A_520 = tpu.vector_load %arg8[%parallel_loop3A_518, %parallel_loop3A_519] {strides = array<i32>} : memref<2x16384xi32, #tpu.memory_space<vmem>>, vector<1x16xi32>,
      %parallel_loop3A_521 = vector.shape_cast %parallel_loop3A_520 : vector<1x16xi32> to vector<16xi32>
      %parallel_loop3A_522 = arith.andi %parallel_loop3A_521, %parallel_loop3A_514 : vector<16xi32>
      %parallel_loop3A_523 = arith.sitofp %parallel_loop3A_521 : vector<16xi32> to vector<16xf32>
      %parallel_loop3A_524 = arith.sitofp %parallel_loop3A_522 : vector<16xi32> to vector<16xf32>
      %parallel_loop3A_525 = arith.mulf %parallel_loop3A_507, %parallel_loop3A_523 : vector<16xf32>
      %parallel_loop3A_526 = arith.mulf %parallel_loop3A_507, %parallel_loop3A_524 : vector<16xf32>
      %parallel_loop3A_527 = arith.constant 96 : i32
      %parallel_loop3A_528 = arith.addi %parallel_loop3A_366, %parallel_loop3A_527 : i32
      %parallel_loop3A_529 = arith.constant 1 : i32
      %parallel_loop3A_530 = arith.index_cast %parallel_loop3A_529 : i32 to index
      %parallel_loop3A_531 = arith.index_cast %parallel_loop3A_528 : i32 to index
      %parallel_loop3A_532 = tpu.vector_load %arg6[%parallel_loop3A_530, %parallel_loop3A_531] {strides = array<i32>} : memref<2x16384xf32, #tpu.memory_space<vmem>>, vector<1x16xf32>,
      %parallel_loop3A_533 = vector.shape_cast %parallel_loop3A_532 : vector<1x16xf32> to vector<16xf32>
      %parallel_loop3A_534 = arith.constant 96 : i32
      %parallel_loop3A_535 = arith.addi %parallel_loop3A_366, %parallel_loop3A_534 : i32
      %parallel_loop3A_536 = arith.constant 1 : i32
      %parallel_loop3A_537 = arith.index_cast %parallel_loop3A_536 : i32 to index
      %parallel_loop3A_538 = arith.index_cast %parallel_loop3A_535 : i32 to index
      %parallel_loop3A_539 = tpu.vector_load %arg7[%parallel_loop3A_537, %parallel_loop3A_538] {strides = array<i32>} : memref<2x16384xi32, #tpu.memory_space<vmem>>, vector<1x16xi32>,
      %parallel_loop3A_540 = vector.shape_cast %parallel_loop3A_539 : vector<1x16xi32> to vector<16xi32>
      %parallel_loop3A_541 = arith.constant 96 : i32
      %parallel_loop3A_542 = arith.addi %parallel_loop3A_366, %parallel_loop3A_541 : i32
      %parallel_loop3A_543 = arith.constant 1 : i32
      %parallel_loop3A_544 = arith.index_cast %parallel_loop3A_543 : i32 to index
      %parallel_loop3A_545 = arith.index_cast %parallel_loop3A_542 : i32 to index
      %parallel_loop3A_546 = tpu.vector_load %arg8[%parallel_loop3A_544, %parallel_loop3A_545] {strides = array<i32>} : memref<2x16384xi32, #tpu.memory_space<vmem>>, vector<1x16xi32>,
      %parallel_loop3A_547 = vector.shape_cast %parallel_loop3A_546 : vector<1x16xi32> to vector<16xi32>
      %parallel_loop3A_548 = arith.andi %parallel_loop3A_547, %parallel_loop3A_540 : vector<16xi32>
      %parallel_loop3A_549 = arith.sitofp %parallel_loop3A_547 : vector<16xi32> to vector<16xf32>
      %parallel_loop3A_550 = arith.sitofp %parallel_loop3A_548 : vector<16xi32> to vector<16xf32>
      %parallel_loop3A_551 = arith.mulf %parallel_loop3A_533, %parallel_loop3A_549 : vector<16xf32>
      %parallel_loop3A_552 = arith.mulf %parallel_loop3A_533, %parallel_loop3A_550 : vector<16xf32>
      %parallel_loop3A_553 = arith.constant 112 : i32
      %parallel_loop3A_554 = arith.addi %parallel_loop3A_366, %parallel_loop3A_553 : i32
      %parallel_loop3A_555 = arith.constant 1 : i32
      %parallel_loop3A_556 = arith.index_cast %parallel_loop3A_555 : i32 to index
      %parallel_loop3A_557 = arith.index_cast %parallel_loop3A_554 : i32 to index
      %parallel_loop3A_558 = tpu.vector_load %arg6[%parallel_loop3A_556, %parallel_loop3A_557] {strides = array<i32>} : memref<2x16384xf32, #tpu.memory_space<vmem>>, vector<1x16xf32>,
      %parallel_loop3A_559 = vector.shape_cast %parallel_loop3A_558 : vector<1x16xf32> to vector<16xf32>
      %parallel_loop3A_560 = arith.constant 112 : i32
      %parallel_loop3A_561 = arith.addi %parallel_loop3A_366, %parallel_loop3A_560 : i32
      %parallel_loop3A_562 = arith.constant 1 : i32
      %parallel_loop3A_563 = arith.index_cast %parallel_loop3A_562 : i32 to index
      %parallel_loop3A_564 = arith.index_cast %parallel_loop3A_561 : i32 to index
      %parallel_loop3A_565 = tpu.vector_load %arg7[%parallel_loop3A_563, %parallel_loop3A_564] {strides = array<i32>} : memref<2x16384xi32, #tpu.memory_space<vmem>>, vector<1x16xi32>,
      %parallel_loop3A_566 = vector.shape_cast %parallel_loop3A_565 : vector<1x16xi32> to vector<16xi32>
      %parallel_loop3A_567 = arith.constant 112 : i32
      %parallel_loop3A_568 = arith.addi %parallel_loop3A_366, %parallel_loop3A_567 : i32
      %parallel_loop3A_569 = arith.constant 1 : i32
      %parallel_loop3A_570 = arith.index_cast %parallel_loop3A_569 : i32 to index
      %parallel_loop3A_571 = arith.index_cast %parallel_loop3A_568 : i32 to index
      %parallel_loop3A_572 = tpu.vector_load %arg8[%parallel_loop3A_570, %parallel_loop3A_571] {strides = array<i32>} : memref<2x16384xi32, #tpu.memory_space<vmem>>, vector<1x16xi32>,
      %parallel_loop3A_573 = vector.shape_cast %parallel_loop3A_572 : vector<1x16xi32> to vector<16xi32>
      %parallel_loop3A_574 = arith.andi %parallel_loop3A_573, %parallel_loop3A_566 : vector<16xi32>
      %parallel_loop3A_575 = arith.sitofp %parallel_loop3A_573 : vector<16xi32> to vector<16xf32>
      %parallel_loop3A_576 = arith.sitofp %parallel_loop3A_574 : vector<16xi32> to vector<16xf32>
      %parallel_loop3A_577 = arith.mulf %parallel_loop3A_559, %parallel_loop3A_575 : vector<16xf32>
      %parallel_loop3A_578 = arith.mulf %parallel_loop3A_559, %parallel_loop3A_576 : vector<16xf32>
      %parallel_loop3A_579 = arith.addf %parallel_loop3A_395, %parallel_loop3A_421 : vector<16xf32>
      %parallel_loop3A_580 = arith.addf %parallel_loop3A_447, %parallel_loop3A_473 : vector<16xf32>
      %parallel_loop3A_581 = arith.addf %parallel_loop3A_499, %parallel_loop3A_525 : vector<16xf32>
      %parallel_loop3A_582 = arith.addf %parallel_loop3A_551, %parallel_loop3A_577 : vector<16xf32>
      %parallel_loop3A_583 = arith.addf %parallel_loop3A_579, %parallel_loop3A_580 : vector<16xf32>
      %parallel_loop3A_584 = arith.addf %parallel_loop3A_581, %parallel_loop3A_582 : vector<16xf32>
      %parallel_loop3A_585 = arith.addf %parallel_loop3A_583, %parallel_loop3A_584 : vector<16xf32>
      %parallel_loop3A_586 = arith.addf %parallel_loop3A_367, %parallel_loop3A_585 : vector<16xf32>
      %parallel_loop3A_587 = arith.addf %parallel_loop3A_393, %parallel_loop3A_419 : vector<16xf32>
      %parallel_loop3A_588 = arith.addf %parallel_loop3A_445, %parallel_loop3A_471 : vector<16xf32>
      %parallel_loop3A_589 = arith.addf %parallel_loop3A_497, %parallel_loop3A_523 : vector<16xf32>
      %parallel_loop3A_590 = arith.addf %parallel_loop3A_549, %parallel_loop3A_575 : vector<16xf32>
      %parallel_loop3A_591 = arith.addf %parallel_loop3A_587, %parallel_loop3A_588 : vector<16xf32>
      %parallel_loop3A_592 = arith.addf %parallel_loop3A_589, %parallel_loop3A_590 : vector<16xf32>
      %parallel_loop3A_593 = arith.addf %parallel_loop3A_591, %parallel_loop3A_592 : vector<16xf32>
      %parallel_loop3A_594 = arith.addf %parallel_loop3A_368, %parallel_loop3A_593 : vector<16xf32>
      %parallel_loop3A_595 = arith.addf %parallel_loop3A_396, %parallel_loop3A_422 : vector<16xf32>
      %parallel_loop3A_596 = arith.addf %parallel_loop3A_448, %parallel_loop3A_474 : vector<16xf32>
      %parallel_loop3A_597 = arith.addf %parallel_loop3A_500, %parallel_loop3A_526 : vector<16xf32>
      %parallel_loop3A_598 = arith.addf %parallel_loop3A_552, %parallel_loop3A_578 : vector<16xf32>
      %parallel_loop3A_599 = arith.addf %parallel_loop3A_595, %parallel_loop3A_596 : vector<16xf32>
      %parallel_loop3A_600 = arith.addf %parallel_loop3A_597, %parallel_loop3A_598 : vector<16xf32>
      %parallel_loop3A_601 = arith.addf %parallel_loop3A_599, %parallel_loop3A_600 : vector<16xf32>
      %parallel_loop3A_602 = arith.addf %parallel_loop3A_369, %parallel_loop3A_601 : vector<16xf32>
      %parallel_loop3A_603 = arith.addf %parallel_loop3A_394, %parallel_loop3A_420 : vector<16xf32>
      %parallel_loop3A_604 = arith.addf %parallel_loop3A_446, %parallel_loop3A_472 : vector<16xf32>
      %parallel_loop3A_605 = arith.addf %parallel_loop3A_498, %parallel_loop3A_524 : vector<16xf32>
      %parallel_loop3A_606 = arith.addf %parallel_loop3A_550, %parallel_loop3A_576 : vector<16xf32>
      %parallel_loop3A_607 = arith.addf %parallel_loop3A_603, %parallel_loop3A_604 : vector<16xf32>
      %parallel_loop3A_608 = arith.addf %parallel_loop3A_605, %parallel_loop3A_606 : vector<16xf32>
      %parallel_loop3A_609 = arith.addf %parallel_loop3A_607, %parallel_loop3A_608 : vector<16xf32>
      %parallel_loop3A_610 = arith.addf %parallel_loop3A_370, %parallel_loop3A_609 : vector<16xf32>
      scf.yield %parallel_loop3A_586, %parallel_loop3A_594, %parallel_loop3A_602, %parallel_loop3A_610 : vector<16xf32>, vector<16xf32>, vector<16xf32>, vector<16xf32>
    } {sc.loop_unroll_factor = 2 : i64, sc.parallel_access}
    %sub3A = arith.subf %parallel_loop3A_341#0, %parallel_loop3A_341#2 : vector<16xf32>
    %swap3A = arith.constant 0 : i32
    %swap3A_342 = arith.index_cast %swap3A : i32 to index
    %swap3A_343 = arith.constant 0 : index
    %swap3A_344 = tpu.vector_load %arg9[%swap3A_342, %swap3A_343] {strides = array<i32>} : memref<4x16xf32, #tpu.memory_space<vmem>>, vector<1x16xf32>,
    %swap3A_345 = vector.shape_cast %swap3A_344 : vector<1x16xf32> to vector<16xf32>
    %swap3A_346 = vector.shape_cast %sub3A : vector<16xf32> to vector<1x16xf32>
    tpu.vector_store %arg9[%swap3A_342, %swap3A_343], %swap3A_346 {strides = array<i32>} : memref<4x16xf32, #tpu.memory_space<vmem>>, vector<1x16xf32>,
    %sub3A_347 = arith.subf %parallel_loop3A_341#1, %parallel_loop3A_341#3 : vector<16xf32>
    %swap3A_348 = arith.constant 1 : i32
    %swap3A_349 = arith.index_cast %swap3A_348 : i32 to index
    %swap3A_350 = arith.constant 0 : index
    %swap3A_351 = tpu.vector_load %arg9[%swap3A_349, %swap3A_350] {strides = array<i32>} : memref<4x16xf32, #tpu.memory_space<vmem>>, vector<1x16xf32>,
    %swap3A_352 = vector.shape_cast %swap3A_351 : vector<1x16xf32> to vector<16xf32>
    %swap3A_353 = vector.shape_cast %sub3A_347 : vector<16xf32> to vector<1x16xf32>
    tpu.vector_store %arg9[%swap3A_349, %swap3A_350], %swap3A_353 {strides = array<i32>} : memref<4x16xf32, #tpu.memory_space<vmem>>, vector<1x16xf32>,
    %swap3A_354 = arith.constant 2 : i32
    %swap3A_355 = arith.index_cast %swap3A_354 : i32 to index
    %swap3A_356 = arith.constant 0 : index
    %swap3A_357 = tpu.vector_load %arg9[%swap3A_355, %swap3A_356] {strides = array<i32>} : memref<4x16xf32, #tpu.memory_space<vmem>>, vector<1x16xf32>,
    %swap3A_358 = vector.shape_cast %swap3A_357 : vector<1x16xf32> to vector<16xf32>
    %swap3A_359 = vector.shape_cast %parallel_loop3A_341#2 : vector<16xf32> to vector<1x16xf32>
    tpu.vector_store %arg9[%swap3A_355, %swap3A_356], %swap3A_359 {strides = array<i32>} : memref<4x16xf32, #tpu.memory_space<vmem>>, vector<1x16xf32>,
    %swap3A_360 = arith.constant 3 : i32
    %swap3A_361 = arith.index_cast %swap3A_360 : i32 to index
    %swap3A_362 = arith.constant 0 : index
    %swap3A_363 = tpu.vector_load %arg9[%swap3A_361, %swap3A_362] {strides = array<i32>} : memref<4x16xf32, #tpu.memory_space<vmem>>, vector<1x16xf32>,
    %swap3A_364 = vector.shape_cast %swap3A_363 : vector<1x16xf32> to vector<16xf32>
    %swap3A_365 = vector.shape_cast %parallel_loop3A_341#3 : vector<16xf32> to vector<1x16xf32>
    tpu.vector_store %arg9[%swap3A_361, %swap3A_362], %swap3A_365 {strides = array<i32>} : memref<4x16xf32, #tpu.memory_space<vmem>>, vector<1x16xf32>,
    "tpu.region"() ({
      %run_scoped3A = tpu.sem_alloc : memref<!tpu.dma_semaphore, #tpu.memory_space<semaphore_mem>>
      %dma_start3A_366 = arith.constant 0 : i32
      %dma_start3A_367 = arith.constant 0 : i32
      %dma_start3A_368 = tpu.memref_slice %arg5[%add3A, %dma_start3A_366, %dma_start3A_367] : memref<32x4x16xf32, #tpu.memory_space<hbm>> -> memref<1x4x16xf32, #tpu.memory_space<hbm>>
      %dma_start3A_369 = tpu.memref_squeeze %dma_start3A_368 : memref<1x4x16xf32, #tpu.memory_space<hbm>> -> memref<4x16xf32, #tpu.memory_space<hbm>>
      %dma_start3A_370 = arith.constant 0 : i32
      %dma_start3A_371 = arith.constant 0 : i32
      %dma_start3A_372 = tpu.memref_slice %arg5[%add3A, %dma_start3A_370, %dma_start3A_371] : memref<32x4x16xf32, #tpu.memory_space<hbm>> -> memref<1x4x16xf32, #tpu.memory_space<hbm>>
      %dma_start3A_373 = tpu.memref_squeeze %dma_start3A_372 : memref<1x4x16xf32, #tpu.memory_space<hbm>> -> memref<4x16xf32, #tpu.memory_space<hbm>>
      tpu.enqueue_dma source(%arg9 : memref<4x16xf32, #tpu.memory_space<vmem>>) target(%dma_start3A_373 : memref<4x16xf32, #tpu.memory_space<hbm>>) target_semaphore(%run_scoped3A : memref<!tpu.dma_semaphore, #tpu.memory_space<semaphore_mem>>)
      %dma_wait3A_374 = arith.constant 0 : i32
      %dma_wait3A_375 = arith.constant 0 : i32
      %dma_wait3A_376 = tpu.memref_slice %arg5[%add3A, %dma_wait3A_374, %dma_wait3A_375] : memref<32x4x16xf32, #tpu.memory_space<hbm>> -> memref<1x4x16xf32, #tpu.memory_space<hbm>>
      %dma_wait3A_377 = tpu.memref_squeeze %dma_wait3A_376 : memref<1x4x16xf32, #tpu.memory_space<hbm>> -> memref<4x16xf32, #tpu.memory_space<hbm>>
      %dma_wait3A_378 = arith.constant 0 : i32
      %dma_wait3A_379 = arith.constant 0 : i32
      %dma_wait3A_380 = tpu.memref_slice %arg5[%add3A, %dma_wait3A_378, %dma_wait3A_379] : memref<32x4x16xf32, #tpu.memory_space<hbm>> -> memref<1x4x16xf32, #tpu.memory_space<hbm>>
      %dma_wait3A_381 = tpu.memref_squeeze %dma_wait3A_380 : memref<1x4x16xf32, #tpu.memory_space<hbm>> -> memref<4x16xf32, #tpu.memory_space<hbm>>
      tpu.wait_dma2 semaphore(%run_scoped3A : memref<!tpu.dma_semaphore, #tpu.memory_space<semaphore_mem>>) src(%arg9 : memref<4x16xf32, #tpu.memory_space<vmem>>) dst(%dma_wait3A_381 : memref<4x16xf32, #tpu.memory_space<hbm>>)
      tpu.yield
    }) : () -> ()
    return
  }
}

module attributes {stable_mosaic.version = 14 : i64} {
  func.func @_tc_body(%arg0: i32, %arg1: memref<4096x128xf32, #tpu.memory_space<vmem>>, %arg2: memref<4096x128xi32, #tpu.memory_space<vmem>>, %arg3: memref<4096x128xi32, #tpu.memory_space<vmem>>, %arg4: memref<4x128xf32, #tpu.memory_space<vmem>>) attributes {dimension_semantics = [#tpu.dimension_semantics<arbitrary>], iteration_bounds = array<i64: 8>, scalar_prefetch = 0 : i64, scratch_operands = 0 : i64, tpu.core_type = #tpu.core_type<tc>, window_params = [{transform_indices = @transform_0, window_bounds = array<i64: 4096, 128>}, {transform_indices = @transform_1, window_bounds = array<i64: 4096, 128>}, {transform_indices = @transform_2, window_bounds = array<i64: 4096, 128>}, {pipeline_mode = #tpu.pipeline_mode<synchronous>, transform_indices = @transform_3, window_bounds = array<i64: 4, 128>}]} {
    %eq3A = arith.constant 0 : i32
    %eq3A_0 = arith.cmpi eq, %arg0, %eq3A : i32
    %convert_element_type3A = arith.extui %eq3A_0 : i1 to i32
    %cond3A = arith.constant 0 : i32
    %cond3A_1 = arith.cmpi ne, %convert_element_type3A, %cond3A : i32
    scf.if %cond3A_1 {
      %broadcast_in_dim3A_28 = arith.constant 0.000000e+00 : f32
      %broadcast_in_dim3A_29 = vector.broadcast %broadcast_in_dim3A_28 : f32 to vector<4x128xf32>
      %swap3A_30 = arith.constant 0 : index
      %swap3A_31 = arith.constant 0 : index
      %swap3A_32 = vector.load %arg4[%swap3A_30, %swap3A_31] : memref<4x128xf32, #tpu.memory_space<vmem>>, vector<4x128xf32>
      tpu.vector_store %arg4[%swap3A_30, %swap3A_31], %broadcast_in_dim3A_29 {strides = array<i32>} : memref<4x128xf32, #tpu.memory_space<vmem>>, vector<4x128xf32>,
    } else {
    }
    %get3A = arith.constant 0 : index
    %get3A_2 = arith.constant 0 : index
    %get3A_3 = vector.load %arg1[%get3A, %get3A_2] : memref<4096x128xf32, #tpu.memory_space<vmem>>, vector<4096x128xf32>
    %get3A_4 = arith.constant 0 : index
    %get3A_5 = arith.constant 0 : index
    %get3A_6 = vector.load %arg2[%get3A_4, %get3A_5] : memref<4096x128xi32, #tpu.memory_space<vmem>>, vector<4096x128xi32>
    %get3A_7 = arith.constant 0 : index
    %get3A_8 = arith.constant 0 : index
    %get3A_9 = vector.load %arg3[%get3A_7, %get3A_8] : memref<4096x128xi32, #tpu.memory_space<vmem>>, vector<4096x128xi32>
    %and3A = arith.andi %get3A_9, %get3A_6 : vector<4096x128xi32>
    %convert_element_type3A_10 = arith.sitofp %get3A_9 : vector<4096x128xi32> to vector<4096x128xf32>
    %convert_element_type3A_11 = arith.sitofp %and3A : vector<4096x128xi32> to vector<4096x128xf32>
    %mul3A = arith.mulf %get3A_3, %convert_element_type3A_10 : vector<4096x128xf32>
    %reduce_sum3A = arith.constant dense<0.000000e+00> : vector<128xf32>
    %reduce_sum3A_12 = vector.multi_reduction <add>, %mul3A, %reduce_sum3A [0] : vector<4096x128xf32> to vector<128xf32>
    %broadcast_in_dim3A = vector.shape_cast %reduce_sum3A_12 : vector<128xf32> to vector<1x128xf32>
    %reduce_sum3A_13 = arith.constant dense<0.000000e+00> : vector<128xf32>
    %reduce_sum3A_14 = vector.multi_reduction <add>, %convert_element_type3A_10, %reduce_sum3A_13 [0] : vector<4096x128xf32> to vector<128xf32>
    %broadcast_in_dim3A_15 = vector.shape_cast %reduce_sum3A_14 : vector<128xf32> to vector<1x128xf32>
    %mul3A_16 = arith.mulf %get3A_3, %convert_element_type3A_11 : vector<4096x128xf32>
    %reduce_sum3A_17 = arith.constant dense<0.000000e+00> : vector<128xf32>
    %reduce_sum3A_18 = vector.multi_reduction <add>, %mul3A_16, %reduce_sum3A_17 [0] : vector<4096x128xf32> to vector<128xf32>
    %broadcast_in_dim3A_19 = vector.shape_cast %reduce_sum3A_18 : vector<128xf32> to vector<1x128xf32>
    %reduce_sum3A_20 = arith.constant dense<0.000000e+00> : vector<128xf32>
    %reduce_sum3A_21 = vector.multi_reduction <add>, %convert_element_type3A_11, %reduce_sum3A_20 [0] : vector<4096x128xf32> to vector<128xf32>
    %broadcast_in_dim3A_22 = vector.shape_cast %reduce_sum3A_21 : vector<128xf32> to vector<1x128xf32>
    %concatenate3A = tpu.concatenate %broadcast_in_dim3A, %broadcast_in_dim3A_15, %broadcast_in_dim3A_19, %broadcast_in_dim3A_22 in 0 : vector<1x128xf32>, vector<1x128xf32>, vector<1x128xf32>, vector<1x128xf32> -> vector<4x128xf32>
    %get3A_23 = arith.constant 0 : index
    %get3A_24 = arith.constant 0 : index
    %get3A_25 = vector.load %arg4[%get3A_23, %get3A_24] : memref<4x128xf32, #tpu.memory_space<vmem>>, vector<4x128xf32>
    %add3A = arith.addf %get3A_25, %concatenate3A : vector<4x128xf32>
    %swap3A = arith.constant 0 : index
    %swap3A_26 = arith.constant 0 : index
    %swap3A_27 = vector.load %arg4[%swap3A, %swap3A_26] : memref<4x128xf32, #tpu.memory_space<vmem>>, vector<4x128xf32>
    tpu.vector_store %arg4[%swap3A, %swap3A_26], %add3A {strides = array<i32>} : memref<4x128xf32, #tpu.memory_space<vmem>>, vector<4x128xf32>,
    return
  }
  func.func @transform_0(%arg0: i32) -> (i32, i32) {
    %c0_i32 = arith.constant 0 : i32
    %c0_i32_0 = arith.constant 0 : i32
    return %arg0, %c0_i32 : i32, i32
  }
  func.func @transform_1(%arg0: i32) -> (i32, i32) {
    %c0_i32 = arith.constant 0 : i32
    %c0_i32_0 = arith.constant 0 : i32
    return %arg0, %c0_i32 : i32, i32
  }
  func.func @transform_2(%arg0: i32) -> (i32, i32) {
    %c0_i32 = arith.constant 0 : i32
    %c0_i32_0 = arith.constant 0 : i32
    return %arg0, %c0_i32 : i32, i32
  }
  func.func @transform_3(%arg0: i32) -> (i32, i32) {
    %c0_i32 = arith.constant 0 : i32
    %c0_i32_0 = arith.constant 0 : i32
    %c0_i32_1 = arith.constant 0 : i32
    return %c0_i32, %c0_i32_0 : i32, i32
  }
}

module attributes {stable_mosaic.version = 14 : i64} {
  func.func @_combine_body(%arg0: memref<128x16xf32, #tpu.memory_space<vmem>>, %arg1: memref<4x128xf32, #tpu.memory_space<vmem>>, %arg2: memref<1x1xf32, #tpu.memory_space<vmem>>) attributes {dimension_semantics = [], scalar_prefetch = 0 : i64, scratch_operands = 0 : i64, tpu.core_type = #tpu.core_type<tc>} {
    %get3A = arith.constant 0 : index
    %get3A_0 = arith.constant 0 : index
    %get3A_1 = vector.load %arg0[%get3A, %get3A_0] : memref<128x16xf32, #tpu.memory_space<vmem>>, vector<128x16xf32>
    %reshape3A = vector.shape_cast %get3A_1 : vector<128x16xf32> to vector<32x4x16xf32>
    %reduce_sum3A = arith.constant dense<0.000000e+00> : vector<4xf32>
    %reduce_sum3A_2 = vector.multi_reduction <add>, %reshape3A, %reduce_sum3A [0, 2] : vector<32x4x16xf32> to vector<4xf32>
    %get3A_3 = arith.constant 0 : index
    %get3A_4 = arith.constant 0 : index
    %get3A_5 = vector.load %arg1[%get3A_3, %get3A_4] : memref<4x128xf32, #tpu.memory_space<vmem>>, vector<4x128xf32>
    %reduce_sum3A_6 = arith.constant dense<0.000000e+00> : vector<4xf32>
    %reduce_sum3A_7 = vector.multi_reduction <add>, %get3A_5, %reduce_sum3A_6 [1] : vector<4x128xf32> to vector<4xf32>
    %slice3A = vector.extract_strided_slice %reduce_sum3A_2 {offsets = [0], sizes = [1], strides = [1]} : vector<4xf32> to vector<1xf32>
    %squeeze3A = vector.extract %slice3A[0] : f32 from vector<1xf32>
    %slice3A_8 = vector.extract_strided_slice %reduce_sum3A_7 {offsets = [0], sizes = [1], strides = [1]} : vector<4xf32> to vector<1xf32>
    %squeeze3A_9 = vector.extract %slice3A_8[0] : f32 from vector<1xf32>
    %add3A = arith.addf %squeeze3A, %squeeze3A_9 : f32
    %slice3A_10 = vector.extract_strided_slice %reduce_sum3A_7 {offsets = [2], sizes = [1], strides = [1]} : vector<4xf32> to vector<1xf32>
    %squeeze3A_11 = vector.extract %slice3A_10[0] : f32 from vector<1xf32>
    %sub3A = arith.subf %add3A, %squeeze3A_11 : f32
    %slice3A_12 = vector.extract_strided_slice %reduce_sum3A_2 {offsets = [1], sizes = [1], strides = [1]} : vector<4xf32> to vector<1xf32>
    %squeeze3A_13 = vector.extract %slice3A_12[0] : f32 from vector<1xf32>
    %slice3A_14 = vector.extract_strided_slice %reduce_sum3A_7 {offsets = [1], sizes = [1], strides = [1]} : vector<4xf32> to vector<1xf32>
    %squeeze3A_15 = vector.extract %slice3A_14[0] : f32 from vector<1xf32>
    %add3A_16 = arith.addf %squeeze3A_13, %squeeze3A_15 : f32
    %slice3A_17 = vector.extract_strided_slice %reduce_sum3A_7 {offsets = [3], sizes = [1], strides = [1]} : vector<4xf32> to vector<1xf32>
    %squeeze3A_18 = vector.extract %slice3A_17[0] : f32 from vector<1xf32>
    %sub3A_19 = arith.subf %add3A_16, %squeeze3A_18 : f32
    %slice3A_20 = vector.extract_strided_slice %reduce_sum3A_2 {offsets = [2], sizes = [1], strides = [1]} : vector<4xf32> to vector<1xf32>
    %squeeze3A_21 = vector.extract %slice3A_20[0] : f32 from vector<1xf32>
    %slice3A_22 = vector.extract_strided_slice %reduce_sum3A_7 {offsets = [2], sizes = [1], strides = [1]} : vector<4xf32> to vector<1xf32>
    %squeeze3A_23 = vector.extract %slice3A_22[0] : f32 from vector<1xf32>
    %add3A_24 = arith.addf %squeeze3A_21, %squeeze3A_23 : f32
    %slice3A_25 = vector.extract_strided_slice %reduce_sum3A_2 {offsets = [3], sizes = [1], strides = [1]} : vector<4xf32> to vector<1xf32>
    %squeeze3A_26 = vector.extract %slice3A_25[0] : f32 from vector<1xf32>
    %slice3A_27 = vector.extract_strided_slice %reduce_sum3A_7 {offsets = [3], sizes = [1], strides = [1]} : vector<4xf32> to vector<1xf32>
    %squeeze3A_28 = vector.extract %slice3A_27[0] : f32 from vector<1xf32>
    %add3A_29 = arith.addf %squeeze3A_26, %squeeze3A_28 : f32
    %div3A = arith.divf %sub3A, %sub3A_19 : f32
    %div3A_30 = arith.divf %add3A_24, %add3A_29 : f32
    %sub3A_31 = arith.subf %div3A, %div3A_30 : f32
    %abs3A = math.absf %sub3A_31 : f32
    %broadcast_in_dim3A = arith.constant 1.000000e+00 : f32
    %broadcast_in_dim3A_32 = vector.broadcast %broadcast_in_dim3A : f32 to vector<1x1xf32>
    %mul3A = vector.broadcast %abs3A : f32 to vector<1x1xf32>
    %mul3A_33 = arith.mulf %mul3A, %broadcast_in_dim3A_32 : vector<1x1xf32>
    %swap3A = arith.constant 0 : index
    %swap3A_34 = arith.constant 0 : index
    %swap3A_35 = vector.load %arg2[%swap3A, %swap3A_34] : memref<1x1xf32, #tpu.memory_space<vmem>>, vector<1x1xf32>
    tpu.vector_store %arg2[%swap3A, %swap3A_34], %mul3A_33 {strides = array<i32>} : memref<1x1xf32, #tpu.memory_space<vmem>>, vector<1x1xf32>,
    return
  }
}

</mosaic_0001>

<sc_bundles>
// kernel: kernel.5.cloned.1.call-start
scs
__scs_entry_jumppad:
0x0: {  	(pc) =	sbr.rel $0x88, $3  }
0x1: {  	(tag) =	ssettag $0x0;
	lr =	simm.s32 $0x1  }
0x2: {  	[smem:$0x3F9E] =	sst lr;
	_ =	strace $0xD0000000  }
0x3: {  	_ = 	snop  }
0x4: {  	_ = 	snop  }
0x5: {  	_ = 	snop  }
0x6: {  	_ = 	snop  }
0x7: {  	_ = 	snop  }
__scs_overlays_trampoline_lowered:
0x8: {  	[smem:$0x3FAD] =	sst s0  }
0x9: {  	[smem:$0x3FAE] =	sst s1  }
0xa: {  	[smem:$0x3FAF] =	sst s2  }
0xb: {  	[smem:$0x3FB0] =	sst s3  }
0xc: {  	[smem:$0x3FB1] =	sst s4  }
0xd: {  	[smem:$0x3FB2] =	sst s5  }
0xe: {  	[smem:$0x3FB3] =	sst s6  }
0xf: {  	[smem:$0x3FB4] =	sst s7  }
0x10: {  	[smem:$0x3FB5] =	sst s8  }
0x11: {  	[smem:$0x3FB6] =	sst s9;
	s0 =	simm.s32 @!p0 $0x0  }
0x12: {  	s1 =	sld [smem:$0x3F9C];
	s0 =	simm.s32 @p0 $0x1  }
0x13: {  	[smem:$0x3FB7] =	sst s0;
	s0 =	simm.s32 @!p1 $0x0  }
0x14: {  	s2 =	sld [smem:$0x3F9B];
	s0 =	simm.s32 @p1 $0x1  }
0x15: {  	[smem:$0x3FB8] =	sst s0;
	s0 =	simm.s32 @!p2 $0x0  }
0x16: {  	s3 =	sld [smem:$0x3FDB];
	s0 =	simm.s32 @p2 $0x1  }
0x17: {  	s4 =	simm.s32 $0x1BF5;
	[smem:$0x3FBA] =	sst s0  }
0x18: {  	s0 =	sld [smem:$0x3F9D];
	_ =	swait.ge [sflag:s4], $0x0  }
0x19: {  	s7 =	sld [smem:$0x3F9E]  }
0x1a: {  	s8 =	sadd.s32 $0xFFFFE003, lr  }
0x1b: {  	s9 =	sadd.s32 $0xFFFFFEF7, lr;
	s5 =	simm.s32 $0xFFFFFFFF;
	p2 =	slt.u32 s8, $0xFFFFF086  }
0x1c: {  	p1 =	slt.u32 s9, $0xF7A;
	s5 =	simm.s32 @!p2 $0x0  }
0x1d: {  	s5 =	simm.s32 @p1 $0x1;
	p0 =	seq.s32 s7, s2  }
0x1e: {  	s7 =	smul.u32 @!p0 $0xF7A, s2;
	p2 =	seq.s32 @!p0 s5, $0x0  }
0x1f: {  	s9 =	smul.u32 $0xF7A, s1;
	s8 =	simm.s32 @!p0 $0x1BF5;
	p2 =	por !p2, p0  }
0x20: {  	[sflag:s8] =	ssyncset.s32 @!p0 $0xFFFFF086;
	s6 =	sadd.s32 @!p0 s3, s7;
	s7 =	simm.s32 @!p0 $0x108  }
0x21: {  	s3 =	sadd.s32 s3, s9;
	s6 =	sadd.s32 @!p0 $0x88, s6;
	s7 =	simm.s32 @p2 $0x1082  }
0x22: {  	[simem:s7], [sflag:s8] =	dma.local @!p0 [hbm:s6], $0xF7A  }
0x23: {  	s9 =	sor.u32 $0xD0000000, s2;
	s6 =	simm.s32 $0x108;
	_ =	swait.ge @!p0 [sflag:s8], $0x0  }
0x24: {  	s3 =	sadd.s32 $0x88, s3;
	s6 =	simm.s32 @!p1 $0x1082;
	[sflag:s4] =	ssyncset.s32 $0xFFFFF086  }
0x25: {  	[simem:s6], [sflag:s4] =	dma.local [hbm:s3], $0xF7A  }
0x26: {  	[smem:$0x3F9E] =	sst s1;
	(tag) =	ssettag s2;
	_ =	strace s9  }
0x27: {  	s1 =	sld [smem:$0x3FAE]  }
0x28: {  	s2 =	sld [smem:$0x3FAF]  }
0x29: {  	s4 =	sld [smem:$0x3FB1]  }
0x2a: {  	p0 =	seq.s32 s5, $0x0;
	s5 =	sld [smem:$0x3FB2]  }
0x2b: {  	s6 =	sld [smem:$0x3FB3]  }
0x2c: {  	s7 =	sld [smem:$0x3FB4]  }
0x2d: {  	s3 =	simm.s32 $0x108;
	s8 =	sld [smem:$0x3FB5]  }
0x2e: {  	s3 =	simm.s32 @!p0 $0x1082;
	s9 =	sld [smem:$0x3FB6]  }
0x2f: {  	lr =	sadd.s32 s0, s3;
	s0 =	sld [smem:$0x3FAD]  }
0x30: {  	s3 =	sld [smem:$0x3FB0]  }
0x31: {  	[smem:$0x3FB9] =	sst s10  }
0x32: {  	s10 =	sld [smem:$0x3FB7];
	_ =	sdelay $0x3  }
0x33: {  	p0 =	seq.s32 s10, $0x1;
	s10 =	sld [smem:$0x3FB9];
	_ =	sdelay $0x3  }
0x34: {  	[smem:$0x3FB9] =	sst s10  }
0x35: {  	s10 =	sld [smem:$0x3FB8];
	_ =	sdelay $0x3  }
0x36: {  	p1 =	seq.s32 s10, $0x1;
	s10 =	sld [smem:$0x3FB9];
	_ =	sdelay $0x3  }
0x37: {  	[smem:$0x3FB9] =	sst s10  }
0x38: {  	s10 =	sld [smem:$0x3FBA]  }
0x39: {  	_ = 	snop;
	(pc) =	sbr.ind lr, $3  }
0x3a: {  	_ = 	snop  }
0x3b: {  	_ = 	snop  }
0x3c: {  	p2 =	seq.s32 s10, $0x1;
	s10 =	sld [smem:$0x3FB9]  }
0x3d: {  	_ =	shalt  }
0x3e: {  	_ =	shalt  }
0x3f: {  	_ =	shalt  }
0x40: {  	_ =	shalt  }
0x41: {  	_ =	shalt  }
0x42: {  	_ =	shalt  }
0x43: {  	_ =	shalt  }
0x44: {  	_ =	shalt  }
0x45: {  	_ =	shalt  }
0x46: {  	_ =	shalt  }
0x47: {  	_ =	shalt  }
0x48: {  	_ =	shalt  }
0x49: {  	_ =	shalt  }
0x4a: {  	_ =	shalt  }
0x4b: {  	_ =	shalt  }
0x4c: {  	_ =	shalt  }
0x4d: {  	_ =	shalt  }
0x4e: {  	_ =	shalt  }
0x4f: {  	_ =	shalt  }
0x50: {  	_ =	shalt  }
0x51: {  	_ =	shalt  }
0x52: {  	_ =	shalt  }
0x53: {  	_ =	shalt  }
0x54: {  	_ =	shalt  }
0x55: {  	_ =	shalt  }
0x56: {  	_ =	shalt  }
0x57: {  	_ =	shalt  }
0x58: {  	_ =	shalt  }
0x59: {  	_ =	shalt  }
0x5a: {  	_ =	shalt  }
0x5b: {  	_ =	shalt  }
0x5c: {  	_ =	shalt  }
0x5d: {  	_ =	shalt  }
0x5e: {  	_ =	shalt  }
0x5f: {  	_ =	shalt  }
0x60: {  	_ =	shalt  }
0x61: {  	_ =	shalt  }
0x62: {  	_ =	shalt  }
0x63: {  	_ =	shalt  }
0x64: {  	_ =	shalt  }
0x65: {  	_ =	shalt  }
0x66: {  	_ =	shalt  }
0x67: {  	_ =	shalt  }
0x68: {  	_ =	shalt  }
0x69: {  	_ =	shalt  }
0x6a: {  	_ =	shalt  }
0x6b: {  	_ =	shalt  }
0x6c: {  	_ =	shalt  }
0x6d: {  	_ =	shalt  }
0x6e: {  	_ =	shalt  }
0x6f: {  	_ =	shalt  }
0x70: {  	_ =	shalt  }
0x71: {  	_ =	shalt  }
0x72: {  	_ =	shalt  }
0x73: {  	_ =	shalt  }
0x74: {  	_ =	shalt  }
0x75: {  	_ =	shalt  }
0x76: {  	_ =	shalt  }
0x77: {  	_ =	shalt  }
0x78: {  	_ =	shalt  }
0x79: {  	_ =	shalt  }
0x7a: {  	_ =	shalt  }
0x7b: {  	_ =	shalt  }
0x7c: {  	_ =	shalt  }
0x7d: {  	_ =	shalt  }
0x7e: {  	_ =	shalt  }
0x7f: {  	_ =	shalt  }
0x80: {  	_ =	shalt  }
0x81: {  	_ =	shalt  }
0x82: {  	_ =	shalt  }
0x83: {  	_ =	shalt  }
0x84: {  	_ =	shalt  }
0x85: {  	_ =	shalt  }
0x86: {  	_ =	shalt  }
0x87: {  	_ =	shalt  }
.Lfunc_end0:
.L_simem_size_0:
called_computation_lowered:
.L_overlay_start_0:
0x88: {  	s2 =	sld [smem:$0x3FD9]  }
0x89: {  	s3 =	sld [smem:$0x3FFE];
	_ =	sdelay $0x1  }
0x8a: {  	s1 =	srdreg.scid  }
0x8b: {  	s0 =	sand.u32 $0x1, s1  }
0x8c: {  	s17 =	sshll.u32 s0, $0xA;
	s2 =	sadd.s32 s3, s2  }
0x8d: {  	s2 =	sadd.s32 s2, s17  }
0x8e: {  	[smem:$0x3FC5] =	sst s2  }
0x8f: {  	_ = 	snop  }
0x90: {  	s2 =	sld [smem:$0x3FC9]  }
0x91: {  	s18 =	sld [smem:$0x3FC8]  }
0x92: {  	s4 =	sld [smem:$0x3FC7];
	(tm) =	ssettm $0x1  }
0x93: {  	s5 =	sld [smem:$0x3FFB];
	_ =	sdelay $0x3  }
0x94: {  	_ =	strace s5  }
0x95: {  	s5 =	sld [smem:$0x3FFC];
	_ =	sdelay $0x3  }
0x96: {  	_ =	strace s5  }
0x97: {  	s5 =	sld [smem:$0x3FFD];
	_ =	sdelay $0x3  }
0x98: {  	_ =	strace s5  }
0x99: {  	_ =	strace $0x8FFFFFFF  }
0x9a: {  	s19 =	sld [smem:$0x3FDB];
	_ =	sdelay $0x1  }
0x9b: {  	s6 =	simm.s32 $_scs_section_size  }
0x9c: {  	s7 =	simm.s32 $_size__tile_overlayer_lowered;
	s8 =	simm.s32 $_tile_overlayer_lowered  }
0x9d: {  	s22 =	simm.s32 $0x1BFF;
	s21 =	sshll.u32 s8, $0x1;
	s5 =	sadd.s32 s6, s19  }
0x9e: {  	s9 =	simm.s32 $0x0;
	s20 =	sshll.u32 s7, $0x1;
	s7 =	sadd.s32 s21, s5  }
0x9f: {  	[timem:s9], [sflag:s22] =	dma.local [hbm:s7], s20  }
0xa0: {  	_ =	swait.ge [sflag:s22], s20  }
0xa1: {  	s6 =	ssub.s32 $0x0, s20;
	[sflag:s22] =	ssyncset.done $0x0  }
0xa2: {  	[sflag:s22] =	ssyncadd.s32 s6;
	_ =	sdelay $0x1  }
0xa3: {  	s23 =	simm.s32 $0x1B8B  }
0xa4: {  	_ =	swait.ge [sflag:s23], $0x1  }
0xa5: {  	[sflag:s23] =	ssyncset.done $0x0  }
0xa6: {  	s25 =	simm.s32 $0x1B8E;
	s24 =	sld [smem:$0x3FFE];
	[sflag:s23] =	ssyncadd.s32 $0xFFFFFFFF  }
0xa7: {  	s26 =	simm.s32 $execute0_lowered;
	[smem:$0x3FD2] =	sst s25  }
0xa8: {  	s7 =	sshll.u32 s26, $0x1;
	_ =	strace $0x80000046;
	[dreg:$0x1] =	wrdreg $0xFFFFFFFF  }
0xa9: {  	s28 =	simm.s32 $_size_execute0_lowered;
	s5 =	sadd.s32 s5, s7;
	[dreg:$0x0] =	wrdreg $0x0  }
0xaa: {  	s7 =	sshll.u32 s28, $0x1;
	[dreg:$0x2] =	wrdreg s5  }
0xab: {  	[dreg:$0x3] =	wrdreg s7  }
0xac: {  	[dreg:$0x4] =	wrdreg $0xC0  }
0xad: {  	_ =	task [dreg:s9], $0x5FFFF  }
0xae: {  	[dreg:$0x1] =	wrdreg $0xFFFFFFFF  }
0xaf: {  	[dreg:$0x0] =	wrdreg $0x60  }
0xb0: {  	[dreg:$0x2] =	wrdreg s2  }
0xb1: {  	[dreg:$0x3] =	wrdreg s18  }
0xb2: {  	[dreg:$0x4] =	wrdreg s4  }
0xb3: {  	[dreg:$0x5] =	wrdreg s24  }
0xb4: {  	[dreg:$0x6] =	wrdreg $0x9  }
0xb5: {  	_ =	task.clear_ibuf [dreg:s9], $0x7FFFF;
	_ =	strace $0x90000046  }
0xb6: {  	s29 =	simm.s32 $0x9;
	_ =	strace $0x80000048  }
0xb7: {  	_ =	swait.ge [sflag:s29], $0x1  }
0xb8: {  	[sflag:s29] =	ssyncadd.s32 $0xFFFFFFFF  }
0xb9: {  	_ =	strace $0x90000048  }
0xba: {  	_ =	sfence  }
0xbb: {  	s30 =	sld [smem:$0x0];
	_ =	sdelay $0x2  }
0xbc: {  	s31 =	sshll.u32 s1, $0xD;
	s1 =	sshrl.u32 s1, $0x2  }
0xbd: {  	s3 =	sand.u32 $0x4000, s31;
	s1 =	sadd.s32 s1, s30  }
0xbe: {  	s0 =	sor.u32 s3, s0;
	s1 =	sshll.u32 s1, $0x11  }
0xbf: {  	s0 =	sor.u32 s1, s0  }
0xc0: {  	s0 =	sadd.s32 $0x8F2B, s0  }
0xc1: {  	[sflag:s0] =	ssyncadd.remote.s32 $0x1  }
0xc2: {  	_ =	sfence.sel $0xFFFF  }
0xc3: {  	[dreg:$0x0] =	wrdreg $0xFFFFFFFF;
	(pc) =	sbr.abs _section_cstart, $3  }
0xc4: {  	[dreg:$0x1] =	wrdreg $0xFFFFFFFF  }
0xc5: {  	_ =	task.clear_ibuf [dreg:s9], $0x2FFFF;
	_ =	strace $0x9FFFFFFF  }
0xc6: {  	(tm) =	ssettm $0x7FFFFFFF  }
0xc7: {  	_ =	shalt  }
tec
execute0_lowered:
.L_overlay_start_1:
0x0: {  	(tag) =	ssettag $0x1  }
0x1: {  	s1 =	rddreg [dreg:$0x0]  }
0x2: {  	s2 =	rddreg [dreg:$0x1]  }
0x3: {  	s3 =	rddreg [dreg:$0x2]  }
0x4: {  	s6 =	rddreg [dreg:$0x3]  }
0x5: {  	s0 =	rddreg [dreg:$0x4];
	s5 =	simm.s32 $0x0;
	s7 =	srdreg.scid  }
0x6: {  	s4 =	stileid.u32;
	s14 =	simm.s32 $0x18000;
	s15 =	simm.s32 $0x3  }
0x7: {  	s16 =	simm.s32 $0x0;
	[smem:$0x7FF] =	sst s5;
	s9 =	sand.u32 $0x1, s7  }
0x8: {  	s28 =	sshll.u32 s4, $0x1;
	s12 =	sshll.u32 s4, $0x12;
	_ =	strace $0x80000047  }
0x9: {  	s7 =	sor.u32 s9, s28;
	s10 =	ssub.s32 $0x2, s9;
	s13 =	sshll.u32 s9, $0x11  }
0xa: {  	s8 =	sshll.u32 s7, $0x6;
	s7 =	sshll.u32 s7, $0xE;
	s29 =	sshrl.u32 s10, $0x1  }
0xb: {  	s31 =	sor.u32 s13, s12;
	s12 =	simm.s32 $0x1;
	s13 =	simm.s32 $0x2  }
0xc: {  	s11 =	sadd.s32 s8, s6;
	s30 =	sor.u32 $0x80000, s7;
	s10 =	ssub.s32 s10, s29  }
0xd: {  	s6 =	sadd.s32 s1, s30;
	s7 =	sadd.s32 s2, s30;
	s8 =	sadd.s32 s3, s30  }
0xe: {  	s9 =	sadd.s32 $0x600, s11;
	s10 =	smax.u32 s10, $0x1;
	s11 =	sshrl.u32 s31, $0x3  }
.LBB2_1:
0xf: {  	s17 =	simm.s32 $0x10  }
0x10: {  	s20 =	sadd.s32 $0x0, s6;
	s18 =	simm.s32 $0x100;
	s19 =	simm.s32 $0x0  }
.LBB2_2:
0x11: {  	[tilespmem:s19], [sflag:$0x1] =	stream.linear.gather [hbm4b:s20+s5], $0x80, $0x38;
	[tilespmem:$0x18200] =	vst v63  }
0x12: {  	s20 =	smov.u32 s17;
	s19 =	smov.u32 s18;
	p0 =	sne.s32 s17, $0x7F0  }
.Ltmp0:
0x13: {  	s17 =	sadd.s32 $0x10, s17;
	(pc) =	sbr.rel @p0 .LBB2_2-.Ltmp0, $2  }
0x14: {  	_ =	sdelay $0x2  }
0x15: {  	s18 =	sadd.s32 $0x100, s18;
	s20 =	sadd.s32 s20, s6  }
0x16: {  	[tilespmem:s19], [sflag:$0x1] =	stream.linear.gather [hbm4b:s20+s5], $0x80, $0x38;
	[tilespmem:$0x18200] =	vst v63  }
0x17: {  	s17 =	simm.s32 $0x8000  }
0x18: {  	s18 =	simm.s32 $0x10;
	s20 =	sadd.s32 $0x0, s7;
	s19 =	simm.s32 $0x8100  }
.LBB2_4:
0x19: {  	[tilespmem:s17], [sflag:$0x1] =	stream.linear.gather [hbm4b:s20+s5], $0x80, $0x38;
	[tilespmem:$0x18200] =	vst v63  }
0x1a: {  	s20 =	smov.u32 s18;
	s17 =	smov.u32 s19;
	p0 =	sne.s32 s18, $0x7F0  }
.Ltmp1:
0x1b: {  	s18 =	sadd.s32 $0x10, s18;
	(pc) =	sbr.rel @p0 .LBB2_4-.Ltmp1, $2  }
0x1c: {  	_ =	sdelay $0x2  }
0x1d: {  	s19 =	sadd.s32 $0x100, s19;
	s20 =	sadd.s32 s20, s7  }
0x1e: {  	[tilespmem:s17], [sflag:$0x1] =	stream.linear.gather [hbm4b:s20+s5], $0x80, $0x38;
	[tilespmem:$0x18200] =	vst v63  }
0x1f: {  	s17 =	simm.s32 $0x10000  }
0x20: {  	s18 =	simm.s32 $0x10;
	s20 =	sadd.s32 $0x0, s8;
	s19 =	simm.s32 $0x10100  }
.LBB2_6:
0x21: {  	[tilespmem:s17], [sflag:$0x1] =	stream.linear.gather [hbm4b:s20+s5], $0x80, $0x38;
	[tilespmem:$0x18200] =	vst v63  }
0x22: {  	s20 =	smov.u32 s18;
	s17 =	smov.u32 s19;
	p0 =	sne.s32 s18, $0x7F0  }
.Ltmp2:
0x23: {  	s18 =	sadd.s32 $0x10, s18;
	(pc) =	sbr.rel @p0 .LBB2_6-.Ltmp2, $2  }
0x24: {  	_ =	sdelay $0x2  }
0x25: {  	s19 =	sadd.s32 $0x100, s19;
	s20 =	sadd.s32 s20, s8  }
0x26: {  	[tilespmem:s17], [sflag:$0x1] =	stream.linear.gather [hbm4b:s20+s5], $0x80, $0x38;
	[tilespmem:$0x18200] =	vst v63  }
0x27: {  	_ =	swait.ge [sflag:s12], $0x4000  }
0x28: {  	[sflag:s12] =	ssyncset.done $0x0  }
0x29: {  	[sflag:s12] =	ssyncadd.s32 $0xFFFFC000  }
0x2a: {  	_ =	swait.ge [sflag:s12], $0x4000  }
0x2b: {  	[sflag:s12] =	ssyncset.done $0x0  }
0x2c: {  	[sflag:s12] =	ssyncadd.s32 $0xFFFFC000  }
0x2d: {  	_ =	swait.ge [sflag:s12], $0x4000  }
0x2e: {  	s25 =	sor.u32 $0x80800, s11;
	[sflag:s12] =	ssyncset.done $0x0  }
0x2f: {  	s19 =	simm.s32 $0x80;
	s18 =	sadd.s32 s1, s25;
	[sflag:s12] =	ssyncadd.s32 $0xFFFFC000  }
0x30: {  	[tilespmem:s19], [sflag:$0x2] =	stream.linear.gather [hbm4b:s18+s5], $0x80, $0x38;
	[tilespmem:$0x18200] =	vst v63  }
0x31: {  	s26 =	simm.s32 $0x8080;
	s28 =	sadd.s32 s2, s25  }
0x32: {  	[tilespmem:s26], [sflag:$0x2] =	stream.linear.gather [hbm4b:s28+s5], $0x80, $0x38;
	[tilespmem:$0x18200] =	vst v63  }
0x33: {  	s29 =	simm.s32 $0x10080;
	s17 =	sadd.s32 s3, s25  }
0x34: {  	[tilespmem:s29], [sflag:$0x2] =	stream.linear.gather [hbm4b:s17+s5], $0x80, $0x38;
	[tilespmem:$0x18200] =	vst v63  }
0x35: {  	v2 =	vld [tilespmem:s19+$0xFFFFFFD0]  }
0x36: {  	v1 =	vld [tilespmem:s19+$0xFFFFFFE0]  }
0x37: {  	v0 =	vld [tilespmem:s29+$0xFFFFFFF0]  }
0x38: {  	v3 =	vld [tilespmem:s19+$0xFFFFFFC0]  }
0x39: {  	v4 =	vld [tilespmem:s26+$0xFFFFFFF0]  }
0x3a: {  	v5 =	vld [tilespmem:s26+$0xFFFFFFE0]  }
0x3b: {  	v6 =	vld [tilespmem:s29+$0xFFFFFFE0]  }
0x3c: {  	v8 =	vld [tilespmem:s29+$0xFFFFFFD0]  }
0x3d: {  	v9 =	vld [tilespmem:s26+$0xFFFFFFD0]  }
0x3e: {  	v10 =	vld [tilespmem:s29+$0xFFFFFFC0]  }
0x3f: {  	v11 =	vld [tilespmem:s29+$0xFFFFFFA0]  }
0x40: {  	v12 =	vld [tilespmem:s26+$0xFFFFFFC0]  }
0x41: {  	v14 =	vld [tilespmem:s26+$0xFFFFFFA0]  }
0x42: {  	v16 =	vld [tilespmem:s29+$0xFFFFFF80]  }
0x43: {  	v17 =	vld [tilespmem:s29+$0xFFFFFF90]  }
0x44: {  	v18 =	vld [tilespmem:s29+$0xFFFFFFB0]  }
0x45: {  	v7 =	vld [tilespmem:s19+$0xFFFFFFA0]  }
0x46: {  	v13 =	vld [tilespmem:s26+$0xFFFFFF80];
	v12 =	vand.u32 v12, v10;
	v19 =	vcvt.s32.f32 v11;
	v21 =	vcvt.s32.f32 v0  }
0x47: {  	v15 =	vld [tilespmem:s26+$0xFFFFFF90];
	v9 =	vand.u32 v9, v8;
	v8 =	vcvt.s32.f32 v8;
	v10 =	vcvt.s32.f32 v10  }
0x48: {  	v20 =	vld [tilespmem:s19+$0xFFFFFF90];
	v25 =	vcvt.s32.f32 v16;
	v27 =	vcvt.s32.f32 v17;
	v11 =	vand.u32 v14, v11  }
0x49: {  	s17 =	sadd.s32 $0x10, s11;
	v22 =	vld [tilespmem:s19+$0xFFFFFF80];
	v14 =	vcvt.s32.f32 v18;
	v0 =	vand.u32 v4, v0;
	v4 =	vcvt.s32.f32 v6  }
0x4a: {  	v24 =	vld [tilespmem:s19+$0xFFFFFFB0];
	s21 =	sor.u32 $0x80800, s17;
	v5 =	vand.u32 v5, v6;
	v12 =	vcvt.s32.f32 v12;
	v9 =	vcvt.s32.f32 v9  }
0x4b: {  	s18 =	simm.s32 $0x180;
	v26 =	vld [tilespmem:s26+$0xFFFFFFB0];
	s30 =	sadd.s32 s1, s21;
	v13 =	vand.u32 v13, v16;
	v5 =	vcvt.s32.f32 v5;
	v32 =	vcvt.s32.f32 v0  }
0x4c: {  	v28 =	vld [tilespmem:s19+$0xFFFFFFF0];
	[tilespmem:s18], [sflag:$0x2] =	stream.linear.gather [hbm4b:s30+s5], $0x80, $0x38;
	v11 =	vcvt.s32.f32 v11;
	v13 =	vcvt.s32.f32 v13  }
0x4d: {  	s19 =	simm.s32 $0x8180;
	s31 =	sadd.s32 s2, s21;
	v23 =	vmul.f32 v19, v7;
	v29 =	vmul.f32 v8, v2  }
0x4e: {  	[tilespmem:s19], [sflag:$0x2] =	stream.linear.gather [hbm4b:s31+s5], $0x80, $0x38;
	v30 =	vmul.f32 v27, v20;
	v16 =	vmul.f32 v25, v22;
	[tilespmem:$0x18200] =	vst v63  }
0x4f: {  	s20 =	simm.s32 $0x10180;
	s21 =	sadd.s32 s3, s21;
	v15 =	vand.u32 v15, v17;
	v6 =	vmul.f32 v10, v3;
	v31 =	vmul.f32 v4, v1  }
0x50: {  	[tilespmem:s20], [sflag:$0x2] =	stream.linear.gather [hbm4b:s21+s5], $0x80, $0x38;
	v25 =	vadd.f32 v27, v25;
	v10 =	vadd.f32 v8, v10;
	v8 =	vand.u32 v26, v18;
	[tilespmem:$0x18200] =	vst v63  }
0x51: {  	v18 =	vmul.f32 v14, v24;
	v0 =	vld [tilespmem:s18+$0xFFFFFFD0];
	v58 =	vmul.f32 v21, v28;
	v21 =	vadd.f32 v21, v4  }
0x52: {  	v4 =	vld [tilespmem:s18+$0xFFFFFFE0];
	v19 =	vadd.f32 v14, v19;
	v59 =	vmul.f32 v32, v28;
	v7 =	vmul.f32 v11, v7  }
0x53: {  	v63 =	vld [tilespmem:s19+$0xFFFFFFD0];
	v3 =	vmul.f32 v12, v3;
	v60 =	vadd.f32 v32, v5;
	v61 =	vcvt.s32.f32 v8  }
0x54: {  	v62 =	vmul.f32 v5, v1;
	v1 =	vld [tilespmem:s18+$0xFFFFFFC0];
	v12 =	vadd.f32 v9, v12;
	v17 =	vadd.f32 v29, v6  }
0x55: {  	v8 =	vld [tilespmem:s19+$0xFFFFFFF0];
	v2 =	vmul.f32 v9, v2;
	v5 =	vadd.f32 v30, v16;
	v16 =	vadd.f32 v58, v31  }
0x56: {  	v6 =	vld [tilespmem:s20+$0xFFFFFFF0];
	v14 =	vadd.f32 v18, v23;
	v18 =	vadd.f32 v21, v10;
	v23 =	vcvt.s32.f32 v15  }
0x57: {  	v21 =	vld [tilespmem:s19+$0xFFFFFFE0];
	v15 =	vmul.f32 v13, v22;
	v22 =	vadd.f32 v59, v62;
	v9 =	vadd.f32 v60, v12  }
0x58: {  	v10 =	vld [tilespmem:s20+$0xFFFFFFE0];
	v24 =	vmul.f32 v61, v24;
	v12 =	vadd.f32 v19, v25;
	v16 =	vadd.f32 v16, v17  }
0x59: {  	v17 =	vadd.f32 v61, v11;
	v11 =	vadd.f32 v14, v5;
	v5 =	vld [tilespmem:s18+$0xFFFFFFA0];
	v20 =	vmul.f32 v23, v20  }
0x5a: {  	v2 =	vadd.f32 v2, v3;
	v14 =	vld [tilespmem:s20+$0xFFFFFFD0];
	v13 =	vadd.f32 v23, v13  }
0x5b: {  	v24 =	vadd.f32 v24, v7;
	v19 =	vadd.f32 v20, v15;
	v15 =	vld [tilespmem:s20+$0xFFFFFFC0]  }
0x5c: {  	v3 =	vadd.f32 v18, v12;
	v20 =	vadd.f32 v16, v11;
	v11 =	vld [tilespmem:s20+$0xFFFFFFA0]  }
0x5d: {  	v7 =	vimm.f32 $0.0e+00;
	v13 =	vadd.f32 v17, v13;
	v23 =	vadd.f32 v24, v19;
	v19 =	vld [tilespmem:s19+$0xFFFFFFC0]  }
0x5e: {  	v12 =	vld [tilespmem:s19+$0xFFFFFF80];
	v22 =	vadd.f32 v22, v2;
	v3 =	vadd.f32 v3, v7  }
0x5f: {  	s22 =	simm.s32 $0x8280;
	v17 =	vld [tilespmem:s19+$0xFFFFFFA0];
	v16 =	vand.u32 v21, v10;
	v2 =	vadd.f32 v20, v7;
	v21 =	vadd.f32 v9, v13  }
0x60: {  	s23 =	simm.s32 $0x280;
	s24 =	simm.s32 $0x10180;
	s21 =	simm.s32 $0x80;
	v13 =	vld [tilespmem:s19+$0xFFFFFF90];
	v9 =	vimm.f32 $0.0e+00;
	v18 =	vand.u32 v63, v14;
	v20 =	vadd.f32 v22, v23  }
.LBB2_8:
0x61: {  	s21 =	sadd.s32 $0x80, s21;
	v22 =	vld [tilespmem:s20+$0xFFFFFF80];
	s17 =	sadd.s32 $0x10, s17;
	s24 =	sadd.s32 $0x100, s24;
	v7 =	vadd.f32 v21, v7  }
0x62: {  	v23 =	vcvt.s32.f32 v11;
	p0 =	slt.u32 s21, $0x3F80;
	v21 =	vld [tilespmem:s20+$0xFFFFFF90];
	v19 =	vand.u32 v19, v15;
	v9 =	vadd.f32 v20, v9  }
0x63: {  	v24 =	vcvt.s32.f32 v6;
	v20 =	vld [tilespmem:s20+$0xFFFFFFB0];
	v19 =	vcvt.s32.f32 v19;
	s20 =	smov.u32 s24  }
0x64: {  	v14 =	vcvt.s32.f32 v14;
	v18 =	vcvt.s32.f32 v18;
	v25 =	vld [tilespmem:s18+$0xFFFFFF90]  }
0x65: {  	v15 =	vcvt.s32.f32 v15;
	v27 =	vmul.f32 v23, v5;
	v26 =	vld [tilespmem:s18+$0xFFFFFF80]  }
0x66: {  	v16 =	vcvt.s32.f32 v16;
	v28 =	vcvt.s32.f32 v22;
	v29 =	vld [tilespmem:s18+$0xFFFFFFB0]  }
0x67: {  	s25 =	sor.u32 $0x80800, s17;
	v32 =	vmul.f32 v14, v0;
	v30 =	vcvt.s32.f32 v21;
	v31 =	vld [tilespmem:s19+$0xFFFFFFB0];
	s19 =	smov.u32 s22  }
0x68: {  	v6 =	vand.u32 v8, v6;
	s26 =	sadd.s32 s1, s25;
	v11 =	vand.u32 v17, v11;
	v17 =	vcvt.s32.f32 v20;
	v33 =	vld [tilespmem:s18+$0xFFFFFFF0];
	s18 =	smov.u32 s23  }
0x69: {  	v10 =	vcvt.s32.f32 v10;
	[tilespmem:s23], [sflag:$0x2] =	stream.linear.gather [hbm4b:s26+s5], $0x80, $0x38;
	v8 =	vmul.f32 v30, v25;
	[tilespmem:$0x18200] =	vst v63  }
0x6a: {  	v34 =	vmul.f32 v15, v1;
	v12 =	vand.u32 v12, v22;
	s26 =	sadd.s32 s2, s25;
	v22 =	vmul.f32 v28, v26  }
0x6b: {  	v6 =	vcvt.s32.f32 v6;
	v35 =	vmul.f32 v10, v4;
	v28 =	vadd.f32 v30, v28;
	[tilespmem:s22], [sflag:$0x2] =	stream.linear.gather [hbm4b:s26+s5], $0x80, $0x38;
	[tilespmem:$0x18200] =	vst v63  }
0x6c: {  	v14 =	vadd.f32 v14, v15;
	v13 =	vand.u32 v13, v21;
	v21 =	vadd.f32 v32, v34;
	s25 =	sadd.s32 s3, s25  }
0x6d: {  	v11 =	vcvt.s32.f32 v11;
	v15 =	vand.u32 v31, v20;
	v20 =	vmul.f32 v17, v29;
	[tilespmem:s24], [sflag:$0x2] =	stream.linear.gather [hbm4b:s25+s5], $0x80, $0x38;
	[tilespmem:$0x18200] =	vst v63  }
0x6e: {  	v10 =	vadd.f32 v24, v10;
	v31 =	vmul.f32 v24, v33;
	v32 =	vmul.f32 v6, v33;
	v30 =	vld [tilespmem:s23+$0xFFFFFFD0]  }
0x6f: {  	v36 =	vadd.f32 v6, v16;
	v34 =	vmul.f32 v19, v1;
	v33 =	vmul.f32 v11, v5;
	v24 =	vld [tilespmem:s23+$0xFFFFFFE0]  }
0x70: {  	v4 =	vmul.f32 v16, v4;
	v5 =	vcvt.s32.f32 v15;
	v15 =	vadd.f32 v8, v22;
	v6 =	vld [tilespmem:s24+$0xFFFFFFF0]  }
0x71: {  	v12 =	vcvt.s32.f32 v12;
	v17 =	vadd.f32 v17, v23;
	v16 =	vadd.f32 v31, v35;
	v1 =	vld [tilespmem:s23+$0xFFFFFFC0]  }
0x72: {  	v23 =	vadd.f32 v10, v14;
	v20 =	vadd.f32 v20, v27;
	v22 =	vmul.f32 v5, v29;
	v8 =	vld [tilespmem:s22+$0xFFFFFFF0]  }
0x73: {  	v13 =	vcvt.s32.f32 v13;
	v16 =	vadd.f32 v16, v21;
	v21 =	vadd.f32 v5, v11;
	v27 =	vld [tilespmem:s22+$0xFFFFFFE0]  }
0x74: {  	v29 =	vmul.f32 v18, v0;
	v11 =	vadd.f32 v20, v15;
	v15 =	vadd.f32 v18, v19;
	v0 =	vmovc v30;
	v10 =	vld [tilespmem:s24+$0xFFFFFFE0]  }
0x75: {  	v18 =	vmul.f32 v12, v26;
	v19 =	vmul.f32 v13, v25;
	v20 =	vadd.f32 v32, v4;
	v4 =	vmovc v24;
	v5 =	vld [tilespmem:s23+$0xFFFFFFA0]  }
0x76: {  	v22 =	vadd.f32 v22, v33;
	v24 =	vadd.f32 v36, v15;
	v14 =	vld [tilespmem:s24+$0xFFFFFFD0]  }
0x77: {  	v17 =	vadd.f32 v17, v28;
	v18 =	vadd.f32 v19, v18;
	v25 =	vld [tilespmem:s22+$0xFFFFFFD0]  }
0x78: {  	v12 =	vadd.f32 v13, v12;
	v26 =	vadd.f32 v16, v11;
	v15 =	vld [tilespmem:s24+$0xFFFFFFC0]  }
.Ltmp3:
0x79: {  	v13 =	vadd.f32 v29, v34;
	v22 =	vadd.f32 v22, v18;
	v11 =	vld [tilespmem:s24+$0xFFFFFFA0];
	v16 =	vand.u32 v27, v10;
	(pc) =	sbr.rel @p0 .LBB2_8-.Ltmp3, $4  }
0x7a: {  	v23 =	vadd.f32 v23, v17;
	v21 =	vadd.f32 v21, v12;
	v19 =	vld [tilespmem:s22+$0xFFFFFFC0]  }
0x7b: {  	v20 =	vadd.f32 v20, v13;
	v2 =	vadd.f32 v26, v2;
	v12 =	vld [tilespmem:s22+$0xFFFFFF80]  }
0x7c: {  	v3 =	vadd.f32 v23, v3;
	v21 =	vadd.f32 v24, v21;
	v17 =	vld [tilespmem:s22+$0xFFFFFFA0];
	v18 =	vand.u32 v25, v14  }
0x7d: {  	s23 =	sadd.s32 $0x100, s23;
	v20 =	vadd.f32 v20, v22;
	s22 =	sadd.s32 $0x100, s22;
	v13 =	vld [tilespmem:s19+$0xFFFFFF90]  }
0x7e: {  	v22 =	vld [tilespmem:s20+$0xFFFFFF80]  }
0x7f: {  	v23 =	vld [tilespmem:s20+$0xFFFFFF90]  }
0x80: {  	v24 =	vld [tilespmem:s20+$0xFFFFFFB0]  }
0x81: {  	v25 =	vld [tilespmem:s18+$0xFFFFFF90]  }
0x82: {  	v26 =	vld [tilespmem:s18+$0xFFFFFF80]  }
0x83: {  	v27 =	vld [tilespmem:s18+$0xFFFFFFB0]  }
0x84: {  	v28 =	vld [tilespmem:s19+$0xFFFFFFB0]  }
0x85: {  	v29 =	vld [tilespmem:s18+$0xFFFFFFF0];
	_ =	swait.ge [sflag:s13], $0x4000  }
0x86: {  	[sflag:s13] =	ssyncset.done $0x0  }
0x87: {  	[sflag:s13] =	ssyncadd.s32 $0xFFFFC000  }
0x88: {  	v30 =	vcvt.s32.f32 v11;
	v31 =	vcvt.s32.f32 v6;
	_ =	swait.ge [sflag:s13], $0x4000  }
0x89: {  	v14 =	vcvt.s32.f32 v14;
	v18 =	vcvt.s32.f32 v18;
	[sflag:s13] =	ssyncset.done $0x0  }
0x8a: {  	v16 =	vcvt.s32.f32 v16;
	v6 =	vand.u32 v8, v6;
	v8 =	vcvt.s32.f32 v10;
	[sflag:s13] =	ssyncadd.s32 $0xFFFFC000  }
0x8b: {  	v19 =	vand.u32 v19, v15;
	v15 =	vcvt.s32.f32 v15;
	v6 =	vcvt.s32.f32 v6;
	_ =	swait.ge [sflag:s13], $0x4000  }
0x8c: {  	s24 =	sor.u32 $0x81000, s11;
	v9 =	vadd.f32 v20, v9;
	v19 =	vcvt.s32.f32 v19;
	v32 =	vmul.f32 v30, v5;
	[sflag:s13] =	ssyncset.done $0x0  }
0x8d: {  	s25 =	simm.s32 $0x0;
	s17 =	sadd.s32 s1, s24;
	v20 =	vmul.f32 v14, v0;
	v0 =	vmul.f32 v18, v0;
	v17 =	vand.u32 v17, v11;
	[sflag:s13] =	ssyncadd.s32 $0xFFFFC000  }
0x8e: {  	v10 =	vmul.f32 v15, v1;
	v14 =	vadd.f32 v14, v15;
	v15 =	vcvt.s32.f32 v17;
	[tilespmem:s25], [sflag:$0x1] =	stream.linear.gather [hbm4b:s17+s5], $0x80, $0x38;
	[tilespmem:$0x18200] =	vst v63  }
0x8f: {  	s26 =	simm.s32 $0x8000;
	v7 =	vadd.f32 v21, v7;
	s28 =	sadd.s32 s2, s24;
	v1 =	vmul.f32 v19, v1;
	v21 =	vcvt.s32.f32 v22  }
0x90: {  	v43 =	vadd.f32 v18, v19;
	v33 =	vcvt.s32.f32 v23;
	v34 =	vcvt.s32.f32 v24;
	[tilespmem:s26], [sflag:$0x1] =	stream.linear.gather [hbm4b:s28+s5], $0x80, $0x38;
	[tilespmem:$0x18200] =	vst v63  }
0x91: {  	s29 =	simm.s32 $0x10000;
	s20 =	sadd.s32 s3, s24;
	v12 =	vand.u32 v12, v22;
	v13 =	vand.u32 v13, v23;
	v23 =	vmul.f32 v8, v4  }
0x92: {  	v10 =	vadd.f32 v20, v10;
	v24 =	vand.u32 v28, v24;
	v38 =	vmul.f32 v31, v29;
	[tilespmem:s29], [sflag:$0x1] =	stream.linear.gather [hbm4b:s20+s5], $0x80, $0x38;
	[tilespmem:$0x18200] =	vst v63  }
0x93: {  	v8 =	vadd.f32 v31, v8;
	v29 =	vmul.f32 v6, v29;
	v4 =	vmul.f32 v16, v4;
	v11 =	vld [tilespmem:s25+$0xD0]  }
0x94: {  	v6 =	vadd.f32 v6, v16;
	v5 =	vmul.f32 v15, v5;
	v24 =	vcvt.s32.f32 v24;
	v37 =	vld [tilespmem:s25+$0xE0]  }
0x95: {  	v12 =	vcvt.s32.f32 v12;
	v13 =	vcvt.s32.f32 v13;
	v0 =	vadd.f32 v0, v1;
	v20 =	vld [tilespmem:s29+$0xF0]  }
0x96: {  	v22 =	vmul.f32 v21, v26;
	v21 =	vadd.f32 v33, v21;
	v23 =	vadd.f32 v38, v23;
	v39 =	vld [tilespmem:s26+$0xF0]  }
0x97: {  	v35 =	vmul.f32 v33, v25;
	v30 =	vadd.f32 v34, v30;
	v8 =	vadd.f32 v8, v14;
	v16 =	vld [tilespmem:s26+$0xE0]  }
0x98: {  	v40 =	vmul.f32 v34, v27;
	v4 =	vadd.f32 v29, v4;
	v6 =	vadd.f32 v6, v43;
	v41 =	vld [tilespmem:s29+$0xE0]  }
0x99: {  	v15 =	vadd.f32 v24, v15;
	v26 =	vmul.f32 v12, v26;
	v12 =	vadd.f32 v13, v12;
	v14 =	vld [tilespmem:s29+$0xD0]  }
0x9a: {  	v24 =	vmul.f32 v24, v27;
	v22 =	vadd.f32 v35, v22;
	v10 =	vadd.f32 v23, v10;
	v23 =	vld [tilespmem:s26+$0xD0]  }
0x9b: {  	v25 =	vmul.f32 v13, v25;
	v32 =	vadd.f32 v40, v32;
	v18 =	vadd.f32 v30, v21;
	v44 =	vld [tilespmem:s29+$0xC0]  }
0x9c: {  	v0 =	vadd.f32 v4, v0;
	v5 =	vadd.f32 v24, v5;
	v45 =	vld [tilespmem:s29+$0xA0]  }
0x9d: {  	v21 =	vadd.f32 v25, v26;
	v22 =	vadd.f32 v32, v22;
	v19 =	vld [tilespmem:s26+$0xC0]  }
0x9e: {  	v12 =	vadd.f32 v15, v12;
	v8 =	vadd.f32 v8, v18;
	v13 =	vld [tilespmem:s26+$0xA0]  }
0x9f: {  	v1 =	vadd.f32 v5, v21;
	v10 =	vadd.f32 v10, v22;
	v15 =	vld [tilespmem:s29+$0x80]  }
0xa0: {  	v4 =	vadd.f32 v8, v3;
	v3 =	vadd.f32 v6, v12;
	v8 =	vld [tilespmem:s29+$0xB0]  }
0xa1: {  	v46 =	vld [tilespmem:s26+$0x80];
	v0 =	vadd.f32 v0, v1  }
0xa2: {  	v21 =	vadd.f32 v10, v2;
	v2 =	vld [tilespmem:s29+$0x90];
	v1 =	vadd.f32 v3, v7  }
0xa3: {  	v42 =	vld [tilespmem:s25+$0xA0];
	v3 =	vadd.f32 v0, v9;
	v6 =	vand.u32 v19, v44;
	v10 =	vcvt.s32.f32 v45  }
0xa4: {  	v5 =	vld [tilespmem:s26+$0x90];
	v19 =	vcvt.s32.f32 v20;
	v48 =	vcvt.s32.f32 v15;
	v13 =	vand.u32 v13, v45  }
0xa5: {  	v22 =	vld [tilespmem:s25+$0x80];
	v51 =	vcvt.s32.f32 v8;
	v20 =	vand.u32 v39, v20;
	v28 =	vcvt.s32.f32 v41  }
0xa6: {  	v49 =	vld [tilespmem:s26+$0xB0];
	v12 =	vcvt.s32.f32 v6;
	v6 =	vand.u32 v23, v14;
	v14 =	vcvt.s32.f32 v14  }
0xa7: {  	s17 =	sadd.s32 $0x10, s11;
	v17 =	vld [tilespmem:s25+$0xC0];
	v15 =	vand.u32 v46, v15;
	v0 =	vcvt.s32.f32 v2;
	v20 =	vcvt.s32.f32 v20  }
0xa8: {  	s21 =	sor.u32 $0x81000, s17;
	v18 =	vld [tilespmem:s25+$0x90];
	v13 =	vcvt.s32.f32 v13;
	v59 =	vcvt.s32.f32 v15  }
0xa9: {  	s18 =	simm.s32 $0x100;
	s30 =	sadd.s32 s1, s21;
	v47 =	vld [tilespmem:s25+$0xB0];
	v23 =	vcvt.s32.f32 v6;
	v7 =	vmul.f32 v10, v42;
	v6 =	vand.u32 v16, v41  }
0xaa: {  	v5 =	vand.u32 v5, v2;
	v16 =	vcvt.s32.f32 v44;
	v9 =	vcvt.s32.f32 v6;
	v6 =	vld [tilespmem:s25+$0xF0];
	[tilespmem:s18], [sflag:$0x1] =	stream.linear.gather [hbm4b:s30+s5], $0x80, $0x38  }
0xab: {  	s19 =	simm.s32 $0x8100;
	s31 =	sadd.s32 s2, s21;
	v2 =	vand.u32 v49, v8;
	v53 =	vmul.f32 v48, v22;
	v54 =	vmul.f32 v28, v37  }
0xac: {  	v58 =	vcvt.s32.f32 v2;
	v5 =	vcvt.s32.f32 v5;
	[tilespmem:s19], [sflag:$0x1] =	stream.linear.gather [hbm4b:s31+s5], $0x80, $0x38;
	[tilespmem:$0x18200] =	vst v63  }
0xad: {  	s21 =	sadd.s32 s3, s21;
	s20 =	simm.s32 $0x10100;
	v50 =	vmul.f32 v14, v11;
	v52 =	vmul.f32 v0, v18  }
0xae: {  	v26 =	vadd.f32 v0, v48;
	v57 =	vmul.f32 v13, v42;
	v32 =	vmul.f32 v16, v17;
	[tilespmem:s20], [sflag:$0x1] =	stream.linear.gather [hbm4b:s21+s5], $0x80, $0x38;
	[tilespmem:$0x18200] =	vst v63  }
0xaf: {  	v14 =	vadd.f32 v14, v16;
	v16 =	vmul.f32 v51, v47;
	v17 =	vmul.f32 v12, v17;
	v0 =	vld [tilespmem:s18+$0xD0]  }
0xb0: {  	v60 =	vadd.f32 v51, v10;
	v55 =	vmul.f32 v19, v6;
	v56 =	vmul.f32 v20, v6;
	v6 =	vld [tilespmem:s18+$0xE0]  }
0xb1: {  	v25 =	vmul.f32 v58, v47;
	v13 =	vadd.f32 v58, v13;
	v12 =	vadd.f32 v23, v12;
	v8 =	vld [tilespmem:s20+$0xF0]  }
0xb2: {  	v18 =	vmul.f32 v5, v18;
	v5 =	vadd.f32 v5, v59;
	v24 =	vadd.f32 v52, v53;
	v2 =	vld [tilespmem:s18+$0xC0]  }
0xb3: {  	v33 =	vmul.f32 v9, v37;
	v7 =	vadd.f32 v16, v7;
	v20 =	vadd.f32 v20, v9;
	v9 =	vld [tilespmem:s19+$0xF0]  }
0xb4: {  	v23 =	vmul.f32 v23, v11;
	v30 =	vadd.f32 v50, v32;
	v19 =	vadd.f32 v19, v28;
	v10 =	vld [tilespmem:s20+$0xE0]  }
0xb5: {  	v24 =	vadd.f32 v7, v24;
	v7 =	vld [tilespmem:s18+$0xA0];
	v15 =	vadd.f32 v55, v54  }
0xb6: {  	v25 =	vadd.f32 v25, v57;
	v17 =	vadd.f32 v23, v17;
	v62 =	vld [tilespmem:s19+$0xD0]  }
0xb7: {  	v11 =	vld [tilespmem:s20+$0xA0];
	v16 =	vadd.f32 v19, v14;
	v61 =	vadd.f32 v15, v30;
	v15 =	vmul.f32 v59, v22  }
0xb8: {  	v19 =	vld [tilespmem:s19+$0xE0];
	v20 =	vadd.f32 v20, v12;
	v12 =	vadd.f32 v60, v26  }
0xb9: {  	v13 =	vadd.f32 v13, v5;
	v14 =	vld [tilespmem:s20+$0xD0];
	v18 =	vadd.f32 v18, v15  }
0xba: {  	v22 =	vadd.f32 v56, v33;
	v63 =	vadd.f32 v16, v12;
	v15 =	vld [tilespmem:s20+$0xC0]  }
0xbb: {  	v24 =	vadd.f32 v61, v24;
	v23 =	vadd.f32 v25, v18;
	v18 =	vld [tilespmem:s19+$0xC0]  }
0xbc: {  	v12 =	vld [tilespmem:s19+$0x80];
	v22 =	vadd.f32 v22, v17;
	v4 =	vadd.f32 v63, v4  }
0xbd: {  	s22 =	simm.s32 $0x8200;
	v17 =	vld [tilespmem:s19+$0xA0];
	v5 =	vadd.f32 v24, v21;
	v21 =	vadd.f32 v20, v13  }
0xbe: {  	s23 =	simm.s32 $0x200;
	s24 =	simm.s32 $0x10100;
	s21 =	simm.s32 $0x80;
	v16 =	vand.u32 v19, v10;
	v19 =	vand.u32 v62, v14;
	v13 =	vld [tilespmem:s19+$0x90];
	v20 =	vadd.f32 v22, v23  }
.LBB2_10:
0xbf: {  	s21 =	sadd.s32 $0x80, s21;
	v22 =	vld [tilespmem:s20+$0x80];
	s17 =	sadd.s32 $0x10, s17;
	s24 =	sadd.s32 $0x100, s24;
	v1 =	vadd.f32 v21, v1  }
0xc0: {  	v23 =	vcvt.s32.f32 v11;
	p0 =	slt.u32 s21, $0x3F80;
	v21 =	vld [tilespmem:s20+$0x90];
	v18 =	vand.u32 v18, v15;
	v3 =	vadd.f32 v20, v3  }
0xc1: {  	v24 =	vcvt.s32.f32 v8;
	v20 =	vld [tilespmem:s20+$0xB0];
	v18 =	vcvt.s32.f32 v18;
	s20 =	smov.u32 s24  }
0xc2: {  	v14 =	vcvt.s32.f32 v14;
	v19 =	vcvt.s32.f32 v19;
	v25 =	vld [tilespmem:s18+$0x90]  }
0xc3: {  	v15 =	vcvt.s32.f32 v15;
	v27 =	vmul.f32 v23, v7;
	v26 =	vld [tilespmem:s18+$0x80]  }
0xc4: {  	v16 =	vcvt.s32.f32 v16;
	v28 =	vcvt.s32.f32 v22;
	v29 =	vld [tilespmem:s18+$0xB0]  }
0xc5: {  	s25 =	sor.u32 $0x81000, s17;
	v32 =	vmul.f32 v14, v0;
	v30 =	vcvt.s32.f32 v21;
	v31 =	vld [tilespmem:s19+$0xB0];
	s19 =	smov.u32 s22  }
0xc6: {  	v8 =	vand.u32 v9, v8;
	s26 =	sadd.s32 s1, s25;
	v11 =	vand.u32 v17, v11;
	v17 =	vcvt.s32.f32 v20;
	v33 =	vld [tilespmem:s18+$0xF0];
	s18 =	smov.u32 s23  }
0xc7: {  	v10 =	vcvt.s32.f32 v10;
	[tilespmem:s23], [sflag:$0x1] =	stream.linear.gather [hbm4b:s26+s5], $0x80, $0x38;
	v9 =	vmul.f32 v30, v25;
	[tilespmem:$0x18200] =	vst v63  }
0xc8: {  	v34 =	vmul.f32 v15, v2;
	v12 =	vand.u32 v12, v22;
	s26 =	sadd.s32 s2, s25;
	v22 =	vmul.f32 v28, v26  }
0xc9: {  	v8 =	vcvt.s32.f32 v8;
	v35 =	vmul.f32 v10, v6;
	v28 =	vadd.f32 v30, v28;
	[tilespmem:s22], [sflag:$0x1] =	stream.linear.gather [hbm4b:s26+s5], $0x80, $0x38;
	[tilespmem:$0x18200] =	vst v63  }
0xca: {  	v14 =	vadd.f32 v14, v15;
	v13 =	vand.u32 v13, v21;
	v21 =	vadd.f32 v32, v34;
	s25 =	sadd.s32 s3, s25  }
0xcb: {  	v11 =	vcvt.s32.f32 v11;
	v15 =	vand.u32 v31, v20;
	v20 =	vmul.f32 v17, v29;
	[tilespmem:s24], [sflag:$0x1] =	stream.linear.gather [hbm4b:s25+s5], $0x80, $0x38;
	[tilespmem:$0x18200] =	vst v63  }
0xcc: {  	v10 =	vadd.f32 v24, v10;
	v31 =	vmul.f32 v24, v33;
	v32 =	vmul.f32 v8, v33;
	v30 =	vld [tilespmem:s23+$0xD0]  }
0xcd: {  	v36 =	vadd.f32 v8, v16;
	v34 =	vmul.f32 v18, v2;
	v33 =	vmul.f32 v11, v7;
	v24 =	vld [tilespmem:s23+$0xE0]  }
0xce: {  	v6 =	vmul.f32 v16, v6;
	v7 =	vcvt.s32.f32 v15;
	v15 =	vadd.f32 v9, v22;
	v8 =	vld [tilespmem:s24+$0xF0]  }
0xcf: {  	v12 =	vcvt.s32.f32 v12;
	v17 =	vadd.f32 v17, v23;
	v16 =	vadd.f32 v31, v35;
	v2 =	vld [tilespmem:s23+$0xC0]  }
0xd0: {  	v23 =	vadd.f32 v10, v14;
	v20 =	vadd.f32 v20, v27;
	v22 =	vmul.f32 v7, v29;
	v9 =	vld [tilespmem:s22+$0xF0]  }
0xd1: {  	v13 =	vcvt.s32.f32 v13;
	v16 =	vadd.f32 v16, v21;
	v21 =	vadd.f32 v7, v11;
	v27 =	vld [tilespmem:s22+$0xE0]  }
0xd2: {  	v29 =	vmul.f32 v19, v0;
	v11 =	vadd.f32 v20, v15;
	v15 =	vadd.f32 v19, v18;
	v0 =	vmovc v30;
	v10 =	vld [tilespmem:s24+$0xE0]  }
0xd3: {  	v18 =	vmul.f32 v12, v26;
	v19 =	vmul.f32 v13, v25;
	v20 =	vadd.f32 v32, v6;
	v6 =	vmovc v24;
	v7 =	vld [tilespmem:s23+$0xA0]  }
0xd4: {  	v22 =	vadd.f32 v22, v33;
	v24 =	vadd.f32 v36, v15;
	v14 =	vld [tilespmem:s24+$0xD0]  }
0xd5: {  	v17 =	vadd.f32 v17, v28;
	v18 =	vadd.f32 v19, v18;
	v25 =	vld [tilespmem:s22+$0xD0]  }
0xd6: {  	v12 =	vadd.f32 v13, v12;
	v19 =	vadd.f32 v16, v11;
	v15 =	vld [tilespmem:s24+$0xC0]  }
.Ltmp4:
0xd7: {  	v13 =	vadd.f32 v29, v34;
	v22 =	vadd.f32 v22, v18;
	v11 =	vld [tilespmem:s24+$0xA0];
	v16 =	vand.u32 v27, v10;
	(pc) =	sbr.rel @p0 .LBB2_10-.Ltmp4, $4  }
0xd8: {  	v23 =	vadd.f32 v23, v17;
	v21 =	vadd.f32 v21, v12;
	v18 =	vld [tilespmem:s22+$0xC0]  }
0xd9: {  	v20 =	vadd.f32 v20, v13;
	v5 =	vadd.f32 v19, v5;
	v12 =	vld [tilespmem:s22+$0x80]  }
0xda: {  	v4 =	vadd.f32 v23, v4;
	v21 =	vadd.f32 v24, v21;
	v17 =	vld [tilespmem:s22+$0xA0];
	v19 =	vand.u32 v25, v14  }
0xdb: {  	s23 =	sadd.s32 $0x100, s23;
	v20 =	vadd.f32 v20, v22;
	s22 =	sadd.s32 $0x100, s22;
	v13 =	vld [tilespmem:s19+$0x90]  }
0xdc: {  	v22 =	vld [tilespmem:s20+$0x80]  }
0xdd: {  	v23 =	vld [tilespmem:s20+$0x90]  }
0xde: {  	v24 =	vld [tilespmem:s20+$0xB0]  }
0xdf: {  	v25 =	vld [tilespmem:s18+$0x90]  }
0xe0: {  	v26 =	vld [tilespmem:s18+$0x80]  }
0xe1: {  	v27 =	vld [tilespmem:s18+$0xB0]  }
0xe2: {  	v28 =	vld [tilespmem:s19+$0xB0]  }
0xe3: {  	v29 =	vld [tilespmem:s18+$0xF0];
	_ =	swait.ge [sflag:s12], $0x4000  }
0xe4: {  	[sflag:s12] =	ssyncset.done $0x0  }
0xe5: {  	[sflag:s12] =	ssyncadd.s32 $0xFFFFC000  }
0xe6: {  	_ =	swait.ge [sflag:s12], $0x4000  }
0xe7: {  	[sflag:s12] =	ssyncset.done $0x0  }
0xe8: {  	v30 =	vcvt.s32.f32 v11;
	v31 =	vcvt.s32.f32 v8;
	[sflag:s12] =	ssyncadd.s32 $0xFFFFC000  }
0xe9: {  	v14 =	vcvt.s32.f32 v14;
	v19 =	vcvt.s32.f32 v19;
	v1 =	vadd.f32 v21, v1;
	_ =	swait.ge [sflag:s12], $0x4000  }
0xea: {  	s24 =	sor.u32 $0x81800, s11;
	v16 =	vcvt.s32.f32 v16;
	v8 =	vand.u32 v9, v8;
	v9 =	vcvt.s32.f32 v10;
	[sflag:s12] =	ssyncset.done $0x0  }
0xeb: {  	s25 =	simm.s32 $0x80;
	v18 =	vand.u32 v18, v15;
	s17 =	sadd.s32 s1, s24;
	v15 =	vcvt.s32.f32 v15;
	v8 =	vcvt.s32.f32 v8;
	[sflag:s12] =	ssyncadd.s32 $0xFFFFC000  }
0xec: {  	v3 =	vadd.f32 v20, v3;
	v18 =	vcvt.s32.f32 v18;
	v32 =	vmul.f32 v30, v7;
	[tilespmem:s25], [sflag:$0x2] =	stream.linear.gather [hbm4b:s17+s5], $0x80, $0x38;
	[tilespmem:$0x18200] =	vst v63  }
0xed: {  	s26 =	simm.s32 $0x8080;
	s28 =	sadd.s32 s2, s24;
	v20 =	vmul.f32 v14, v0;
	v0 =	vmul.f32 v19, v0;
	v17 =	vand.u32 v17, v11  }
0xee: {  	v10 =	vmul.f32 v15, v2;
	v14 =	vadd.f32 v14, v15;
	v15 =	vcvt.s32.f32 v17;
	[tilespmem:s26], [sflag:$0x2] =	stream.linear.gather [hbm4b:s28+s5], $0x80, $0x38;
	[tilespmem:$0x18200] =	vst v63  }
0xef: {  	s29 =	simm.s32 $0x10080;
	s20 =	sadd.s32 s3, s24;
	v43 =	vadd.f32 v19, v18;
	v2 =	vmul.f32 v18, v2;
	v21 =	vcvt.s32.f32 v22  }
0xf0: {  	v33 =	vcvt.s32.f32 v23;
	v34 =	vcvt.s32.f32 v24;
	v12 =	vand.u32 v12, v22;
	[tilespmem:s29], [sflag:$0x2] =	stream.linear.gather [hbm4b:s20+s5], $0x80, $0x38;
	[tilespmem:$0x18200] =	vst v63  }
0xf1: {  	v13 =	vand.u32 v13, v23;
	v23 =	vmul.f32 v9, v6;
	v10 =	vadd.f32 v20, v10;
	v11 =	vld [tilespmem:s25+$0xFFFFFFD0]  }
0xf2: {  	v24 =	vand.u32 v28, v24;
	v38 =	vmul.f32 v31, v29;
	v29 =	vmul.f32 v8, v29;
	v37 =	vld [tilespmem:s25+$0xFFFFFFE0]  }
0xf3: {  	v9 =	vadd.f32 v31, v9;
	v6 =	vmul.f32 v16, v6;
	v7 =	vmul.f32 v15, v7;
	v20 =	vld [tilespmem:s29+$0xFFFFFFF0]  }
0xf4: {  	v8 =	vadd.f32 v8, v16;
	v24 =	vcvt.s32.f32 v24;
	v12 =	vcvt.s32.f32 v12;
	v17 =	vld [tilespmem:s25+$0xFFFFFFC0]  }
0xf5: {  	v0 =	vadd.f32 v0, v2;
	v22 =	vmul.f32 v21, v26;
	v21 =	vadd.f32 v33, v21;
	v39 =	vld [tilespmem:s26+$0xFFFFFFF0]  }
0xf6: {  	v13 =	vcvt.s32.f32 v13;
	v23 =	vadd.f32 v38, v23;
	v30 =	vadd.f32 v34, v30;
	v16 =	vld [tilespmem:s26+$0xFFFFFFE0]  }
0xf7: {  	v35 =	vmul.f32 v33, v25;
	v9 =	vadd.f32 v9, v14;
	v6 =	vadd.f32 v29, v6;
	v41 =	vld [tilespmem:s29+$0xFFFFFFE0]  }
0xf8: {  	v40 =	vmul.f32 v34, v27;
	v8 =	vadd.f32 v8, v43;
	v15 =	vadd.f32 v24, v15;
	v42 =	vld [tilespmem:s25+$0xFFFFFFA0]  }
0xf9: {  	v24 =	vmul.f32 v24, v27;
	v26 =	vmul.f32 v12, v26;
	v12 =	vadd.f32 v13, v12;
	v14 =	vld [tilespmem:s29+$0xFFFFFFD0]  }
0xfa: {  	v25 =	vmul.f32 v13, v25;
	v22 =	vadd.f32 v35, v22;
	v10 =	vadd.f32 v23, v10;
	v23 =	vld [tilespmem:s26+$0xFFFFFFD0]  }
0xfb: {  	v32 =	vadd.f32 v40, v32;
	v19 =	vadd.f32 v30, v21;
	v44 =	vld [tilespmem:s29+$0xFFFFFFC0]  }
0xfc: {  	v7 =	vadd.f32 v24, v7;
	v21 =	vadd.f32 v25, v26;
	v45 =	vld [tilespmem:s29+$0xFFFFFFA0]  }
0xfd: {  	v0 =	vadd.f32 v6, v0;
	v12 =	vadd.f32 v15, v12;
	v18 =	vld [tilespmem:s26+$0xFFFFFFC0]  }
0xfe: {  	v22 =	vadd.f32 v32, v22;
	v2 =	vadd.f32 v7, v21;
	v13 =	vld [tilespmem:s26+$0xFFFFFFA0]  }
0xff: {  	v9 =	vadd.f32 v9, v19;
	v8 =	vadd.f32 v8, v12;
	v6 =	vld [tilespmem:s29+$0xFFFFFF90]  }
0x100: {  	v10 =	vadd.f32 v10, v22;
	v7 =	vld [tilespmem:s26+$0xFFFFFF90];
	v0 =	vadd.f32 v0, v2  }
0x101: {  	v4 =	vadd.f32 v9, v4;
	v15 =	vld [tilespmem:s29+$0xFFFFFF80];
	v1 =	vadd.f32 v8, v1  }
0x102: {  	v5 =	vadd.f32 v10, v5;
	v10 =	vld [tilespmem:s29+$0xFFFFFFB0];
	v3 =	vadd.f32 v0, v3  }
0x103: {  	v46 =	vld [tilespmem:s26+$0xFFFFFF80];
	v12 =	vcvt.s32.f32 v45;
	v2 =	vand.u32 v23, v14;
	v14 =	vcvt.s32.f32 v14  }
0x104: {  	v19 =	vld [tilespmem:s25+$0xFFFFFF90];
	v9 =	vand.u32 v18, v44;
	v8 =	vcvt.s32.f32 v44;
	v0 =	vcvt.s32.f32 v6  }
0x105: {  	s17 =	sadd.s32 $0x10, s11;
	v21 =	vld [tilespmem:s25+$0xFFFFFF80];
	v13 =	vand.u32 v13, v45;
	v28 =	vcvt.s32.f32 v41;
	v18 =	vcvt.s32.f32 v9  }
0x106: {  	s21 =	sor.u32 $0x81800, s17;
	v48 =	vld [tilespmem:s26+$0xFFFFFFB0];
	v7 =	vand.u32 v7, v6;
	v9 =	vcvt.s32.f32 v20;
	v22 =	vcvt.s32.f32 v2  }
0x107: {  	s18 =	simm.s32 $0x180;
	s30 =	sadd.s32 s1, s21;
	v47 =	vld [tilespmem:s25+$0xFFFFFFB0];
	v2 =	vand.u32 v16, v41;
	v16 =	vcvt.s32.f32 v15;
	v51 =	vcvt.s32.f32 v10  }
0x108: {  	v49 =	vld [tilespmem:s25+$0xFFFFFFF0];
	[tilespmem:s18], [sflag:$0x2] =	stream.linear.gather [hbm4b:s30+s5], $0x80, $0x38;
	v13 =	vcvt.s32.f32 v13;
	v60 =	vcvt.s32.f32 v7  }
0x109: {  	s19 =	simm.s32 $0x8180;
	s31 =	sadd.s32 s2, s21;
	v20 =	vand.u32 v39, v20;
	v23 =	vmul.f32 v12, v42;
	v2 =	vcvt.s32.f32 v2  }
0x10a: {  	[tilespmem:s19], [sflag:$0x2] =	stream.linear.gather [hbm4b:s31+s5], $0x80, $0x38;
	v15 =	vand.u32 v46, v15;
	v50 =	vmul.f32 v14, v11;
	v52 =	vmul.f32 v0, v19;
	[tilespmem:$0x18200] =	vst v63  }
0x10b: {  	s21 =	sadd.s32 s3, s21;
	s20 =	simm.s32 $0x10180;
	v10 =	vand.u32 v48, v10;
	v32 =	vmul.f32 v8, v17;
	v54 =	vmul.f32 v28, v37  }
0x10c: {  	[tilespmem:s20], [sflag:$0x2] =	stream.linear.gather [hbm4b:s21+s5], $0x80, $0x38;
	v20 =	vcvt.s32.f32 v20;
	v14 =	vadd.f32 v14, v8;
	v10 =	vcvt.s32.f32 v10;
	[tilespmem:$0x18200] =	vst v63  }
0x10d: {  	v6 =	vld [tilespmem:s18+$0xFFFFFFE0];
	v57 =	vcvt.s32.f32 v15;
	v53 =	vmul.f32 v16, v21;
	v16 =	vadd.f32 v0, v16  }
0x10e: {  	v59 =	vld [tilespmem:s19+$0xFFFFFFE0];
	v55 =	vmul.f32 v51, v47;
	v56 =	vmul.f32 v9, v49;
	v28 =	vadd.f32 v9, v28  }
0x10f: {  	v7 =	vld [tilespmem:s18+$0xFFFFFFA0];
	v34 =	vmul.f32 v13, v42;
	v17 =	vmul.f32 v18, v17;
	v12 =	vadd.f32 v51, v12  }
0x110: {  	v62 =	vld [tilespmem:s19+$0xFFFFFFD0];
	v30 =	vadd.f32 v50, v32;
	v27 =	vmul.f32 v20, v49;
	v20 =	vadd.f32 v20, v2  }
0x111: {  	v8 =	vld [tilespmem:s20+$0xFFFFFFF0];
	v19 =	vmul.f32 v60, v19;
	v13 =	vadd.f32 v10, v13;
	v24 =	vadd.f32 v52, v53  }
0x112: {  	v0 =	vld [tilespmem:s18+$0xFFFFFFD0];
	v33 =	vmul.f32 v2, v37;
	v15 =	vadd.f32 v56, v54;
	v23 =	vadd.f32 v55, v23  }
0x113: {  	v9 =	vld [tilespmem:s19+$0xFFFFFFF0];
	v25 =	vmul.f32 v10, v47;
	v58 =	vadd.f32 v28, v14;
	v12 =	vadd.f32 v12, v16  }
0x114: {  	v2 =	vld [tilespmem:s18+$0xFFFFFFC0];
	v30 =	vadd.f32 v15, v30;
	v15 =	vadd.f32 v22, v18;
	v18 =	vmul.f32 v57, v21  }
0x115: {  	v10 =	vld [tilespmem:s20+$0xFFFFFFE0];
	v61 =	vadd.f32 v25, v34;
	v23 =	vadd.f32 v23, v24  }
0x116: {  	v14 =	vld [tilespmem:s20+$0xFFFFFFD0];
	v21 =	vadd.f32 v27, v33;
	v22 =	vmul.f32 v22, v11;
	v16 =	vadd.f32 v19, v18  }
0x117: {  	v11 =	vld [tilespmem:s20+$0xFFFFFFA0];
	v19 =	vadd.f32 v30, v23;
	v23 =	vadd.f32 v60, v57  }
0x118: {  	v20 =	vadd.f32 v20, v15;
	v15 =	vld [tilespmem:s20+$0xFFFFFFC0];
	v17 =	vadd.f32 v22, v17  }
0x119: {  	v63 =	vadd.f32 v58, v12;
	v18 =	vld [tilespmem:s19+$0xFFFFFFC0];
	v13 =	vadd.f32 v13, v23  }
0x11a: {  	v12 =	vld [tilespmem:s19+$0xFFFFFF80];
	v22 =	vadd.f32 v61, v16;
	v23 =	vadd.f32 v21, v17  }
0x11b: {  	s22 =	simm.s32 $0x8280;
	v4 =	vadd.f32 v63, v4;
	v16 =	vand.u32 v59, v10;
	v17 =	vld [tilespmem:s19+$0xFFFFFFA0];
	v21 =	vadd.f32 v20, v13  }
0x11c: {  	s23 =	simm.s32 $0x280;
	s24 =	simm.s32 $0x10180;
	s21 =	simm.s32 $0x80;
	v5 =	vadd.f32 v19, v5;
	v19 =	vand.u32 v62, v14;
	v13 =	vld [tilespmem:s19+$0xFFFFFF90];
	v20 =	vadd.f32 v23, v22  }
.LBB2_12:
0x11d: {  	s21 =	sadd.s32 $0x80, s21;
	v22 =	vld [tilespmem:s20+$0xFFFFFF80];
	s17 =	sadd.s32 $0x10, s17;
	s24 =	sadd.s32 $0x100, s24;
	v1 =	vadd.f32 v21, v1  }
0x11e: {  	v23 =	vcvt.s32.f32 v11;
	p0 =	slt.u32 s21, $0x3F80;
	v21 =	vld [tilespmem:s20+$0xFFFFFF90];
	v18 =	vand.u32 v18, v15;
	v3 =	vadd.f32 v20, v3  }
0x11f: {  	v24 =	vcvt.s32.f32 v8;
	v20 =	vld [tilespmem:s20+$0xFFFFFFB0];
	v18 =	vcvt.s32.f32 v18;
	s20 =	smov.u32 s24  }
0x120: {  	v14 =	vcvt.s32.f32 v14;
	v19 =	vcvt.s32.f32 v19;
	v25 =	vld [tilespmem:s18+$0xFFFFFF90]  }
0x121: {  	v15 =	vcvt.s32.f32 v15;
	v27 =	vmul.f32 v23, v7;
	v26 =	vld [tilespmem:s18+$0xFFFFFF80]  }
0x122: {  	v16 =	vcvt.s32.f32 v16;
	v28 =	vcvt.s32.f32 v22;
	v29 =	vld [tilespmem:s18+$0xFFFFFFB0]  }
0x123: {  	s25 =	sor.u32 $0x81800, s17;
	v32 =	vmul.f32 v14, v0;
	v30 =	vcvt.s32.f32 v21;
	v31 =	vld [tilespmem:s19+$0xFFFFFFB0];
	s19 =	smov.u32 s22  }
0x124: {  	v8 =	vand.u32 v9, v8;
	s26 =	sadd.s32 s1, s25;
	v11 =	vand.u32 v17, v11;
	v17 =	vcvt.s32.f32 v20;
	v33 =	vld [tilespmem:s18+$0xFFFFFFF0];
	s18 =	smov.u32 s23  }
0x125: {  	v10 =	vcvt.s32.f32 v10;
	[tilespmem:s23], [sflag:$0x2] =	stream.linear.gather [hbm4b:s26+s5], $0x80, $0x38;
	v9 =	vmul.f32 v30, v25;
	[tilespmem:$0x18200] =	vst v63  }
0x126: {  	v34 =	vmul.f32 v15, v2;
	v12 =	vand.u32 v12, v22;
	s26 =	sadd.s32 s2, s25;
	v22 =	vmul.f32 v28, v26  }
0x127: {  	v8 =	vcvt.s32.f32 v8;
	v35 =	vmul.f32 v10, v6;
	v28 =	vadd.f32 v30, v28;
	[tilespmem:s22], [sflag:$0x2] =	stream.linear.gather [hbm4b:s26+s5], $0x80, $0x38;
	[tilespmem:$0x18200] =	vst v63  }
0x128: {  	v14 =	vadd.f32 v14, v15;
	v13 =	vand.u32 v13, v21;
	v21 =	vadd.f32 v32, v34;
	s25 =	sadd.s32 s3, s25  }
0x129: {  	v11 =	vcvt.s32.f32 v11;
	v15 =	vand.u32 v31, v20;
	v20 =	vmul.f32 v17, v29;
	[tilespmem:s24], [sflag:$0x2] =	stream.linear.gather [hbm4b:s25+s5], $0x80, $0x38;
	[tilespmem:$0x18200] =	vst v63  }
0x12a: {  	v10 =	vadd.f32 v24, v10;
	v31 =	vmul.f32 v24, v33;
	v32 =	vmul.f32 v8, v33;
	v30 =	vld [tilespmem:s23+$0xFFFFFFD0]  }
0x12b: {  	v36 =	vadd.f32 v8, v16;
	v34 =	vmul.f32 v18, v2;
	v33 =	vmul.f32 v11, v7;
	v24 =	vld [tilespmem:s23+$0xFFFFFFE0]  }
0x12c: {  	v6 =	vmul.f32 v16, v6;
	v7 =	vcvt.s32.f32 v15;
	v15 =	vadd.f32 v9, v22;
	v8 =	vld [tilespmem:s24+$0xFFFFFFF0]  }
0x12d: {  	v12 =	vcvt.s32.f32 v12;
	v17 =	vadd.f32 v17, v23;
	v16 =	vadd.f32 v31, v35;
	v2 =	vld [tilespmem:s23+$0xFFFFFFC0]  }
0x12e: {  	v23 =	vadd.f32 v10, v14;
	v20 =	vadd.f32 v20, v27;
	v22 =	vmul.f32 v7, v29;
	v9 =	vld [tilespmem:s22+$0xFFFFFFF0]  }
0x12f: {  	v13 =	vcvt.s32.f32 v13;
	v16 =	vadd.f32 v16, v21;
	v21 =	vadd.f32 v7, v11;
	v27 =	vld [tilespmem:s22+$0xFFFFFFE0]  }
0x130: {  	v29 =	vmul.f32 v19, v0;
	v11 =	vadd.f32 v20, v15;
	v15 =	vadd.f32 v19, v18;
	v0 =	vmovc v30;
	v10 =	vld [tilespmem:s24+$0xFFFFFFE0]  }
0x131: {  	v18 =	vmul.f32 v12, v26;
	v19 =	vmul.f32 v13, v25;
	v20 =	vadd.f32 v32, v6;
	v6 =	vmovc v24;
	v7 =	vld [tilespmem:s23+$0xFFFFFFA0]  }
0x132: {  	v22 =	vadd.f32 v22, v33;
	v24 =	vadd.f32 v36, v15;
	v14 =	vld [tilespmem:s24+$0xFFFFFFD0]  }
0x133: {  	v17 =	vadd.f32 v17, v28;
	v18 =	vadd.f32 v19, v18;
	v25 =	vld [tilespmem:s22+$0xFFFFFFD0]  }
0x134: {  	v12 =	vadd.f32 v13, v12;
	v19 =	vadd.f32 v16, v11;
	v15 =	vld [tilespmem:s24+$0xFFFFFFC0]  }
.Ltmp5:
0x135: {  	v13 =	vadd.f32 v29, v34;
	v22 =	vadd.f32 v22, v18;
	v11 =	vld [tilespmem:s24+$0xFFFFFFA0];
	v16 =	vand.u32 v27, v10;
	(pc) =	sbr.rel @p0 .LBB2_12-.Ltmp5, $4  }
0x136: {  	v23 =	vadd.f32 v23, v17;
	v21 =	vadd.f32 v21, v12;
	v18 =	vld [tilespmem:s22+$0xFFFFFFC0]  }
0x137: {  	v20 =	vadd.f32 v20, v13;
	v5 =	vadd.f32 v19, v5;
	v12 =	vld [tilespmem:s22+$0xFFFFFF80]  }
0x138: {  	v4 =	vadd.f32 v23, v4;
	v21 =	vadd.f32 v24, v21;
	v17 =	vld [tilespmem:s22+$0xFFFFFFA0];
	v19 =	vand.u32 v25, v14  }
0x139: {  	s23 =	sadd.s32 $0x100, s23;
	v20 =	vadd.f32 v20, v22;
	s22 =	sadd.s32 $0x100, s22;
	v13 =	vld [tilespmem:s19+$0xFFFFFF90]  }
0x13a: {  	v22 =	vld [tilespmem:s20+$0xFFFFFF80]  }
0x13b: {  	v23 =	vld [tilespmem:s20+$0xFFFFFF90]  }
0x13c: {  	v24 =	vld [tilespmem:s20+$0xFFFFFFB0]  }
0x13d: {  	v25 =	vld [tilespmem:s18+$0xFFFFFF90]  }
0x13e: {  	v26 =	vld [tilespmem:s18+$0xFFFFFF80]  }
0x13f: {  	v27 =	vld [tilespmem:s18+$0xFFFFFFB0]  }
0x140: {  	v28 =	vld [tilespmem:s19+$0xFFFFFFB0]  }
0x141: {  	v29 =	vld [tilespmem:s18+$0xFFFFFFF0];
	_ =	swait.ge [sflag:s13], $0x4000  }
0x142: {  	[sflag:s13] =	ssyncset.done $0x0  }
0x143: {  	[sflag:s13] =	ssyncadd.s32 $0xFFFFC000  }
0x144: {  	_ =	swait.ge [sflag:s13], $0x4000  }
0x145: {  	[sflag:s13] =	ssyncset.done $0x0  }
0x146: {  	v30 =	vcvt.s32.f32 v11;
	v31 =	vcvt.s32.f32 v8;
	[sflag:s13] =	ssyncadd.s32 $0xFFFFC000  }
0x147: {  	v14 =	vcvt.s32.f32 v14;
	v19 =	vcvt.s32.f32 v19;
	v1 =	vadd.f32 v21, v1;
	_ =	swait.ge [sflag:s13], $0x4000  }
0x148: {  	s24 =	sor.u32 $0x82000, s11;
	v16 =	vcvt.s32.f32 v16;
	v8 =	vand.u32 v9, v8;
	v9 =	vcvt.s32.f32 v10;
	[sflag:s13] =	ssyncset.done $0x0  }
0x149: {  	s25 =	simm.s32 $0x0;
	v18 =	vand.u32 v18, v15;
	s17 =	sadd.s32 s1, s24;
	v15 =	vcvt.s32.f32 v15;
	v8 =	vcvt.s32.f32 v8;
	[sflag:s13] =	ssyncadd.s32 $0xFFFFC000  }
0x14a: {  	v3 =	vadd.f32 v20, v3;
	v18 =	vcvt.s32.f32 v18;
	v32 =	vmul.f32 v30, v7;
	[tilespmem:s25], [sflag:$0x1] =	stream.linear.gather [hbm4b:s17+s5], $0x80, $0x38;
	[tilespmem:$0x18200] =	vst v63  }
0x14b: {  	s26 =	simm.s32 $0x8000;
	s28 =	sadd.s32 s2, s24;
	v20 =	vmul.f32 v14, v0;
	v0 =	vmul.f32 v19, v0;
	v17 =	vand.u32 v17, v11  }
0x14c: {  	v10 =	vmul.f32 v15, v2;
	v14 =	vadd.f32 v14, v15;
	v15 =	vcvt.s32.f32 v17;
	[tilespmem:s26], [sflag:$0x1] =	stream.linear.gather [hbm4b:s28+s5], $0x80, $0x38;
	[tilespmem:$0x18200] =	vst v63  }
0x14d: {  	s29 =	simm.s32 $0x10000;
	s20 =	sadd.s32 s3, s24;
	v43 =	vadd.f32 v19, v18;
	v2 =	vmul.f32 v18, v2;
	v21 =	vcvt.s32.f32 v22  }
0x14e: {  	v33 =	vcvt.s32.f32 v23;
	v34 =	vcvt.s32.f32 v24;
	v12 =	vand.u32 v12, v22;
	[tilespmem:s29], [sflag:$0x1] =	stream.linear.gather [hbm4b:s20+s5], $0x80, $0x38;
	[tilespmem:$0x18200] =	vst v63  }
0x14f: {  	v13 =	vand.u32 v13, v23;
	v23 =	vmul.f32 v9, v6;
	v10 =	vadd.f32 v20, v10;
	v11 =	vld [tilespmem:s25+$0xD0]  }
0x150: {  	v24 =	vand.u32 v28, v24;
	v38 =	vmul.f32 v31, v29;
	v29 =	vmul.f32 v8, v29;
	v37 =	vld [tilespmem:s25+$0xE0]  }
0x151: {  	v9 =	vadd.f32 v31, v9;
	v6 =	vmul.f32 v16, v6;
	v7 =	vmul.f32 v15, v7;
	v20 =	vld [tilespmem:s29+$0xF0]  }
0x152: {  	v8 =	vadd.f32 v8, v16;
	v24 =	vcvt.s32.f32 v24;
	v12 =	vcvt.s32.f32 v12;
	v17 =	vld [tilespmem:s25+$0xC0]  }
0x153: {  	v0 =	vadd.f32 v0, v2;
	v22 =	vmul.f32 v21, v26;
	v21 =	vadd.f32 v33, v21;
	v39 =	vld [tilespmem:s26+$0xF0]  }
0x154: {  	v13 =	vcvt.s32.f32 v13;
	v23 =	vadd.f32 v38, v23;
	v30 =	vadd.f32 v34, v30;
	v16 =	vld [tilespmem:s26+$0xE0]  }
0x155: {  	v35 =	vmul.f32 v33, v25;
	v9 =	vadd.f32 v9, v14;
	v6 =	vadd.f32 v29, v6;
	v41 =	vld [tilespmem:s29+$0xE0]  }
0x156: {  	v40 =	vmul.f32 v34, v27;
	v8 =	vadd.f32 v8, v43;
	v15 =	vadd.f32 v24, v15;
	v42 =	vld [tilespmem:s25+$0xA0]  }
0x157: {  	v24 =	vmul.f32 v24, v27;
	v26 =	vmul.f32 v12, v26;
	v12 =	vadd.f32 v13, v12;
	v14 =	vld [tilespmem:s29+$0xD0]  }
0x158: {  	v25 =	vmul.f32 v13, v25;
	v22 =	vadd.f32 v35, v22;
	v10 =	vadd.f32 v23, v10;
	v23 =	vld [tilespmem:s26+$0xD0]  }
0x159: {  	v32 =	vadd.f32 v40, v32;
	v19 =	vadd.f32 v30, v21;
	v44 =	vld [tilespmem:s29+$0xC0]  }
0x15a: {  	v7 =	vadd.f32 v24, v7;
	v21 =	vadd.f32 v25, v26;
	v45 =	vld [tilespmem:s29+$0xA0]  }
0x15b: {  	v0 =	vadd.f32 v6, v0;
	v12 =	vadd.f32 v15, v12;
	v18 =	vld [tilespmem:s26+$0xC0]  }
0x15c: {  	v22 =	vadd.f32 v32, v22;
	v2 =	vadd.f32 v7, v21;
	v13 =	vld [tilespmem:s26+$0xA0]  }
0x15d: {  	v9 =	vadd.f32 v9, v19;
	v8 =	vadd.f32 v8, v12;
	v6 =	vld [tilespmem:s29+$0x90]  }
0x15e: {  	v10 =	vadd.f32 v10, v22;
	v7 =	vld [tilespmem:s26+$0x90];
	v0 =	vadd.f32 v0, v2  }
0x15f: {  	v4 =	vadd.f32 v9, v4;
	v15 =	vld [tilespmem:s29+$0x80];
	v1 =	vadd.f32 v8, v1  }
0x160: {  	v5 =	vadd.f32 v10, v5;
	v10 =	vld [tilespmem:s29+$0xB0];
	v3 =	vadd.f32 v0, v3  }
0x161: {  	v46 =	vld [tilespmem:s26+$0x80];
	v12 =	vcvt.s32.f32 v45;
	v2 =	vand.u32 v23, v14;
	v14 =	vcvt.s32.f32 v14  }
0x162: {  	v19 =	vld [tilespmem:s25+$0x90];
	v9 =	vand.u32 v18, v44;
	v8 =	vcvt.s32.f32 v44;
	v0 =	vcvt.s32.f32 v6  }
0x163: {  	s17 =	sadd.s32 $0x10, s11;
	v21 =	vld [tilespmem:s25+$0x80];
	v13 =	vand.u32 v13, v45;
	v28 =	vcvt.s32.f32 v41;
	v18 =	vcvt.s32.f32 v9  }
0x164: {  	s21 =	sor.u32 $0x82000, s17;
	v48 =	vld [tilespmem:s26+$0xB0];
	v7 =	vand.u32 v7, v6;
	v9 =	vcvt.s32.f32 v20;
	v22 =	vcvt.s32.f32 v2  }
0x165: {  	s18 =	simm.s32 $0x100;
	s30 =	sadd.s32 s1, s21;
	v47 =	vld [tilespmem:s25+$0xB0];
	v2 =	vand.u32 v16, v41;
	v16 =	vcvt.s32.f32 v15;
	v51 =	vcvt.s32.f32 v10  }
0x166: {  	v49 =	vld [tilespmem:s25+$0xF0];
	[tilespmem:s18], [sflag:$0x1] =	stream.linear.gather [hbm4b:s30+s5], $0x80, $0x38;
	v13 =	vcvt.s32.f32 v13;
	v60 =	vcvt.s32.f32 v7  }
0x167: {  	s19 =	simm.s32 $0x8100;
	s31 =	sadd.s32 s2, s21;
	v20 =	vand.u32 v39, v20;
	v23 =	vmul.f32 v12, v42;
	v2 =	vcvt.s32.f32 v2  }
0x168: {  	[tilespmem:s19], [sflag:$0x1] =	stream.linear.gather [hbm4b:s31+s5], $0x80, $0x38;
	v15 =	vand.u32 v46, v15;
	v50 =	vmul.f32 v14, v11;
	v52 =	vmul.f32 v0, v19;
	[tilespmem:$0x18200] =	vst v63  }
0x169: {  	s21 =	sadd.s32 s3, s21;
	s20 =	simm.s32 $0x10100;
	v10 =	vand.u32 v48, v10;
	v32 =	vmul.f32 v8, v17;
	v54 =	vmul.f32 v28, v37  }
0x16a: {  	[tilespmem:s20], [sflag:$0x1] =	stream.linear.gather [hbm4b:s21+s5], $0x80, $0x38;
	v20 =	vcvt.s32.f32 v20;
	v14 =	vadd.f32 v14, v8;
	v10 =	vcvt.s32.f32 v10;
	[tilespmem:$0x18200] =	vst v63  }
0x16b: {  	v6 =	vld [tilespmem:s18+$0xE0];
	v57 =	vcvt.s32.f32 v15;
	v53 =	vmul.f32 v16, v21;
	v16 =	vadd.f32 v0, v16  }
0x16c: {  	v59 =	vld [tilespmem:s19+$0xE0];
	v55 =	vmul.f32 v51, v47;
	v56 =	vmul.f32 v9, v49;
	v28 =	vadd.f32 v9, v28  }
0x16d: {  	v7 =	vld [tilespmem:s18+$0xA0];
	v34 =	vmul.f32 v13, v42;
	v17 =	vmul.f32 v18, v17;
	v12 =	vadd.f32 v51, v12  }
0x16e: {  	v62 =	vld [tilespmem:s19+$0xD0];
	v30 =	vadd.f32 v50, v32;
	v27 =	vmul.f32 v20, v49;
	v20 =	vadd.f32 v20, v2  }
0x16f: {  	v8 =	vld [tilespmem:s20+$0xF0];
	v19 =	vmul.f32 v60, v19;
	v13 =	vadd.f32 v10, v13;
	v24 =	vadd.f32 v52, v53  }
0x170: {  	v0 =	vld [tilespmem:s18+$0xD0];
	v33 =	vmul.f32 v2, v37;
	v15 =	vadd.f32 v56, v54;
	v23 =	vadd.f32 v55, v23  }
0x171: {  	v9 =	vld [tilespmem:s19+$0xF0];
	v25 =	vmul.f32 v10, v47;
	v58 =	vadd.f32 v28, v14;
	v12 =	vadd.f32 v12, v16  }
0x172: {  	v2 =	vld [tilespmem:s18+$0xC0];
	v30 =	vadd.f32 v15, v30;
	v15 =	vadd.f32 v22, v18;
	v18 =	vmul.f32 v57, v21  }
0x173: {  	v10 =	vld [tilespmem:s20+$0xE0];
	v61 =	vadd.f32 v25, v34;
	v23 =	vadd.f32 v23, v24  }
0x174: {  	v14 =	vld [tilespmem:s20+$0xD0];
	v21 =	vadd.f32 v27, v33;
	v22 =	vmul.f32 v22, v11;
	v16 =	vadd.f32 v19, v18  }
0x175: {  	v11 =	vld [tilespmem:s20+$0xA0];
	v19 =	vadd.f32 v30, v23;
	v23 =	vadd.f32 v60, v57  }
0x176: {  	v20 =	vadd.f32 v20, v15;
	v15 =	vld [tilespmem:s20+$0xC0];
	v17 =	vadd.f32 v22, v17  }
0x177: {  	v63 =	vadd.f32 v58, v12;
	v18 =	vld [tilespmem:s19+$0xC0];
	v13 =	vadd.f32 v13, v23  }
0x178: {  	v12 =	vld [tilespmem:s19+$0x80];
	v22 =	vadd.f32 v61, v16;
	v23 =	vadd.f32 v21, v17  }
0x179: {  	s22 =	simm.s32 $0x8200;
	v4 =	vadd.f32 v63, v4;
	v16 =	vand.u32 v59, v10;
	v17 =	vld [tilespmem:s19+$0xA0];
	v21 =	vadd.f32 v20, v13  }
0x17a: {  	s23 =	simm.s32 $0x200;
	s24 =	simm.s32 $0x10100;
	s21 =	simm.s32 $0x80;
	v5 =	vadd.f32 v19, v5;
	v19 =	vand.u32 v62, v14;
	v13 =	vld [tilespmem:s19+$0x90];
	v20 =	vadd.f32 v23, v22  }
.LBB2_14:
0x17b: {  	s21 =	sadd.s32 $0x80, s21;
	v22 =	vld [tilespmem:s20+$0x80];
	s17 =	sadd.s32 $0x10, s17;
	s24 =	sadd.s32 $0x100, s24;
	v1 =	vadd.f32 v21, v1  }
0x17c: {  	v23 =	vcvt.s32.f32 v11;
	p0 =	slt.u32 s21, $0x3F80;
	v21 =	vld [tilespmem:s20+$0x90];
	v18 =	vand.u32 v18, v15;
	v3 =	vadd.f32 v20, v3  }
0x17d: {  	v24 =	vcvt.s32.f32 v8;
	v20 =	vld [tilespmem:s20+$0xB0];
	v18 =	vcvt.s32.f32 v18;
	s20 =	smov.u32 s24  }
0x17e: {  	v14 =	vcvt.s32.f32 v14;
	v19 =	vcvt.s32.f32 v19;
	v25 =	vld [tilespmem:s18+$0x90]  }
0x17f: {  	v15 =	vcvt.s32.f32 v15;
	v27 =	vmul.f32 v23, v7;
	v26 =	vld [tilespmem:s18+$0x80]  }
0x180: {  	v16 =	vcvt.s32.f32 v16;
	v28 =	vcvt.s32.f32 v22;
	v29 =	vld [tilespmem:s18+$0xB0]  }
0x181: {  	s25 =	sor.u32 $0x82000, s17;
	v32 =	vmul.f32 v14, v0;
	v30 =	vcvt.s32.f32 v21;
	v31 =	vld [tilespmem:s19+$0xB0];
	s19 =	smov.u32 s22  }
0x182: {  	v8 =	vand.u32 v9, v8;
	s26 =	sadd.s32 s1, s25;
	v11 =	vand.u32 v17, v11;
	v17 =	vcvt.s32.f32 v20;
	v33 =	vld [tilespmem:s18+$0xF0];
	s18 =	smov.u32 s23  }
0x183: {  	v10 =	vcvt.s32.f32 v10;
	[tilespmem:s23], [sflag:$0x1] =	stream.linear.gather [hbm4b:s26+s5], $0x80, $0x38;
	v9 =	vmul.f32 v30, v25;
	[tilespmem:$0x18200] =	vst v63  }
0x184: {  	v34 =	vmul.f32 v15, v2;
	v12 =	vand.u32 v12, v22;
	s26 =	sadd.s32 s2, s25;
	v22 =	vmul.f32 v28, v26  }
0x185: {  	v8 =	vcvt.s32.f32 v8;
	v35 =	vmul.f32 v10, v6;
	v28 =	vadd.f32 v30, v28;
	[tilespmem:s22], [sflag:$0x1] =	stream.linear.gather [hbm4b:s26+s5], $0x80, $0x38;
	[tilespmem:$0x18200] =	vst v63  }
0x186: {  	v14 =	vadd.f32 v14, v15;
	v13 =	vand.u32 v13, v21;
	v21 =	vadd.f32 v32, v34;
	s25 =	sadd.s32 s3, s25  }
0x187: {  	v11 =	vcvt.s32.f32 v11;
	v15 =	vand.u32 v31, v20;
	v20 =	vmul.f32 v17, v29;
	[tilespmem:s24], [sflag:$0x1] =	stream.linear.gather [hbm4b:s25+s5], $0x80, $0x38;
	[tilespmem:$0x18200] =	vst v63  }
0x188: {  	v10 =	vadd.f32 v24, v10;
	v31 =	vmul.f32 v24, v33;
	v32 =	vmul.f32 v8, v33;
	v30 =	vld [tilespmem:s23+$0xD0]  }
0x189: {  	v36 =	vadd.f32 v8, v16;
	v34 =	vmul.f32 v18, v2;
	v33 =	vmul.f32 v11, v7;
	v24 =	vld [tilespmem:s23+$0xE0]  }
0x18a: {  	v6 =	vmul.f32 v16, v6;
	v7 =	vcvt.s32.f32 v15;
	v15 =	vadd.f32 v9, v22;
	v8 =	vld [tilespmem:s24+$0xF0]  }
0x18b: {  	v12 =	vcvt.s32.f32 v12;
	v17 =	vadd.f32 v17, v23;
	v16 =	vadd.f32 v31, v35;
	v2 =	vld [tilespmem:s23+$0xC0]  }
0x18c: {  	v23 =	vadd.f32 v10, v14;
	v20 =	vadd.f32 v20, v27;
	v22 =	vmul.f32 v7, v29;
	v9 =	vld [tilespmem:s22+$0xF0]  }
0x18d: {  	v13 =	vcvt.s32.f32 v13;
	v16 =	vadd.f32 v16, v21;
	v21 =	vadd.f32 v7, v11;
	v27 =	vld [tilespmem:s22+$0xE0]  }
0x18e: {  	v29 =	vmul.f32 v19, v0;
	v11 =	vadd.f32 v20, v15;
	v15 =	vadd.f32 v19, v18;
	v0 =	vmovc v30;
	v10 =	vld [tilespmem:s24+$0xE0]  }
0x18f: {  	v18 =	vmul.f32 v12, v26;
	v19 =	vmul.f32 v13, v25;
	v20 =	vadd.f32 v32, v6;
	v6 =	vmovc v24;
	v7 =	vld [tilespmem:s23+$0xA0]  }
0x190: {  	v22 =	vadd.f32 v22, v33;
	v24 =	vadd.f32 v36, v15;
	v14 =	vld [tilespmem:s24+$0xD0]  }
0x191: {  	v17 =	vadd.f32 v17, v28;
	v18 =	vadd.f32 v19, v18;
	v25 =	vld [tilespmem:s22+$0xD0]  }
0x192: {  	v12 =	vadd.f32 v13, v12;
	v19 =	vadd.f32 v16, v11;
	v15 =	vld [tilespmem:s24+$0xC0]  }
.Ltmp6:
0x193: {  	v13 =	vadd.f32 v29, v34;
	v22 =	vadd.f32 v22, v18;
	v11 =	vld [tilespmem:s24+$0xA0];
	v16 =	vand.u32 v27, v10;
	(pc) =	sbr.rel @p0 .LBB2_14-.Ltmp6, $4  }
0x194: {  	v23 =	vadd.f32 v23, v17;
	v21 =	vadd.f32 v21, v12;
	v18 =	vld [tilespmem:s22+$0xC0]  }
0x195: {  	v20 =	vadd.f32 v20, v13;
	v5 =	vadd.f32 v19, v5;
	v12 =	vld [tilespmem:s22+$0x80]  }
0x196: {  	v4 =	vadd.f32 v23, v4;
	v21 =	vadd.f32 v24, v21;
	v17 =	vld [tilespmem:s22+$0xA0];
	v19 =	vand.u32 v25, v14  }
0x197: {  	s23 =	sadd.s32 $0x100, s23;
	v20 =	vadd.f32 v20, v22;
	s22 =	sadd.s32 $0x100, s22;
	v13 =	vld [tilespmem:s19+$0x90]  }
0x198: {  	v22 =	vld [tilespmem:s20+$0x80]  }
0x199: {  	v23 =	vld [tilespmem:s20+$0x90]  }
0x19a: {  	v24 =	vld [tilespmem:s20+$0xB0]  }
0x19b: {  	v25 =	vld [tilespmem:s18+$0x90]  }
0x19c: {  	v26 =	vld [tilespmem:s18+$0x80]  }
0x19d: {  	v27 =	vld [tilespmem:s18+$0xB0]  }
0x19e: {  	v28 =	vld [tilespmem:s19+$0xB0]  }
0x19f: {  	v29 =	vld [tilespmem:s18+$0xF0];
	_ =	swait.ge [sflag:s12], $0x4000  }
0x1a0: {  	[sflag:s12] =	ssyncset.done $0x0  }
0x1a1: {  	[sflag:s12] =	ssyncadd.s32 $0xFFFFC000  }
0x1a2: {  	_ =	swait.ge [sflag:s12], $0x4000  }
0x1a3: {  	[sflag:s12] =	ssyncset.done $0x0  }
0x1a4: {  	v30 =	vcvt.s32.f32 v11;
	v31 =	vcvt.s32.f32 v8;
	[sflag:s12] =	ssyncadd.s32 $0xFFFFC000  }
0x1a5: {  	v14 =	vcvt.s32.f32 v14;
	v19 =	vcvt.s32.f32 v19;
	v1 =	vadd.f32 v21, v1;
	_ =	swait.ge [sflag:s12], $0x4000  }
0x1a6: {  	s24 =	sor.u32 $0x82800, s11;
	v16 =	vcvt.s32.f32 v16;
	v8 =	vand.u32 v9, v8;
	v9 =	vcvt.s32.f32 v10;
	[sflag:s12] =	ssyncset.done $0x0  }
0x1a7: {  	s25 =	simm.s32 $0x80;
	v18 =	vand.u32 v18, v15;
	s17 =	sadd.s32 s1, s24;
	v15 =	vcvt.s32.f32 v15;
	v8 =	vcvt.s32.f32 v8;
	[sflag:s12] =	ssyncadd.s32 $0xFFFFC000  }
0x1a8: {  	v3 =	vadd.f32 v20, v3;
	v18 =	vcvt.s32.f32 v18;
	v32 =	vmul.f32 v30, v7;
	[tilespmem:s25], [sflag:$0x2] =	stream.linear.gather [hbm4b:s17+s5], $0x80, $0x38;
	[tilespmem:$0x18200] =	vst v63  }
0x1a9: {  	s26 =	simm.s32 $0x8080;
	s28 =	sadd.s32 s2, s24;
	v20 =	vmul.f32 v14, v0;
	v0 =	vmul.f32 v19, v0;
	v17 =	vand.u32 v17, v11  }
0x1aa: {  	v10 =	vmul.f32 v15, v2;
	v14 =	vadd.f32 v14, v15;
	v15 =	vcvt.s32.f32 v17;
	[tilespmem:s26], [sflag:$0x2] =	stream.linear.gather [hbm4b:s28+s5], $0x80, $0x38;
	[tilespmem:$0x18200] =	vst v63  }
0x1ab: {  	s29 =	simm.s32 $0x10080;
	s20 =	sadd.s32 s3, s24;
	v43 =	vadd.f32 v19, v18;
	v2 =	vmul.f32 v18, v2;
	v21 =	vcvt.s32.f32 v22  }
0x1ac: {  	v33 =	vcvt.s32.f32 v23;
	v34 =	vcvt.s32.f32 v24;
	v12 =	vand.u32 v12, v22;
	[tilespmem:s29], [sflag:$0x2] =	stream.linear.gather [hbm4b:s20+s5], $0x80, $0x38;
	[tilespmem:$0x18200] =	vst v63  }
0x1ad: {  	v13 =	vand.u32 v13, v23;
	v23 =	vmul.f32 v9, v6;
	v10 =	vadd.f32 v20, v10;
	v11 =	vld [tilespmem:s25+$0xFFFFFFD0]  }
0x1ae: {  	v24 =	vand.u32 v28, v24;
	v38 =	vmul.f32 v31, v29;
	v29 =	vmul.f32 v8, v29;
	v37 =	vld [tilespmem:s25+$0xFFFFFFE0]  }
0x1af: {  	v9 =	vadd.f32 v31, v9;
	v6 =	vmul.f32 v16, v6;
	v7 =	vmul.f32 v15, v7;
	v20 =	vld [tilespmem:s29+$0xFFFFFFF0]  }
0x1b0: {  	v8 =	vadd.f32 v8, v16;
	v24 =	vcvt.s32.f32 v24;
	v12 =	vcvt.s32.f32 v12;
	v17 =	vld [tilespmem:s25+$0xFFFFFFC0]  }
0x1b1: {  	v0 =	vadd.f32 v0, v2;
	v22 =	vmul.f32 v21, v26;
	v21 =	vadd.f32 v33, v21;
	v39 =	vld [tilespmem:s26+$0xFFFFFFF0]  }
0x1b2: {  	v13 =	vcvt.s32.f32 v13;
	v23 =	vadd.f32 v38, v23;
	v30 =	vadd.f32 v34, v30;
	v16 =	vld [tilespmem:s26+$0xFFFFFFE0]  }
0x1b3: {  	v35 =	vmul.f32 v33, v25;
	v9 =	vadd.f32 v9, v14;
	v6 =	vadd.f32 v29, v6;
	v41 =	vld [tilespmem:s29+$0xFFFFFFE0]  }
0x1b4: {  	v40 =	vmul.f32 v34, v27;
	v8 =	vadd.f32 v8, v43;
	v15 =	vadd.f32 v24, v15;
	v42 =	vld [tilespmem:s25+$0xFFFFFFA0]  }
0x1b5: {  	v24 =	vmul.f32 v24, v27;
	v26 =	vmul.f32 v12, v26;
	v12 =	vadd.f32 v13, v12;
	v14 =	vld [tilespmem:s29+$0xFFFFFFD0]  }
0x1b6: {  	v25 =	vmul.f32 v13, v25;
	v22 =	vadd.f32 v35, v22;
	v10 =	vadd.f32 v23, v10;
	v23 =	vld [tilespmem:s26+$0xFFFFFFD0]  }
0x1b7: {  	v32 =	vadd.f32 v40, v32;
	v19 =	vadd.f32 v30, v21;
	v44 =	vld [tilespmem:s29+$0xFFFFFFC0]  }
0x1b8: {  	v7 =	vadd.f32 v24, v7;
	v21 =	vadd.f32 v25, v26;
	v45 =	vld [tilespmem:s29+$0xFFFFFFA0]  }
0x1b9: {  	v0 =	vadd.f32 v6, v0;
	v12 =	vadd.f32 v15, v12;
	v18 =	vld [tilespmem:s26+$0xFFFFFFC0]  }
0x1ba: {  	v22 =	vadd.f32 v32, v22;
	v2 =	vadd.f32 v7, v21;
	v13 =	vld [tilespmem:s26+$0xFFFFFFA0]  }
0x1bb: {  	v9 =	vadd.f32 v9, v19;
	v8 =	vadd.f32 v8, v12;
	v6 =	vld [tilespmem:s29+$0xFFFFFF90]  }
0x1bc: {  	v10 =	vadd.f32 v10, v22;
	v7 =	vld [tilespmem:s26+$0xFFFFFF90];
	v0 =	vadd.f32 v0, v2  }
0x1bd: {  	v4 =	vadd.f32 v9, v4;
	v15 =	vld [tilespmem:s29+$0xFFFFFF80];
	v1 =	vadd.f32 v8, v1  }
0x1be: {  	v5 =	vadd.f32 v10, v5;
	v10 =	vld [tilespmem:s29+$0xFFFFFFB0];
	v3 =	vadd.f32 v0, v3  }
0x1bf: {  	v46 =	vld [tilespmem:s26+$0xFFFFFF80];
	v12 =	vcvt.s32.f32 v45;
	v2 =	vand.u32 v23, v14;
	v14 =	vcvt.s32.f32 v14  }
0x1c0: {  	v19 =	vld [tilespmem:s25+$0xFFFFFF90];
	v9 =	vand.u32 v18, v44;
	v8 =	vcvt.s32.f32 v44;
	v0 =	vcvt.s32.f32 v6  }
0x1c1: {  	s17 =	sadd.s32 $0x10, s11;
	v21 =	vld [tilespmem:s25+$0xFFFFFF80];
	v13 =	vand.u32 v13, v45;
	v28 =	vcvt.s32.f32 v41;
	v18 =	vcvt.s32.f32 v9  }
0x1c2: {  	s21 =	sor.u32 $0x82800, s17;
	v48 =	vld [tilespmem:s26+$0xFFFFFFB0];
	v7 =	vand.u32 v7, v6;
	v9 =	vcvt.s32.f32 v20;
	v22 =	vcvt.s32.f32 v2  }
0x1c3: {  	s18 =	simm.s32 $0x180;
	s30 =	sadd.s32 s1, s21;
	v47 =	vld [tilespmem:s25+$0xFFFFFFB0];
	v2 =	vand.u32 v16, v41;
	v16 =	vcvt.s32.f32 v15;
	v51 =	vcvt.s32.f32 v10  }
0x1c4: {  	v49 =	vld [tilespmem:s25+$0xFFFFFFF0];
	[tilespmem:s18], [sflag:$0x2] =	stream.linear.gather [hbm4b:s30+s5], $0x80, $0x38;
	v13 =	vcvt.s32.f32 v13;
	v60 =	vcvt.s32.f32 v7  }
0x1c5: {  	s19 =	simm.s32 $0x8180;
	s31 =	sadd.s32 s2, s21;
	v20 =	vand.u32 v39, v20;
	v23 =	vmul.f32 v12, v42;
	v2 =	vcvt.s32.f32 v2  }
0x1c6: {  	[tilespmem:s19], [sflag:$0x2] =	stream.linear.gather [hbm4b:s31+s5], $0x80, $0x38;
	v15 =	vand.u32 v46, v15;
	v50 =	vmul.f32 v14, v11;
	v52 =	vmul.f32 v0, v19;
	[tilespmem:$0x18200] =	vst v63  }
0x1c7: {  	s21 =	sadd.s32 s3, s21;
	s20 =	simm.s32 $0x10180;
	v10 =	vand.u32 v48, v10;
	v32 =	vmul.f32 v8, v17;
	v54 =	vmul.f32 v28, v37  }
0x1c8: {  	[tilespmem:s20], [sflag:$0x2] =	stream.linear.gather [hbm4b:s21+s5], $0x80, $0x38;
	v20 =	vcvt.s32.f32 v20;
	v14 =	vadd.f32 v14, v8;
	v10 =	vcvt.s32.f32 v10;
	[tilespmem:$0x18200] =	vst v63  }
0x1c9: {  	v6 =	vld [tilespmem:s18+$0xFFFFFFE0];
	v57 =	vcvt.s32.f32 v15;
	v53 =	vmul.f32 v16, v21;
	v16 =	vadd.f32 v0, v16  }
0x1ca: {  	v59 =	vld [tilespmem:s19+$0xFFFFFFE0];
	v55 =	vmul.f32 v51, v47;
	v56 =	vmul.f32 v9, v49;
	v28 =	vadd.f32 v9, v28  }
0x1cb: {  	v7 =	vld [tilespmem:s18+$0xFFFFFFA0];
	v34 =	vmul.f32 v13, v42;
	v17 =	vmul.f32 v18, v17;
	v12 =	vadd.f32 v51, v12  }
0x1cc: {  	v62 =	vld [tilespmem:s19+$0xFFFFFFD0];
	v30 =	vadd.f32 v50, v32;
	v27 =	vmul.f32 v20, v49;
	v20 =	vadd.f32 v20, v2  }
0x1cd: {  	v8 =	vld [tilespmem:s20+$0xFFFFFFF0];
	v19 =	vmul.f32 v60, v19;
	v13 =	vadd.f32 v10, v13;
	v24 =	vadd.f32 v52, v53  }
0x1ce: {  	v0 =	vld [tilespmem:s18+$0xFFFFFFD0];
	v33 =	vmul.f32 v2, v37;
	v15 =	vadd.f32 v56, v54;
	v23 =	vadd.f32 v55, v23  }
0x1cf: {  	v9 =	vld [tilespmem:s19+$0xFFFFFFF0];
	v25 =	vmul.f32 v10, v47;
	v58 =	vadd.f32 v28, v14;
	v12 =	vadd.f32 v12, v16  }
0x1d0: {  	v2 =	vld [tilespmem:s18+$0xFFFFFFC0];
	v30 =	vadd.f32 v15, v30;
	v15 =	vadd.f32 v22, v18;
	v18 =	vmul.f32 v57, v21  }
0x1d1: {  	v10 =	vld [tilespmem:s20+$0xFFFFFFE0];
	v61 =	vadd.f32 v25, v34;
	v23 =	vadd.f32 v23, v24  }
0x1d2: {  	v14 =	vld [tilespmem:s20+$0xFFFFFFD0];
	v21 =	vadd.f32 v27, v33;
	v22 =	vmul.f32 v22, v11;
	v16 =	vadd.f32 v19, v18  }
0x1d3: {  	v11 =	vld [tilespmem:s20+$0xFFFFFFA0];
	v19 =	vadd.f32 v30, v23;
	v23 =	vadd.f32 v60, v57  }
0x1d4: {  	v20 =	vadd.f32 v20, v15;
	v15 =	vld [tilespmem:s20+$0xFFFFFFC0];
	v17 =	vadd.f32 v22, v17  }
0x1d5: {  	v63 =	vadd.f32 v58, v12;
	v18 =	vld [tilespmem:s19+$0xFFFFFFC0];
	v13 =	vadd.f32 v13, v23  }
0x1d6: {  	v12 =	vld [tilespmem:s19+$0xFFFFFF80];
	v22 =	vadd.f32 v61, v16;
	v23 =	vadd.f32 v21, v17  }
0x1d7: {  	s22 =	simm.s32 $0x8280;
	v4 =	vadd.f32 v63, v4;
	v16 =	vand.u32 v59, v10;
	v17 =	vld [tilespmem:s19+$0xFFFFFFA0];
	v21 =	vadd.f32 v20, v13  }
0x1d8: {  	s23 =	simm.s32 $0x280;
	s24 =	simm.s32 $0x10180;
	s21 =	simm.s32 $0x80;
	v5 =	vadd.f32 v19, v5;
	v19 =	vand.u32 v62, v14;
	v13 =	vld [tilespmem:s19+$0xFFFFFF90];
	v20 =	vadd.f32 v23, v22  }
.LBB2_16:
0x1d9: {  	s21 =	sadd.s32 $0x80, s21;
	v22 =	vld [tilespmem:s20+$0xFFFFFF80];
	s17 =	sadd.s32 $0x10, s17;
	s24 =	sadd.s32 $0x100, s24;
	v1 =	vadd.f32 v21, v1  }
0x1da: {  	v23 =	vcvt.s32.f32 v11;
	p0 =	slt.u32 s21, $0x3F80;
	v21 =	vld [tilespmem:s20+$0xFFFFFF90];
	v18 =	vand.u32 v18, v15;
	v3 =	vadd.f32 v20, v3  }
0x1db: {  	v24 =	vcvt.s32.f32 v8;
	v20 =	vld [tilespmem:s20+$0xFFFFFFB0];
	v18 =	vcvt.s32.f32 v18;
	s20 =	smov.u32 s24  }
0x1dc: {  	v14 =	vcvt.s32.f32 v14;
	v19 =	vcvt.s32.f32 v19;
	v25 =	vld [tilespmem:s18+$0xFFFFFF90]  }
0x1dd: {  	v15 =	vcvt.s32.f32 v15;
	v27 =	vmul.f32 v23, v7;
	v26 =	vld [tilespmem:s18+$0xFFFFFF80]  }
0x1de: {  	v16 =	vcvt.s32.f32 v16;
	v28 =	vcvt.s32.f32 v22;
	v29 =	vld [tilespmem:s18+$0xFFFFFFB0]  }
0x1df: {  	s25 =	sor.u32 $0x82800, s17;
	v32 =	vmul.f32 v14, v0;
	v30 =	vcvt.s32.f32 v21;
	v31 =	vld [tilespmem:s19+$0xFFFFFFB0];
	s19 =	smov.u32 s22  }
0x1e0: {  	v8 =	vand.u32 v9, v8;
	s26 =	sadd.s32 s1, s25;
	v11 =	vand.u32 v17, v11;
	v17 =	vcvt.s32.f32 v20;
	v33 =	vld [tilespmem:s18+$0xFFFFFFF0];
	s18 =	smov.u32 s23  }
0x1e1: {  	v10 =	vcvt.s32.f32 v10;
	[tilespmem:s23], [sflag:$0x2] =	stream.linear.gather [hbm4b:s26+s5], $0x80, $0x38;
	v9 =	vmul.f32 v30, v25;
	[tilespmem:$0x18200] =	vst v63  }
0x1e2: {  	v34 =	vmul.f32 v15, v2;
	v12 =	vand.u32 v12, v22;
	s26 =	sadd.s32 s2, s25;
	v22 =	vmul.f32 v28, v26  }
0x1e3: {  	v8 =	vcvt.s32.f32 v8;
	v35 =	vmul.f32 v10, v6;
	v28 =	vadd.f32 v30, v28;
	[tilespmem:s22], [sflag:$0x2] =	stream.linear.gather [hbm4b:s26+s5], $0x80, $0x38;
	[tilespmem:$0x18200] =	vst v63  }
0x1e4: {  	v14 =	vadd.f32 v14, v15;
	v13 =	vand.u32 v13, v21;
	v21 =	vadd.f32 v32, v34;
	s25 =	sadd.s32 s3, s25  }
0x1e5: {  	v11 =	vcvt.s32.f32 v11;
	v15 =	vand.u32 v31, v20;
	v20 =	vmul.f32 v17, v29;
	[tilespmem:s24], [sflag:$0x2] =	stream.linear.gather [hbm4b:s25+s5], $0x80, $0x38;
	[tilespmem:$0x18200] =	vst v63  }
0x1e6: {  	v10 =	vadd.f32 v24, v10;
	v31 =	vmul.f32 v24, v33;
	v32 =	vmul.f32 v8, v33;
	v30 =	vld [tilespmem:s23+$0xFFFFFFD0]  }
0x1e7: {  	v36 =	vadd.f32 v8, v16;
	v34 =	vmul.f32 v18, v2;
	v33 =	vmul.f32 v11, v7;
	v24 =	vld [tilespmem:s23+$0xFFFFFFE0]  }
0x1e8: {  	v6 =	vmul.f32 v16, v6;
	v7 =	vcvt.s32.f32 v15;
	v15 =	vadd.f32 v9, v22;
	v8 =	vld [tilespmem:s24+$0xFFFFFFF0]  }
0x1e9: {  	v12 =	vcvt.s32.f32 v12;
	v17 =	vadd.f32 v17, v23;
	v16 =	vadd.f32 v31, v35;
	v2 =	vld [tilespmem:s23+$0xFFFFFFC0]  }
0x1ea: {  	v23 =	vadd.f32 v10, v14;
	v20 =	vadd.f32 v20, v27;
	v22 =	vmul.f32 v7, v29;
	v9 =	vld [tilespmem:s22+$0xFFFFFFF0]  }
0x1eb: {  	v13 =	vcvt.s32.f32 v13;
	v16 =	vadd.f32 v16, v21;
	v21 =	vadd.f32 v7, v11;
	v27 =	vld [tilespmem:s22+$0xFFFFFFE0]  }
0x1ec: {  	v29 =	vmul.f32 v19, v0;
	v11 =	vadd.f32 v20, v15;
	v15 =	vadd.f32 v19, v18;
	v0 =	vmovc v30;
	v10 =	vld [tilespmem:s24+$0xFFFFFFE0]  }
0x1ed: {  	v18 =	vmul.f32 v12, v26;
	v19 =	vmul.f32 v13, v25;
	v20 =	vadd.f32 v32, v6;
	v6 =	vmovc v24;
	v7 =	vld [tilespmem:s23+$0xFFFFFFA0]  }
0x1ee: {  	v22 =	vadd.f32 v22, v33;
	v24 =	vadd.f32 v36, v15;
	v14 =	vld [tilespmem:s24+$0xFFFFFFD0]  }
0x1ef: {  	v17 =	vadd.f32 v17, v28;
	v18 =	vadd.f32 v19, v18;
	v25 =	vld [tilespmem:s22+$0xFFFFFFD0]  }
0x1f0: {  	v12 =	vadd.f32 v13, v12;
	v19 =	vadd.f32 v16, v11;
	v15 =	vld [tilespmem:s24+$0xFFFFFFC0]  }
.Ltmp7:
0x1f1: {  	v13 =	vadd.f32 v29, v34;
	v22 =	vadd.f32 v22, v18;
	v11 =	vld [tilespmem:s24+$0xFFFFFFA0];
	v16 =	vand.u32 v27, v10;
	(pc) =	sbr.rel @p0 .LBB2_16-.Ltmp7, $4  }
0x1f2: {  	v23 =	vadd.f32 v23, v17;
	v21 =	vadd.f32 v21, v12;
	v18 =	vld [tilespmem:s22+$0xFFFFFFC0]  }
0x1f3: {  	v20 =	vadd.f32 v20, v13;
	v5 =	vadd.f32 v19, v5;
	v12 =	vld [tilespmem:s22+$0xFFFFFF80]  }
0x1f4: {  	v4 =	vadd.f32 v23, v4;
	v21 =	vadd.f32 v24, v21;
	v17 =	vld [tilespmem:s22+$0xFFFFFFA0];
	v19 =	vand.u32 v25, v14  }
0x1f5: {  	s23 =	sadd.s32 $0x100, s23;
	v20 =	vadd.f32 v20, v22;
	s22 =	sadd.s32 $0x100, s22;
	v13 =	vld [tilespmem:s19+$0xFFFFFF90]  }
0x1f6: {  	v22 =	vld [tilespmem:s20+$0xFFFFFF80]  }
0x1f7: {  	v23 =	vld [tilespmem:s20+$0xFFFFFF90]  }
0x1f8: {  	v24 =	vld [tilespmem:s20+$0xFFFFFFB0]  }
0x1f9: {  	v25 =	vld [tilespmem:s18+$0xFFFFFF90]  }
0x1fa: {  	v26 =	vld [tilespmem:s18+$0xFFFFFF80]  }
0x1fb: {  	v27 =	vld [tilespmem:s18+$0xFFFFFFB0]  }
0x1fc: {  	v28 =	vld [tilespmem:s19+$0xFFFFFFB0]  }
0x1fd: {  	v29 =	vld [tilespmem:s18+$0xFFFFFFF0];
	_ =	swait.ge [sflag:s13], $0x4000  }
0x1fe: {  	[sflag:s13] =	ssyncset.done $0x0  }
0x1ff: {  	[sflag:s13] =	ssyncadd.s32 $0xFFFFC000  }
0x200: {  	_ =	swait.ge [sflag:s13], $0x4000  }
0x201: {  	v30 =	vcvt.s32.f32 v11;
	v31 =	vcvt.s32.f32 v8;
	[sflag:s13] =	ssyncset.done $0x0  }
0x202: {  	v14 =	vcvt.s32.f32 v14;
	v19 =	vcvt.s32.f32 v19;
	v1 =	vadd.f32 v21, v1;
	[sflag:s13] =	ssyncadd.s32 $0xFFFFC000  }
0x203: {  	v16 =	vcvt.s32.f32 v16;
	v8 =	vand.u32 v9, v8;
	v9 =	vcvt.s32.f32 v10;
	_ =	swait.ge [sflag:s13], $0x4000  }
0x204: {  	s24 =	sor.u32 $0x83000, s11;
	v18 =	vand.u32 v18, v15;
	v15 =	vcvt.s32.f32 v15;
	v8 =	vcvt.s32.f32 v8;
	[sflag:s13] =	ssyncset.done $0x0  }
0x205: {  	s25 =	simm.s32 $0x0;
	s17 =	sadd.s32 s1, s24;
	v3 =	vadd.f32 v20, v3;
	v18 =	vcvt.s32.f32 v18;
	v32 =	vmul.f32 v30, v7;
	[sflag:s13] =	ssyncadd.s32 $0xFFFFC000  }
0x206: {  	v20 =	vmul.f32 v14, v0;
	v0 =	vmul.f32 v19, v0;
	v17 =	vand.u32 v17, v11;
	[tilespmem:s25], [sflag:$0x1] =	stream.linear.gather [hbm4b:s17+s5], $0x80, $0x38;
	[tilespmem:$0x18200] =	vst v63  }
0x207: {  	s26 =	simm.s32 $0x8000;
	s28 =	sadd.s32 s2, s24;
	v10 =	vmul.f32 v15, v2;
	v14 =	vadd.f32 v14, v15;
	v15 =	vcvt.s32.f32 v17  }
0x208: {  	v44 =	vadd.f32 v19, v18;
	v2 =	vmul.f32 v18, v2;
	v21 =	vcvt.s32.f32 v22;
	[tilespmem:s26], [sflag:$0x1] =	stream.linear.gather [hbm4b:s28+s5], $0x80, $0x38;
	[tilespmem:$0x18200] =	vst v63  }
0x209: {  	s29 =	simm.s32 $0x10000;
	s20 =	sadd.s32 s3, s24;
	v33 =	vcvt.s32.f32 v23;
	v34 =	vcvt.s32.f32 v24;
	v12 =	vand.u32 v12, v22  }
0x20a: {  	v13 =	vand.u32 v13, v23;
	v23 =	vmul.f32 v9, v6;
	v10 =	vadd.f32 v20, v10;
	[tilespmem:s29], [sflag:$0x1] =	stream.linear.gather [hbm4b:s20+s5], $0x80, $0x38;
	[tilespmem:$0x18200] =	vst v63  }
0x20b: {  	v24 =	vand.u32 v28, v24;
	v39 =	vmul.f32 v31, v29;
	v29 =	vmul.f32 v8, v29;
	v11 =	vld [tilespmem:s25+$0xD0]  }
0x20c: {  	v9 =	vadd.f32 v31, v9;
	v6 =	vmul.f32 v16, v6;
	v7 =	vmul.f32 v15, v7;
	v38 =	vld [tilespmem:s25+$0xE0]  }
0x20d: {  	v8 =	vadd.f32 v8, v16;
	v24 =	vcvt.s32.f32 v24;
	v12 =	vcvt.s32.f32 v12;
	v20 =	vld [tilespmem:s29+$0xF0]  }
0x20e: {  	v0 =	vadd.f32 v0, v2;
	v22 =	vmul.f32 v21, v26;
	v21 =	vadd.f32 v33, v21;
	v17 =	vld [tilespmem:s25+$0xC0]  }
0x20f: {  	v13 =	vcvt.s32.f32 v13;
	v23 =	vadd.f32 v39, v23;
	v30 =	vadd.f32 v34, v30;
	v40 =	vld [tilespmem:s26+$0xF0]  }
0x210: {  	v35 =	vmul.f32 v33, v25;
	v9 =	vadd.f32 v9, v14;
	v6 =	vadd.f32 v29, v6;
	v16 =	vld [tilespmem:s26+$0xE0]  }
0x211: {  	v41 =	vmul.f32 v34, v27;
	v8 =	vadd.f32 v8, v44;
	v15 =	vadd.f32 v24, v15;
	v42 =	vld [tilespmem:s29+$0xE0]  }
0x212: {  	v24 =	vmul.f32 v24, v27;
	v26 =	vmul.f32 v12, v26;
	v12 =	vadd.f32 v13, v12;
	v14 =	vld [tilespmem:s29+$0xD0]  }
0x213: {  	v25 =	vmul.f32 v13, v25;
	v22 =	vadd.f32 v35, v22;
	v10 =	vadd.f32 v23, v10;
	v23 =	vld [tilespmem:s26+$0xD0]  }
0x214: {  	v32 =	vadd.f32 v41, v32;
	v19 =	vadd.f32 v30, v21;
	v45 =	vld [tilespmem:s29+$0xC0]  }
0x215: {  	v7 =	vadd.f32 v24, v7;
	v21 =	vadd.f32 v25, v26;
	v46 =	vld [tilespmem:s29+$0xA0]  }
0x216: {  	v0 =	vadd.f32 v6, v0;
	v12 =	vadd.f32 v15, v12;
	v18 =	vld [tilespmem:s26+$0xC0]  }
0x217: {  	v22 =	vadd.f32 v32, v22;
	v2 =	vadd.f32 v7, v21;
	v13 =	vld [tilespmem:s26+$0xA0]  }
0x218: {  	v9 =	vadd.f32 v9, v19;
	v8 =	vadd.f32 v8, v12;
	v6 =	vld [tilespmem:s29+$0x90]  }
0x219: {  	v10 =	vadd.f32 v10, v22;
	v7 =	vld [tilespmem:s26+$0x90];
	v0 =	vadd.f32 v0, v2  }
0x21a: {  	v4 =	vadd.f32 v9, v4;
	v15 =	vld [tilespmem:s29+$0x80];
	v1 =	vadd.f32 v8, v1  }
0x21b: {  	v5 =	vadd.f32 v10, v5;
	v10 =	vld [tilespmem:s29+$0xB0];
	v3 =	vadd.f32 v0, v3  }
0x21c: {  	v43 =	vld [tilespmem:s25+$0xA0];
	v12 =	vcvt.s32.f32 v46;
	v2 =	vand.u32 v23, v14;
	v14 =	vcvt.s32.f32 v14  }
0x21d: {  	v47 =	vld [tilespmem:s26+$0x80];
	v9 =	vand.u32 v18, v45;
	v8 =	vcvt.s32.f32 v45;
	v0 =	vcvt.s32.f32 v6  }
0x21e: {  	v19 =	vld [tilespmem:s25+$0x90];
	v13 =	vand.u32 v13, v46;
	v28 =	vcvt.s32.f32 v42;
	v18 =	vcvt.s32.f32 v9  }
0x21f: {  	s17 =	sadd.s32 $0x10, s11;
	v49 =	vld [tilespmem:s26+$0xB0];
	v7 =	vand.u32 v7, v6;
	v9 =	vcvt.s32.f32 v20;
	v22 =	vcvt.s32.f32 v2  }
0x220: {  	s21 =	sor.u32 $0x83000, s17;
	v21 =	vld [tilespmem:s25+$0x80];
	v2 =	vand.u32 v16, v42;
	v16 =	vcvt.s32.f32 v15;
	v52 =	vcvt.s32.f32 v10  }
0x221: {  	s18 =	simm.s32 $0x100;
	s30 =	sadd.s32 s1, s21;
	v48 =	vld [tilespmem:s25+$0xB0];
	v13 =	vcvt.s32.f32 v13;
	v61 =	vcvt.s32.f32 v7  }
0x222: {  	v50 =	vld [tilespmem:s25+$0xF0];
	[tilespmem:s18], [sflag:$0x1] =	stream.linear.gather [hbm4b:s30+s5], $0x80, $0x38;
	v23 =	vmul.f32 v12, v43;
	v2 =	vcvt.s32.f32 v2  }
0x223: {  	s19 =	simm.s32 $0x8100;
	s31 =	sadd.s32 s2, s21;
	v20 =	vand.u32 v40, v20;
	v51 =	vmul.f32 v14, v11;
	v53 =	vmul.f32 v0, v19  }
0x224: {  	[tilespmem:s19], [sflag:$0x1] =	stream.linear.gather [hbm4b:s31+s5], $0x80, $0x38;
	v10 =	vand.u32 v49, v10;
	v32 =	vmul.f32 v8, v17;
	v55 =	vmul.f32 v28, v38;
	[tilespmem:$0x18200] =	vst v63  }
0x225: {  	s21 =	sadd.s32 s3, s21;
	s20 =	simm.s32 $0x10100;
	v15 =	vand.u32 v47, v15;
	v20 =	vcvt.s32.f32 v20;
	v10 =	vcvt.s32.f32 v10  }
0x226: {  	[tilespmem:s20], [sflag:$0x1] =	stream.linear.gather [hbm4b:s21+s5], $0x80, $0x38;
	v14 =	vadd.f32 v14, v8;
	v58 =	vcvt.s32.f32 v15;
	v54 =	vmul.f32 v16, v21;
	[tilespmem:$0x18200] =	vst v63  }
0x227: {  	v6 =	vld [tilespmem:s18+$0xE0];
	v16 =	vadd.f32 v0, v16;
	v56 =	vmul.f32 v52, v48;
	v57 =	vmul.f32 v9, v50  }
0x228: {  	v60 =	vld [tilespmem:s19+$0xE0];
	v28 =	vadd.f32 v9, v28;
	v34 =	vmul.f32 v13, v43;
	v17 =	vmul.f32 v18, v17  }
0x229: {  	v7 =	vld [tilespmem:s18+$0xA0];
	v12 =	vadd.f32 v52, v12;
	v19 =	vmul.f32 v61, v19;
	v30 =	vadd.f32 v51, v32  }
0x22a: {  	v8 =	vld [tilespmem:s20+$0xF0];
	v27 =	vmul.f32 v20, v50;
	v20 =	vadd.f32 v20, v2;
	v13 =	vadd.f32 v10, v13  }
0x22b: {  	v0 =	vld [tilespmem:s18+$0xD0];
	v11 =	vmul.f32 v22, v11;
	v24 =	vadd.f32 v53, v54;
	v15 =	vadd.f32 v57, v55  }
0x22c: {  	v9 =	vld [tilespmem:s19+$0xF0];
	v33 =	vmul.f32 v2, v38;
	v23 =	vadd.f32 v56, v23;
	v59 =	vadd.f32 v28, v14  }
0x22d: {  	v2 =	vld [tilespmem:s18+$0xC0];
	v25 =	vmul.f32 v10, v48;
	v16 =	vadd.f32 v12, v16;
	v17 =	vadd.f32 v11, v17  }
0x22e: {  	v10 =	vld [tilespmem:s20+$0xE0];
	v30 =	vadd.f32 v15, v30;
	v15 =	vadd.f32 v22, v18;
	v18 =	vmul.f32 v58, v21  }
0x22f: {  	v14 =	vld [tilespmem:s20+$0xD0];
	v62 =	vadd.f32 v25, v34;
	v23 =	vadd.f32 v23, v24  }
0x230: {  	v12 =	vld [tilespmem:s20+$0xA0];
	v21 =	vadd.f32 v27, v33;
	v18 =	vadd.f32 v19, v18  }
0x231: {  	v22 =	vld [tilespmem:s19+$0xD0];
	v19 =	vadd.f32 v30, v23;
	v23 =	vadd.f32 v61, v58  }
0x232: {  	v63 =	vadd.f32 v59, v16;
	v20 =	vadd.f32 v20, v15;
	v15 =	vld [tilespmem:s20+$0xC0]  }
0x233: {  	v24 =	vadd.f32 v62, v18;
	v18 =	vld [tilespmem:s19+$0xC0];
	v13 =	vadd.f32 v13, v23  }
0x234: {  	v11 =	vld [tilespmem:s19+$0x80];
	v23 =	vadd.f32 v21, v17  }
0x235: {  	s22 =	simm.s32 $0x8200;
	v16 =	vand.u32 v60, v10;
	v4 =	vadd.f32 v63, v4;
	v17 =	vld [tilespmem:s19+$0xA0];
	v21 =	vadd.f32 v20, v13  }
0x236: {  	s23 =	simm.s32 $0x200;
	s24 =	simm.s32 $0x10100;
	s21 =	simm.s32 $0x80;
	v5 =	vadd.f32 v19, v5;
	v19 =	vand.u32 v22, v14;
	v13 =	vld [tilespmem:s19+$0x90];
	v20 =	vadd.f32 v23, v24  }
.LBB2_18:
0x237: {  	s21 =	sadd.s32 $0x80, s21;
	v22 =	vld [tilespmem:s20+$0x80];
	s17 =	sadd.s32 $0x10, s17;
	s24 =	sadd.s32 $0x100, s24;
	v1 =	vadd.f32 v21, v1  }
0x238: {  	v23 =	vcvt.s32.f32 v12;
	p0 =	slt.u32 s21, $0x3F80;
	v21 =	vld [tilespmem:s20+$0x90];
	v18 =	vand.u32 v18, v15;
	v3 =	vadd.f32 v20, v3  }
0x239: {  	v24 =	vcvt.s32.f32 v8;
	v20 =	vld [tilespmem:s20+$0xB0];
	v18 =	vcvt.s32.f32 v18;
	s20 =	smov.u32 s24  }
0x23a: {  	v14 =	vcvt.s32.f32 v14;
	v19 =	vcvt.s32.f32 v19;
	v25 =	vld [tilespmem:s18+$0x90]  }
0x23b: {  	v15 =	vcvt.s32.f32 v15;
	v27 =	vmul.f32 v23, v7;
	v26 =	vld [tilespmem:s18+$0x80]  }
0x23c: {  	v16 =	vcvt.s32.f32 v16;
	v28 =	vcvt.s32.f32 v22;
	v29 =	vld [tilespmem:s18+$0xB0]  }
0x23d: {  	s25 =	sor.u32 $0x83000, s17;
	v32 =	vmul.f32 v14, v0;
	v30 =	vcvt.s32.f32 v21;
	v31 =	vld [tilespmem:s19+$0xB0];
	s19 =	smov.u32 s22  }
0x23e: {  	v8 =	vand.u32 v9, v8;
	s26 =	sadd.s32 s1, s25;
	v12 =	vand.u32 v17, v12;
	v17 =	vcvt.s32.f32 v20;
	v33 =	vld [tilespmem:s18+$0xF0];
	s18 =	smov.u32 s23  }
0x23f: {  	v10 =	vcvt.s32.f32 v10;
	[tilespmem:s23], [sflag:$0x1] =	stream.linear.gather [hbm4b:s26+s5], $0x80, $0x38;
	v9 =	vmul.f32 v30, v25;
	[tilespmem:$0x18200] =	vst v63  }
0x240: {  	v34 =	vmul.f32 v15, v2;
	v11 =	vand.u32 v11, v22;
	s26 =	sadd.s32 s2, s25;
	v22 =	vmul.f32 v28, v26  }
0x241: {  	v8 =	vcvt.s32.f32 v8;
	v35 =	vmul.f32 v10, v6;
	v28 =	vadd.f32 v30, v28;
	[tilespmem:s22], [sflag:$0x1] =	stream.linear.gather [hbm4b:s26+s5], $0x80, $0x38;
	[tilespmem:$0x18200] =	vst v63  }
0x242: {  	v14 =	vadd.f32 v14, v15;
	v13 =	vand.u32 v13, v21;
	v21 =	vadd.f32 v32, v34;
	s25 =	sadd.s32 s3, s25  }
0x243: {  	v12 =	vcvt.s32.f32 v12;
	v15 =	vand.u32 v31, v20;
	v20 =	vmul.f32 v17, v29;
	[tilespmem:s24], [sflag:$0x1] =	stream.linear.gather [hbm4b:s25+s5], $0x80, $0x38;
	[tilespmem:$0x18200] =	vst v63  }
0x244: {  	v10 =	vadd.f32 v24, v10;
	v31 =	vmul.f32 v24, v33;
	v32 =	vmul.f32 v8, v33;
	v30 =	vld [tilespmem:s23+$0xD0]  }
0x245: {  	v36 =	vadd.f32 v8, v16;
	v34 =	vmul.f32 v18, v2;
	v33 =	vmul.f32 v12, v7;
	v24 =	vld [tilespmem:s23+$0xE0]  }
0x246: {  	v6 =	vmul.f32 v16, v6;
	v7 =	vcvt.s32.f32 v15;
	v15 =	vadd.f32 v9, v22;
	v8 =	vld [tilespmem:s24+$0xF0]  }
0x247: {  	v11 =	vcvt.s32.f32 v11;
	v17 =	vadd.f32 v17, v23;
	v16 =	vadd.f32 v31, v35;
	v2 =	vld [tilespmem:s23+$0xC0]  }
0x248: {  	v23 =	vadd.f32 v10, v14;
	v20 =	vadd.f32 v20, v27;
	v22 =	vmul.f32 v7, v29;
	v9 =	vld [tilespmem:s22+$0xF0]  }
0x249: {  	v13 =	vcvt.s32.f32 v13;
	v16 =	vadd.f32 v16, v21;
	v21 =	vadd.f32 v7, v12;
	v27 =	vld [tilespmem:s22+$0xE0]  }
0x24a: {  	v29 =	vmul.f32 v19, v0;
	v12 =	vadd.f32 v20, v15;
	v15 =	vadd.f32 v19, v18;
	v0 =	vmovc v30;
	v10 =	vld [tilespmem:s24+$0xE0]  }
0x24b: {  	v18 =	vmul.f32 v11, v26;
	v19 =	vmul.f32 v13, v25;
	v20 =	vadd.f32 v32, v6;
	v6 =	vmovc v24;
	v7 =	vld [tilespmem:s23+$0xA0]  }
0x24c: {  	v22 =	vadd.f32 v22, v33;
	v24 =	vadd.f32 v36, v15;
	v14 =	vld [tilespmem:s24+$0xD0]  }
0x24d: {  	v17 =	vadd.f32 v17, v28;
	v18 =	vadd.f32 v19, v18;
	v25 =	vld [tilespmem:s22+$0xD0]  }
0x24e: {  	v11 =	vadd.f32 v13, v11;
	v19 =	vadd.f32 v16, v12;
	v15 =	vld [tilespmem:s24+$0xC0]  }
.Ltmp8:
0x24f: {  	v13 =	vadd.f32 v29, v34;
	v22 =	vadd.f32 v22, v18;
	v12 =	vld [tilespmem:s24+$0xA0];
	v16 =	vand.u32 v27, v10;
	(pc) =	sbr.rel @p0 .LBB2_18-.Ltmp8, $4  }
0x250: {  	v23 =	vadd.f32 v23, v17;
	v21 =	vadd.f32 v21, v11;
	v18 =	vld [tilespmem:s22+$0xC0]  }
0x251: {  	v20 =	vadd.f32 v20, v13;
	v5 =	vadd.f32 v19, v5;
	v11 =	vld [tilespmem:s22+$0x80]  }
0x252: {  	v4 =	vadd.f32 v23, v4;
	v21 =	vadd.f32 v24, v21;
	v17 =	vld [tilespmem:s22+$0xA0];
	v19 =	vand.u32 v25, v14  }
0x253: {  	s23 =	sadd.s32 $0x100, s23;
	v20 =	vadd.f32 v20, v22;
	s22 =	sadd.s32 $0x100, s22;
	v13 =	vld [tilespmem:s19+$0x90]  }
0x254: {  	v22 =	vld [tilespmem:s20+$0x80]  }
0x255: {  	v23 =	vld [tilespmem:s20+$0x90]  }
0x256: {  	v24 =	vld [tilespmem:s20+$0xB0]  }
0x257: {  	v25 =	vld [tilespmem:s18+$0x90]  }
0x258: {  	v26 =	vld [tilespmem:s18+$0x80]  }
0x259: {  	v27 =	vld [tilespmem:s18+$0xB0]  }
0x25a: {  	v28 =	vld [tilespmem:s19+$0xB0]  }
0x25b: {  	v29 =	vld [tilespmem:s18+$0xF0];
	_ =	swait.ge [sflag:s12], $0x4000  }
0x25c: {  	[sflag:s12] =	ssyncset.done $0x0  }
0x25d: {  	[sflag:s12] =	ssyncadd.s32 $0xFFFFC000  }
0x25e: {  	_ =	swait.ge [sflag:s12], $0x4000  }
0x25f: {  	[sflag:s12] =	ssyncset.done $0x0  }
0x260: {  	v30 =	vcvt.s32.f32 v12;
	v31 =	vcvt.s32.f32 v8;
	[sflag:s12] =	ssyncadd.s32 $0xFFFFC000  }
0x261: {  	v14 =	vcvt.s32.f32 v14;
	v19 =	vcvt.s32.f32 v19;
	_ =	swait.ge [sflag:s12], $0x4000  }
0x262: {  	s24 =	sor.u32 $0x83800, s11;
	v16 =	vcvt.s32.f32 v16;
	v8 =	vand.u32 v9, v8;
	v9 =	vcvt.s32.f32 v10;
	[sflag:s12] =	ssyncset.done $0x0  }
0x263: {  	s25 =	simm.s32 $0x80;
	v18 =	vand.u32 v18, v15;
	s17 =	sadd.s32 s1, s24;
	v15 =	vcvt.s32.f32 v15;
	v8 =	vcvt.s32.f32 v8;
	[sflag:s12] =	ssyncadd.s32 $0xFFFFC000  }
0x264: {  	v1 =	vadd.f32 v21, v1;
	v18 =	vcvt.s32.f32 v18;
	v32 =	vmul.f32 v30, v7;
	[tilespmem:s25], [sflag:$0x2] =	stream.linear.gather [hbm4b:s17+s5], $0x80, $0x38;
	[tilespmem:$0x18200] =	vst v63  }
0x265: {  	s26 =	simm.s32 $0x8080;
	s28 =	sadd.s32 s2, s24;
	v34 =	vmul.f32 v14, v0;
	v0 =	vmul.f32 v19, v0;
	v12 =	vand.u32 v17, v12  }
0x266: {  	v20 =	vadd.f32 v20, v3;
	v10 =	vmul.f32 v15, v2;
	v12 =	vcvt.s32.f32 v12;
	[tilespmem:s26], [sflag:$0x2] =	stream.linear.gather [hbm4b:s28+s5], $0x80, $0x38;
	[tilespmem:$0x18200] =	vst v63  }
0x267: {  	s29 =	simm.s32 $0x10080;
	s20 =	sadd.s32 s3, s24;
	v14 =	vadd.f32 v14, v15;
	v2 =	vmul.f32 v18, v2;
	v21 =	vcvt.s32.f32 v22  }
0x268: {  	v43 =	vadd.f32 v19, v18;
	v33 =	vcvt.s32.f32 v23;
	v17 =	vcvt.s32.f32 v24;
	[tilespmem:s29], [sflag:$0x2] =	stream.linear.gather [hbm4b:s20+s5], $0x80, $0x38;
	[tilespmem:$0x18200] =	vst v63  }
0x269: {  	v11 =	vand.u32 v11, v22;
	v13 =	vand.u32 v13, v23;
	v23 =	vmul.f32 v9, v6;
	v3 =	vld [tilespmem:s25+$0xFFFFFFD0]  }
0x26a: {  	v10 =	vadd.f32 v34, v10;
	v24 =	vand.u32 v28, v24;
	v38 =	vmul.f32 v31, v29;
	v63 =	vld [tilespmem:s25+$0xFFFFFFE0]  }
0x26b: {  	v9 =	vadd.f32 v31, v9;
	v29 =	vmul.f32 v8, v29;
	v6 =	vmul.f32 v16, v6;
	v37 =	vld [tilespmem:s29+$0xFFFFFFF0]  }
0x26c: {  	v8 =	vadd.f32 v8, v16;
	v7 =	vmul.f32 v12, v7;
	v24 =	vcvt.s32.f32 v24;
	v15 =	vld [tilespmem:s25+$0xFFFFFFC0]  }
0x26d: {  	v11 =	vcvt.s32.f32 v11;
	v13 =	vcvt.s32.f32 v13;
	v0 =	vadd.f32 v0, v2;
	v39 =	vld [tilespmem:s26+$0xFFFFFFF0]  }
0x26e: {  	v22 =	vmul.f32 v21, v26;
	v21 =	vadd.f32 v33, v21;
	v23 =	vadd.f32 v38, v23;
	v16 =	vld [tilespmem:s26+$0xFFFFFFE0]  }
0x26f: {  	v40 =	vmul.f32 v17, v27;
	v17 =	vadd.f32 v17, v30;
	v9 =	vadd.f32 v9, v14;
	v41 =	vld [tilespmem:s29+$0xFFFFFFE0]  }
0x270: {  	v35 =	vmul.f32 v33, v25;
	v6 =	vadd.f32 v29, v6;
	v8 =	vadd.f32 v8, v43;
	v42 =	vld [tilespmem:s25+$0xFFFFFFA0]  }
0x271: {  	v12 =	vadd.f32 v24, v12;
	v26 =	vmul.f32 v11, v26;
	v11 =	vadd.f32 v13, v11;
	v14 =	vld [tilespmem:s29+$0xFFFFFFD0]  }
0x272: {  	v24 =	vmul.f32 v24, v27;
	v22 =	vadd.f32 v35, v22;
	v10 =	vadd.f32 v23, v10;
	v23 =	vld [tilespmem:s26+$0xFFFFFFD0]  }
0x273: {  	v25 =	vmul.f32 v13, v25;
	v32 =	vadd.f32 v40, v32;
	v17 =	vadd.f32 v17, v21;
	v44 =	vld [tilespmem:s29+$0xFFFFFFC0]  }
0x274: {  	v0 =	vadd.f32 v6, v0;
	v7 =	vadd.f32 v24, v7;
	v45 =	vld [tilespmem:s29+$0xFFFFFFA0]  }
0x275: {  	v19 =	vadd.f32 v25, v26;
	v22 =	vadd.f32 v32, v22;
	v18 =	vld [tilespmem:s26+$0xFFFFFFC0]  }
0x276: {  	v11 =	vadd.f32 v12, v11;
	v9 =	vadd.f32 v9, v17;
	v13 =	vld [tilespmem:s26+$0xFFFFFFA0]  }
0x277: {  	v2 =	vadd.f32 v7, v19;
	v10 =	vadd.f32 v10, v22;
	v12 =	vld [tilespmem:s29+$0xFFFFFF80]  }
0x278: {  	v19 =	vadd.f32 v9, v4;
	v4 =	vadd.f32 v8, v11;
	v8 =	vld [tilespmem:s29+$0xFFFFFFB0]  }
0x279: {  	v21 =	vld [tilespmem:s26+$0xFFFFFF80];
	v0 =	vadd.f32 v0, v2  }
0x27a: {  	v7 =	vld [tilespmem:s26+$0xFFFFFF90];
	v17 =	vadd.f32 v10, v5;
	v1 =	vadd.f32 v4, v1;
	v6 =	vand.u32 v18, v44  }
0x27b: {  	v5 =	vld [tilespmem:s29+$0xFFFFFF90];
	v9 =	vcvt.s32.f32 v45;
	v2 =	vand.u32 v23, v14;
	v10 =	vcvt.s32.f32 v14  }
0x27c: {  	v48 =	vld [tilespmem:s26+$0xFFFFFFB0];
	v16 =	vand.u32 v16, v41;
	v46 =	vcvt.s32.f32 v44;
	v47 =	vcvt.s32.f32 v12  }
0x27d: {  	s17 =	sadd.s32 $0x10, s11;
	v18 =	vld [tilespmem:s25+$0xFFFFFF90];
	v13 =	vand.u32 v13, v45;
	v50 =	vcvt.s32.f32 v8;
	v28 =	vcvt.s32.f32 v41  }
0x27e: {  	s21 =	sor.u32 $0x83800, s17;
	v14 =	vld [tilespmem:s25+$0xFFFFFF80];
	v31 =	vand.u32 v39, v37;
	v11 =	vcvt.s32.f32 v6;
	v6 =	vcvt.s32.f32 v37  }
0x27f: {  	s18 =	simm.s32 $0x180;
	s30 =	sadd.s32 s1, s21;
	v23 =	vld [tilespmem:s25+$0xFFFFFFB0];
	v12 =	vand.u32 v21, v12;
	v4 =	vcvt.s32.f32 v2;
	v16 =	vcvt.s32.f32 v16  }
0x280: {  	v2 =	vadd.f32 v0, v20;
	v0 =	vcvt.s32.f32 v5;
	v20 =	vld [tilespmem:s25+$0xFFFFFFF0];
	[tilespmem:s18], [sflag:$0x2] =	stream.linear.gather [hbm4b:s30+s5], $0x80, $0x38;
	v31 =	vcvt.s32.f32 v31  }
0x281: {  	s19 =	simm.s32 $0x8180;
	s31 =	sadd.s32 s2, s21;
	v36 =	vand.u32 v7, v5;
	v13 =	vcvt.s32.f32 v13;
	v12 =	vcvt.s32.f32 v12  }
0x282: {  	v5 =	vand.u32 v48, v8;
	v22 =	vmul.f32 v9, v42;
	v49 =	vmul.f32 v10, v3;
	[tilespmem:s19], [sflag:$0x2] =	stream.linear.gather [hbm4b:s31+s5], $0x80, $0x38;
	[tilespmem:$0x18200] =	vst v63  }
0x283: {  	s21 =	sadd.s32 s3, s21;
	s20 =	simm.s32 $0x10180;
	v52 =	vmul.f32 v46, v15;
	v53 =	vmul.f32 v28, v63;
	v10 =	vadd.f32 v10, v46  }
0x284: {  	v58 =	vcvt.s32.f32 v5;
	v29 =	vadd.f32 v50, v9;
	v60 =	vcvt.s32.f32 v36;
	[tilespmem:s20], [sflag:$0x2] =	stream.linear.gather [hbm4b:s21+s5], $0x80, $0x38;
	[tilespmem:$0x18200] =	vst v63  }
0x285: {  	v25 =	vadd.f32 v0, v47;
	v56 =	vmul.f32 v13, v42;
	v51 =	vmul.f32 v0, v18;
	v0 =	vld [tilespmem:s18+$0xFFFFFFD0]  }
0x286: {  	v55 =	vadd.f32 v6, v28;
	v57 =	vmul.f32 v11, v15;
	v54 =	vmul.f32 v6, v20;
	v6 =	vld [tilespmem:s18+$0xFFFFFFE0]  }
0x287: {  	v15 =	vadd.f32 v31, v16;
	v16 =	vmul.f32 v16, v63;
	v11 =	vadd.f32 v4, v11;
	v7 =	vld [tilespmem:s20+$0xFFFFFFF0]  }
0x288: {  	v3 =	vmul.f32 v4, v3;
	v27 =	vadd.f32 v49, v52;
	v21 =	vmul.f32 v47, v14;
	v5 =	vld [tilespmem:s18+$0xFFFFFFC0]  }
0x289: {  	v61 =	vadd.f32 v58, v13;
	v8 =	vmul.f32 v50, v23;
	v11 =	vadd.f32 v15, v11;
	v9 =	vld [tilespmem:s19+$0xFFFFFFF0]  }
0x28a: {  	v4 =	vadd.f32 v29, v25;
	v20 =	vmul.f32 v31, v20;
	v59 =	vld [tilespmem:s19+$0xFFFFFFE0];
	v21 =	vadd.f32 v51, v21  }
0x28b: {  	v23 =	vmul.f32 v58, v23;
	v15 =	vld [tilespmem:s20+$0xFFFFFFC0];
	v8 =	vadd.f32 v8, v22;
	v22 =	vadd.f32 v55, v10  }
0x28c: {  	v18 =	vmul.f32 v60, v18;
	v10 =	vld [tilespmem:s20+$0xFFFFFFE0];
	v24 =	vadd.f32 v54, v53;
	v16 =	vadd.f32 v20, v16  }
0x28d: {  	v20 =	vadd.f32 v23, v56;
	v23 =	vld [tilespmem:s19+$0xFFFFFFD0];
	v13 =	vadd.f32 v8, v21;
	v21 =	vmul.f32 v12, v14  }
0x28e: {  	v3 =	vadd.f32 v3, v57;
	v8 =	vld [tilespmem:s18+$0xFFFFFFA0];
	v24 =	vadd.f32 v24, v27  }
0x28f: {  	v14 =	vld [tilespmem:s20+$0xFFFFFFD0];
	v12 =	vadd.f32 v60, v12;
	v18 =	vadd.f32 v18, v21  }
0x290: {  	v22 =	vadd.f32 v22, v4;
	v21 =	vadd.f32 v24, v13;
	v13 =	vld [tilespmem:s20+$0xFFFFFFA0]  }
0x291: {  	v62 =	vadd.f32 v61, v12;
	v20 =	vadd.f32 v20, v18;
	v18 =	vld [tilespmem:s19+$0xFFFFFFC0]  }
0x292: {  	v63 =	vadd.f32 v16, v3;
	v12 =	vld [tilespmem:s19+$0xFFFFFF80];
	v3 =	vadd.f32 v22, v19  }
0x293: {  	s22 =	simm.s32 $0x8280;
	v4 =	vadd.f32 v21, v17;
	v17 =	vld [tilespmem:s19+$0xFFFFFFA0];
	v21 =	vadd.f32 v11, v62  }
0x294: {  	s23 =	simm.s32 $0x280;
	s24 =	simm.s32 $0x10180;
	s21 =	simm.s32 $0x80;
	v16 =	vand.u32 v59, v10;
	v19 =	vand.u32 v23, v14;
	v11 =	vld [tilespmem:s19+$0xFFFFFF90];
	v20 =	vadd.f32 v63, v20  }
.LBB2_20:
0x295: {  	s21 =	sadd.s32 $0x80, s21;
	v22 =	vld [tilespmem:s20+$0xFFFFFF80];
	s17 =	sadd.s32 $0x10, s17;
	s24 =	sadd.s32 $0x100, s24;
	v1 =	vadd.f32 v21, v1  }
0x296: {  	v23 =	vcvt.s32.f32 v13;
	p0 =	slt.u32 s21, $0x3F80;
	v21 =	vld [tilespmem:s20+$0xFFFFFF90];
	v18 =	vand.u32 v18, v15;
	v2 =	vadd.f32 v20, v2  }
0x297: {  	v24 =	vcvt.s32.f32 v7;
	v20 =	vld [tilespmem:s20+$0xFFFFFFB0];
	v18 =	vcvt.s32.f32 v18;
	s20 =	smov.u32 s24  }
0x298: {  	v14 =	vcvt.s32.f32 v14;
	v19 =	vcvt.s32.f32 v19;
	v25 =	vld [tilespmem:s18+$0xFFFFFF90]  }
0x299: {  	v15 =	vcvt.s32.f32 v15;
	v27 =	vmul.f32 v23, v8;
	v26 =	vld [tilespmem:s18+$0xFFFFFF80]  }
0x29a: {  	v16 =	vcvt.s32.f32 v16;
	v28 =	vcvt.s32.f32 v22;
	v29 =	vld [tilespmem:s18+$0xFFFFFFB0]  }
0x29b: {  	s25 =	sor.u32 $0x83800, s17;
	v32 =	vmul.f32 v14, v0;
	v30 =	vcvt.s32.f32 v21;
	v31 =	vld [tilespmem:s19+$0xFFFFFFB0];
	s19 =	smov.u32 s22  }
0x29c: {  	v7 =	vand.u32 v9, v7;
	s26 =	sadd.s32 s1, s25;
	v13 =	vand.u32 v17, v13;
	v17 =	vcvt.s32.f32 v20;
	v33 =	vld [tilespmem:s18+$0xFFFFFFF0];
	s18 =	smov.u32 s23  }
0x29d: {  	v10 =	vcvt.s32.f32 v10;
	[tilespmem:s23], [sflag:$0x2] =	stream.linear.gather [hbm4b:s26+s5], $0x80, $0x38;
	v9 =	vmul.f32 v30, v25;
	[tilespmem:$0x18200] =	vst v63  }
0x29e: {  	v34 =	vmul.f32 v15, v5;
	v12 =	vand.u32 v12, v22;
	s26 =	sadd.s32 s2, s25;
	v22 =	vmul.f32 v28, v26  }
0x29f: {  	v7 =	vcvt.s32.f32 v7;
	v35 =	vmul.f32 v10, v6;
	v28 =	vadd.f32 v30, v28;
	[tilespmem:s22], [sflag:$0x2] =	stream.linear.gather [hbm4b:s26+s5], $0x80, $0x38;
	[tilespmem:$0x18200] =	vst v63  }
0x2a0: {  	v14 =	vadd.f32 v14, v15;
	v11 =	vand.u32 v11, v21;
	v21 =	vadd.f32 v32, v34;
	s25 =	sadd.s32 s3, s25  }
0x2a1: {  	v13 =	vcvt.s32.f32 v13;
	v15 =	vand.u32 v31, v20;
	v20 =	vmul.f32 v17, v29;
	[tilespmem:s24], [sflag:$0x2] =	stream.linear.gather [hbm4b:s25+s5], $0x80, $0x38;
	[tilespmem:$0x18200] =	vst v63  }
0x2a2: {  	v10 =	vadd.f32 v24, v10;
	v31 =	vmul.f32 v24, v33;
	v32 =	vmul.f32 v7, v33;
	v30 =	vld [tilespmem:s23+$0xFFFFFFD0]  }
0x2a3: {  	v36 =	vadd.f32 v7, v16;
	v34 =	vmul.f32 v18, v5;
	v33 =	vmul.f32 v13, v8;
	v24 =	vld [tilespmem:s23+$0xFFFFFFE0]  }
0x2a4: {  	v6 =	vmul.f32 v16, v6;
	v8 =	vcvt.s32.f32 v15;
	v15 =	vadd.f32 v9, v22;
	v7 =	vld [tilespmem:s24+$0xFFFFFFF0]  }
0x2a5: {  	v12 =	vcvt.s32.f32 v12;
	v17 =	vadd.f32 v17, v23;
	v16 =	vadd.f32 v31, v35;
	v5 =	vld [tilespmem:s23+$0xFFFFFFC0]  }
0x2a6: {  	v23 =	vadd.f32 v10, v14;
	v20 =	vadd.f32 v20, v27;
	v22 =	vmul.f32 v8, v29;
	v9 =	vld [tilespmem:s22+$0xFFFFFFF0]  }
0x2a7: {  	v11 =	vcvt.s32.f32 v11;
	v16 =	vadd.f32 v16, v21;
	v21 =	vadd.f32 v8, v13;
	v27 =	vld [tilespmem:s22+$0xFFFFFFE0]  }
0x2a8: {  	v29 =	vmul.f32 v19, v0;
	v13 =	vadd.f32 v20, v15;
	v15 =	vadd.f32 v19, v18;
	v0 =	vmovc v30;
	v10 =	vld [tilespmem:s24+$0xFFFFFFE0]  }
0x2a9: {  	v18 =	vmul.f32 v12, v26;
	v19 =	vmul.f32 v11, v25;
	v20 =	vadd.f32 v32, v6;
	v6 =	vmovc v24;
	v8 =	vld [tilespmem:s23+$0xFFFFFFA0]  }
0x2aa: {  	v22 =	vadd.f32 v22, v33;
	v24 =	vadd.f32 v36, v15;
	v14 =	vld [tilespmem:s24+$0xFFFFFFD0]  }
0x2ab: {  	v17 =	vadd.f32 v17, v28;
	v18 =	vadd.f32 v19, v18;
	v25 =	vld [tilespmem:s22+$0xFFFFFFD0]  }
0x2ac: {  	v11 =	vadd.f32 v11, v12;
	v19 =	vadd.f32 v16, v13;
	v15 =	vld [tilespmem:s24+$0xFFFFFFC0]  }
.Ltmp9:
0x2ad: {  	v26 =	vadd.f32 v29, v34;
	v22 =	vadd.f32 v22, v18;
	v13 =	vld [tilespmem:s24+$0xFFFFFFA0];
	v16 =	vand.u32 v27, v10;
	(pc) =	sbr.rel @p0 .LBB2_20-.Ltmp9, $4  }
0x2ae: {  	v23 =	vadd.f32 v23, v17;
	v11 =	vadd.f32 v21, v11;
	v18 =	vld [tilespmem:s22+$0xFFFFFFC0]  }
0x2af: {  	v20 =	vadd.f32 v20, v26;
	v4 =	vadd.f32 v19, v4;
	v12 =	vld [tilespmem:s22+$0xFFFFFF80]  }
0x2b0: {  	v3 =	vadd.f32 v23, v3;
	v21 =	vadd.f32 v24, v11;
	v17 =	vld [tilespmem:s22+$0xFFFFFFA0];
	v19 =	vand.u32 v25, v14  }
0x2b1: {  	s23 =	sadd.s32 $0x100, s23;
	v20 =	vadd.f32 v20, v22;
	s22 =	sadd.s32 $0x100, s22;
	v11 =	vld [tilespmem:s19+$0xFFFFFF90]  }
0x2b2: {  	v22 =	vld [tilespmem:s20+$0xFFFFFF80]  }
0x2b3: {  	v23 =	vld [tilespmem:s20+$0xFFFFFF90]  }
0x2b4: {  	v24 =	vld [tilespmem:s20+$0xFFFFFFB0]  }
0x2b5: {  	v25 =	vld [tilespmem:s18+$0xFFFFFF90]  }
0x2b6: {  	v26 =	vld [tilespmem:s18+$0xFFFFFF80]  }
0x2b7: {  	v27 =	vld [tilespmem:s18+$0xFFFFFFB0]  }
0x2b8: {  	v28 =	vld [tilespmem:s19+$0xFFFFFFB0];
	v30 =	vcvt.s32.f32 v13;
	v31 =	vcvt.s32.f32 v7  }
0x2b9: {  	v29 =	vld [tilespmem:s18+$0xFFFFFFF0];
	_ =	swait.ge [sflag:s13], $0x4000;
	v14 =	vcvt.s32.f32 v14;
	v21 =	vadd.f32 v21, v1;
	v1 =	vcvt.s32.f32 v15  }
0x2ba: {  	v7 =	vand.u32 v9, v7;
	v10 =	vcvt.s32.f32 v10;
	v18 =	vand.u32 v18, v15;
	[sflag:s13] =	ssyncset.done $0x0  }
0x2bb: {  	v20 =	vadd.f32 v20, v2;
	v2 =	vcvt.s32.f32 v16;
	v36 =	vcvt.s32.f32 v7;
	[sflag:s13] =	ssyncadd.s32 $0xFFFFC000  }
0x2bc: {  	v18 =	vcvt.s32.f32 v18;
	v32 =	vmul.f32 v30, v8;
	_ =	swait.ge [sflag:s13], $0x4000  }
0x2bd: {  	v33 =	vmul.f32 v14, v0;
	v34 =	vmul.f32 v1, v5;
	[sflag:s13] =	ssyncset.done $0x0  }
0x2be: {  	v35 =	vmul.f32 v10, v6;
	v14 =	vadd.f32 v14, v1;
	v13 =	vand.u32 v17, v13;
	[sflag:s13] =	ssyncadd.s32 $0xFFFFC000  }
0x2bf: {  	v63 =	vadd.f32 v36, v2;
	v2 =	vmul.f32 v2, v6;
	v13 =	vcvt.s32.f32 v13;
	_ =	swait.ge [sflag:s13], $0x4000  }
0x2c0: {  	v10 =	vadd.f32 v31, v10;
	v15 =	vcvt.s32.f32 v22;
	v16 =	vcvt.s32.f32 v23;
	[sflag:s13] =	ssyncset.done $0x0  }
0x2c1: {  	s31 =	simm.s32 $0x80F0;
	v17 =	vcvt.s32.f32 v24;
	v11 =	vand.u32 v11, v23;
	v62 =	vmul.f32 v31, v29;
	[sflag:s13] =	ssyncadd.s32 $0xFFFFC000  }
0x2c2: {  	s17 =	simm.s32 $0xF0;
	v24 =	vand.u32 v28, v24;
	v29 =	vmul.f32 v36, v29;
	v31 =	vmul.f32 v18, v5;
	v23 =	vld [tilespmem:s31+$0xFFFFFFD0]  }
0x2c3: {  	v10 =	vadd.f32 v10, v14;
	v8 =	vmul.f32 v13, v8;
	v24 =	vcvt.s32.f32 v24;
	v7 =	vld [tilespmem:s17+$0xFFFFFFE0]  }
0x2c4: {  	v12 =	vand.u32 v12, v22;
	v9 =	vmul.f32 v16, v25;
	v22 =	vmul.f32 v15, v26;
	v1 =	vld [tilespmem:s17+$0x0]  }
0x2c5: {  	s18 =	simm.s32 $0x100F0;
	v12 =	vcvt.s32.f32 v12;
	v11 =	vcvt.s32.f32 v11;
	v15 =	vadd.f32 v16, v15;
	v5 =	vld [tilespmem:s17+$0xFFFFFFD0]  }
0x2c6: {  	v16 =	vadd.f32 v33, v34;
	v28 =	vmul.f32 v17, v27;
	v6 =	vadd.f32 v9, v22;
	v9 =	vld [tilespmem:s18+$0x0]  }
0x2c7: {  	v17 =	vadd.f32 v17, v30;
	v2 =	vadd.f32 v29, v2;
	v27 =	vmul.f32 v24, v27;
	v30 =	vld [tilespmem:s31+$0x0]  }
0x2c8: {  	v13 =	vadd.f32 v24, v13;
	v25 =	vmul.f32 v11, v25;
	v11 =	vadd.f32 v11, v12;
	v14 =	vld [tilespmem:s18+$0xFFFFFFF0]  }
0x2c9: {  	v19 =	vcvt.s32.f32 v19;
	v22 =	vadd.f32 v62, v35;
	v8 =	vadd.f32 v27, v8;
	v27 =	vld [tilespmem:s18+$0xFFFFFFD0]  }
0x2ca: {  	v28 =	vadd.f32 v28, v32;
	v13 =	vadd.f32 v13, v11;
	v11 =	vld [tilespmem:s18+$0xFFFFFF90]  }
0x2cb: {  	v0 =	vmul.f32 v19, v0;
	v15 =	vadd.f32 v17, v15;
	v16 =	vadd.f32 v22, v16;
	v22 =	vld [tilespmem:s31+$0xFFFFFFF0]  }
0x2cc: {  	v24 =	vadd.f32 v28, v6;
	v6 =	vadd.f32 v19, v18;
	v18 =	vmul.f32 v12, v26;
	v28 =	vld [tilespmem:s18+$0xFFFFFFE0]  }
0x2cd: {  	v0 =	vadd.f32 v0, v31;
	v26 =	vld [tilespmem:s31+$0xFFFFFFE0];
	v10 =	vadd.f32 v10, v15  }
0x2ce: {  	v19 =	vadd.f32 v63, v6;
	v17 =	vadd.f32 v25, v18;
	v6 =	vld [tilespmem:s17+$0xFFFFFF90]  }
0x2cf: {  	v15 =	vadd.f32 v2, v0;
	v12 =	vadd.f32 v16, v24;
	v18 =	vld [tilespmem:s31+$0xFFFFFF90]  }
0x2d0: {  	v25 =	vld [tilespmem:s31+$0xFFFFFFA0];
	v2 =	vadd.f32 v10, v3;
	v8 =	vadd.f32 v8, v17  }
0x2d1: {  	v10 =	vld [tilespmem:s17+$0xFFFFFFC0];
	v0 =	vadd.f32 v12, v4;
	v4 =	vadd.f32 v19, v13  }
0x2d2: {  	v12 =	vld [tilespmem:s18+$0xFFFFFFA0];
	v29 =	vadd.f32 v15, v8;
	v8 =	vand.u32 v30, v9  }
0x2d3: {  	v30 =	vld [tilespmem:s31+$0xFFFFFFB0];
	v3 =	vadd.f32 v4, v21;
	v4 =	vand.u32 v22, v14;
	v9 =	vcvt.s32.f32 v9  }
0x2d4: {  	v21 =	vld [tilespmem:s18+$0xFFFFFFB0];
	v13 =	vcvt.s32.f32 v8;
	v8 =	vcvt.s32.f32 v14;
	v14 =	vand.u32 v23, v27  }
0x2d5: {  	v19 =	vld [tilespmem:s18+$0xFFFFFFC0];
	v16 =	vcvt.s32.f32 v4;
	v4 =	vand.u32 v26, v28;
	v27 =	vcvt.s32.f32 v27  }
0x2d6: {  	v15 =	vld [tilespmem:s17+$0xFFFFFFA0];
	v18 =	vand.u32 v18, v11;
	v28 =	vcvt.s32.f32 v28;
	v26 =	vcvt.s32.f32 v4  }
0x2d7: {  	v22 =	vld [tilespmem:s31+$0xFFFFFFC0];
	v24 =	vcvt.s32.f32 v14;
	v4 =	vadd.f32 v29, v20;
	v23 =	vcvt.s32.f32 v18  }
0x2d8: {  	v14 =	vld [tilespmem:s17+$0xFFFFFFF0];
	v17 =	vmul.f32 v13, v1;
	v29 =	vand.u32 v25, v12;
	v25 =	vmul.f32 v26, v7  }
0x2d9: {  	s19 =	simm.s32 $0x0;
	s20 =	simm.s32 $0x81F0;
	v20 =	vld [tilespmem:s17+$0xFFFFFFB0];
	v18 =	vcvt.s32.f32 v21;
	v30 =	vand.u32 v30, v21;
	v21 =	vmul.f32 v27, v5  }
.LBB2_22:
0x2da: {  	v31 =	vld [tilespmem:s20+$0xFFFFFFD0];
	s19 =	sadd.s32 $0x80, s19;
	v29 =	vcvt.s32.f32 v29;
	v32 =	vcvt.s32.f32 v19;
	v26 =	vadd.f32 v26, v24;
	s18 =	sadd.s32 $0x100, s18;
	s17 =	sadd.s32 $0x100, s17  }
0x2db: {  	v30 =	vcvt.s32.f32 v30;
	v24 =	vmul.f32 v24, v5;
	v33 =	vld [tilespmem:s17+$0xFFFFFFE0];
	p0 =	slt.u32 s19, $0x3F80;
	v27 =	vadd.f32 v28, v27  }
0x2dc: {  	v34 =	vmul.f32 v23, v6;
	v35 =	vmul.f32 v9, v1;
	v1 =	vld [tilespmem:s17+$0x0];
	v23 =	vadd.f32 v29, v23  }
0x2dd: {  	v28 =	vmul.f32 v28, v7;
	v36 =	vadd.f32 v32, v18;
	v24 =	vadd.f32 v25, v24;
	v5 =	vld [tilespmem:s17+$0xFFFFFFD0]  }
0x2de: {  	v39 =	vand.u32 v22, v19;
	v19 =	vmul.f32 v16, v14;
	v25 =	vld [tilespmem:s18+$0x0];
	v37 =	vmul.f32 v30, v20  }
0x2df: {  	v11 =	vcvt.s32.f32 v11;
	v13 =	vadd.f32 v13, v16;
	v38 =	vcvt.s32.f32 v39;
	v22 =	vld [tilespmem:s20+$0x0]  }
0x2e0: {  	v12 =	vcvt.s32.f32 v12;
	v32 =	vmul.f32 v32, v10;
	v17 =	vadd.f32 v17, v19;
	v16 =	vld [tilespmem:s18+$0xFFFFFFF0];
	v7 =	vmovc v33  }
0x2e1: {  	v29 =	vmul.f32 v29, v15;
	v30 =	vadd.f32 v38, v30;
	v33 =	vadd.f32 v13, v26;
	v19 =	vld [tilespmem:s20+$0xFFFFFFF0]  }
0x2e2: {  	v9 =	vadd.f32 v9, v8;
	v13 =	vmul.f32 v12, v15;
	v12 =	vadd.f32 v12, v11;
	v39 =	vld [tilespmem:s18+$0xFFFFFFE0]  }
0x2e3: {  	v18 =	vmul.f32 v18, v20;
	v20 =	vadd.f32 v28, v21;
	v21 =	vadd.f32 v30, v23;
	v15 =	vld [tilespmem:s20+$0xFFFFFFE0]  }
0x2e4: {  	v8 =	vmul.f32 v8, v14;
	v11 =	vmul.f32 v11, v6;
	v12 =	vadd.f32 v36, v12;
	v28 =	vld [tilespmem:s18+$0xFFFFFFD0]  }
0x2e5: {  	v18 =	vadd.f32 v32, v18;
	v14 =	vand.u32 v22, v25;
	v22 =	vadd.f32 v9, v27;
	v6 =	vld [tilespmem:s17+$0xFFFFFF90]  }
0x2e6: {  	v26 =	vadd.f32 v35, v8;
	v13 =	vadd.f32 v13, v11;
	v23 =	vld [tilespmem:s20+$0xFFFFFF90];
	v19 =	vand.u32 v19, v16  }
0x2e7: {  	v10 =	vmul.f32 v38, v10;
	v9 =	vcvt.s32.f32 v25;
	v22 =	vadd.f32 v22, v12;
	v11 =	vld [tilespmem:s18+$0xFFFFFF90]  }
0x2e8: {  	v8 =	vcvt.s32.f32 v16;
	v16 =	vadd.f32 v18, v13;
	v18 =	vadd.f32 v26, v20;
	v25 =	vld [tilespmem:s20+$0xFFFFFFA0]  }
0x2e9: {  	v10 =	vadd.f32 v10, v37;
	v13 =	vcvt.s32.f32 v14;
	v14 =	vadd.f32 v29, v34;
	v12 =	vld [tilespmem:s18+$0xFFFFFFA0]  }
0x2ea: {  	v18 =	vadd.f32 v18, v16;
	v2 =	vadd.f32 v22, v2;
	v20 =	vand.u32 v31, v28;
	v30 =	vld [tilespmem:s20+$0xFFFFFFB0]  }
0x2eb: {  	v16 =	vcvt.s32.f32 v19;
	v14 =	vadd.f32 v10, v14;
	v22 =	vadd.f32 v17, v24;
	v31 =	vld [tilespmem:s18+$0xFFFFFFB0]  }
0x2ec: {  	v15 =	vand.u32 v15, v39;
	v17 =	vmul.f32 v13, v1;
	v0 =	vadd.f32 v18, v0;
	v19 =	vld [tilespmem:s18+$0xFFFFFFC0]  }
.Ltmp10:
0x2ed: {  	v26 =	vcvt.s32.f32 v15;
	v22 =	vadd.f32 v22, v14;
	v18 =	vand.u32 v23, v11;
	v10 =	vld [tilespmem:s17+$0xFFFFFFC0];
	(pc) =	sbr.rel @p0 .LBB2_22-.Ltmp10, $4  }
0x2ee: {  	v24 =	vcvt.s32.f32 v20;
	v20 =	vadd.f32 v33, v21;
	v15 =	vld [tilespmem:s17+$0xFFFFFFA0];
	v29 =	vand.u32 v25, v12  }
0x2ef: {  	v27 =	vcvt.s32.f32 v28;
	v4 =	vadd.f32 v22, v4;
	v23 =	vcvt.s32.f32 v18;
	v14 =	vld [tilespmem:s17+$0xFFFFFFF0]  }
0x2f0: {  	v3 =	vadd.f32 v20, v3;
	v25 =	vmul.f32 v26, v7;
	v18 =	vcvt.s32.f32 v31;
	v22 =	vld [tilespmem:s20+$0xFFFFFFC0]  }
0x2f1: {  	v28 =	vcvt.s32.f32 v39;
	v21 =	vmul.f32 v27, v5;
	v30 =	vand.u32 v30, v31;
	s20 =	sadd.s32 $0x100, s20;
	v20 =	vld [tilespmem:s17+$0xFFFFFFB0]  }
0x2f2: {  	v29 =	vcvt.s32.f32 v29  }
0x2f3: {  	v31 =	vcvt.s32.f32 v19;
	v30 =	vcvt.s32.f32 v30  }
0x2f4: {  	v5 =	vmul.f32 v24, v5;
	v41 =	vmul.f32 v23, v6  }
0x2f5: {  	v26 =	vadd.f32 v26, v24;
	v1 =	vmul.f32 v9, v1;
	v11 =	vcvt.s32.f32 v11  }
0x2f6: {  	v13 =	vadd.f32 v13, v16;
	v12 =	vcvt.s32.f32 v12;
	v51 =	vadd.f32 v9, v8  }
0x2f7: {  	v40 =	vadd.f32 v28, v27;
	v7 =	vmul.f32 v28, v7;
	v42 =	vadd.f32 v29, v23  }
0x2f8: {  	v43 =	vadd.f32 v31, v18;
	v5 =	vadd.f32 v25, v5;
	v46 =	vmul.f32 v16, v14  }
0x2f9: {  	v47 =	vmul.f32 v31, v10;
	v48 =	vmul.f32 v29, v15;
	v13 =	vadd.f32 v13, v26  }
0x2fa: {  	v50 =	vmul.f32 v12, v15;
	v12 =	vadd.f32 v12, v11;
	v53 =	vmul.f32 v11, v6  }
0x2fb: {  	v54 =	vmul.f32 v8, v14;
	v45 =	vand.u32 v22, v19;
	v7 =	vadd.f32 v7, v21  }
0x2fc: {  	v9 =	vadd.f32 v51, v40;
	v19 =	vcvt.s32.f32 v45;
	v17 =	vadd.f32 v17, v46  }
0x2fd: {  	v52 =	vmul.f32 v18, v20;
	v6 =	vadd.f32 v50, v53;
	v1 =	vadd.f32 v1, v54  }
0x2fe: {  	v44 =	vmul.f32 v30, v20;
	v58 =	vadd.f32 v48, v41;
	v60 =	vadd.f32 v43, v12  }
0x2ff: {  	v49 =	vadd.f32 v19, v30;
	v56 =	vadd.f32 v47, v52;
	v57 =	vmul.f32 v19, v10  }
0x300: {  	v1 =	vadd.f32 v1, v7;
	v5 =	vadd.f32 v17, v5  }
0x301: {  	v55 =	vadd.f32 v49, v42;
	v10 =	vadd.f32 v57, v44  }
0x302: {  	v61 =	vadd.f32 v9, v60;
	v6 =	vadd.f32 v56, v6  }
0x303: {  	v59 =	vadd.f32 v10, v58;
	v62 =	vadd.f32 v13, v55  }
0x304: {  	v2 =	vadd.f32 v61, v2;
	v1 =	vadd.f32 v1, v6  }
0x305: {  	v5 =	vadd.f32 v5, v59;
	v3 =	vadd.f32 v62, v3  }
0x306: {  	v0 =	vadd.f32 v1, v0  }
0x307: {  	v63 =	vadd.f32 v5, v4;
	v2 =	vsub.f32 v2, v3  }
0x308: {  	[tilespmem:$0x18180] =	vst v3  }
0x309: {  	s16 =	sadd.s32 $0x1, s16;
	v0 =	vsub.f32 v0, v63;
	[tilespmem:$0x18080] =	vst v2  }
0x30a: {  	p0 =	sne.s32 s16, s10;
	[tilespmem:$0x18100] =	vst v63  }
.Ltmp11:
0x30b: {  	[tilespmem:$0x18000] =	vst v0;
	(pc) =	sbr.rel @p0 .LBB2_1-.Ltmp11, $4  }
0x30c: {  	[hbm4b:s9+s5] =	stream.linear.scatter [tilespmem:s14], [sflag:$0x3], $0x200, $0x38;
	[tilespmem:$0x18200] =	vst v63  }
0x30d: {  	_ =	swait.ge [sflag:s15], $0x200  }
0x30e: {  	[sflag:s15] =	ssyncset.done $0x0  }
0x30f: {  	[sflag:s15] =	ssyncadd.s32 $0xFFFFFE00  }
0x310: {  	_ =	sfence.sel $0x180000  }
0x311: {  	[bflag:$0x0] =	sbarrier.arrive $0xFFFF  }
0x312: {  	p0 =	sne.s32 s4, $0x0;
	_ =	strace $0x90000047  }
0x313: {  	s0 =	sadd.s32 @!p0 $0x100000, s0;
	[bflag:$0x2] =	sbarrier.arrive $0xFFFF  }
0x314: {  	[sflag:s0] =	ssyncadd.tile.s32 @!p0 $0x1;
	_ =	shalt  }
.Lfunc_end2:
_tile_overlayer_lowered:
.L_overlay_start_2:
0x315: {  	(tag) =	ssettag $0x2  }
0x316: {  	s0 =	rddreg [dreg:$0x0];
	s2 =	stileid.u32  }
0x317: {  	s1 =	rddreg [dreg:$0x1];
	p0 =	sne.s32 s2, $0x0  }
0x318: {  	s3 =	rddreg [dreg:$0x2];
	[bflag:$0x3] =	sbarrier.arrive $0xFFFF;
	s2 =	simm.s32 @!p0 $0x1C03  }
0x319: {  	[timem:s3], [sflag:s2] =	dma.local @!p0 [hbm:s0], s1  }
0x31a: {  	s0 =	simm.s32 @!p0 $0x3  }
0x31b: {  	_ =	swait.ge @!p0 [sflag:s0], s1  }
0x31c: {  	s1 =	ssub.s32 @!p0 $0x0, s1;
	[sflag:s0] =	ssyncset.done @!p0 $0x0  }
0x31d: {  	[sflag:s0] =	ssyncadd.s32 @!p0 s1  }
0x31e: {  	[bflag:$0x3] =	sbarrier.arrive $0xFFFF  }
0x31f: {  	_ =	shalt  }

</sc_bundles>
